<compile_context>
chip_gen: v7x
topology: tpu7x:2x2x1
jax: 0.10.2.dev20260603
libtpu: 0.0.44.dev20260713+nightly
codegen_flags: <defaults>
</compile_context>

<pallas_src>
import functools

import jax
import jax.numpy as jnp
from jax import lax
from jax.experimental import pallas as pl
from jax.experimental.pallas import tpu as pltpu
from jax.experimental.pallas import tpu_sc as plsc

BATCH = 16384
MEMBER_D = 32
SMALL_D = 16
OUT_D = MEMBER_D + 2 * SMALL_D
SMALL_V = 1000

NUM_CORES = 2
NUM_SUBCORES = 16
NUM_WORKERS = NUM_CORES * NUM_SUBCORES
BPW = BATCH // NUM_WORKERS
NPASS = 16
PB = BPW // NPASS
GRP = 16
QUAD = 4 * PB


def _mesh():
    return plsc.VectorSubcoreMesh(core_axis_name="c", subcore_axis_name="s")


def _splat(c):
    return jnp.full((GRP,), c, jnp.int32)


@functools.partial(
    pl.kernel,
    mesh=_mesh(),
    out_type=jax.ShapeDtypeStruct((OUT_D, BATCH), jnp.float32),
    compiler_params=pltpu.CompilerParams(needs_layout_passes=False),
    scratch_types=[
        pltpu.VMEM((NPASS, PB), jnp.int32),
        pltpu.VMEM((NPASS, PB), jnp.int32),
        pltpu.VMEM((NPASS, PB), jnp.int32),
        pltpu.VMEM((PB, 8, MEMBER_D), jnp.float32),
        pltpu.VMEM((PB, 8, MEMBER_D), jnp.float32),
        pltpu.VMEM((SMALL_V // 8, 128), jnp.float32),
        pltpu.VMEM((SMALL_V // 8, 128), jnp.float32),
        pltpu.VMEM((OUT_D, QUAD), jnp.float32),
        pltpu.SemaphoreType.DMA,
        pltpu.SemaphoreType.DMA,
    ],
)
def _encode(member_idx_hbm, party_idx_hbm, state_idx_hbm,
            member_tab_hbm, party_tab_hbm, state_tab_hbm, drain_hbm,
            out_hbm,
            midx_v, pidx_v, sidx_v, bufa, bufb, ptab, stab, orowsT,
            sema, semb):
    wid = lax.axis_index("s") * NUM_CORES + lax.axis_index("c")
    base = wid * BPW

    pltpu.sync_copy(member_idx_hbm.at[wid], midx_v)
    pltpu.sync_copy(party_idx_hbm.at[wid], pidx_v)
    pltpu.sync_copy(state_idx_hbm.at[wid], sidx_v)
    pltpu.sync_copy(party_tab_hbm, ptab)
    pltpu.sync_copy(state_tab_hbm, stab)

    iota = lax.iota(jnp.int32, GRP)
    draina = pltpu.make_async_copy(drain_hbm, bufa, sema)
    drainb = pltpu.make_async_copy(drain_hbm, bufb, semb)

    def fire(p, buf, sem):
        def fire_g(g, carry2):
            mi = midx_v[p, pl.ds(g * GRP, GRP)]
            for l in range(GRP):
                b = mi[l]
                blk = pl.multiple_of(lax.bitwise_and(b, jnp.int32(-8)), 8)
                pltpu.async_copy(
                    member_tab_hbm.at[pl.ds(blk, 8)],
                    buf.at[g * GRP + l], sem)
            return carry2
        lax.fori_loop(0, PB // GRP, fire_g, 0)

    def assemble(p, buf, col_off):
        def grp(g, carry2):
            rv = iota + g * GRP
            dst = pl.ds(col_off + g * GRP, GRP)
            mi = midx_v[p, pl.ds(g * GRP, GRP)]
            sub = lax.bitwise_and(mi, _splat(7))
            for c in range(MEMBER_D):
                orowsT[c, dst] = plsc.load_gather(
                    buf, [rv, sub, _splat(c)])
            pi = pidx_v[p, pl.ds(g * GRP, GRP)]
            prow = lax.shift_right_logical(pi, _splat(3))
            pcol = lax.shift_left(lax.bitwise_and(pi, _splat(7)), _splat(4))
            for c in range(SMALL_D):
                orowsT[MEMBER_D + c, dst] = plsc.load_gather(
                    ptab, [prow, pcol + _splat(c)])
            si = sidx_v[p, pl.ds(g * GRP, GRP)]
            srow = lax.shift_right_logical(si, _splat(3))
            scol = lax.shift_left(lax.bitwise_and(si, _splat(7)), _splat(4))
            for c in range(SMALL_D):
                orowsT[MEMBER_D + SMALL_D + c, dst] = plsc.load_gather(
                    stab, [srow, scol + _splat(c)])
            return carry2
        lax.fori_loop(0, PB // GRP, grp, 0)

    fire(0, bufa, sema)

    def quad_body(q, carry):
        p0 = 4 * q
        fire(p0 + 1, bufb, semb)
        draina.wait()
        assemble(p0, bufa, 0 * PB)
        fire(p0 + 2, bufa, sema)
        drainb.wait()
        assemble(p0 + 1, bufb, 1 * PB)
        fire(p0 + 3, bufb, semb)
        draina.wait()
        assemble(p0 + 2, bufa, 2 * PB)

        @pl.when(p0 + 4 < NPASS)
        def _():
            fire(p0 + 4, bufa, sema)
        drainb.wait()
        assemble(p0 + 3, bufb, 3 * PB)

        off = pl.multiple_of(base + q * QUAD, 128)
        pltpu.sync_copy(orowsT, out_hbm.at[:, pl.ds(off, QUAD)])
        return carry

    lax.fori_loop(0, NPASS // 4, quad_body, 0)


def kernel(member, state, party, member_table, state_table, party_table):
    m = member.astype(jnp.int32).reshape(NUM_WORKERS, NPASS, PB)
    p = party.astype(jnp.int32).reshape(NUM_WORKERS, NPASS, PB)
    s = state.astype(jnp.int32).reshape(NUM_WORKERS, NPASS, PB)
    pt = party_table.reshape(SMALL_V // 8, 128)
    st = state_table.reshape(SMALL_V // 8, 128)
    dz = jnp.zeros((PB, 8, MEMBER_D), jnp.float32)
    return _encode(m, p, s, member_table, pt, st, dz).T

# --- scband reference (transcript-rebuilt; emitter-appended) ---
"""Pipeline reference for scband-mem-encoder-91053306675601 (READ-ONLY COPY).

The authoritative reference and input builder live on the scoring server;
editing this copy changes nothing except your own understanding.
"""

import jax, jax.numpy as jnp
import numpy as np

MEMBER_SIZE = 1000000
STATE_SIZE = 1000
PARTY_SIZE = 1000
BATCH = 16384

def setup_inputs(seed: int = 0) -> dict:
    key = jax.random.key(seed)
    k1, k2, k3, k4, k5, k6 = jax.random.split(key, 6)
    member = jax.random.randint(k1, (BATCH,), 0, MEMBER_SIZE, dtype=jnp.int64 if jax.config.jax_enable_x64 else jnp.int32)
    state = jax.random.randint(k2, (BATCH,), 0, STATE_SIZE, dtype=jnp.int64 if jax.config.jax_enable_x64 else jnp.int32)
    party = jax.random.randint(k3, (BATCH,), 0, PARTY_SIZE, dtype=jnp.int64 if jax.config.jax_enable_x64 else jnp.int32)
    member_table = jax.random.normal(k4, (MEMBER_SIZE, 32), dtype=jnp.float32)
    state_table = jax.random.normal(k5, (STATE_SIZE, 16), dtype=jnp.float32)
    party_table = jax.random.normal(k6, (PARTY_SIZE, 16), dtype=jnp.float32)
    return {"member": member, "state": state, "party": party,
            "member_table": member_table, "state_table": state_table, "party_table": party_table}

def reference(member, state, party, member_table, state_table, party_table):
    member_embed = jnp.take(member_table, member, axis=0)
    party_embed = jnp.take(party_table, party, axis=0)
    state_embed = jnp.take(state_table, state, axis=0)
    legislator_embem = jnp.concatenate([member_embed, party_embed, state_embed], axis=1)
    return legislator_embem

if __name__ == "__main__":
    import jax
    _d = setup_inputs()
    print(jax.jit(kernel)(*tuple(_d.values())))

</pallas_src>

<mosaic_0001>
#map = affine_map<(d0, d1) -> (0, 0, 0)>
#map1 = affine_map<(d0, d1) -> (0, 0)>
module attributes {stable_mosaic.version = 14 : i64} {
  func.func @_encode(%arg0: i32, %arg1: i32, %arg2: memref<32x16x32xi32, #tpu.memory_space<hbm>>, %arg3: memref<32x16x32xi32, #tpu.memory_space<hbm>>, %arg4: memref<32x16x32xi32, #tpu.memory_space<hbm>>, %arg5: memref<1000000x32xf32, #tpu.memory_space<hbm>>, %arg6: memref<125x128xf32, #tpu.memory_space<hbm>>, %arg7: memref<125x128xf32, #tpu.memory_space<hbm>>, %arg8: memref<32x8x32xf32, #tpu.memory_space<hbm>>, %arg9: memref<64x16384xf32, #tpu.memory_space<hbm>>, %arg10: memref<16x32xi32, #tpu.memory_space<vmem>>, %arg11: memref<16x32xi32, #tpu.memory_space<vmem>>, %arg12: memref<16x32xi32, #tpu.memory_space<vmem>>, %arg13: memref<32x8x32xf32, #tpu.memory_space<vmem>>, %arg14: memref<32x8x32xf32, #tpu.memory_space<vmem>>, %arg15: memref<125x128xf32, #tpu.memory_space<vmem>>, %arg16: memref<125x128xf32, #tpu.memory_space<vmem>>, %arg17: memref<64x128xf32, #tpu.memory_space<vmem>>, %arg18: memref<!tpu.dma_semaphore, #tpu.memory_space<semaphore_mem>>, %arg19: memref<!tpu.dma_semaphore, #tpu.memory_space<semaphore_mem>>) attributes {dimension_semantics = [#tpu.dimension_semantics<core_parallel>, #tpu.dimension_semantics<subcore_parallel>], iteration_bounds = array<i64: 2, 16>, scalar_prefetch = 0 : i64, scratch_operands = 10 : i64, tpu.core_type = #tpu.core_type<sc_vector_subcore>, window_params = [{transform_indices = #map}, {transform_indices = #map}, {transform_indices = #map}, {transform_indices = #map1}, {transform_indices = #map1}, {transform_indices = #map1}, {transform_indices = #map}, {transform_indices = #map1}]} {
    %mul3A = arith.constant 2 : i32
    %mul3A_0 = arith.muli %arg1, %mul3A : i32
    %add3A = arith.addi %mul3A_0, %arg0 : i32
    %mul3A_1 = arith.constant 512 : i32
    %mul3A_2 = arith.muli %add3A, %mul3A_1 : i32
    "tpu.region"() ({
      %run_scoped3A = tpu.sem_alloc : memref<!tpu.dma_semaphore, #tpu.memory_space<semaphore_mem>>
      %dma_start3A = arith.constant 0 : i32
      %dma_start3A_14 = arith.constant 0 : i32
      %dma_start3A_15 = tpu.memref_slice %arg2[%add3A, %dma_start3A, %dma_start3A_14] : memref<32x16x32xi32, #tpu.memory_space<hbm>> -> memref<1x16x32xi32, #tpu.memory_space<hbm>>
      %dma_start3A_16 = tpu.memref_squeeze %dma_start3A_15 : memref<1x16x32xi32, #tpu.memory_space<hbm>> -> memref<16x32xi32, #tpu.memory_space<hbm>>
      %dma_start3A_17 = arith.constant 0 : i32
      %dma_start3A_18 = arith.constant 0 : i32
      %dma_start3A_19 = tpu.memref_slice %arg2[%add3A, %dma_start3A_17, %dma_start3A_18] : memref<32x16x32xi32, #tpu.memory_space<hbm>> -> memref<1x16x32xi32, #tpu.memory_space<hbm>>
      %dma_start3A_20 = tpu.memref_squeeze %dma_start3A_19 : memref<1x16x32xi32, #tpu.memory_space<hbm>> -> memref<16x32xi32, #tpu.memory_space<hbm>>
      tpu.enqueue_dma source(%dma_start3A_20 : memref<16x32xi32, #tpu.memory_space<hbm>>) target(%arg10 : memref<16x32xi32, #tpu.memory_space<vmem>>) target_semaphore(%run_scoped3A : memref<!tpu.dma_semaphore, #tpu.memory_space<semaphore_mem>>)
      %dma_wait3A = arith.constant 0 : i32
      %dma_wait3A_21 = arith.constant 0 : i32
      %dma_wait3A_22 = tpu.memref_slice %arg2[%add3A, %dma_wait3A, %dma_wait3A_21] : memref<32x16x32xi32, #tpu.memory_space<hbm>> -> memref<1x16x32xi32, #tpu.memory_space<hbm>>
      %dma_wait3A_23 = tpu.memref_squeeze %dma_wait3A_22 : memref<1x16x32xi32, #tpu.memory_space<hbm>> -> memref<16x32xi32, #tpu.memory_space<hbm>>
      %dma_wait3A_24 = arith.constant 0 : i32
      %dma_wait3A_25 = arith.constant 0 : i32
      %dma_wait3A_26 = tpu.memref_slice %arg2[%add3A, %dma_wait3A_24, %dma_wait3A_25] : memref<32x16x32xi32, #tpu.memory_space<hbm>> -> memref<1x16x32xi32, #tpu.memory_space<hbm>>
      %dma_wait3A_27 = tpu.memref_squeeze %dma_wait3A_26 : memref<1x16x32xi32, #tpu.memory_space<hbm>> -> memref<16x32xi32, #tpu.memory_space<hbm>>
      tpu.wait_dma2 semaphore(%run_scoped3A : memref<!tpu.dma_semaphore, #tpu.memory_space<semaphore_mem>>) src(%dma_wait3A_27 : memref<16x32xi32, #tpu.memory_space<hbm>>) dst(%arg10 : memref<16x32xi32, #tpu.memory_space<vmem>>)
      tpu.yield
    }) : () -> ()
    "tpu.region"() ({
      %run_scoped3A = tpu.sem_alloc : memref<!tpu.dma_semaphore, #tpu.memory_space<semaphore_mem>>
      %dma_start3A = arith.constant 0 : i32
      %dma_start3A_14 = arith.constant 0 : i32
      %dma_start3A_15 = tpu.memref_slice %arg3[%add3A, %dma_start3A, %dma_start3A_14] : memref<32x16x32xi32, #tpu.memory_space<hbm>> -> memref<1x16x32xi32, #tpu.memory_space<hbm>>
      %dma_start3A_16 = tpu.memref_squeeze %dma_start3A_15 : memref<1x16x32xi32, #tpu.memory_space<hbm>> -> memref<16x32xi32, #tpu.memory_space<hbm>>
      %dma_start3A_17 = arith.constant 0 : i32
      %dma_start3A_18 = arith.constant 0 : i32
      %dma_start3A_19 = tpu.memref_slice %arg3[%add3A, %dma_start3A_17, %dma_start3A_18] : memref<32x16x32xi32, #tpu.memory_space<hbm>> -> memref<1x16x32xi32, #tpu.memory_space<hbm>>
      %dma_start3A_20 = tpu.memref_squeeze %dma_start3A_19 : memref<1x16x32xi32, #tpu.memory_space<hbm>> -> memref<16x32xi32, #tpu.memory_space<hbm>>
      tpu.enqueue_dma source(%dma_start3A_20 : memref<16x32xi32, #tpu.memory_space<hbm>>) target(%arg11 : memref<16x32xi32, #tpu.memory_space<vmem>>) target_semaphore(%run_scoped3A : memref<!tpu.dma_semaphore, #tpu.memory_space<semaphore_mem>>)
      %dma_wait3A = arith.constant 0 : i32
      %dma_wait3A_21 = arith.constant 0 : i32
      %dma_wait3A_22 = tpu.memref_slice %arg3[%add3A, %dma_wait3A, %dma_wait3A_21] : memref<32x16x32xi32, #tpu.memory_space<hbm>> -> memref<1x16x32xi32, #tpu.memory_space<hbm>>
      %dma_wait3A_23 = tpu.memref_squeeze %dma_wait3A_22 : memref<1x16x32xi32, #tpu.memory_space<hbm>> -> memref<16x32xi32, #tpu.memory_space<hbm>>
      %dma_wait3A_24 = arith.constant 0 : i32
      %dma_wait3A_25 = arith.constant 0 : i32
      %dma_wait3A_26 = tpu.memref_slice %arg3[%add3A, %dma_wait3A_24, %dma_wait3A_25] : memref<32x16x32xi32, #tpu.memory_space<hbm>> -> memref<1x16x32xi32, #tpu.memory_space<hbm>>
      %dma_wait3A_27 = tpu.memref_squeeze %dma_wait3A_26 : memref<1x16x32xi32, #tpu.memory_space<hbm>> -> memref<16x32xi32, #tpu.memory_space<hbm>>
      tpu.wait_dma2 semaphore(%run_scoped3A : memref<!tpu.dma_semaphore, #tpu.memory_space<semaphore_mem>>) src(%dma_wait3A_27 : memref<16x32xi32, #tpu.memory_space<hbm>>) dst(%arg11 : memref<16x32xi32, #tpu.memory_space<vmem>>)
      tpu.yield
    }) : () -> ()
    "tpu.region"() ({
      %run_scoped3A = tpu.sem_alloc : memref<!tpu.dma_semaphore, #tpu.memory_space<semaphore_mem>>
      %dma_start3A = arith.constant 0 : i32
      %dma_start3A_14 = arith.constant 0 : i32
      %dma_start3A_15 = tpu.memref_slice %arg4[%add3A, %dma_start3A, %dma_start3A_14] : memref<32x16x32xi32, #tpu.memory_space<hbm>> -> memref<1x16x32xi32, #tpu.memory_space<hbm>>
      %dma_start3A_16 = tpu.memref_squeeze %dma_start3A_15 : memref<1x16x32xi32, #tpu.memory_space<hbm>> -> memref<16x32xi32, #tpu.memory_space<hbm>>
      %dma_start3A_17 = arith.constant 0 : i32
      %dma_start3A_18 = arith.constant 0 : i32
      %dma_start3A_19 = tpu.memref_slice %arg4[%add3A, %dma_start3A_17, %dma_start3A_18] : memref<32x16x32xi32, #tpu.memory_space<hbm>> -> memref<1x16x32xi32, #tpu.memory_space<hbm>>
      %dma_start3A_20 = tpu.memref_squeeze %dma_start3A_19 : memref<1x16x32xi32, #tpu.memory_space<hbm>> -> memref<16x32xi32, #tpu.memory_space<hbm>>
      tpu.enqueue_dma source(%dma_start3A_20 : memref<16x32xi32, #tpu.memory_space<hbm>>) target(%arg12 : memref<16x32xi32, #tpu.memory_space<vmem>>) target_semaphore(%run_scoped3A : memref<!tpu.dma_semaphore, #tpu.memory_space<semaphore_mem>>)
      %dma_wait3A = arith.constant 0 : i32
      %dma_wait3A_21 = arith.constant 0 : i32
      %dma_wait3A_22 = tpu.memref_slice %arg4[%add3A, %dma_wait3A, %dma_wait3A_21] : memref<32x16x32xi32, #tpu.memory_space<hbm>> -> memref<1x16x32xi32, #tpu.memory_space<hbm>>
      %dma_wait3A_23 = tpu.memref_squeeze %dma_wait3A_22 : memref<1x16x32xi32, #tpu.memory_space<hbm>> -> memref<16x32xi32, #tpu.memory_space<hbm>>
      %dma_wait3A_24 = arith.constant 0 : i32
      %dma_wait3A_25 = arith.constant 0 : i32
      %dma_wait3A_26 = tpu.memref_slice %arg4[%add3A, %dma_wait3A_24, %dma_wait3A_25] : memref<32x16x32xi32, #tpu.memory_space<hbm>> -> memref<1x16x32xi32, #tpu.memory_space<hbm>>
      %dma_wait3A_27 = tpu.memref_squeeze %dma_wait3A_26 : memref<1x16x32xi32, #tpu.memory_space<hbm>> -> memref<16x32xi32, #tpu.memory_space<hbm>>
      tpu.wait_dma2 semaphore(%run_scoped3A : memref<!tpu.dma_semaphore, #tpu.memory_space<semaphore_mem>>) src(%dma_wait3A_27 : memref<16x32xi32, #tpu.memory_space<hbm>>) dst(%arg12 : memref<16x32xi32, #tpu.memory_space<vmem>>)
      tpu.yield
    }) : () -> ()
    "tpu.region"() ({
      %run_scoped3A = tpu.sem_alloc : memref<!tpu.dma_semaphore, #tpu.memory_space<semaphore_mem>>
      tpu.enqueue_dma source(%arg6 : memref<125x128xf32, #tpu.memory_space<hbm>>) target(%arg15 : memref<125x128xf32, #tpu.memory_space<vmem>>) target_semaphore(%run_scoped3A : memref<!tpu.dma_semaphore, #tpu.memory_space<semaphore_mem>>)
      tpu.wait_dma2 semaphore(%run_scoped3A : memref<!tpu.dma_semaphore, #tpu.memory_space<semaphore_mem>>) src(%arg6 : memref<125x128xf32, #tpu.memory_space<hbm>>) dst(%arg15 : memref<125x128xf32, #tpu.memory_space<vmem>>)
      tpu.yield
    }) : () -> ()
    "tpu.region"() ({
      %run_scoped3A = tpu.sem_alloc : memref<!tpu.dma_semaphore, #tpu.memory_space<semaphore_mem>>
      tpu.enqueue_dma source(%arg7 : memref<125x128xf32, #tpu.memory_space<hbm>>) target(%arg16 : memref<125x128xf32, #tpu.memory_space<vmem>>) target_semaphore(%run_scoped3A : memref<!tpu.dma_semaphore, #tpu.memory_space<semaphore_mem>>)
      tpu.wait_dma2 semaphore(%run_scoped3A : memref<!tpu.dma_semaphore, #tpu.memory_space<semaphore_mem>>) src(%arg7 : memref<125x128xf32, #tpu.memory_space<hbm>>) dst(%arg16 : memref<125x128xf32, #tpu.memory_space<vmem>>)
      tpu.yield
    }) : () -> ()
    %iota3A = tpu.iota {dimensions = array<i32: 0>} : vector<16xi32>
    %scan3A = arith.constant 0 : i32
    %scan3A_3 = arith.constant 0 : i32
    %scan3A_4 = arith.constant 2 : i32
    %scan3A_5 = arith.addi %scan3A_3, %scan3A_4 : i32
    %scan3A_6 = arith.constant 1 : i32
    scf.for %scan3A_14 = %scan3A_3 to %scan3A_5 step %scan3A_6  : i32 {
      %mul3A_15 = arith.constant 16 : i32
      %mul3A_16 = arith.muli %scan3A_14, %mul3A_15 : i32
      %get3A = arith.constant 0 : i32
      %get3A_17 = arith.index_cast %get3A : i32 to index
      %get3A_18 = arith.index_cast %mul3A_16 : i32 to index
      %get3A_19 = tpu.vector_load %arg10[%get3A_17, %get3A_18] {strides = array<i32>} : memref<16x32xi32, #tpu.memory_space<vmem>>, vector<16xi32>,
      %slice3A = vector.extract_strided_slice %get3A_19 {offsets = [0], sizes = [1], strides = [1]} : vector<16xi32> to vector<1xi32>
      %squeeze3A = vector.extract %slice3A[0] : i32 from vector<1xi32>
      %and3A = arith.constant -8 : i32
      %and3A_20 = arith.andi %squeeze3A, %and3A : i32
      %multiple_of3A = tpu.assume_multiple %and3A_20, 8 : i32
      %mul3A_21 = arith.constant 16 : i32
      %mul3A_22 = arith.muli %scan3A_14, %mul3A_21 : i32
      %add3A_23 = arith.constant 0 : i32
      %add3A_24 = arith.addi %mul3A_22, %add3A_23 : i32
      %dma_start3A = arith.constant 0 : i32
      %dma_start3A_25 = arith.constant 0 : i32
      %dma_start3A_26 = tpu.memref_slice %arg13[%add3A_24, %dma_start3A, %dma_start3A_25] : memref<32x8x32xf32, #tpu.memory_space<vmem>> -> memref<1x8x32xf32, #tpu.memory_space<vmem>>
      %dma_start3A_27 = tpu.memref_squeeze %dma_start3A_26 : memref<1x8x32xf32, #tpu.memory_space<vmem>> -> memref<8x32xf32, #tpu.memory_space<vmem>>
      %dma_start3A_28 = arith.constant 0 : i32
      %dma_start3A_29 = tpu.memref_slice %arg5[%multiple_of3A, %dma_start3A_28] : memref<1000000x32xf32, #tpu.memory_space<hbm>> -> memref<8x32xf32, #tpu.memory_space<hbm>>
      %dma_start3A_30 = arith.constant 0 : i32
      %dma_start3A_31 = arith.constant 0 : i32
      %dma_start3A_32 = tpu.memref_slice %arg13[%add3A_24, %dma_start3A_30, %dma_start3A_31] : memref<32x8x32xf32, #tpu.memory_space<vmem>> -> memref<1x8x32xf32, #tpu.memory_space<vmem>>
      %dma_start3A_33 = tpu.memref_squeeze %dma_start3A_32 : memref<1x8x32xf32, #tpu.memory_space<vmem>> -> memref<8x32xf32, #tpu.memory_space<vmem>>
      %dma_start3A_34 = arith.constant 0 : i32
      %dma_start3A_35 = tpu.memref_slice %arg5[%multiple_of3A, %dma_start3A_34] : memref<1000000x32xf32, #tpu.memory_space<hbm>> -> memref<8x32xf32, #tpu.memory_space<hbm>>
      tpu.enqueue_dma source(%dma_start3A_35 : memref<8x32xf32, #tpu.memory_space<hbm>>) target(%dma_start3A_33 : memref<8x32xf32, #tpu.memory_space<vmem>>) target_semaphore(%arg18 : memref<!tpu.dma_semaphore, #tpu.memory_space<semaphore_mem>>)
      %slice3A_36 = vector.extract_strided_slice %get3A_19 {offsets = [1], sizes = [1], strides = [1]} : vector<16xi32> to vector<1xi32>
      %squeeze3A_37 = vector.extract %slice3A_36[0] : i32 from vector<1xi32>
      %and3A_38 = arith.constant -8 : i32
      %and3A_39 = arith.andi %squeeze3A_37, %and3A_38 : i32
      %multiple_of3A_40 = tpu.assume_multiple %and3A_39, 8 : i32
      %mul3A_41 = arith.constant 16 : i32
      %mul3A_42 = arith.muli %scan3A_14, %mul3A_41 : i32
      %add3A_43 = arith.constant 1 : i32
      %add3A_44 = arith.addi %mul3A_42, %add3A_43 : i32
      %dma_start3A_45 = arith.constant 0 : i32
      %dma_start3A_46 = arith.constant 0 : i32
      %dma_start3A_47 = tpu.memref_slice %arg13[%add3A_44, %dma_start3A_45, %dma_start3A_46] : memref<32x8x32xf32, #tpu.memory_space<vmem>> -> memref<1x8x32xf32, #tpu.memory_space<vmem>>
      %dma_start3A_48 = tpu.memref_squeeze %dma_start3A_47 : memref<1x8x32xf32, #tpu.memory_space<vmem>> -> memref<8x32xf32, #tpu.memory_space<vmem>>
      %dma_start3A_49 = arith.constant 0 : i32
      %dma_start3A_50 = tpu.memref_slice %arg5[%multiple_of3A_40, %dma_start3A_49] : memref<1000000x32xf32, #tpu.memory_space<hbm>> -> memref<8x32xf32, #tpu.memory_space<hbm>>
      %dma_start3A_51 = arith.constant 0 : i32
      %dma_start3A_52 = arith.constant 0 : i32
      %dma_start3A_53 = tpu.memref_slice %arg13[%add3A_44, %dma_start3A_51, %dma_start3A_52] : memref<32x8x32xf32, #tpu.memory_space<vmem>> -> memref<1x8x32xf32, #tpu.memory_space<vmem>>
      %dma_start3A_54 = tpu.memref_squeeze %dma_start3A_53 : memref<1x8x32xf32, #tpu.memory_space<vmem>> -> memref<8x32xf32, #tpu.memory_space<vmem>>
      %dma_start3A_55 = arith.constant 0 : i32
      %dma_start3A_56 = tpu.memref_slice %arg5[%multiple_of3A_40, %dma_start3A_55] : memref<1000000x32xf32, #tpu.memory_space<hbm>> -> memref<8x32xf32, #tpu.memory_space<hbm>>
      tpu.enqueue_dma source(%dma_start3A_56 : memref<8x32xf32, #tpu.memory_space<hbm>>) target(%dma_start3A_54 : memref<8x32xf32, #tpu.memory_space<vmem>>) target_semaphore(%arg18 : memref<!tpu.dma_semaphore, #tpu.memory_space<semaphore_mem>>)
      %slice3A_57 = vector.extract_strided_slice %get3A_19 {offsets = [2], sizes = [1], strides = [1]} : vector<16xi32> to vector<1xi32>
      %squeeze3A_58 = vector.extract %slice3A_57[0] : i32 from vector<1xi32>
      %and3A_59 = arith.constant -8 : i32
      %and3A_60 = arith.andi %squeeze3A_58, %and3A_59 : i32
      %multiple_of3A_61 = tpu.assume_multiple %and3A_60, 8 : i32
      %mul3A_62 = arith.constant 16 : i32
      %mul3A_63 = arith.muli %scan3A_14, %mul3A_62 : i32
      %add3A_64 = arith.constant 2 : i32
      %add3A_65 = arith.addi %mul3A_63, %add3A_64 : i32
      %dma_start3A_66 = arith.constant 0 : i32
      %dma_start3A_67 = arith.constant 0 : i32
      %dma_start3A_68 = tpu.memref_slice %arg13[%add3A_65, %dma_start3A_66, %dma_start3A_67] : memref<32x8x32xf32, #tpu.memory_space<vmem>> -> memref<1x8x32xf32, #tpu.memory_space<vmem>>
      %dma_start3A_69 = tpu.memref_squeeze %dma_start3A_68 : memref<1x8x32xf32, #tpu.memory_space<vmem>> -> memref<8x32xf32, #tpu.memory_space<vmem>>
      %dma_start3A_70 = arith.constant 0 : i32
      %dma_start3A_71 = tpu.memref_slice %arg5[%multiple_of3A_61, %dma_start3A_70] : memref<1000000x32xf32, #tpu.memory_space<hbm>> -> memref<8x32xf32, #tpu.memory_space<hbm>>
      %dma_start3A_72 = arith.constant 0 : i32
      %dma_start3A_73 = arith.constant 0 : i32
      %dma_start3A_74 = tpu.memref_slice %arg13[%add3A_65, %dma_start3A_72, %dma_start3A_73] : memref<32x8x32xf32, #tpu.memory_space<vmem>> -> memref<1x8x32xf32, #tpu.memory_space<vmem>>
      %dma_start3A_75 = tpu.memref_squeeze %dma_start3A_74 : memref<1x8x32xf32, #tpu.memory_space<vmem>> -> memref<8x32xf32, #tpu.memory_space<vmem>>
      %dma_start3A_76 = arith.constant 0 : i32
      %dma_start3A_77 = tpu.memref_slice %arg5[%multiple_of3A_61, %dma_start3A_76] : memref<1000000x32xf32, #tpu.memory_space<hbm>> -> memref<8x32xf32, #tpu.memory_space<hbm>>
      tpu.enqueue_dma source(%dma_start3A_77 : memref<8x32xf32, #tpu.memory_space<hbm>>) target(%dma_start3A_75 : memref<8x32xf32, #tpu.memory_space<vmem>>) target_semaphore(%arg18 : memref<!tpu.dma_semaphore, #tpu.memory_space<semaphore_mem>>)
      %slice3A_78 = vector.extract_strided_slice %get3A_19 {offsets = [3], sizes = [1], strides = [1]} : vector<16xi32> to vector<1xi32>
      %squeeze3A_79 = vector.extract %slice3A_78[0] : i32 from vector<1xi32>
      %and3A_80 = arith.constant -8 : i32
      %and3A_81 = arith.andi %squeeze3A_79, %and3A_80 : i32
      %multiple_of3A_82 = tpu.assume_multiple %and3A_81, 8 : i32
      %mul3A_83 = arith.constant 16 : i32
      %mul3A_84 = arith.muli %scan3A_14, %mul3A_83 : i32
      %add3A_85 = arith.constant 3 : i32
      %add3A_86 = arith.addi %mul3A_84, %add3A_85 : i32
      %dma_start3A_87 = arith.constant 0 : i32
      %dma_start3A_88 = arith.constant 0 : i32
      %dma_start3A_89 = tpu.memref_slice %arg13[%add3A_86, %dma_start3A_87, %dma_start3A_88] : memref<32x8x32xf32, #tpu.memory_space<vmem>> -> memref<1x8x32xf32, #tpu.memory_space<vmem>>
      %dma_start3A_90 = tpu.memref_squeeze %dma_start3A_89 : memref<1x8x32xf32, #tpu.memory_space<vmem>> -> memref<8x32xf32, #tpu.memory_space<vmem>>
      %dma_start3A_91 = arith.constant 0 : i32
      %dma_start3A_92 = tpu.memref_slice %arg5[%multiple_of3A_82, %dma_start3A_91] : memref<1000000x32xf32, #tpu.memory_space<hbm>> -> memref<8x32xf32, #tpu.memory_space<hbm>>
      %dma_start3A_93 = arith.constant 0 : i32
      %dma_start3A_94 = arith.constant 0 : i32
      %dma_start3A_95 = tpu.memref_slice %arg13[%add3A_86, %dma_start3A_93, %dma_start3A_94] : memref<32x8x32xf32, #tpu.memory_space<vmem>> -> memref<1x8x32xf32, #tpu.memory_space<vmem>>
      %dma_start3A_96 = tpu.memref_squeeze %dma_start3A_95 : memref<1x8x32xf32, #tpu.memory_space<vmem>> -> memref<8x32xf32, #tpu.memory_space<vmem>>
      %dma_start3A_97 = arith.constant 0 : i32
      %dma_start3A_98 = tpu.memref_slice %arg5[%multiple_of3A_82, %dma_start3A_97] : memref<1000000x32xf32, #tpu.memory_space<hbm>> -> memref<8x32xf32, #tpu.memory_space<hbm>>
      tpu.enqueue_dma source(%dma_start3A_98 : memref<8x32xf32, #tpu.memory_space<hbm>>) target(%dma_start3A_96 : memref<8x32xf32, #tpu.memory_space<vmem>>) target_semaphore(%arg18 : memref<!tpu.dma_semaphore, #tpu.memory_space<semaphore_mem>>)
      %slice3A_99 = vector.extract_strided_slice %get3A_19 {offsets = [4], sizes = [1], strides = [1]} : vector<16xi32> to vector<1xi32>
      %squeeze3A_100 = vector.extract %slice3A_99[0] : i32 from vector<1xi32>
      %and3A_101 = arith.constant -8 : i32
      %and3A_102 = arith.andi %squeeze3A_100, %and3A_101 : i32
      %multiple_of3A_103 = tpu.assume_multiple %and3A_102, 8 : i32
      %mul3A_104 = arith.constant 16 : i32
      %mul3A_105 = arith.muli %scan3A_14, %mul3A_104 : i32
      %add3A_106 = arith.constant 4 : i32
      %add3A_107 = arith.addi %mul3A_105, %add3A_106 : i32
      %dma_start3A_108 = arith.constant 0 : i32
      %dma_start3A_109 = arith.constant 0 : i32
      %dma_start3A_110 = tpu.memref_slice %arg13[%add3A_107, %dma_start3A_108, %dma_start3A_109] : memref<32x8x32xf32, #tpu.memory_space<vmem>> -> memref<1x8x32xf32, #tpu.memory_space<vmem>>
      %dma_start3A_111 = tpu.memref_squeeze %dma_start3A_110 : memref<1x8x32xf32, #tpu.memory_space<vmem>> -> memref<8x32xf32, #tpu.memory_space<vmem>>
      %dma_start3A_112 = arith.constant 0 : i32
      %dma_start3A_113 = tpu.memref_slice %arg5[%multiple_of3A_103, %dma_start3A_112] : memref<1000000x32xf32, #tpu.memory_space<hbm>> -> memref<8x32xf32, #tpu.memory_space<hbm>>
      %dma_start3A_114 = arith.constant 0 : i32
      %dma_start3A_115 = arith.constant 0 : i32
      %dma_start3A_116 = tpu.memref_slice %arg13[%add3A_107, %dma_start3A_114, %dma_start3A_115] : memref<32x8x32xf32, #tpu.memory_space<vmem>> -> memref<1x8x32xf32, #tpu.memory_space<vmem>>
      %dma_start3A_117 = tpu.memref_squeeze %dma_start3A_116 : memref<1x8x32xf32, #tpu.memory_space<vmem>> -> memref<8x32xf32, #tpu.memory_space<vmem>>
      %dma_start3A_118 = arith.constant 0 : i32
      %dma_start3A_119 = tpu.memref_slice %arg5[%multiple_of3A_103, %dma_start3A_118] : memref<1000000x32xf32, #tpu.memory_space<hbm>> -> memref<8x32xf32, #tpu.memory_space<hbm>>
      tpu.enqueue_dma source(%dma_start3A_119 : memref<8x32xf32, #tpu.memory_space<hbm>>) target(%dma_start3A_117 : memref<8x32xf32, #tpu.memory_space<vmem>>) target_semaphore(%arg18 : memref<!tpu.dma_semaphore, #tpu.memory_space<semaphore_mem>>)
      %slice3A_120 = vector.extract_strided_slice %get3A_19 {offsets = [5], sizes = [1], strides = [1]} : vector<16xi32> to vector<1xi32>
      %squeeze3A_121 = vector.extract %slice3A_120[0] : i32 from vector<1xi32>
      %and3A_122 = arith.constant -8 : i32
      %and3A_123 = arith.andi %squeeze3A_121, %and3A_122 : i32
      %multiple_of3A_124 = tpu.assume_multiple %and3A_123, 8 : i32
      %mul3A_125 = arith.constant 16 : i32
      %mul3A_126 = arith.muli %scan3A_14, %mul3A_125 : i32
      %add3A_127 = arith.constant 5 : i32
      %add3A_128 = arith.addi %mul3A_126, %add3A_127 : i32
      %dma_start3A_129 = arith.constant 0 : i32
      %dma_start3A_130 = arith.constant 0 : i32
      %dma_start3A_131 = tpu.memref_slice %arg13[%add3A_128, %dma_start3A_129, %dma_start3A_130] : memref<32x8x32xf32, #tpu.memory_space<vmem>> -> memref<1x8x32xf32, #tpu.memory_space<vmem>>
      %dma_start3A_132 = tpu.memref_squeeze %dma_start3A_131 : memref<1x8x32xf32, #tpu.memory_space<vmem>> -> memref<8x32xf32, #tpu.memory_space<vmem>>
      %dma_start3A_133 = arith.constant 0 : i32
      %dma_start3A_134 = tpu.memref_slice %arg5[%multiple_of3A_124, %dma_start3A_133] : memref<1000000x32xf32, #tpu.memory_space<hbm>> -> memref<8x32xf32, #tpu.memory_space<hbm>>
      %dma_start3A_135 = arith.constant 0 : i32
      %dma_start3A_136 = arith.constant 0 : i32
      %dma_start3A_137 = tpu.memref_slice %arg13[%add3A_128, %dma_start3A_135, %dma_start3A_136] : memref<32x8x32xf32, #tpu.memory_space<vmem>> -> memref<1x8x32xf32, #tpu.memory_space<vmem>>
      %dma_start3A_138 = tpu.memref_squeeze %dma_start3A_137 : memref<1x8x32xf32, #tpu.memory_space<vmem>> -> memref<8x32xf32, #tpu.memory_space<vmem>>
      %dma_start3A_139 = arith.constant 0 : i32
      %dma_start3A_140 = tpu.memref_slice %arg5[%multiple_of3A_124, %dma_start3A_139] : memref<1000000x32xf32, #tpu.memory_space<hbm>> -> memref<8x32xf32, #tpu.memory_space<hbm>>
      tpu.enqueue_dma source(%dma_start3A_140 : memref<8x32xf32, #tpu.memory_space<hbm>>) target(%dma_start3A_138 : memref<8x32xf32, #tpu.memory_space<vmem>>) target_semaphore(%arg18 : memref<!tpu.dma_semaphore, #tpu.memory_space<semaphore_mem>>)
      %slice3A_141 = vector.extract_strided_slice %get3A_19 {offsets = [6], sizes = [1], strides = [1]} : vector<16xi32> to vector<1xi32>
      %squeeze3A_142 = vector.extract %slice3A_141[0] : i32 from vector<1xi32>
      %and3A_143 = arith.constant -8 : i32
      %and3A_144 = arith.andi %squeeze3A_142, %and3A_143 : i32
      %multiple_of3A_145 = tpu.assume_multiple %and3A_144, 8 : i32
      %mul3A_146 = arith.constant 16 : i32
      %mul3A_147 = arith.muli %scan3A_14, %mul3A_146 : i32
      %add3A_148 = arith.constant 6 : i32
      %add3A_149 = arith.addi %mul3A_147, %add3A_148 : i32
      %dma_start3A_150 = arith.constant 0 : i32
      %dma_start3A_151 = arith.constant 0 : i32
      %dma_start3A_152 = tpu.memref_slice %arg13[%add3A_149, %dma_start3A_150, %dma_start3A_151] : memref<32x8x32xf32, #tpu.memory_space<vmem>> -> memref<1x8x32xf32, #tpu.memory_space<vmem>>
      %dma_start3A_153 = tpu.memref_squeeze %dma_start3A_152 : memref<1x8x32xf32, #tpu.memory_space<vmem>> -> memref<8x32xf32, #tpu.memory_space<vmem>>
      %dma_start3A_154 = arith.constant 0 : i32
      %dma_start3A_155 = tpu.memref_slice %arg5[%multiple_of3A_145, %dma_start3A_154] : memref<1000000x32xf32, #tpu.memory_space<hbm>> -> memref<8x32xf32, #tpu.memory_space<hbm>>
      %dma_start3A_156 = arith.constant 0 : i32
      %dma_start3A_157 = arith.constant 0 : i32
      %dma_start3A_158 = tpu.memref_slice %arg13[%add3A_149, %dma_start3A_156, %dma_start3A_157] : memref<32x8x32xf32, #tpu.memory_space<vmem>> -> memref<1x8x32xf32, #tpu.memory_space<vmem>>
      %dma_start3A_159 = tpu.memref_squeeze %dma_start3A_158 : memref<1x8x32xf32, #tpu.memory_space<vmem>> -> memref<8x32xf32, #tpu.memory_space<vmem>>
      %dma_start3A_160 = arith.constant 0 : i32
      %dma_start3A_161 = tpu.memref_slice %arg5[%multiple_of3A_145, %dma_start3A_160] : memref<1000000x32xf32, #tpu.memory_space<hbm>> -> memref<8x32xf32, #tpu.memory_space<hbm>>
      tpu.enqueue_dma source(%dma_start3A_161 : memref<8x32xf32, #tpu.memory_space<hbm>>) target(%dma_start3A_159 : memref<8x32xf32, #tpu.memory_space<vmem>>) target_semaphore(%arg18 : memref<!tpu.dma_semaphore, #tpu.memory_space<semaphore_mem>>)
      %slice3A_162 = vector.extract_strided_slice %get3A_19 {offsets = [7], sizes = [1], strides = [1]} : vector<16xi32> to vector<1xi32>
      %squeeze3A_163 = vector.extract %slice3A_162[0] : i32 from vector<1xi32>
      %and3A_164 = arith.constant -8 : i32
      %and3A_165 = arith.andi %squeeze3A_163, %and3A_164 : i32
      %multiple_of3A_166 = tpu.assume_multiple %and3A_165, 8 : i32
      %mul3A_167 = arith.constant 16 : i32
      %mul3A_168 = arith.muli %scan3A_14, %mul3A_167 : i32
      %add3A_169 = arith.constant 7 : i32
      %add3A_170 = arith.addi %mul3A_168, %add3A_169 : i32
      %dma_start3A_171 = arith.constant 0 : i32
      %dma_start3A_172 = arith.constant 0 : i32
      %dma_start3A_173 = tpu.memref_slice %arg13[%add3A_170, %dma_start3A_171, %dma_start3A_172] : memref<32x8x32xf32, #tpu.memory_space<vmem>> -> memref<1x8x32xf32, #tpu.memory_space<vmem>>
      %dma_start3A_174 = tpu.memref_squeeze %dma_start3A_173 : memref<1x8x32xf32, #tpu.memory_space<vmem>> -> memref<8x32xf32, #tpu.memory_space<vmem>>
      %dma_start3A_175 = arith.constant 0 : i32
      %dma_start3A_176 = tpu.memref_slice %arg5[%multiple_of3A_166, %dma_start3A_175] : memref<1000000x32xf32, #tpu.memory_space<hbm>> -> memref<8x32xf32, #tpu.memory_space<hbm>>
      %dma_start3A_177 = arith.constant 0 : i32
      %dma_start3A_178 = arith.constant 0 : i32
      %dma_start3A_179 = tpu.memref_slice %arg13[%add3A_170, %dma_start3A_177, %dma_start3A_178] : memref<32x8x32xf32, #tpu.memory_space<vmem>> -> memref<1x8x32xf32, #tpu.memory_space<vmem>>
      %dma_start3A_180 = tpu.memref_squeeze %dma_start3A_179 : memref<1x8x32xf32, #tpu.memory_space<vmem>> -> memref<8x32xf32, #tpu.memory_space<vmem>>
      %dma_start3A_181 = arith.constant 0 : i32
      %dma_start3A_182 = tpu.memref_slice %arg5[%multiple_of3A_166, %dma_start3A_181] : memref<1000000x32xf32, #tpu.memory_space<hbm>> -> memref<8x32xf32, #tpu.memory_space<hbm>>
      tpu.enqueue_dma source(%dma_start3A_182 : memref<8x32xf32, #tpu.memory_space<hbm>>) target(%dma_start3A_180 : memref<8x32xf32, #tpu.memory_space<vmem>>) target_semaphore(%arg18 : memref<!tpu.dma_semaphore, #tpu.memory_space<semaphore_mem>>)
      %slice3A_183 = vector.extract_strided_slice %get3A_19 {offsets = [8], sizes = [1], strides = [1]} : vector<16xi32> to vector<1xi32>
      %squeeze3A_184 = vector.extract %slice3A_183[0] : i32 from vector<1xi32>
      %and3A_185 = arith.constant -8 : i32
      %and3A_186 = arith.andi %squeeze3A_184, %and3A_185 : i32
      %multiple_of3A_187 = tpu.assume_multiple %and3A_186, 8 : i32
      %mul3A_188 = arith.constant 16 : i32
      %mul3A_189 = arith.muli %scan3A_14, %mul3A_188 : i32
      %add3A_190 = arith.constant 8 : i32
      %add3A_191 = arith.addi %mul3A_189, %add3A_190 : i32
      %dma_start3A_192 = arith.constant 0 : i32
      %dma_start3A_193 = arith.constant 0 : i32
      %dma_start3A_194 = tpu.memref_slice %arg13[%add3A_191, %dma_start3A_192, %dma_start3A_193] : memref<32x8x32xf32, #tpu.memory_space<vmem>> -> memref<1x8x32xf32, #tpu.memory_space<vmem>>
      %dma_start3A_195 = tpu.memref_squeeze %dma_start3A_194 : memref<1x8x32xf32, #tpu.memory_space<vmem>> -> memref<8x32xf32, #tpu.memory_space<vmem>>
      %dma_start3A_196 = arith.constant 0 : i32
      %dma_start3A_197 = tpu.memref_slice %arg5[%multiple_of3A_187, %dma_start3A_196] : memref<1000000x32xf32, #tpu.memory_space<hbm>> -> memref<8x32xf32, #tpu.memory_space<hbm>>
      %dma_start3A_198 = arith.constant 0 : i32
      %dma_start3A_199 = arith.constant 0 : i32
      %dma_start3A_200 = tpu.memref_slice %arg13[%add3A_191, %dma_start3A_198, %dma_start3A_199] : memref<32x8x32xf32, #tpu.memory_space<vmem>> -> memref<1x8x32xf32, #tpu.memory_space<vmem>>
      %dma_start3A_201 = tpu.memref_squeeze %dma_start3A_200 : memref<1x8x32xf32, #tpu.memory_space<vmem>> -> memref<8x32xf32, #tpu.memory_space<vmem>>
      %dma_start3A_202 = arith.constant 0 : i32
      %dma_start3A_203 = tpu.memref_slice %arg5[%multiple_of3A_187, %dma_start3A_202] : memref<1000000x32xf32, #tpu.memory_space<hbm>> -> memref<8x32xf32, #tpu.memory_space<hbm>>
      tpu.enqueue_dma source(%dma_start3A_203 : memref<8x32xf32, #tpu.memory_space<hbm>>) target(%dma_start3A_201 : memref<8x32xf32, #tpu.memory_space<vmem>>) target_semaphore(%arg18 : memref<!tpu.dma_semaphore, #tpu.memory_space<semaphore_mem>>)
      %slice3A_204 = vector.extract_strided_slice %get3A_19 {offsets = [9], sizes = [1], strides = [1]} : vector<16xi32> to vector<1xi32>
      %squeeze3A_205 = vector.extract %slice3A_204[0] : i32 from vector<1xi32>
      %and3A_206 = arith.constant -8 : i32
      %and3A_207 = arith.andi %squeeze3A_205, %and3A_206 : i32
      %multiple_of3A_208 = tpu.assume_multiple %and3A_207, 8 : i32
      %mul3A_209 = arith.constant 16 : i32
      %mul3A_210 = arith.muli %scan3A_14, %mul3A_209 : i32
      %add3A_211 = arith.constant 9 : i32
      %add3A_212 = arith.addi %mul3A_210, %add3A_211 : i32
      %dma_start3A_213 = arith.constant 0 : i32
      %dma_start3A_214 = arith.constant 0 : i32
      %dma_start3A_215 = tpu.memref_slice %arg13[%add3A_212, %dma_start3A_213, %dma_start3A_214] : memref<32x8x32xf32, #tpu.memory_space<vmem>> -> memref<1x8x32xf32, #tpu.memory_space<vmem>>
      %dma_start3A_216 = tpu.memref_squeeze %dma_start3A_215 : memref<1x8x32xf32, #tpu.memory_space<vmem>> -> memref<8x32xf32, #tpu.memory_space<vmem>>
      %dma_start3A_217 = arith.constant 0 : i32
      %dma_start3A_218 = tpu.memref_slice %arg5[%multiple_of3A_208, %dma_start3A_217] : memref<1000000x32xf32, #tpu.memory_space<hbm>> -> memref<8x32xf32, #tpu.memory_space<hbm>>
      %dma_start3A_219 = arith.constant 0 : i32
      %dma_start3A_220 = arith.constant 0 : i32
      %dma_start3A_221 = tpu.memref_slice %arg13[%add3A_212, %dma_start3A_219, %dma_start3A_220] : memref<32x8x32xf32, #tpu.memory_space<vmem>> -> memref<1x8x32xf32, #tpu.memory_space<vmem>>
      %dma_start3A_222 = tpu.memref_squeeze %dma_start3A_221 : memref<1x8x32xf32, #tpu.memory_space<vmem>> -> memref<8x32xf32, #tpu.memory_space<vmem>>
      %dma_start3A_223 = arith.constant 0 : i32
      %dma_start3A_224 = tpu.memref_slice %arg5[%multiple_of3A_208, %dma_start3A_223] : memref<1000000x32xf32, #tpu.memory_space<hbm>> -> memref<8x32xf32, #tpu.memory_space<hbm>>
      tpu.enqueue_dma source(%dma_start3A_224 : memref<8x32xf32, #tpu.memory_space<hbm>>) target(%dma_start3A_222 : memref<8x32xf32, #tpu.memory_space<vmem>>) target_semaphore(%arg18 : memref<!tpu.dma_semaphore, #tpu.memory_space<semaphore_mem>>)
      %slice3A_225 = vector.extract_strided_slice %get3A_19 {offsets = [10], sizes = [1], strides = [1]} : vector<16xi32> to vector<1xi32>
      %squeeze3A_226 = vector.extract %slice3A_225[0] : i32 from vector<1xi32>
      %and3A_227 = arith.constant -8 : i32
      %and3A_228 = arith.andi %squeeze3A_226, %and3A_227 : i32
      %multiple_of3A_229 = tpu.assume_multiple %and3A_228, 8 : i32
      %mul3A_230 = arith.constant 16 : i32
      %mul3A_231 = arith.muli %scan3A_14, %mul3A_230 : i32
      %add3A_232 = arith.constant 10 : i32
      %add3A_233 = arith.addi %mul3A_231, %add3A_232 : i32
      %dma_start3A_234 = arith.constant 0 : i32
      %dma_start3A_235 = arith.constant 0 : i32
      %dma_start3A_236 = tpu.memref_slice %arg13[%add3A_233, %dma_start3A_234, %dma_start3A_235] : memref<32x8x32xf32, #tpu.memory_space<vmem>> -> memref<1x8x32xf32, #tpu.memory_space<vmem>>
      %dma_start3A_237 = tpu.memref_squeeze %dma_start3A_236 : memref<1x8x32xf32, #tpu.memory_space<vmem>> -> memref<8x32xf32, #tpu.memory_space<vmem>>
      %dma_start3A_238 = arith.constant 0 : i32
      %dma_start3A_239 = tpu.memref_slice %arg5[%multiple_of3A_229, %dma_start3A_238] : memref<1000000x32xf32, #tpu.memory_space<hbm>> -> memref<8x32xf32, #tpu.memory_space<hbm>>
      %dma_start3A_240 = arith.constant 0 : i32
      %dma_start3A_241 = arith.constant 0 : i32
      %dma_start3A_242 = tpu.memref_slice %arg13[%add3A_233, %dma_start3A_240, %dma_start3A_241] : memref<32x8x32xf32, #tpu.memory_space<vmem>> -> memref<1x8x32xf32, #tpu.memory_space<vmem>>
      %dma_start3A_243 = tpu.memref_squeeze %dma_start3A_242 : memref<1x8x32xf32, #tpu.memory_space<vmem>> -> memref<8x32xf32, #tpu.memory_space<vmem>>
      %dma_start3A_244 = arith.constant 0 : i32
      %dma_start3A_245 = tpu.memref_slice %arg5[%multiple_of3A_229, %dma_start3A_244] : memref<1000000x32xf32, #tpu.memory_space<hbm>> -> memref<8x32xf32, #tpu.memory_space<hbm>>
      tpu.enqueue_dma source(%dma_start3A_245 : memref<8x32xf32, #tpu.memory_space<hbm>>) target(%dma_start3A_243 : memref<8x32xf32, #tpu.memory_space<vmem>>) target_semaphore(%arg18 : memref<!tpu.dma_semaphore, #tpu.memory_space<semaphore_mem>>)
      %slice3A_246 = vector.extract_strided_slice %get3A_19 {offsets = [11], sizes = [1], strides = [1]} : vector<16xi32> to vector<1xi32>
      %squeeze3A_247 = vector.extract %slice3A_246[0] : i32 from vector<1xi32>
      %and3A_248 = arith.constant -8 : i32
      %and3A_249 = arith.andi %squeeze3A_247, %and3A_248 : i32
      %multiple_of3A_250 = tpu.assume_multiple %and3A_249, 8 : i32
      %mul3A_251 = arith.constant 16 : i32
      %mul3A_252 = arith.muli %scan3A_14, %mul3A_251 : i32
      %add3A_253 = arith.constant 11 : i32
      %add3A_254 = arith.addi %mul3A_252, %add3A_253 : i32
      %dma_start3A_255 = arith.constant 0 : i32
      %dma_start3A_256 = arith.constant 0 : i32
      %dma_start3A_257 = tpu.memref_slice %arg13[%add3A_254, %dma_start3A_255, %dma_start3A_256] : memref<32x8x32xf32, #tpu.memory_space<vmem>> -> memref<1x8x32xf32, #tpu.memory_space<vmem>>
      %dma_start3A_258 = tpu.memref_squeeze %dma_start3A_257 : memref<1x8x32xf32, #tpu.memory_space<vmem>> -> memref<8x32xf32, #tpu.memory_space<vmem>>
      %dma_start3A_259 = arith.constant 0 : i32
      %dma_start3A_260 = tpu.memref_slice %arg5[%multiple_of3A_250, %dma_start3A_259] : memref<1000000x32xf32, #tpu.memory_space<hbm>> -> memref<8x32xf32, #tpu.memory_space<hbm>>
      %dma_start3A_261 = arith.constant 0 : i32
      %dma_start3A_262 = arith.constant 0 : i32
      %dma_start3A_263 = tpu.memref_slice %arg13[%add3A_254, %dma_start3A_261, %dma_start3A_262] : memref<32x8x32xf32, #tpu.memory_space<vmem>> -> memref<1x8x32xf32, #tpu.memory_space<vmem>>
      %dma_start3A_264 = tpu.memref_squeeze %dma_start3A_263 : memref<1x8x32xf32, #tpu.memory_space<vmem>> -> memref<8x32xf32, #tpu.memory_space<vmem>>
      %dma_start3A_265 = arith.constant 0 : i32
      %dma_start3A_266 = tpu.memref_slice %arg5[%multiple_of3A_250, %dma_start3A_265] : memref<1000000x32xf32, #tpu.memory_space<hbm>> -> memref<8x32xf32, #tpu.memory_space<hbm>>
      tpu.enqueue_dma source(%dma_start3A_266 : memref<8x32xf32, #tpu.memory_space<hbm>>) target(%dma_start3A_264 : memref<8x32xf32, #tpu.memory_space<vmem>>) target_semaphore(%arg18 : memref<!tpu.dma_semaphore, #tpu.memory_space<semaphore_mem>>)
      %slice3A_267 = vector.extract_strided_slice %get3A_19 {offsets = [12], sizes = [1], strides = [1]} : vector<16xi32> to vector<1xi32>
      %squeeze3A_268 = vector.extract %slice3A_267[0] : i32 from vector<1xi32>
      %and3A_269 = arith.constant -8 : i32
      %and3A_270 = arith.andi %squeeze3A_268, %and3A_269 : i32
      %multiple_of3A_271 = tpu.assume_multiple %and3A_270, 8 : i32
      %mul3A_272 = arith.constant 16 : i32
      %mul3A_273 = arith.muli %scan3A_14, %mul3A_272 : i32
      %add3A_274 = arith.constant 12 : i32
      %add3A_275 = arith.addi %mul3A_273, %add3A_274 : i32
      %dma_start3A_276 = arith.constant 0 : i32
      %dma_start3A_277 = arith.constant 0 : i32
      %dma_start3A_278 = tpu.memref_slice %arg13[%add3A_275, %dma_start3A_276, %dma_start3A_277] : memref<32x8x32xf32, #tpu.memory_space<vmem>> -> memref<1x8x32xf32, #tpu.memory_space<vmem>>
      %dma_start3A_279 = tpu.memref_squeeze %dma_start3A_278 : memref<1x8x32xf32, #tpu.memory_space<vmem>> -> memref<8x32xf32, #tpu.memory_space<vmem>>
      %dma_start3A_280 = arith.constant 0 : i32
      %dma_start3A_281 = tpu.memref_slice %arg5[%multiple_of3A_271, %dma_start3A_280] : memref<1000000x32xf32, #tpu.memory_space<hbm>> -> memref<8x32xf32, #tpu.memory_space<hbm>>
      %dma_start3A_282 = arith.constant 0 : i32
      %dma_start3A_283 = arith.constant 0 : i32
      %dma_start3A_284 = tpu.memref_slice %arg13[%add3A_275, %dma_start3A_282, %dma_start3A_283] : memref<32x8x32xf32, #tpu.memory_space<vmem>> -> memref<1x8x32xf32, #tpu.memory_space<vmem>>
      %dma_start3A_285 = tpu.memref_squeeze %dma_start3A_284 : memref<1x8x32xf32, #tpu.memory_space<vmem>> -> memref<8x32xf32, #tpu.memory_space<vmem>>
      %dma_start3A_286 = arith.constant 0 : i32
      %dma_start3A_287 = tpu.memref_slice %arg5[%multiple_of3A_271, %dma_start3A_286] : memref<1000000x32xf32, #tpu.memory_space<hbm>> -> memref<8x32xf32, #tpu.memory_space<hbm>>
      tpu.enqueue_dma source(%dma_start3A_287 : memref<8x32xf32, #tpu.memory_space<hbm>>) target(%dma_start3A_285 : memref<8x32xf32, #tpu.memory_space<vmem>>) target_semaphore(%arg18 : memref<!tpu.dma_semaphore, #tpu.memory_space<semaphore_mem>>)
      %slice3A_288 = vector.extract_strided_slice %get3A_19 {offsets = [13], sizes = [1], strides = [1]} : vector<16xi32> to vector<1xi32>
      %squeeze3A_289 = vector.extract %slice3A_288[0] : i32 from vector<1xi32>
      %and3A_290 = arith.constant -8 : i32
      %and3A_291 = arith.andi %squeeze3A_289, %and3A_290 : i32
      %multiple_of3A_292 = tpu.assume_multiple %and3A_291, 8 : i32
      %mul3A_293 = arith.constant 16 : i32
      %mul3A_294 = arith.muli %scan3A_14, %mul3A_293 : i32
      %add3A_295 = arith.constant 13 : i32
      %add3A_296 = arith.addi %mul3A_294, %add3A_295 : i32
      %dma_start3A_297 = arith.constant 0 : i32
      %dma_start3A_298 = arith.constant 0 : i32
      %dma_start3A_299 = tpu.memref_slice %arg13[%add3A_296, %dma_start3A_297, %dma_start3A_298] : memref<32x8x32xf32, #tpu.memory_space<vmem>> -> memref<1x8x32xf32, #tpu.memory_space<vmem>>
      %dma_start3A_300 = tpu.memref_squeeze %dma_start3A_299 : memref<1x8x32xf32, #tpu.memory_space<vmem>> -> memref<8x32xf32, #tpu.memory_space<vmem>>
      %dma_start3A_301 = arith.constant 0 : i32
      %dma_start3A_302 = tpu.memref_slice %arg5[%multiple_of3A_292, %dma_start3A_301] : memref<1000000x32xf32, #tpu.memory_space<hbm>> -> memref<8x32xf32, #tpu.memory_space<hbm>>
      %dma_start3A_303 = arith.constant 0 : i32
      %dma_start3A_304 = arith.constant 0 : i32
      %dma_start3A_305 = tpu.memref_slice %arg13[%add3A_296, %dma_start3A_303, %dma_start3A_304] : memref<32x8x32xf32, #tpu.memory_space<vmem>> -> memref<1x8x32xf32, #tpu.memory_space<vmem>>
      %dma_start3A_306 = tpu.memref_squeeze %dma_start3A_305 : memref<1x8x32xf32, #tpu.memory_space<vmem>> -> memref<8x32xf32, #tpu.memory_space<vmem>>
      %dma_start3A_307 = arith.constant 0 : i32
      %dma_start3A_308 = tpu.memref_slice %arg5[%multiple_of3A_292, %dma_start3A_307] : memref<1000000x32xf32, #tpu.memory_space<hbm>> -> memref<8x32xf32, #tpu.memory_space<hbm>>
      tpu.enqueue_dma source(%dma_start3A_308 : memref<8x32xf32, #tpu.memory_space<hbm>>) target(%dma_start3A_306 : memref<8x32xf32, #tpu.memory_space<vmem>>) target_semaphore(%arg18 : memref<!tpu.dma_semaphore, #tpu.memory_space<semaphore_mem>>)
      %slice3A_309 = vector.extract_strided_slice %get3A_19 {offsets = [14], sizes = [1], strides = [1]} : vector<16xi32> to vector<1xi32>
      %squeeze3A_310 = vector.extract %slice3A_309[0] : i32 from vector<1xi32>
      %and3A_311 = arith.constant -8 : i32
      %and3A_312 = arith.andi %squeeze3A_310, %and3A_311 : i32
      %multiple_of3A_313 = tpu.assume_multiple %and3A_312, 8 : i32
      %mul3A_314 = arith.constant 16 : i32
      %mul3A_315 = arith.muli %scan3A_14, %mul3A_314 : i32
      %add3A_316 = arith.constant 14 : i32
      %add3A_317 = arith.addi %mul3A_315, %add3A_316 : i32
      %dma_start3A_318 = arith.constant 0 : i32
      %dma_start3A_319 = arith.constant 0 : i32
      %dma_start3A_320 = tpu.memref_slice %arg13[%add3A_317, %dma_start3A_318, %dma_start3A_319] : memref<32x8x32xf32, #tpu.memory_space<vmem>> -> memref<1x8x32xf32, #tpu.memory_space<vmem>>
      %dma_start3A_321 = tpu.memref_squeeze %dma_start3A_320 : memref<1x8x32xf32, #tpu.memory_space<vmem>> -> memref<8x32xf32, #tpu.memory_space<vmem>>
      %dma_start3A_322 = arith.constant 0 : i32
      %dma_start3A_323 = tpu.memref_slice %arg5[%multiple_of3A_313, %dma_start3A_322] : memref<1000000x32xf32, #tpu.memory_space<hbm>> -> memref<8x32xf32, #tpu.memory_space<hbm>>
      %dma_start3A_324 = arith.constant 0 : i32
      %dma_start3A_325 = arith.constant 0 : i32
      %dma_start3A_326 = tpu.memref_slice %arg13[%add3A_317, %dma_start3A_324, %dma_start3A_325] : memref<32x8x32xf32, #tpu.memory_space<vmem>> -> memref<1x8x32xf32, #tpu.memory_space<vmem>>
      %dma_start3A_327 = tpu.memref_squeeze %dma_start3A_326 : memref<1x8x32xf32, #tpu.memory_space<vmem>> -> memref<8x32xf32, #tpu.memory_space<vmem>>
      %dma_start3A_328 = arith.constant 0 : i32
      %dma_start3A_329 = tpu.memref_slice %arg5[%multiple_of3A_313, %dma_start3A_328] : memref<1000000x32xf32, #tpu.memory_space<hbm>> -> memref<8x32xf32, #tpu.memory_space<hbm>>
      tpu.enqueue_dma source(%dma_start3A_329 : memref<8x32xf32, #tpu.memory_space<hbm>>) target(%dma_start3A_327 : memref<8x32xf32, #tpu.memory_space<vmem>>) target_semaphore(%arg18 : memref<!tpu.dma_semaphore, #tpu.memory_space<semaphore_mem>>)
      %slice3A_330 = vector.extract_strided_slice %get3A_19 {offsets = [15], sizes = [1], strides = [1]} : vector<16xi32> to vector<1xi32>
      %squeeze3A_331 = vector.extract %slice3A_330[0] : i32 from vector<1xi32>
      %and3A_332 = arith.constant -8 : i32
      %and3A_333 = arith.andi %squeeze3A_331, %and3A_332 : i32
      %multiple_of3A_334 = tpu.assume_multiple %and3A_333, 8 : i32
      %mul3A_335 = arith.constant 16 : i32
      %mul3A_336 = arith.muli %scan3A_14, %mul3A_335 : i32
      %add3A_337 = arith.constant 15 : i32
      %add3A_338 = arith.addi %mul3A_336, %add3A_337 : i32
      %dma_start3A_339 = arith.constant 0 : i32
      %dma_start3A_340 = arith.constant 0 : i32
      %dma_start3A_341 = tpu.memref_slice %arg13[%add3A_338, %dma_start3A_339, %dma_start3A_340] : memref<32x8x32xf32, #tpu.memory_space<vmem>> -> memref<1x8x32xf32, #tpu.memory_space<vmem>>
      %dma_start3A_342 = tpu.memref_squeeze %dma_start3A_341 : memref<1x8x32xf32, #tpu.memory_space<vmem>> -> memref<8x32xf32, #tpu.memory_space<vmem>>
      %dma_start3A_343 = arith.constant 0 : i32
      %dma_start3A_344 = tpu.memref_slice %arg5[%multiple_of3A_334, %dma_start3A_343] : memref<1000000x32xf32, #tpu.memory_space<hbm>> -> memref<8x32xf32, #tpu.memory_space<hbm>>
      %dma_start3A_345 = arith.constant 0 : i32
      %dma_start3A_346 = arith.constant 0 : i32
      %dma_start3A_347 = tpu.memref_slice %arg13[%add3A_338, %dma_start3A_345, %dma_start3A_346] : memref<32x8x32xf32, #tpu.memory_space<vmem>> -> memref<1x8x32xf32, #tpu.memory_space<vmem>>
      %dma_start3A_348 = tpu.memref_squeeze %dma_start3A_347 : memref<1x8x32xf32, #tpu.memory_space<vmem>> -> memref<8x32xf32, #tpu.memory_space<vmem>>
      %dma_start3A_349 = arith.constant 0 : i32
      %dma_start3A_350 = tpu.memref_slice %arg5[%multiple_of3A_334, %dma_start3A_349] : memref<1000000x32xf32, #tpu.memory_space<hbm>> -> memref<8x32xf32, #tpu.memory_space<hbm>>
      tpu.enqueue_dma source(%dma_start3A_350 : memref<8x32xf32, #tpu.memory_space<hbm>>) target(%dma_start3A_348 : memref<8x32xf32, #tpu.memory_space<vmem>>) target_semaphore(%arg18 : memref<!tpu.dma_semaphore, #tpu.memory_space<semaphore_mem>>)
    }
    %scan3A_7 = arith.constant 2 : i32
    %scan3A_8 = arith.constant 0 : i32
    %scan3A_9 = arith.constant 0 : i32
    %scan3A_10 = arith.constant 4 : i32
    %scan3A_11 = arith.addi %scan3A_9, %scan3A_10 : i32
    %scan3A_12 = arith.constant 1 : i32
    scf.for %scan3A_14 = %scan3A_9 to %scan3A_11 step %scan3A_12  : i32 {
      %mul3A_15 = arith.constant 4 : i32
      %mul3A_16 = arith.muli %mul3A_15, %scan3A_14 : i32
      %add3A_17 = arith.constant 1 : i32
      %add3A_18 = arith.addi %mul3A_16, %add3A_17 : i32
      %scan3A_19 = arith.constant 0 : i32
      %scan3A_20 = arith.constant 0 : i32
      %scan3A_21 = arith.constant 2 : i32
      %scan3A_22 = arith.addi %scan3A_20, %scan3A_21 : i32
      %scan3A_23 = arith.constant 1 : i32
      scf.for %scan3A_78 = %scan3A_20 to %scan3A_22 step %scan3A_23  : i32 {
        %mul3A_79 = arith.constant 16 : i32
        %mul3A_80 = arith.muli %scan3A_78, %mul3A_79 : i32
        %get3A = arith.index_cast %add3A_18 : i32 to index
        %get3A_81 = arith.index_cast %mul3A_80 : i32 to index
        %get3A_82 = tpu.vector_load %arg10[%get3A, %get3A_81] {strides = array<i32>} : memref<16x32xi32, #tpu.memory_space<vmem>>, vector<16xi32>,
        %slice3A = vector.extract_strided_slice %get3A_82 {offsets = [0], sizes = [1], strides = [1]} : vector<16xi32> to vector<1xi32>
        %squeeze3A = vector.extract %slice3A[0] : i32 from vector<1xi32>
        %and3A = arith.constant -8 : i32
        %and3A_83 = arith.andi %squeeze3A, %and3A : i32
        %multiple_of3A_84 = tpu.assume_multiple %and3A_83, 8 : i32
        %mul3A_85 = arith.constant 16 : i32
        %mul3A_86 = arith.muli %scan3A_78, %mul3A_85 : i32
        %add3A_87 = arith.constant 0 : i32
        %add3A_88 = arith.addi %mul3A_86, %add3A_87 : i32
        %dma_start3A = arith.constant 0 : i32
        %dma_start3A_89 = arith.constant 0 : i32
        %dma_start3A_90 = tpu.memref_slice %arg14[%add3A_88, %dma_start3A, %dma_start3A_89] : memref<32x8x32xf32, #tpu.memory_space<vmem>> -> memref<1x8x32xf32, #tpu.memory_space<vmem>>
        %dma_start3A_91 = tpu.memref_squeeze %dma_start3A_90 : memref<1x8x32xf32, #tpu.memory_space<vmem>> -> memref<8x32xf32, #tpu.memory_space<vmem>>
        %dma_start3A_92 = arith.constant 0 : i32
        %dma_start3A_93 = tpu.memref_slice %arg5[%multiple_of3A_84, %dma_start3A_92] : memref<1000000x32xf32, #tpu.memory_space<hbm>> -> memref<8x32xf32, #tpu.memory_space<hbm>>
        %dma_start3A_94 = arith.constant 0 : i32
        %dma_start3A_95 = arith.constant 0 : i32
        %dma_start3A_96 = tpu.memref_slice %arg14[%add3A_88, %dma_start3A_94, %dma_start3A_95] : memref<32x8x32xf32, #tpu.memory_space<vmem>> -> memref<1x8x32xf32, #tpu.memory_space<vmem>>
        %dma_start3A_97 = tpu.memref_squeeze %dma_start3A_96 : memref<1x8x32xf32, #tpu.memory_space<vmem>> -> memref<8x32xf32, #tpu.memory_space<vmem>>
        %dma_start3A_98 = arith.constant 0 : i32
        %dma_start3A_99 = tpu.memref_slice %arg5[%multiple_of3A_84, %dma_start3A_98] : memref<1000000x32xf32, #tpu.memory_space<hbm>> -> memref<8x32xf32, #tpu.memory_space<hbm>>
        tpu.enqueue_dma source(%dma_start3A_99 : memref<8x32xf32, #tpu.memory_space<hbm>>) target(%dma_start3A_97 : memref<8x32xf32, #tpu.memory_space<vmem>>) target_semaphore(%arg19 : memref<!tpu.dma_semaphore, #tpu.memory_space<semaphore_mem>>)
        %slice3A_100 = vector.extract_strided_slice %get3A_82 {offsets = [1], sizes = [1], strides = [1]} : vector<16xi32> to vector<1xi32>
        %squeeze3A_101 = vector.extract %slice3A_100[0] : i32 from vector<1xi32>
        %and3A_102 = arith.constant -8 : i32
        %and3A_103 = arith.andi %squeeze3A_101, %and3A_102 : i32
        %multiple_of3A_104 = tpu.assume_multiple %and3A_103, 8 : i32
        %mul3A_105 = arith.constant 16 : i32
        %mul3A_106 = arith.muli %scan3A_78, %mul3A_105 : i32
        %add3A_107 = arith.constant 1 : i32
        %add3A_108 = arith.addi %mul3A_106, %add3A_107 : i32
        %dma_start3A_109 = arith.constant 0 : i32
        %dma_start3A_110 = arith.constant 0 : i32
        %dma_start3A_111 = tpu.memref_slice %arg14[%add3A_108, %dma_start3A_109, %dma_start3A_110] : memref<32x8x32xf32, #tpu.memory_space<vmem>> -> memref<1x8x32xf32, #tpu.memory_space<vmem>>
        %dma_start3A_112 = tpu.memref_squeeze %dma_start3A_111 : memref<1x8x32xf32, #tpu.memory_space<vmem>> -> memref<8x32xf32, #tpu.memory_space<vmem>>
        %dma_start3A_113 = arith.constant 0 : i32
        %dma_start3A_114 = tpu.memref_slice %arg5[%multiple_of3A_104, %dma_start3A_113] : memref<1000000x32xf32, #tpu.memory_space<hbm>> -> memref<8x32xf32, #tpu.memory_space<hbm>>
        %dma_start3A_115 = arith.constant 0 : i32
        %dma_start3A_116 = arith.constant 0 : i32
        %dma_start3A_117 = tpu.memref_slice %arg14[%add3A_108, %dma_start3A_115, %dma_start3A_116] : memref<32x8x32xf32, #tpu.memory_space<vmem>> -> memref<1x8x32xf32, #tpu.memory_space<vmem>>
        %dma_start3A_118 = tpu.memref_squeeze %dma_start3A_117 : memref<1x8x32xf32, #tpu.memory_space<vmem>> -> memref<8x32xf32, #tpu.memory_space<vmem>>
        %dma_start3A_119 = arith.constant 0 : i32
        %dma_start3A_120 = tpu.memref_slice %arg5[%multiple_of3A_104, %dma_start3A_119] : memref<1000000x32xf32, #tpu.memory_space<hbm>> -> memref<8x32xf32, #tpu.memory_space<hbm>>
        tpu.enqueue_dma source(%dma_start3A_120 : memref<8x32xf32, #tpu.memory_space<hbm>>) target(%dma_start3A_118 : memref<8x32xf32, #tpu.memory_space<vmem>>) target_semaphore(%arg19 : memref<!tpu.dma_semaphore, #tpu.memory_space<semaphore_mem>>)
        %slice3A_121 = vector.extract_strided_slice %get3A_82 {offsets = [2], sizes = [1], strides = [1]} : vector<16xi32> to vector<1xi32>
        %squeeze3A_122 = vector.extract %slice3A_121[0] : i32 from vector<1xi32>
        %and3A_123 = arith.constant -8 : i32
        %and3A_124 = arith.andi %squeeze3A_122, %and3A_123 : i32
        %multiple_of3A_125 = tpu.assume_multiple %and3A_124, 8 : i32
        %mul3A_126 = arith.constant 16 : i32
        %mul3A_127 = arith.muli %scan3A_78, %mul3A_126 : i32
        %add3A_128 = arith.constant 2 : i32
        %add3A_129 = arith.addi %mul3A_127, %add3A_128 : i32
        %dma_start3A_130 = arith.constant 0 : i32
        %dma_start3A_131 = arith.constant 0 : i32
        %dma_start3A_132 = tpu.memref_slice %arg14[%add3A_129, %dma_start3A_130, %dma_start3A_131] : memref<32x8x32xf32, #tpu.memory_space<vmem>> -> memref<1x8x32xf32, #tpu.memory_space<vmem>>
        %dma_start3A_133 = tpu.memref_squeeze %dma_start3A_132 : memref<1x8x32xf32, #tpu.memory_space<vmem>> -> memref<8x32xf32, #tpu.memory_space<vmem>>
        %dma_start3A_134 = arith.constant 0 : i32
        %dma_start3A_135 = tpu.memref_slice %arg5[%multiple_of3A_125, %dma_start3A_134] : memref<1000000x32xf32, #tpu.memory_space<hbm>> -> memref<8x32xf32, #tpu.memory_space<hbm>>
        %dma_start3A_136 = arith.constant 0 : i32
        %dma_start3A_137 = arith.constant 0 : i32
        %dma_start3A_138 = tpu.memref_slice %arg14[%add3A_129, %dma_start3A_136, %dma_start3A_137] : memref<32x8x32xf32, #tpu.memory_space<vmem>> -> memref<1x8x32xf32, #tpu.memory_space<vmem>>
        %dma_start3A_139 = tpu.memref_squeeze %dma_start3A_138 : memref<1x8x32xf32, #tpu.memory_space<vmem>> -> memref<8x32xf32, #tpu.memory_space<vmem>>
        %dma_start3A_140 = arith.constant 0 : i32
        %dma_start3A_141 = tpu.memref_slice %arg5[%multiple_of3A_125, %dma_start3A_140] : memref<1000000x32xf32, #tpu.memory_space<hbm>> -> memref<8x32xf32, #tpu.memory_space<hbm>>
        tpu.enqueue_dma source(%dma_start3A_141 : memref<8x32xf32, #tpu.memory_space<hbm>>) target(%dma_start3A_139 : memref<8x32xf32, #tpu.memory_space<vmem>>) target_semaphore(%arg19 : memref<!tpu.dma_semaphore, #tpu.memory_space<semaphore_mem>>)
        %slice3A_142 = vector.extract_strided_slice %get3A_82 {offsets = [3], sizes = [1], strides = [1]} : vector<16xi32> to vector<1xi32>
        %squeeze3A_143 = vector.extract %slice3A_142[0] : i32 from vector<1xi32>
        %and3A_144 = arith.constant -8 : i32
        %and3A_145 = arith.andi %squeeze3A_143, %and3A_144 : i32
        %multiple_of3A_146 = tpu.assume_multiple %and3A_145, 8 : i32
        %mul3A_147 = arith.constant 16 : i32
        %mul3A_148 = arith.muli %scan3A_78, %mul3A_147 : i32
        %add3A_149 = arith.constant 3 : i32
        %add3A_150 = arith.addi %mul3A_148, %add3A_149 : i32
        %dma_start3A_151 = arith.constant 0 : i32
        %dma_start3A_152 = arith.constant 0 : i32
        %dma_start3A_153 = tpu.memref_slice %arg14[%add3A_150, %dma_start3A_151, %dma_start3A_152] : memref<32x8x32xf32, #tpu.memory_space<vmem>> -> memref<1x8x32xf32, #tpu.memory_space<vmem>>
        %dma_start3A_154 = tpu.memref_squeeze %dma_start3A_153 : memref<1x8x32xf32, #tpu.memory_space<vmem>> -> memref<8x32xf32, #tpu.memory_space<vmem>>
        %dma_start3A_155 = arith.constant 0 : i32
        %dma_start3A_156 = tpu.memref_slice %arg5[%multiple_of3A_146, %dma_start3A_155] : memref<1000000x32xf32, #tpu.memory_space<hbm>> -> memref<8x32xf32, #tpu.memory_space<hbm>>
        %dma_start3A_157 = arith.constant 0 : i32
        %dma_start3A_158 = arith.constant 0 : i32
        %dma_start3A_159 = tpu.memref_slice %arg14[%add3A_150, %dma_start3A_157, %dma_start3A_158] : memref<32x8x32xf32, #tpu.memory_space<vmem>> -> memref<1x8x32xf32, #tpu.memory_space<vmem>>
        %dma_start3A_160 = tpu.memref_squeeze %dma_start3A_159 : memref<1x8x32xf32, #tpu.memory_space<vmem>> -> memref<8x32xf32, #tpu.memory_space<vmem>>
        %dma_start3A_161 = arith.constant 0 : i32
        %dma_start3A_162 = tpu.memref_slice %arg5[%multiple_of3A_146, %dma_start3A_161] : memref<1000000x32xf32, #tpu.memory_space<hbm>> -> memref<8x32xf32, #tpu.memory_space<hbm>>
        tpu.enqueue_dma source(%dma_start3A_162 : memref<8x32xf32, #tpu.memory_space<hbm>>) target(%dma_start3A_160 : memref<8x32xf32, #tpu.memory_space<vmem>>) target_semaphore(%arg19 : memref<!tpu.dma_semaphore, #tpu.memory_space<semaphore_mem>>)
        %slice3A_163 = vector.extract_strided_slice %get3A_82 {offsets = [4], sizes = [1], strides = [1]} : vector<16xi32> to vector<1xi32>
        %squeeze3A_164 = vector.extract %slice3A_163[0] : i32 from vector<1xi32>
        %and3A_165 = arith.constant -8 : i32
        %and3A_166 = arith.andi %squeeze3A_164, %and3A_165 : i32
        %multiple_of3A_167 = tpu.assume_multiple %and3A_166, 8 : i32
        %mul3A_168 = arith.constant 16 : i32
        %mul3A_169 = arith.muli %scan3A_78, %mul3A_168 : i32
        %add3A_170 = arith.constant 4 : i32
        %add3A_171 = arith.addi %mul3A_169, %add3A_170 : i32
        %dma_start3A_172 = arith.constant 0 : i32
        %dma_start3A_173 = arith.constant 0 : i32
        %dma_start3A_174 = tpu.memref_slice %arg14[%add3A_171, %dma_start3A_172, %dma_start3A_173] : memref<32x8x32xf32, #tpu.memory_space<vmem>> -> memref<1x8x32xf32, #tpu.memory_space<vmem>>
        %dma_start3A_175 = tpu.memref_squeeze %dma_start3A_174 : memref<1x8x32xf32, #tpu.memory_space<vmem>> -> memref<8x32xf32, #tpu.memory_space<vmem>>
        %dma_start3A_176 = arith.constant 0 : i32
        %dma_start3A_177 = tpu.memref_slice %arg5[%multiple_of3A_167, %dma_start3A_176] : memref<1000000x32xf32, #tpu.memory_space<hbm>> -> memref<8x32xf32, #tpu.memory_space<hbm>>
        %dma_start3A_178 = arith.constant 0 : i32
        %dma_start3A_179 = arith.constant 0 : i32
        %dma_start3A_180 = tpu.memref_slice %arg14[%add3A_171, %dma_start3A_178, %dma_start3A_179] : memref<32x8x32xf32, #tpu.memory_space<vmem>> -> memref<1x8x32xf32, #tpu.memory_space<vmem>>
        %dma_start3A_181 = tpu.memref_squeeze %dma_start3A_180 : memref<1x8x32xf32, #tpu.memory_space<vmem>> -> memref<8x32xf32, #tpu.memory_space<vmem>>
        %dma_start3A_182 = arith.constant 0 : i32
        %dma_start3A_183 = tpu.memref_slice %arg5[%multiple_of3A_167, %dma_start3A_182] : memref<1000000x32xf32, #tpu.memory_space<hbm>> -> memref<8x32xf32, #tpu.memory_space<hbm>>
        tpu.enqueue_dma source(%dma_start3A_183 : memref<8x32xf32, #tpu.memory_space<hbm>>) target(%dma_start3A_181 : memref<8x32xf32, #tpu.memory_space<vmem>>) target_semaphore(%arg19 : memref<!tpu.dma_semaphore, #tpu.memory_space<semaphore_mem>>)
        %slice3A_184 = vector.extract_strided_slice %get3A_82 {offsets = [5], sizes = [1], strides = [1]} : vector<16xi32> to vector<1xi32>
        %squeeze3A_185 = vector.extract %slice3A_184[0] : i32 from vector<1xi32>
        %and3A_186 = arith.constant -8 : i32
        %and3A_187 = arith.andi %squeeze3A_185, %and3A_186 : i32
        %multiple_of3A_188 = tpu.assume_multiple %and3A_187, 8 : i32
        %mul3A_189 = arith.constant 16 : i32
        %mul3A_190 = arith.muli %scan3A_78, %mul3A_189 : i32
        %add3A_191 = arith.constant 5 : i32
        %add3A_192 = arith.addi %mul3A_190, %add3A_191 : i32
        %dma_start3A_193 = arith.constant 0 : i32
        %dma_start3A_194 = arith.constant 0 : i32
        %dma_start3A_195 = tpu.memref_slice %arg14[%add3A_192, %dma_start3A_193, %dma_start3A_194] : memref<32x8x32xf32, #tpu.memory_space<vmem>> -> memref<1x8x32xf32, #tpu.memory_space<vmem>>
        %dma_start3A_196 = tpu.memref_squeeze %dma_start3A_195 : memref<1x8x32xf32, #tpu.memory_space<vmem>> -> memref<8x32xf32, #tpu.memory_space<vmem>>
        %dma_start3A_197 = arith.constant 0 : i32
        %dma_start3A_198 = tpu.memref_slice %arg5[%multiple_of3A_188, %dma_start3A_197] : memref<1000000x32xf32, #tpu.memory_space<hbm>> -> memref<8x32xf32, #tpu.memory_space<hbm>>
        %dma_start3A_199 = arith.constant 0 : i32
        %dma_start3A_200 = arith.constant 0 : i32
        %dma_start3A_201 = tpu.memref_slice %arg14[%add3A_192, %dma_start3A_199, %dma_start3A_200] : memref<32x8x32xf32, #tpu.memory_space<vmem>> -> memref<1x8x32xf32, #tpu.memory_space<vmem>>
        %dma_start3A_202 = tpu.memref_squeeze %dma_start3A_201 : memref<1x8x32xf32, #tpu.memory_space<vmem>> -> memref<8x32xf32, #tpu.memory_space<vmem>>
        %dma_start3A_203 = arith.constant 0 : i32
        %dma_start3A_204 = tpu.memref_slice %arg5[%multiple_of3A_188, %dma_start3A_203] : memref<1000000x32xf32, #tpu.memory_space<hbm>> -> memref<8x32xf32, #tpu.memory_space<hbm>>
        tpu.enqueue_dma source(%dma_start3A_204 : memref<8x32xf32, #tpu.memory_space<hbm>>) target(%dma_start3A_202 : memref<8x32xf32, #tpu.memory_space<vmem>>) target_semaphore(%arg19 : memref<!tpu.dma_semaphore, #tpu.memory_space<semaphore_mem>>)
        %slice3A_205 = vector.extract_strided_slice %get3A_82 {offsets = [6], sizes = [1], strides = [1]} : vector<16xi32> to vector<1xi32>
        %squeeze3A_206 = vector.extract %slice3A_205[0] : i32 from vector<1xi32>
        %and3A_207 = arith.constant -8 : i32
        %and3A_208 = arith.andi %squeeze3A_206, %and3A_207 : i32
        %multiple_of3A_209 = tpu.assume_multiple %and3A_208, 8 : i32
        %mul3A_210 = arith.constant 16 : i32
        %mul3A_211 = arith.muli %scan3A_78, %mul3A_210 : i32
        %add3A_212 = arith.constant 6 : i32
        %add3A_213 = arith.addi %mul3A_211, %add3A_212 : i32
        %dma_start3A_214 = arith.constant 0 : i32
        %dma_start3A_215 = arith.constant 0 : i32
        %dma_start3A_216 = tpu.memref_slice %arg14[%add3A_213, %dma_start3A_214, %dma_start3A_215] : memref<32x8x32xf32, #tpu.memory_space<vmem>> -> memref<1x8x32xf32, #tpu.memory_space<vmem>>
        %dma_start3A_217 = tpu.memref_squeeze %dma_start3A_216 : memref<1x8x32xf32, #tpu.memory_space<vmem>> -> memref<8x32xf32, #tpu.memory_space<vmem>>
        %dma_start3A_218 = arith.constant 0 : i32
        %dma_start3A_219 = tpu.memref_slice %arg5[%multiple_of3A_209, %dma_start3A_218] : memref<1000000x32xf32, #tpu.memory_space<hbm>> -> memref<8x32xf32, #tpu.memory_space<hbm>>
        %dma_start3A_220 = arith.constant 0 : i32
        %dma_start3A_221 = arith.constant 0 : i32
        %dma_start3A_222 = tpu.memref_slice %arg14[%add3A_213, %dma_start3A_220, %dma_start3A_221] : memref<32x8x32xf32, #tpu.memory_space<vmem>> -> memref<1x8x32xf32, #tpu.memory_space<vmem>>
        %dma_start3A_223 = tpu.memref_squeeze %dma_start3A_222 : memref<1x8x32xf32, #tpu.memory_space<vmem>> -> memref<8x32xf32, #tpu.memory_space<vmem>>
        %dma_start3A_224 = arith.constant 0 : i32
        %dma_start3A_225 = tpu.memref_slice %arg5[%multiple_of3A_209, %dma_start3A_224] : memref<1000000x32xf32, #tpu.memory_space<hbm>> -> memref<8x32xf32, #tpu.memory_space<hbm>>
        tpu.enqueue_dma source(%dma_start3A_225 : memref<8x32xf32, #tpu.memory_space<hbm>>) target(%dma_start3A_223 : memref<8x32xf32, #tpu.memory_space<vmem>>) target_semaphore(%arg19 : memref<!tpu.dma_semaphore, #tpu.memory_space<semaphore_mem>>)
        %slice3A_226 = vector.extract_strided_slice %get3A_82 {offsets = [7], sizes = [1], strides = [1]} : vector<16xi32> to vector<1xi32>
        %squeeze3A_227 = vector.extract %slice3A_226[0] : i32 from vector<1xi32>
        %and3A_228 = arith.constant -8 : i32
        %and3A_229 = arith.andi %squeeze3A_227, %and3A_228 : i32
        %multiple_of3A_230 = tpu.assume_multiple %and3A_229, 8 : i32
        %mul3A_231 = arith.constant 16 : i32
        %mul3A_232 = arith.muli %scan3A_78, %mul3A_231 : i32
        %add3A_233 = arith.constant 7 : i32
        %add3A_234 = arith.addi %mul3A_232, %add3A_233 : i32
        %dma_start3A_235 = arith.constant 0 : i32
        %dma_start3A_236 = arith.constant 0 : i32
        %dma_start3A_237 = tpu.memref_slice %arg14[%add3A_234, %dma_start3A_235, %dma_start3A_236] : memref<32x8x32xf32, #tpu.memory_space<vmem>> -> memref<1x8x32xf32, #tpu.memory_space<vmem>>
        %dma_start3A_238 = tpu.memref_squeeze %dma_start3A_237 : memref<1x8x32xf32, #tpu.memory_space<vmem>> -> memref<8x32xf32, #tpu.memory_space<vmem>>
        %dma_start3A_239 = arith.constant 0 : i32
        %dma_start3A_240 = tpu.memref_slice %arg5[%multiple_of3A_230, %dma_start3A_239] : memref<1000000x32xf32, #tpu.memory_space<hbm>> -> memref<8x32xf32, #tpu.memory_space<hbm>>
        %dma_start3A_241 = arith.constant 0 : i32
        %dma_start3A_242 = arith.constant 0 : i32
        %dma_start3A_243 = tpu.memref_slice %arg14[%add3A_234, %dma_start3A_241, %dma_start3A_242] : memref<32x8x32xf32, #tpu.memory_space<vmem>> -> memref<1x8x32xf32, #tpu.memory_space<vmem>>
        %dma_start3A_244 = tpu.memref_squeeze %dma_start3A_243 : memref<1x8x32xf32, #tpu.memory_space<vmem>> -> memref<8x32xf32, #tpu.memory_space<vmem>>
        %dma_start3A_245 = arith.constant 0 : i32
        %dma_start3A_246 = tpu.memref_slice %arg5[%multiple_of3A_230, %dma_start3A_245] : memref<1000000x32xf32, #tpu.memory_space<hbm>> -> memref<8x32xf32, #tpu.memory_space<hbm>>
        tpu.enqueue_dma source(%dma_start3A_246 : memref<8x32xf32, #tpu.memory_space<hbm>>) target(%dma_start3A_244 : memref<8x32xf32, #tpu.memory_space<vmem>>) target_semaphore(%arg19 : memref<!tpu.dma_semaphore, #tpu.memory_space<semaphore_mem>>)
        %slice3A_247 = vector.extract_strided_slice %get3A_82 {offsets = [8], sizes = [1], strides = [1]} : vector<16xi32> to vector<1xi32>
        %squeeze3A_248 = vector.extract %slice3A_247[0] : i32 from vector<1xi32>
        %and3A_249 = arith.constant -8 : i32
        %and3A_250 = arith.andi %squeeze3A_248, %and3A_249 : i32
        %multiple_of3A_251 = tpu.assume_multiple %and3A_250, 8 : i32
        %mul3A_252 = arith.constant 16 : i32
        %mul3A_253 = arith.muli %scan3A_78, %mul3A_252 : i32
        %add3A_254 = arith.constant 8 : i32
        %add3A_255 = arith.addi %mul3A_253, %add3A_254 : i32
        %dma_start3A_256 = arith.constant 0 : i32
        %dma_start3A_257 = arith.constant 0 : i32
        %dma_start3A_258 = tpu.memref_slice %arg14[%add3A_255, %dma_start3A_256, %dma_start3A_257] : memref<32x8x32xf32, #tpu.memory_space<vmem>> -> memref<1x8x32xf32, #tpu.memory_space<vmem>>
        %dma_start3A_259 = tpu.memref_squeeze %dma_start3A_258 : memref<1x8x32xf32, #tpu.memory_space<vmem>> -> memref<8x32xf32, #tpu.memory_space<vmem>>
        %dma_start3A_260 = arith.constant 0 : i32
        %dma_start3A_261 = tpu.memref_slice %arg5[%multiple_of3A_251, %dma_start3A_260] : memref<1000000x32xf32, #tpu.memory_space<hbm>> -> memref<8x32xf32, #tpu.memory_space<hbm>>
        %dma_start3A_262 = arith.constant 0 : i32
        %dma_start3A_263 = arith.constant 0 : i32
        %dma_start3A_264 = tpu.memref_slice %arg14[%add3A_255, %dma_start3A_262, %dma_start3A_263] : memref<32x8x32xf32, #tpu.memory_space<vmem>> -> memref<1x8x32xf32, #tpu.memory_space<vmem>>
        %dma_start3A_265 = tpu.memref_squeeze %dma_start3A_264 : memref<1x8x32xf32, #tpu.memory_space<vmem>> -> memref<8x32xf32, #tpu.memory_space<vmem>>
        %dma_start3A_266 = arith.constant 0 : i32
        %dma_start3A_267 = tpu.memref_slice %arg5[%multiple_of3A_251, %dma_start3A_266] : memref<1000000x32xf32, #tpu.memory_space<hbm>> -> memref<8x32xf32, #tpu.memory_space<hbm>>
        tpu.enqueue_dma source(%dma_start3A_267 : memref<8x32xf32, #tpu.memory_space<hbm>>) target(%dma_start3A_265 : memref<8x32xf32, #tpu.memory_space<vmem>>) target_semaphore(%arg19 : memref<!tpu.dma_semaphore, #tpu.memory_space<semaphore_mem>>)
        %slice3A_268 = vector.extract_strided_slice %get3A_82 {offsets = [9], sizes = [1], strides = [1]} : vector<16xi32> to vector<1xi32>
        %squeeze3A_269 = vector.extract %slice3A_268[0] : i32 from vector<1xi32>
        %and3A_270 = arith.constant -8 : i32
        %and3A_271 = arith.andi %squeeze3A_269, %and3A_270 : i32
        %multiple_of3A_272 = tpu.assume_multiple %and3A_271, 8 : i32
        %mul3A_273 = arith.constant 16 : i32
        %mul3A_274 = arith.muli %scan3A_78, %mul3A_273 : i32
        %add3A_275 = arith.constant 9 : i32
        %add3A_276 = arith.addi %mul3A_274, %add3A_275 : i32
        %dma_start3A_277 = arith.constant 0 : i32
        %dma_start3A_278 = arith.constant 0 : i32
        %dma_start3A_279 = tpu.memref_slice %arg14[%add3A_276, %dma_start3A_277, %dma_start3A_278] : memref<32x8x32xf32, #tpu.memory_space<vmem>> -> memref<1x8x32xf32, #tpu.memory_space<vmem>>
        %dma_start3A_280 = tpu.memref_squeeze %dma_start3A_279 : memref<1x8x32xf32, #tpu.memory_space<vmem>> -> memref<8x32xf32, #tpu.memory_space<vmem>>
        %dma_start3A_281 = arith.constant 0 : i32
        %dma_start3A_282 = tpu.memref_slice %arg5[%multiple_of3A_272, %dma_start3A_281] : memref<1000000x32xf32, #tpu.memory_space<hbm>> -> memref<8x32xf32, #tpu.memory_space<hbm>>
        %dma_start3A_283 = arith.constant 0 : i32
        %dma_start3A_284 = arith.constant 0 : i32
        %dma_start3A_285 = tpu.memref_slice %arg14[%add3A_276, %dma_start3A_283, %dma_start3A_284] : memref<32x8x32xf32, #tpu.memory_space<vmem>> -> memref<1x8x32xf32, #tpu.memory_space<vmem>>
        %dma_start3A_286 = tpu.memref_squeeze %dma_start3A_285 : memref<1x8x32xf32, #tpu.memory_space<vmem>> -> memref<8x32xf32, #tpu.memory_space<vmem>>
        %dma_start3A_287 = arith.constant 0 : i32
        %dma_start3A_288 = tpu.memref_slice %arg5[%multiple_of3A_272, %dma_start3A_287] : memref<1000000x32xf32, #tpu.memory_space<hbm>> -> memref<8x32xf32, #tpu.memory_space<hbm>>
        tpu.enqueue_dma source(%dma_start3A_288 : memref<8x32xf32, #tpu.memory_space<hbm>>) target(%dma_start3A_286 : memref<8x32xf32, #tpu.memory_space<vmem>>) target_semaphore(%arg19 : memref<!tpu.dma_semaphore, #tpu.memory_space<semaphore_mem>>)
        %slice3A_289 = vector.extract_strided_slice %get3A_82 {offsets = [10], sizes = [1], strides = [1]} : vector<16xi32> to vector<1xi32>
        %squeeze3A_290 = vector.extract %slice3A_289[0] : i32 from vector<1xi32>
        %and3A_291 = arith.constant -8 : i32
        %and3A_292 = arith.andi %squeeze3A_290, %and3A_291 : i32
        %multiple_of3A_293 = tpu.assume_multiple %and3A_292, 8 : i32
        %mul3A_294 = arith.constant 16 : i32
        %mul3A_295 = arith.muli %scan3A_78, %mul3A_294 : i32
        %add3A_296 = arith.constant 10 : i32
        %add3A_297 = arith.addi %mul3A_295, %add3A_296 : i32
        %dma_start3A_298 = arith.constant 0 : i32
        %dma_start3A_299 = arith.constant 0 : i32
        %dma_start3A_300 = tpu.memref_slice %arg14[%add3A_297, %dma_start3A_298, %dma_start3A_299] : memref<32x8x32xf32, #tpu.memory_space<vmem>> -> memref<1x8x32xf32, #tpu.memory_space<vmem>>
        %dma_start3A_301 = tpu.memref_squeeze %dma_start3A_300 : memref<1x8x32xf32, #tpu.memory_space<vmem>> -> memref<8x32xf32, #tpu.memory_space<vmem>>
        %dma_start3A_302 = arith.constant 0 : i32
        %dma_start3A_303 = tpu.memref_slice %arg5[%multiple_of3A_293, %dma_start3A_302] : memref<1000000x32xf32, #tpu.memory_space<hbm>> -> memref<8x32xf32, #tpu.memory_space<hbm>>
        %dma_start3A_304 = arith.constant 0 : i32
        %dma_start3A_305 = arith.constant 0 : i32
        %dma_start3A_306 = tpu.memref_slice %arg14[%add3A_297, %dma_start3A_304, %dma_start3A_305] : memref<32x8x32xf32, #tpu.memory_space<vmem>> -> memref<1x8x32xf32, #tpu.memory_space<vmem>>
        %dma_start3A_307 = tpu.memref_squeeze %dma_start3A_306 : memref<1x8x32xf32, #tpu.memory_space<vmem>> -> memref<8x32xf32, #tpu.memory_space<vmem>>
        %dma_start3A_308 = arith.constant 0 : i32
        %dma_start3A_309 = tpu.memref_slice %arg5[%multiple_of3A_293, %dma_start3A_308] : memref<1000000x32xf32, #tpu.memory_space<hbm>> -> memref<8x32xf32, #tpu.memory_space<hbm>>
        tpu.enqueue_dma source(%dma_start3A_309 : memref<8x32xf32, #tpu.memory_space<hbm>>) target(%dma_start3A_307 : memref<8x32xf32, #tpu.memory_space<vmem>>) target_semaphore(%arg19 : memref<!tpu.dma_semaphore, #tpu.memory_space<semaphore_mem>>)
        %slice3A_310 = vector.extract_strided_slice %get3A_82 {offsets = [11], sizes = [1], strides = [1]} : vector<16xi32> to vector<1xi32>
        %squeeze3A_311 = vector.extract %slice3A_310[0] : i32 from vector<1xi32>
        %and3A_312 = arith.constant -8 : i32
        %and3A_313 = arith.andi %squeeze3A_311, %and3A_312 : i32
        %multiple_of3A_314 = tpu.assume_multiple %and3A_313, 8 : i32
        %mul3A_315 = arith.constant 16 : i32
        %mul3A_316 = arith.muli %scan3A_78, %mul3A_315 : i32
        %add3A_317 = arith.constant 11 : i32
        %add3A_318 = arith.addi %mul3A_316, %add3A_317 : i32
        %dma_start3A_319 = arith.constant 0 : i32
        %dma_start3A_320 = arith.constant 0 : i32
        %dma_start3A_321 = tpu.memref_slice %arg14[%add3A_318, %dma_start3A_319, %dma_start3A_320] : memref<32x8x32xf32, #tpu.memory_space<vmem>> -> memref<1x8x32xf32, #tpu.memory_space<vmem>>
        %dma_start3A_322 = tpu.memref_squeeze %dma_start3A_321 : memref<1x8x32xf32, #tpu.memory_space<vmem>> -> memref<8x32xf32, #tpu.memory_space<vmem>>
        %dma_start3A_323 = arith.constant 0 : i32
        %dma_start3A_324 = tpu.memref_slice %arg5[%multiple_of3A_314, %dma_start3A_323] : memref<1000000x32xf32, #tpu.memory_space<hbm>> -> memref<8x32xf32, #tpu.memory_space<hbm>>
        %dma_start3A_325 = arith.constant 0 : i32
        %dma_start3A_326 = arith.constant 0 : i32
        %dma_start3A_327 = tpu.memref_slice %arg14[%add3A_318, %dma_start3A_325, %dma_start3A_326] : memref<32x8x32xf32, #tpu.memory_space<vmem>> -> memref<1x8x32xf32, #tpu.memory_space<vmem>>
        %dma_start3A_328 = tpu.memref_squeeze %dma_start3A_327 : memref<1x8x32xf32, #tpu.memory_space<vmem>> -> memref<8x32xf32, #tpu.memory_space<vmem>>
        %dma_start3A_329 = arith.constant 0 : i32
        %dma_start3A_330 = tpu.memref_slice %arg5[%multiple_of3A_314, %dma_start3A_329] : memref<1000000x32xf32, #tpu.memory_space<hbm>> -> memref<8x32xf32, #tpu.memory_space<hbm>>
        tpu.enqueue_dma source(%dma_start3A_330 : memref<8x32xf32, #tpu.memory_space<hbm>>) target(%dma_start3A_328 : memref<8x32xf32, #tpu.memory_space<vmem>>) target_semaphore(%arg19 : memref<!tpu.dma_semaphore, #tpu.memory_space<semaphore_mem>>)
        %slice3A_331 = vector.extract_strided_slice %get3A_82 {offsets = [12], sizes = [1], strides = [1]} : vector<16xi32> to vector<1xi32>
        %squeeze3A_332 = vector.extract %slice3A_331[0] : i32 from vector<1xi32>
        %and3A_333 = arith.constant -8 : i32
        %and3A_334 = arith.andi %squeeze3A_332, %and3A_333 : i32
        %multiple_of3A_335 = tpu.assume_multiple %and3A_334, 8 : i32
        %mul3A_336 = arith.constant 16 : i32
        %mul3A_337 = arith.muli %scan3A_78, %mul3A_336 : i32
        %add3A_338 = arith.constant 12 : i32
        %add3A_339 = arith.addi %mul3A_337, %add3A_338 : i32
        %dma_start3A_340 = arith.constant 0 : i32
        %dma_start3A_341 = arith.constant 0 : i32
        %dma_start3A_342 = tpu.memref_slice %arg14[%add3A_339, %dma_start3A_340, %dma_start3A_341] : memref<32x8x32xf32, #tpu.memory_space<vmem>> -> memref<1x8x32xf32, #tpu.memory_space<vmem>>
        %dma_start3A_343 = tpu.memref_squeeze %dma_start3A_342 : memref<1x8x32xf32, #tpu.memory_space<vmem>> -> memref<8x32xf32, #tpu.memory_space<vmem>>
        %dma_start3A_344 = arith.constant 0 : i32
        %dma_start3A_345 = tpu.memref_slice %arg5[%multiple_of3A_335, %dma_start3A_344] : memref<1000000x32xf32, #tpu.memory_space<hbm>> -> memref<8x32xf32, #tpu.memory_space<hbm>>
        %dma_start3A_346 = arith.constant 0 : i32
        %dma_start3A_347 = arith.constant 0 : i32
        %dma_start3A_348 = tpu.memref_slice %arg14[%add3A_339, %dma_start3A_346, %dma_start3A_347] : memref<32x8x32xf32, #tpu.memory_space<vmem>> -> memref<1x8x32xf32, #tpu.memory_space<vmem>>
        %dma_start3A_349 = tpu.memref_squeeze %dma_start3A_348 : memref<1x8x32xf32, #tpu.memory_space<vmem>> -> memref<8x32xf32, #tpu.memory_space<vmem>>
        %dma_start3A_350 = arith.constant 0 : i32
        %dma_start3A_351 = tpu.memref_slice %arg5[%multiple_of3A_335, %dma_start3A_350] : memref<1000000x32xf32, #tpu.memory_space<hbm>> -> memref<8x32xf32, #tpu.memory_space<hbm>>
        tpu.enqueue_dma source(%dma_start3A_351 : memref<8x32xf32, #tpu.memory_space<hbm>>) target(%dma_start3A_349 : memref<8x32xf32, #tpu.memory_space<vmem>>) target_semaphore(%arg19 : memref<!tpu.dma_semaphore, #tpu.memory_space<semaphore_mem>>)
        %slice3A_352 = vector.extract_strided_slice %get3A_82 {offsets = [13], sizes = [1], strides = [1]} : vector<16xi32> to vector<1xi32>
        %squeeze3A_353 = vector.extract %slice3A_352[0] : i32 from vector<1xi32>
        %and3A_354 = arith.constant -8 : i32
        %and3A_355 = arith.andi %squeeze3A_353, %and3A_354 : i32
        %multiple_of3A_356 = tpu.assume_multiple %and3A_355, 8 : i32
        %mul3A_357 = arith.constant 16 : i32
        %mul3A_358 = arith.muli %scan3A_78, %mul3A_357 : i32
        %add3A_359 = arith.constant 13 : i32
        %add3A_360 = arith.addi %mul3A_358, %add3A_359 : i32
        %dma_start3A_361 = arith.constant 0 : i32
        %dma_start3A_362 = arith.constant 0 : i32
        %dma_start3A_363 = tpu.memref_slice %arg14[%add3A_360, %dma_start3A_361, %dma_start3A_362] : memref<32x8x32xf32, #tpu.memory_space<vmem>> -> memref<1x8x32xf32, #tpu.memory_space<vmem>>
        %dma_start3A_364 = tpu.memref_squeeze %dma_start3A_363 : memref<1x8x32xf32, #tpu.memory_space<vmem>> -> memref<8x32xf32, #tpu.memory_space<vmem>>
        %dma_start3A_365 = arith.constant 0 : i32
        %dma_start3A_366 = tpu.memref_slice %arg5[%multiple_of3A_356, %dma_start3A_365] : memref<1000000x32xf32, #tpu.memory_space<hbm>> -> memref<8x32xf32, #tpu.memory_space<hbm>>
        %dma_start3A_367 = arith.constant 0 : i32
        %dma_start3A_368 = arith.constant 0 : i32
        %dma_start3A_369 = tpu.memref_slice %arg14[%add3A_360, %dma_start3A_367, %dma_start3A_368] : memref<32x8x32xf32, #tpu.memory_space<vmem>> -> memref<1x8x32xf32, #tpu.memory_space<vmem>>
        %dma_start3A_370 = tpu.memref_squeeze %dma_start3A_369 : memref<1x8x32xf32, #tpu.memory_space<vmem>> -> memref<8x32xf32, #tpu.memory_space<vmem>>
        %dma_start3A_371 = arith.constant 0 : i32
        %dma_start3A_372 = tpu.memref_slice %arg5[%multiple_of3A_356, %dma_start3A_371] : memref<1000000x32xf32, #tpu.memory_space<hbm>> -> memref<8x32xf32, #tpu.memory_space<hbm>>
        tpu.enqueue_dma source(%dma_start3A_372 : memref<8x32xf32, #tpu.memory_space<hbm>>) target(%dma_start3A_370 : memref<8x32xf32, #tpu.memory_space<vmem>>) target_semaphore(%arg19 : memref<!tpu.dma_semaphore, #tpu.memory_space<semaphore_mem>>)
        %slice3A_373 = vector.extract_strided_slice %get3A_82 {offsets = [14], sizes = [1], strides = [1]} : vector<16xi32> to vector<1xi32>
        %squeeze3A_374 = vector.extract %slice3A_373[0] : i32 from vector<1xi32>
        %and3A_375 = arith.constant -8 : i32
        %and3A_376 = arith.andi %squeeze3A_374, %and3A_375 : i32
        %multiple_of3A_377 = tpu.assume_multiple %and3A_376, 8 : i32
        %mul3A_378 = arith.constant 16 : i32
        %mul3A_379 = arith.muli %scan3A_78, %mul3A_378 : i32
        %add3A_380 = arith.constant 14 : i32
        %add3A_381 = arith.addi %mul3A_379, %add3A_380 : i32
        %dma_start3A_382 = arith.constant 0 : i32
        %dma_start3A_383 = arith.constant 0 : i32
        %dma_start3A_384 = tpu.memref_slice %arg14[%add3A_381, %dma_start3A_382, %dma_start3A_383] : memref<32x8x32xf32, #tpu.memory_space<vmem>> -> memref<1x8x32xf32, #tpu.memory_space<vmem>>
        %dma_start3A_385 = tpu.memref_squeeze %dma_start3A_384 : memref<1x8x32xf32, #tpu.memory_space<vmem>> -> memref<8x32xf32, #tpu.memory_space<vmem>>
        %dma_start3A_386 = arith.constant 0 : i32
        %dma_start3A_387 = tpu.memref_slice %arg5[%multiple_of3A_377, %dma_start3A_386] : memref<1000000x32xf32, #tpu.memory_space<hbm>> -> memref<8x32xf32, #tpu.memory_space<hbm>>
        %dma_start3A_388 = arith.constant 0 : i32
        %dma_start3A_389 = arith.constant 0 : i32
        %dma_start3A_390 = tpu.memref_slice %arg14[%add3A_381, %dma_start3A_388, %dma_start3A_389] : memref<32x8x32xf32, #tpu.memory_space<vmem>> -> memref<1x8x32xf32, #tpu.memory_space<vmem>>
        %dma_start3A_391 = tpu.memref_squeeze %dma_start3A_390 : memref<1x8x32xf32, #tpu.memory_space<vmem>> -> memref<8x32xf32, #tpu.memory_space<vmem>>
        %dma_start3A_392 = arith.constant 0 : i32
        %dma_start3A_393 = tpu.memref_slice %arg5[%multiple_of3A_377, %dma_start3A_392] : memref<1000000x32xf32, #tpu.memory_space<hbm>> -> memref<8x32xf32, #tpu.memory_space<hbm>>
        tpu.enqueue_dma source(%dma_start3A_393 : memref<8x32xf32, #tpu.memory_space<hbm>>) target(%dma_start3A_391 : memref<8x32xf32, #tpu.memory_space<vmem>>) target_semaphore(%arg19 : memref<!tpu.dma_semaphore, #tpu.memory_space<semaphore_mem>>)
        %slice3A_394 = vector.extract_strided_slice %get3A_82 {offsets = [15], sizes = [1], strides = [1]} : vector<16xi32> to vector<1xi32>
        %squeeze3A_395 = vector.extract %slice3A_394[0] : i32 from vector<1xi32>
        %and3A_396 = arith.constant -8 : i32
        %and3A_397 = arith.andi %squeeze3A_395, %and3A_396 : i32
        %multiple_of3A_398 = tpu.assume_multiple %and3A_397, 8 : i32
        %mul3A_399 = arith.constant 16 : i32
        %mul3A_400 = arith.muli %scan3A_78, %mul3A_399 : i32
        %add3A_401 = arith.constant 15 : i32
        %add3A_402 = arith.addi %mul3A_400, %add3A_401 : i32
        %dma_start3A_403 = arith.constant 0 : i32
        %dma_start3A_404 = arith.constant 0 : i32
        %dma_start3A_405 = tpu.memref_slice %arg14[%add3A_402, %dma_start3A_403, %dma_start3A_404] : memref<32x8x32xf32, #tpu.memory_space<vmem>> -> memref<1x8x32xf32, #tpu.memory_space<vmem>>
        %dma_start3A_406 = tpu.memref_squeeze %dma_start3A_405 : memref<1x8x32xf32, #tpu.memory_space<vmem>> -> memref<8x32xf32, #tpu.memory_space<vmem>>
        %dma_start3A_407 = arith.constant 0 : i32
        %dma_start3A_408 = tpu.memref_slice %arg5[%multiple_of3A_398, %dma_start3A_407] : memref<1000000x32xf32, #tpu.memory_space<hbm>> -> memref<8x32xf32, #tpu.memory_space<hbm>>
        %dma_start3A_409 = arith.constant 0 : i32
        %dma_start3A_410 = arith.constant 0 : i32
        %dma_start3A_411 = tpu.memref_slice %arg14[%add3A_402, %dma_start3A_409, %dma_start3A_410] : memref<32x8x32xf32, #tpu.memory_space<vmem>> -> memref<1x8x32xf32, #tpu.memory_space<vmem>>
        %dma_start3A_412 = tpu.memref_squeeze %dma_start3A_411 : memref<1x8x32xf32, #tpu.memory_space<vmem>> -> memref<8x32xf32, #tpu.memory_space<vmem>>
        %dma_start3A_413 = arith.constant 0 : i32
        %dma_start3A_414 = tpu.memref_slice %arg5[%multiple_of3A_398, %dma_start3A_413] : memref<1000000x32xf32, #tpu.memory_space<hbm>> -> memref<8x32xf32, #tpu.memory_space<hbm>>
        tpu.enqueue_dma source(%dma_start3A_414 : memref<8x32xf32, #tpu.memory_space<hbm>>) target(%dma_start3A_412 : memref<8x32xf32, #tpu.memory_space<vmem>>) target_semaphore(%arg19 : memref<!tpu.dma_semaphore, #tpu.memory_space<semaphore_mem>>)
      }
      %scan3A_24 = arith.constant 2 : i32
      tpu.wait_dma2 semaphore(%arg18 : memref<!tpu.dma_semaphore, #tpu.memory_space<semaphore_mem>>) src(%arg8 : memref<32x8x32xf32, #tpu.memory_space<hbm>>) dst(%arg13 : memref<32x8x32xf32, #tpu.memory_space<vmem>>)
      %scan3A_25 = arith.constant 0 : i32
      %scan3A_26 = arith.constant 0 : i32
      %scan3A_27 = arith.constant 2 : i32
      %scan3A_28 = arith.addi %scan3A_26, %scan3A_27 : i32
      %scan3A_29 = arith.constant 1 : i32
      scf.for %scan3A_78 = %scan3A_26 to %scan3A_28 step %scan3A_29  : i32 {
        %mul3A_79 = arith.constant 16 : i32
        %mul3A_80 = arith.muli %scan3A_78, %mul3A_79 : i32
        %add3A_81 = vector.broadcast %mul3A_80 : i32 to vector<16xi32>
        %add3A_82 = arith.addi %iota3A, %add3A_81 : vector<16xi32>
        %mul3A_83 = arith.constant 16 : i32
        %mul3A_84 = arith.muli %scan3A_78, %mul3A_83 : i32
        %add3A_85 = arith.constant 0 : i32
        %add3A_86 = arith.addi %add3A_85, %mul3A_84 : i32
        %mul3A_87 = arith.constant 16 : i32
        %mul3A_88 = arith.muli %scan3A_78, %mul3A_87 : i32
        %get3A = arith.index_cast %mul3A_16 : i32 to index
        %get3A_89 = arith.index_cast %mul3A_88 : i32 to index
        %get3A_90 = tpu.vector_load %arg10[%get3A, %get3A_89] {strides = array<i32>} : memref<16x32xi32, #tpu.memory_space<vmem>>, vector<16xi32>,
        %broadcast_in_dim3A = arith.constant 7 : i32
        %broadcast_in_dim3A_91 = vector.broadcast %broadcast_in_dim3A : i32 to vector<16xi32>
        %and3A = arith.andi %get3A_90, %broadcast_in_dim3A_91 : vector<16xi32>
        %broadcast_in_dim3A_92 = arith.constant 0 : i32
        %broadcast_in_dim3A_93 = vector.broadcast %broadcast_in_dim3A_92 : i32 to vector<16xi32>
        %gather3A = tpu.vector_load_idx %arg13[%add3A_82, %and3A, %broadcast_in_dim3A_93] : memref<32x8x32xf32, #tpu.memory_space<vmem>>[vector<16xi32>, vector<16xi32>, vector<16xi32>], vector<16xf32>,
        %swap3A = arith.constant 0 : i32
        %swap3A_94 = arith.index_cast %swap3A : i32 to index
        %swap3A_95 = arith.index_cast %add3A_86 : i32 to index
        %swap3A_96 = tpu.vector_load %arg17[%swap3A_94, %swap3A_95] {strides = array<i32>} : memref<64x128xf32, #tpu.memory_space<vmem>>, vector<16xf32>,
        tpu.vector_store %arg17[%swap3A_94, %swap3A_95], %gather3A {strides = array<i32>} : memref<64x128xf32, #tpu.memory_space<vmem>>, vector<16xf32>,
        %broadcast_in_dim3A_97 = arith.constant 1 : i32
        %broadcast_in_dim3A_98 = vector.broadcast %broadcast_in_dim3A_97 : i32 to vector<16xi32>
        %gather3A_99 = tpu.vector_load_idx %arg13[%add3A_82, %and3A, %broadcast_in_dim3A_98] : memref<32x8x32xf32, #tpu.memory_space<vmem>>[vector<16xi32>, vector<16xi32>, vector<16xi32>], vector<16xf32>,
        %swap3A_100 = arith.constant 1 : i32
        %swap3A_101 = arith.index_cast %swap3A_100 : i32 to index
        %swap3A_102 = arith.index_cast %add3A_86 : i32 to index
        %swap3A_103 = tpu.vector_load %arg17[%swap3A_101, %swap3A_102] {strides = array<i32>} : memref<64x128xf32, #tpu.memory_space<vmem>>, vector<16xf32>,
        tpu.vector_store %arg17[%swap3A_101, %swap3A_102], %gather3A_99 {strides = array<i32>} : memref<64x128xf32, #tpu.memory_space<vmem>>, vector<16xf32>,
        %broadcast_in_dim3A_104 = arith.constant 2 : i32
        %broadcast_in_dim3A_105 = vector.broadcast %broadcast_in_dim3A_104 : i32 to vector<16xi32>
        %gather3A_106 = tpu.vector_load_idx %arg13[%add3A_82, %and3A, %broadcast_in_dim3A_105] : memref<32x8x32xf32, #tpu.memory_space<vmem>>[vector<16xi32>, vector<16xi32>, vector<16xi32>], vector<16xf32>,
        %swap3A_107 = arith.constant 2 : i32
        %swap3A_108 = arith.index_cast %swap3A_107 : i32 to index
        %swap3A_109 = arith.index_cast %add3A_86 : i32 to index
        %swap3A_110 = tpu.vector_load %arg17[%swap3A_108, %swap3A_109] {strides = array<i32>} : memref<64x128xf32, #tpu.memory_space<vmem>>, vector<16xf32>,
        tpu.vector_store %arg17[%swap3A_108, %swap3A_109], %gather3A_106 {strides = array<i32>} : memref<64x128xf32, #tpu.memory_space<vmem>>, vector<16xf32>,
        %broadcast_in_dim3A_111 = arith.constant 3 : i32
        %broadcast_in_dim3A_112 = vector.broadcast %broadcast_in_dim3A_111 : i32 to vector<16xi32>
        %gather3A_113 = tpu.vector_load_idx %arg13[%add3A_82, %and3A, %broadcast_in_dim3A_112] : memref<32x8x32xf32, #tpu.memory_space<vmem>>[vector<16xi32>, vector<16xi32>, vector<16xi32>], vector<16xf32>,
        %swap3A_114 = arith.constant 3 : i32
        %swap3A_115 = arith.index_cast %swap3A_114 : i32 to index
        %swap3A_116 = arith.index_cast %add3A_86 : i32 to index
        %swap3A_117 = tpu.vector_load %arg17[%swap3A_115, %swap3A_116] {strides = array<i32>} : memref<64x128xf32, #tpu.memory_space<vmem>>, vector<16xf32>,
        tpu.vector_store %arg17[%swap3A_115, %swap3A_116], %gather3A_113 {strides = array<i32>} : memref<64x128xf32, #tpu.memory_space<vmem>>, vector<16xf32>,
        %broadcast_in_dim3A_118 = arith.constant 4 : i32
        %broadcast_in_dim3A_119 = vector.broadcast %broadcast_in_dim3A_118 : i32 to vector<16xi32>
        %gather3A_120 = tpu.vector_load_idx %arg13[%add3A_82, %and3A, %broadcast_in_dim3A_119] : memref<32x8x32xf32, #tpu.memory_space<vmem>>[vector<16xi32>, vector<16xi32>, vector<16xi32>], vector<16xf32>,
        %swap3A_121 = arith.constant 4 : i32
        %swap3A_122 = arith.index_cast %swap3A_121 : i32 to index
        %swap3A_123 = arith.index_cast %add3A_86 : i32 to index
        %swap3A_124 = tpu.vector_load %arg17[%swap3A_122, %swap3A_123] {strides = array<i32>} : memref<64x128xf32, #tpu.memory_space<vmem>>, vector<16xf32>,
        tpu.vector_store %arg17[%swap3A_122, %swap3A_123], %gather3A_120 {strides = array<i32>} : memref<64x128xf32, #tpu.memory_space<vmem>>, vector<16xf32>,
        %broadcast_in_dim3A_125 = arith.constant 5 : i32
        %broadcast_in_dim3A_126 = vector.broadcast %broadcast_in_dim3A_125 : i32 to vector<16xi32>
        %gather3A_127 = tpu.vector_load_idx %arg13[%add3A_82, %and3A, %broadcast_in_dim3A_126] : memref<32x8x32xf32, #tpu.memory_space<vmem>>[vector<16xi32>, vector<16xi32>, vector<16xi32>], vector<16xf32>,
        %swap3A_128 = arith.constant 5 : i32
        %swap3A_129 = arith.index_cast %swap3A_128 : i32 to index
        %swap3A_130 = arith.index_cast %add3A_86 : i32 to index
        %swap3A_131 = tpu.vector_load %arg17[%swap3A_129, %swap3A_130] {strides = array<i32>} : memref<64x128xf32, #tpu.memory_space<vmem>>, vector<16xf32>,
        tpu.vector_store %arg17[%swap3A_129, %swap3A_130], %gather3A_127 {strides = array<i32>} : memref<64x128xf32, #tpu.memory_space<vmem>>, vector<16xf32>,
        %broadcast_in_dim3A_132 = arith.constant 6 : i32
        %broadcast_in_dim3A_133 = vector.broadcast %broadcast_in_dim3A_132 : i32 to vector<16xi32>
        %gather3A_134 = tpu.vector_load_idx %arg13[%add3A_82, %and3A, %broadcast_in_dim3A_133] : memref<32x8x32xf32, #tpu.memory_space<vmem>>[vector<16xi32>, vector<16xi32>, vector<16xi32>], vector<16xf32>,
        %swap3A_135 = arith.constant 6 : i32
        %swap3A_136 = arith.index_cast %swap3A_135 : i32 to index
        %swap3A_137 = arith.index_cast %add3A_86 : i32 to index
        %swap3A_138 = tpu.vector_load %arg17[%swap3A_136, %swap3A_137] {strides = array<i32>} : memref<64x128xf32, #tpu.memory_space<vmem>>, vector<16xf32>,
        tpu.vector_store %arg17[%swap3A_136, %swap3A_137], %gather3A_134 {strides = array<i32>} : memref<64x128xf32, #tpu.memory_space<vmem>>, vector<16xf32>,
        %broadcast_in_dim3A_139 = arith.constant 7 : i32
        %broadcast_in_dim3A_140 = vector.broadcast %broadcast_in_dim3A_139 : i32 to vector<16xi32>
        %gather3A_141 = tpu.vector_load_idx %arg13[%add3A_82, %and3A, %broadcast_in_dim3A_140] : memref<32x8x32xf32, #tpu.memory_space<vmem>>[vector<16xi32>, vector<16xi32>, vector<16xi32>], vector<16xf32>,
        %swap3A_142 = arith.constant 7 : i32
        %swap3A_143 = arith.index_cast %swap3A_142 : i32 to index
        %swap3A_144 = arith.index_cast %add3A_86 : i32 to index
        %swap3A_145 = tpu.vector_load %arg17[%swap3A_143, %swap3A_144] {strides = array<i32>} : memref<64x128xf32, #tpu.memory_space<vmem>>, vector<16xf32>,
        tpu.vector_store %arg17[%swap3A_143, %swap3A_144], %gather3A_141 {strides = array<i32>} : memref<64x128xf32, #tpu.memory_space<vmem>>, vector<16xf32>,
        %broadcast_in_dim3A_146 = arith.constant 8 : i32
        %broadcast_in_dim3A_147 = vector.broadcast %broadcast_in_dim3A_146 : i32 to vector<16xi32>
        %gather3A_148 = tpu.vector_load_idx %arg13[%add3A_82, %and3A, %broadcast_in_dim3A_147] : memref<32x8x32xf32, #tpu.memory_space<vmem>>[vector<16xi32>, vector<16xi32>, vector<16xi32>], vector<16xf32>,
        %swap3A_149 = arith.constant 8 : i32
        %swap3A_150 = arith.index_cast %swap3A_149 : i32 to index
        %swap3A_151 = arith.index_cast %add3A_86 : i32 to index
        %swap3A_152 = tpu.vector_load %arg17[%swap3A_150, %swap3A_151] {strides = array<i32>} : memref<64x128xf32, #tpu.memory_space<vmem>>, vector<16xf32>,
        tpu.vector_store %arg17[%swap3A_150, %swap3A_151], %gather3A_148 {strides = array<i32>} : memref<64x128xf32, #tpu.memory_space<vmem>>, vector<16xf32>,
        %broadcast_in_dim3A_153 = arith.constant 9 : i32
        %broadcast_in_dim3A_154 = vector.broadcast %broadcast_in_dim3A_153 : i32 to vector<16xi32>
        %gather3A_155 = tpu.vector_load_idx %arg13[%add3A_82, %and3A, %broadcast_in_dim3A_154] : memref<32x8x32xf32, #tpu.memory_space<vmem>>[vector<16xi32>, vector<16xi32>, vector<16xi32>], vector<16xf32>,
        %swap3A_156 = arith.constant 9 : i32
        %swap3A_157 = arith.index_cast %swap3A_156 : i32 to index
        %swap3A_158 = arith.index_cast %add3A_86 : i32 to index
        %swap3A_159 = tpu.vector_load %arg17[%swap3A_157, %swap3A_158] {strides = array<i32>} : memref<64x128xf32, #tpu.memory_space<vmem>>, vector<16xf32>,
        tpu.vector_store %arg17[%swap3A_157, %swap3A_158], %gather3A_155 {strides = array<i32>} : memref<64x128xf32, #tpu.memory_space<vmem>>, vector<16xf32>,
        %broadcast_in_dim3A_160 = arith.constant 10 : i32
        %broadcast_in_dim3A_161 = vector.broadcast %broadcast_in_dim3A_160 : i32 to vector<16xi32>
        %gather3A_162 = tpu.vector_load_idx %arg13[%add3A_82, %and3A, %broadcast_in_dim3A_161] : memref<32x8x32xf32, #tpu.memory_space<vmem>>[vector<16xi32>, vector<16xi32>, vector<16xi32>], vector<16xf32>,
        %swap3A_163 = arith.constant 10 : i32
        %swap3A_164 = arith.index_cast %swap3A_163 : i32 to index
        %swap3A_165 = arith.index_cast %add3A_86 : i32 to index
        %swap3A_166 = tpu.vector_load %arg17[%swap3A_164, %swap3A_165] {strides = array<i32>} : memref<64x128xf32, #tpu.memory_space<vmem>>, vector<16xf32>,
        tpu.vector_store %arg17[%swap3A_164, %swap3A_165], %gather3A_162 {strides = array<i32>} : memref<64x128xf32, #tpu.memory_space<vmem>>, vector<16xf32>,
        %broadcast_in_dim3A_167 = arith.constant 11 : i32
        %broadcast_in_dim3A_168 = vector.broadcast %broadcast_in_dim3A_167 : i32 to vector<16xi32>
        %gather3A_169 = tpu.vector_load_idx %arg13[%add3A_82, %and3A, %broadcast_in_dim3A_168] : memref<32x8x32xf32, #tpu.memory_space<vmem>>[vector<16xi32>, vector<16xi32>, vector<16xi32>], vector<16xf32>,
        %swap3A_170 = arith.constant 11 : i32
        %swap3A_171 = arith.index_cast %swap3A_170 : i32 to index
        %swap3A_172 = arith.index_cast %add3A_86 : i32 to index
        %swap3A_173 = tpu.vector_load %arg17[%swap3A_171, %swap3A_172] {strides = array<i32>} : memref<64x128xf32, #tpu.memory_space<vmem>>, vector<16xf32>,
        tpu.vector_store %arg17[%swap3A_171, %swap3A_172], %gather3A_169 {strides = array<i32>} : memref<64x128xf32, #tpu.memory_space<vmem>>, vector<16xf32>,
        %broadcast_in_dim3A_174 = arith.constant 12 : i32
        %broadcast_in_dim3A_175 = vector.broadcast %broadcast_in_dim3A_174 : i32 to vector<16xi32>
        %gather3A_176 = tpu.vector_load_idx %arg13[%add3A_82, %and3A, %broadcast_in_dim3A_175] : memref<32x8x32xf32, #tpu.memory_space<vmem>>[vector<16xi32>, vector<16xi32>, vector<16xi32>], vector<16xf32>,
        %swap3A_177 = arith.constant 12 : i32
        %swap3A_178 = arith.index_cast %swap3A_177 : i32 to index
        %swap3A_179 = arith.index_cast %add3A_86 : i32 to index
        %swap3A_180 = tpu.vector_load %arg17[%swap3A_178, %swap3A_179] {strides = array<i32>} : memref<64x128xf32, #tpu.memory_space<vmem>>, vector<16xf32>,
        tpu.vector_store %arg17[%swap3A_178, %swap3A_179], %gather3A_176 {strides = array<i32>} : memref<64x128xf32, #tpu.memory_space<vmem>>, vector<16xf32>,
        %broadcast_in_dim3A_181 = arith.constant 13 : i32
        %broadcast_in_dim3A_182 = vector.broadcast %broadcast_in_dim3A_181 : i32 to vector<16xi32>
        %gather3A_183 = tpu.vector_load_idx %arg13[%add3A_82, %and3A, %broadcast_in_dim3A_182] : memref<32x8x32xf32, #tpu.memory_space<vmem>>[vector<16xi32>, vector<16xi32>, vector<16xi32>], vector<16xf32>,
        %swap3A_184 = arith.constant 13 : i32
        %swap3A_185 = arith.index_cast %swap3A_184 : i32 to index
        %swap3A_186 = arith.index_cast %add3A_86 : i32 to index
        %swap3A_187 = tpu.vector_load %arg17[%swap3A_185, %swap3A_186] {strides = array<i32>} : memref<64x128xf32, #tpu.memory_space<vmem>>, vector<16xf32>,
        tpu.vector_store %arg17[%swap3A_185, %swap3A_186], %gather3A_183 {strides = array<i32>} : memref<64x128xf32, #tpu.memory_space<vmem>>, vector<16xf32>,
        %broadcast_in_dim3A_188 = arith.constant 14 : i32
        %broadcast_in_dim3A_189 = vector.broadcast %broadcast_in_dim3A_188 : i32 to vector<16xi32>
        %gather3A_190 = tpu.vector_load_idx %arg13[%add3A_82, %and3A, %broadcast_in_dim3A_189] : memref<32x8x32xf32, #tpu.memory_space<vmem>>[vector<16xi32>, vector<16xi32>, vector<16xi32>], vector<16xf32>,
        %swap3A_191 = arith.constant 14 : i32
        %swap3A_192 = arith.index_cast %swap3A_191 : i32 to index
        %swap3A_193 = arith.index_cast %add3A_86 : i32 to index
        %swap3A_194 = tpu.vector_load %arg17[%swap3A_192, %swap3A_193] {strides = array<i32>} : memref<64x128xf32, #tpu.memory_space<vmem>>, vector<16xf32>,
        tpu.vector_store %arg17[%swap3A_192, %swap3A_193], %gather3A_190 {strides = array<i32>} : memref<64x128xf32, #tpu.memory_space<vmem>>, vector<16xf32>,
        %broadcast_in_dim3A_195 = arith.constant 15 : i32
        %broadcast_in_dim3A_196 = vector.broadcast %broadcast_in_dim3A_195 : i32 to vector<16xi32>
        %gather3A_197 = tpu.vector_load_idx %arg13[%add3A_82, %and3A, %broadcast_in_dim3A_196] : memref<32x8x32xf32, #tpu.memory_space<vmem>>[vector<16xi32>, vector<16xi32>, vector<16xi32>], vector<16xf32>,
        %swap3A_198 = arith.constant 15 : i32
        %swap3A_199 = arith.index_cast %swap3A_198 : i32 to index
        %swap3A_200 = arith.index_cast %add3A_86 : i32 to index
        %swap3A_201 = tpu.vector_load %arg17[%swap3A_199, %swap3A_200] {strides = array<i32>} : memref<64x128xf32, #tpu.memory_space<vmem>>, vector<16xf32>,
        tpu.vector_store %arg17[%swap3A_199, %swap3A_200], %gather3A_197 {strides = array<i32>} : memref<64x128xf32, #tpu.memory_space<vmem>>, vector<16xf32>,
        %broadcast_in_dim3A_202 = arith.constant 16 : i32
        %broadcast_in_dim3A_203 = vector.broadcast %broadcast_in_dim3A_202 : i32 to vector<16xi32>
        %gather3A_204 = tpu.vector_load_idx %arg13[%add3A_82, %and3A, %broadcast_in_dim3A_203] : memref<32x8x32xf32, #tpu.memory_space<vmem>>[vector<16xi32>, vector<16xi32>, vector<16xi32>], vector<16xf32>,
        %swap3A_205 = arith.constant 16 : i32
        %swap3A_206 = arith.index_cast %swap3A_205 : i32 to index
        %swap3A_207 = arith.index_cast %add3A_86 : i32 to index
        %swap3A_208 = tpu.vector_load %arg17[%swap3A_206, %swap3A_207] {strides = array<i32>} : memref<64x128xf32, #tpu.memory_space<vmem>>, vector<16xf32>,
        tpu.vector_store %arg17[%swap3A_206, %swap3A_207], %gather3A_204 {strides = array<i32>} : memref<64x128xf32, #tpu.memory_space<vmem>>, vector<16xf32>,
        %broadcast_in_dim3A_209 = arith.constant 17 : i32
        %broadcast_in_dim3A_210 = vector.broadcast %broadcast_in_dim3A_209 : i32 to vector<16xi32>
        %gather3A_211 = tpu.vector_load_idx %arg13[%add3A_82, %and3A, %broadcast_in_dim3A_210] : memref<32x8x32xf32, #tpu.memory_space<vmem>>[vector<16xi32>, vector<16xi32>, vector<16xi32>], vector<16xf32>,
        %swap3A_212 = arith.constant 17 : i32
        %swap3A_213 = arith.index_cast %swap3A_212 : i32 to index
        %swap3A_214 = arith.index_cast %add3A_86 : i32 to index
        %swap3A_215 = tpu.vector_load %arg17[%swap3A_213, %swap3A_214] {strides = array<i32>} : memref<64x128xf32, #tpu.memory_space<vmem>>, vector<16xf32>,
        tpu.vector_store %arg17[%swap3A_213, %swap3A_214], %gather3A_211 {strides = array<i32>} : memref<64x128xf32, #tpu.memory_space<vmem>>, vector<16xf32>,
        %broadcast_in_dim3A_216 = arith.constant 18 : i32
        %broadcast_in_dim3A_217 = vector.broadcast %broadcast_in_dim3A_216 : i32 to vector<16xi32>
        %gather3A_218 = tpu.vector_load_idx %arg13[%add3A_82, %and3A, %broadcast_in_dim3A_217] : memref<32x8x32xf32, #tpu.memory_space<vmem>>[vector<16xi32>, vector<16xi32>, vector<16xi32>], vector<16xf32>,
        %swap3A_219 = arith.constant 18 : i32
        %swap3A_220 = arith.index_cast %swap3A_219 : i32 to index
        %swap3A_221 = arith.index_cast %add3A_86 : i32 to index
        %swap3A_222 = tpu.vector_load %arg17[%swap3A_220, %swap3A_221] {strides = array<i32>} : memref<64x128xf32, #tpu.memory_space<vmem>>, vector<16xf32>,
        tpu.vector_store %arg17[%swap3A_220, %swap3A_221], %gather3A_218 {strides = array<i32>} : memref<64x128xf32, #tpu.memory_space<vmem>>, vector<16xf32>,
        %broadcast_in_dim3A_223 = arith.constant 19 : i32
        %broadcast_in_dim3A_224 = vector.broadcast %broadcast_in_dim3A_223 : i32 to vector<16xi32>
        %gather3A_225 = tpu.vector_load_idx %arg13[%add3A_82, %and3A, %broadcast_in_dim3A_224] : memref<32x8x32xf32, #tpu.memory_space<vmem>>[vector<16xi32>, vector<16xi32>, vector<16xi32>], vector<16xf32>,
        %swap3A_226 = arith.constant 19 : i32
        %swap3A_227 = arith.index_cast %swap3A_226 : i32 to index
        %swap3A_228 = arith.index_cast %add3A_86 : i32 to index
        %swap3A_229 = tpu.vector_load %arg17[%swap3A_227, %swap3A_228] {strides = array<i32>} : memref<64x128xf32, #tpu.memory_space<vmem>>, vector<16xf32>,
        tpu.vector_store %arg17[%swap3A_227, %swap3A_228], %gather3A_225 {strides = array<i32>} : memref<64x128xf32, #tpu.memory_space<vmem>>, vector<16xf32>,
        %broadcast_in_dim3A_230 = arith.constant 20 : i32
        %broadcast_in_dim3A_231 = vector.broadcast %broadcast_in_dim3A_230 : i32 to vector<16xi32>
        %gather3A_232 = tpu.vector_load_idx %arg13[%add3A_82, %and3A, %broadcast_in_dim3A_231] : memref<32x8x32xf32, #tpu.memory_space<vmem>>[vector<16xi32>, vector<16xi32>, vector<16xi32>], vector<16xf32>,
        %swap3A_233 = arith.constant 20 : i32
        %swap3A_234 = arith.index_cast %swap3A_233 : i32 to index
        %swap3A_235 = arith.index_cast %add3A_86 : i32 to index
        %swap3A_236 = tpu.vector_load %arg17[%swap3A_234, %swap3A_235] {strides = array<i32>} : memref<64x128xf32, #tpu.memory_space<vmem>>, vector<16xf32>,
        tpu.vector_store %arg17[%swap3A_234, %swap3A_235], %gather3A_232 {strides = array<i32>} : memref<64x128xf32, #tpu.memory_space<vmem>>, vector<16xf32>,
        %broadcast_in_dim3A_237 = arith.constant 21 : i32
        %broadcast_in_dim3A_238 = vector.broadcast %broadcast_in_dim3A_237 : i32 to vector<16xi32>
        %gather3A_239 = tpu.vector_load_idx %arg13[%add3A_82, %and3A, %broadcast_in_dim3A_238] : memref<32x8x32xf32, #tpu.memory_space<vmem>>[vector<16xi32>, vector<16xi32>, vector<16xi32>], vector<16xf32>,
        %swap3A_240 = arith.constant 21 : i32
        %swap3A_241 = arith.index_cast %swap3A_240 : i32 to index
        %swap3A_242 = arith.index_cast %add3A_86 : i32 to index
        %swap3A_243 = tpu.vector_load %arg17[%swap3A_241, %swap3A_242] {strides = array<i32>} : memref<64x128xf32, #tpu.memory_space<vmem>>, vector<16xf32>,
        tpu.vector_store %arg17[%swap3A_241, %swap3A_242], %gather3A_239 {strides = array<i32>} : memref<64x128xf32, #tpu.memory_space<vmem>>, vector<16xf32>,
        %broadcast_in_dim3A_244 = arith.constant 22 : i32
        %broadcast_in_dim3A_245 = vector.broadcast %broadcast_in_dim3A_244 : i32 to vector<16xi32>
        %gather3A_246 = tpu.vector_load_idx %arg13[%add3A_82, %and3A, %broadcast_in_dim3A_245] : memref<32x8x32xf32, #tpu.memory_space<vmem>>[vector<16xi32>, vector<16xi32>, vector<16xi32>], vector<16xf32>,
        %swap3A_247 = arith.constant 22 : i32
        %swap3A_248 = arith.index_cast %swap3A_247 : i32 to index
        %swap3A_249 = arith.index_cast %add3A_86 : i32 to index
        %swap3A_250 = tpu.vector_load %arg17[%swap3A_248, %swap3A_249] {strides = array<i32>} : memref<64x128xf32, #tpu.memory_space<vmem>>, vector<16xf32>,
        tpu.vector_store %arg17[%swap3A_248, %swap3A_249], %gather3A_246 {strides = array<i32>} : memref<64x128xf32, #tpu.memory_space<vmem>>, vector<16xf32>,
        %broadcast_in_dim3A_251 = arith.constant 23 : i32
        %broadcast_in_dim3A_252 = vector.broadcast %broadcast_in_dim3A_251 : i32 to vector<16xi32>
        %gather3A_253 = tpu.vector_load_idx %arg13[%add3A_82, %and3A, %broadcast_in_dim3A_252] : memref<32x8x32xf32, #tpu.memory_space<vmem>>[vector<16xi32>, vector<16xi32>, vector<16xi32>], vector<16xf32>,
        %swap3A_254 = arith.constant 23 : i32
        %swap3A_255 = arith.index_cast %swap3A_254 : i32 to index
        %swap3A_256 = arith.index_cast %add3A_86 : i32 to index
        %swap3A_257 = tpu.vector_load %arg17[%swap3A_255, %swap3A_256] {strides = array<i32>} : memref<64x128xf32, #tpu.memory_space<vmem>>, vector<16xf32>,
        tpu.vector_store %arg17[%swap3A_255, %swap3A_256], %gather3A_253 {strides = array<i32>} : memref<64x128xf32, #tpu.memory_space<vmem>>, vector<16xf32>,
        %broadcast_in_dim3A_258 = arith.constant 24 : i32
        %broadcast_in_dim3A_259 = vector.broadcast %broadcast_in_dim3A_258 : i32 to vector<16xi32>
        %gather3A_260 = tpu.vector_load_idx %arg13[%add3A_82, %and3A, %broadcast_in_dim3A_259] : memref<32x8x32xf32, #tpu.memory_space<vmem>>[vector<16xi32>, vector<16xi32>, vector<16xi32>], vector<16xf32>,
        %swap3A_261 = arith.constant 24 : i32
        %swap3A_262 = arith.index_cast %swap3A_261 : i32 to index
        %swap3A_263 = arith.index_cast %add3A_86 : i32 to index
        %swap3A_264 = tpu.vector_load %arg17[%swap3A_262, %swap3A_263] {strides = array<i32>} : memref<64x128xf32, #tpu.memory_space<vmem>>, vector<16xf32>,
        tpu.vector_store %arg17[%swap3A_262, %swap3A_263], %gather3A_260 {strides = array<i32>} : memref<64x128xf32, #tpu.memory_space<vmem>>, vector<16xf32>,
        %broadcast_in_dim3A_265 = arith.constant 25 : i32
        %broadcast_in_dim3A_266 = vector.broadcast %broadcast_in_dim3A_265 : i32 to vector<16xi32>
        %gather3A_267 = tpu.vector_load_idx %arg13[%add3A_82, %and3A, %broadcast_in_dim3A_266] : memref<32x8x32xf32, #tpu.memory_space<vmem>>[vector<16xi32>, vector<16xi32>, vector<16xi32>], vector<16xf32>,
        %swap3A_268 = arith.constant 25 : i32
        %swap3A_269 = arith.index_cast %swap3A_268 : i32 to index
        %swap3A_270 = arith.index_cast %add3A_86 : i32 to index
        %swap3A_271 = tpu.vector_load %arg17[%swap3A_269, %swap3A_270] {strides = array<i32>} : memref<64x128xf32, #tpu.memory_space<vmem>>, vector<16xf32>,
        tpu.vector_store %arg17[%swap3A_269, %swap3A_270], %gather3A_267 {strides = array<i32>} : memref<64x128xf32, #tpu.memory_space<vmem>>, vector<16xf32>,
        %broadcast_in_dim3A_272 = arith.constant 26 : i32
        %broadcast_in_dim3A_273 = vector.broadcast %broadcast_in_dim3A_272 : i32 to vector<16xi32>
        %gather3A_274 = tpu.vector_load_idx %arg13[%add3A_82, %and3A, %broadcast_in_dim3A_273] : memref<32x8x32xf32, #tpu.memory_space<vmem>>[vector<16xi32>, vector<16xi32>, vector<16xi32>], vector<16xf32>,
        %swap3A_275 = arith.constant 26 : i32
        %swap3A_276 = arith.index_cast %swap3A_275 : i32 to index
        %swap3A_277 = arith.index_cast %add3A_86 : i32 to index
        %swap3A_278 = tpu.vector_load %arg17[%swap3A_276, %swap3A_277] {strides = array<i32>} : memref<64x128xf32, #tpu.memory_space<vmem>>, vector<16xf32>,
        tpu.vector_store %arg17[%swap3A_276, %swap3A_277], %gather3A_274 {strides = array<i32>} : memref<64x128xf32, #tpu.memory_space<vmem>>, vector<16xf32>,
        %broadcast_in_dim3A_279 = arith.constant 27 : i32
        %broadcast_in_dim3A_280 = vector.broadcast %broadcast_in_dim3A_279 : i32 to vector<16xi32>
        %gather3A_281 = tpu.vector_load_idx %arg13[%add3A_82, %and3A, %broadcast_in_dim3A_280] : memref<32x8x32xf32, #tpu.memory_space<vmem>>[vector<16xi32>, vector<16xi32>, vector<16xi32>], vector<16xf32>,
        %swap3A_282 = arith.constant 27 : i32
        %swap3A_283 = arith.index_cast %swap3A_282 : i32 to index
        %swap3A_284 = arith.index_cast %add3A_86 : i32 to index
        %swap3A_285 = tpu.vector_load %arg17[%swap3A_283, %swap3A_284] {strides = array<i32>} : memref<64x128xf32, #tpu.memory_space<vmem>>, vector<16xf32>,
        tpu.vector_store %arg17[%swap3A_283, %swap3A_284], %gather3A_281 {strides = array<i32>} : memref<64x128xf32, #tpu.memory_space<vmem>>, vector<16xf32>,
        %broadcast_in_dim3A_286 = arith.constant 28 : i32
        %broadcast_in_dim3A_287 = vector.broadcast %broadcast_in_dim3A_286 : i32 to vector<16xi32>
        %gather3A_288 = tpu.vector_load_idx %arg13[%add3A_82, %and3A, %broadcast_in_dim3A_287] : memref<32x8x32xf32, #tpu.memory_space<vmem>>[vector<16xi32>, vector<16xi32>, vector<16xi32>], vector<16xf32>,
        %swap3A_289 = arith.constant 28 : i32
        %swap3A_290 = arith.index_cast %swap3A_289 : i32 to index
        %swap3A_291 = arith.index_cast %add3A_86 : i32 to index
        %swap3A_292 = tpu.vector_load %arg17[%swap3A_290, %swap3A_291] {strides = array<i32>} : memref<64x128xf32, #tpu.memory_space<vmem>>, vector<16xf32>,
        tpu.vector_store %arg17[%swap3A_290, %swap3A_291], %gather3A_288 {strides = array<i32>} : memref<64x128xf32, #tpu.memory_space<vmem>>, vector<16xf32>,
        %broadcast_in_dim3A_293 = arith.constant 29 : i32
        %broadcast_in_dim3A_294 = vector.broadcast %broadcast_in_dim3A_293 : i32 to vector<16xi32>
        %gather3A_295 = tpu.vector_load_idx %arg13[%add3A_82, %and3A, %broadcast_in_dim3A_294] : memref<32x8x32xf32, #tpu.memory_space<vmem>>[vector<16xi32>, vector<16xi32>, vector<16xi32>], vector<16xf32>,
        %swap3A_296 = arith.constant 29 : i32
        %swap3A_297 = arith.index_cast %swap3A_296 : i32 to index
        %swap3A_298 = arith.index_cast %add3A_86 : i32 to index
        %swap3A_299 = tpu.vector_load %arg17[%swap3A_297, %swap3A_298] {strides = array<i32>} : memref<64x128xf32, #tpu.memory_space<vmem>>, vector<16xf32>,
        tpu.vector_store %arg17[%swap3A_297, %swap3A_298], %gather3A_295 {strides = array<i32>} : memref<64x128xf32, #tpu.memory_space<vmem>>, vector<16xf32>,
        %broadcast_in_dim3A_300 = arith.constant 30 : i32
        %broadcast_in_dim3A_301 = vector.broadcast %broadcast_in_dim3A_300 : i32 to vector<16xi32>
        %gather3A_302 = tpu.vector_load_idx %arg13[%add3A_82, %and3A, %broadcast_in_dim3A_301] : memref<32x8x32xf32, #tpu.memory_space<vmem>>[vector<16xi32>, vector<16xi32>, vector<16xi32>], vector<16xf32>,
        %swap3A_303 = arith.constant 30 : i32
        %swap3A_304 = arith.index_cast %swap3A_303 : i32 to index
        %swap3A_305 = arith.index_cast %add3A_86 : i32 to index
        %swap3A_306 = tpu.vector_load %arg17[%swap3A_304, %swap3A_305] {strides = array<i32>} : memref<64x128xf32, #tpu.memory_space<vmem>>, vector<16xf32>,
        tpu.vector_store %arg17[%swap3A_304, %swap3A_305], %gather3A_302 {strides = array<i32>} : memref<64x128xf32, #tpu.memory_space<vmem>>, vector<16xf32>,
        %broadcast_in_dim3A_307 = arith.constant 31 : i32
        %broadcast_in_dim3A_308 = vector.broadcast %broadcast_in_dim3A_307 : i32 to vector<16xi32>
        %gather3A_309 = tpu.vector_load_idx %arg13[%add3A_82, %and3A, %broadcast_in_dim3A_308] : memref<32x8x32xf32, #tpu.memory_space<vmem>>[vector<16xi32>, vector<16xi32>, vector<16xi32>], vector<16xf32>,
        %swap3A_310 = arith.constant 31 : i32
        %swap3A_311 = arith.index_cast %swap3A_310 : i32 to index
        %swap3A_312 = arith.index_cast %add3A_86 : i32 to index
        %swap3A_313 = tpu.vector_load %arg17[%swap3A_311, %swap3A_312] {strides = array<i32>} : memref<64x128xf32, #tpu.memory_space<vmem>>, vector<16xf32>,
        tpu.vector_store %arg17[%swap3A_311, %swap3A_312], %gather3A_309 {strides = array<i32>} : memref<64x128xf32, #tpu.memory_space<vmem>>, vector<16xf32>,
        %mul3A_314 = arith.constant 16 : i32
        %mul3A_315 = arith.muli %scan3A_78, %mul3A_314 : i32
        %get3A_316 = arith.index_cast %mul3A_16 : i32 to index
        %get3A_317 = arith.index_cast %mul3A_315 : i32 to index
        %get3A_318 = tpu.vector_load %arg11[%get3A_316, %get3A_317] {strides = array<i32>} : memref<16x32xi32, #tpu.memory_space<vmem>>, vector<16xi32>,
        %broadcast_in_dim3A_319 = arith.constant 3 : i32
        %broadcast_in_dim3A_320 = vector.broadcast %broadcast_in_dim3A_319 : i32 to vector<16xi32>
        %shift_right_logical3A = arith.shrui %get3A_318, %broadcast_in_dim3A_320 : vector<16xi32>
        %broadcast_in_dim3A_321 = arith.constant 7 : i32
        %broadcast_in_dim3A_322 = vector.broadcast %broadcast_in_dim3A_321 : i32 to vector<16xi32>
        %and3A_323 = arith.andi %get3A_318, %broadcast_in_dim3A_322 : vector<16xi32>
        %broadcast_in_dim3A_324 = arith.constant 4 : i32
        %broadcast_in_dim3A_325 = vector.broadcast %broadcast_in_dim3A_324 : i32 to vector<16xi32>
        %shift_left3A = arith.shli %and3A_323, %broadcast_in_dim3A_325 : vector<16xi32>
        %broadcast_in_dim3A_326 = arith.constant 0 : i32
        %broadcast_in_dim3A_327 = vector.broadcast %broadcast_in_dim3A_326 : i32 to vector<16xi32>
        %add3A_328 = arith.addi %shift_left3A, %broadcast_in_dim3A_327 : vector<16xi32>
        %gather3A_329 = tpu.vector_load_idx %arg15[%shift_right_logical3A, %add3A_328] : memref<125x128xf32, #tpu.memory_space<vmem>>[vector<16xi32>, vector<16xi32>], vector<16xf32>,
        %swap3A_330 = arith.constant 32 : i32
        %swap3A_331 = arith.index_cast %swap3A_330 : i32 to index
        %swap3A_332 = arith.index_cast %add3A_86 : i32 to index
        %swap3A_333 = tpu.vector_load %arg17[%swap3A_331, %swap3A_332] {strides = array<i32>} : memref<64x128xf32, #tpu.memory_space<vmem>>, vector<16xf32>,
        tpu.vector_store %arg17[%swap3A_331, %swap3A_332], %gather3A_329 {strides = array<i32>} : memref<64x128xf32, #tpu.memory_space<vmem>>, vector<16xf32>,
        %broadcast_in_dim3A_334 = arith.constant 1 : i32
        %broadcast_in_dim3A_335 = vector.broadcast %broadcast_in_dim3A_334 : i32 to vector<16xi32>
        %add3A_336 = arith.addi %shift_left3A, %broadcast_in_dim3A_335 : vector<16xi32>
        %gather3A_337 = tpu.vector_load_idx %arg15[%shift_right_logical3A, %add3A_336] : memref<125x128xf32, #tpu.memory_space<vmem>>[vector<16xi32>, vector<16xi32>], vector<16xf32>,
        %swap3A_338 = arith.constant 33 : i32
        %swap3A_339 = arith.index_cast %swap3A_338 : i32 to index
        %swap3A_340 = arith.index_cast %add3A_86 : i32 to index
        %swap3A_341 = tpu.vector_load %arg17[%swap3A_339, %swap3A_340] {strides = array<i32>} : memref<64x128xf32, #tpu.memory_space<vmem>>, vector<16xf32>,
        tpu.vector_store %arg17[%swap3A_339, %swap3A_340], %gather3A_337 {strides = array<i32>} : memref<64x128xf32, #tpu.memory_space<vmem>>, vector<16xf32>,
        %broadcast_in_dim3A_342 = arith.constant 2 : i32
        %broadcast_in_dim3A_343 = vector.broadcast %broadcast_in_dim3A_342 : i32 to vector<16xi32>
        %add3A_344 = arith.addi %shift_left3A, %broadcast_in_dim3A_343 : vector<16xi32>
        %gather3A_345 = tpu.vector_load_idx %arg15[%shift_right_logical3A, %add3A_344] : memref<125x128xf32, #tpu.memory_space<vmem>>[vector<16xi32>, vector<16xi32>], vector<16xf32>,
        %swap3A_346 = arith.constant 34 : i32
        %swap3A_347 = arith.index_cast %swap3A_346 : i32 to index
        %swap3A_348 = arith.index_cast %add3A_86 : i32 to index
        %swap3A_349 = tpu.vector_load %arg17[%swap3A_347, %swap3A_348] {strides = array<i32>} : memref<64x128xf32, #tpu.memory_space<vmem>>, vector<16xf32>,
        tpu.vector_store %arg17[%swap3A_347, %swap3A_348], %gather3A_345 {strides = array<i32>} : memref<64x128xf32, #tpu.memory_space<vmem>>, vector<16xf32>,
        %broadcast_in_dim3A_350 = arith.constant 3 : i32
        %broadcast_in_dim3A_351 = vector.broadcast %broadcast_in_dim3A_350 : i32 to vector<16xi32>
        %add3A_352 = arith.addi %shift_left3A, %broadcast_in_dim3A_351 : vector<16xi32>
        %gather3A_353 = tpu.vector_load_idx %arg15[%shift_right_logical3A, %add3A_352] : memref<125x128xf32, #tpu.memory_space<vmem>>[vector<16xi32>, vector<16xi32>], vector<16xf32>,
        %swap3A_354 = arith.constant 35 : i32
        %swap3A_355 = arith.index_cast %swap3A_354 : i32 to index
        %swap3A_356 = arith.index_cast %add3A_86 : i32 to index
        %swap3A_357 = tpu.vector_load %arg17[%swap3A_355, %swap3A_356] {strides = array<i32>} : memref<64x128xf32, #tpu.memory_space<vmem>>, vector<16xf32>,
        tpu.vector_store %arg17[%swap3A_355, %swap3A_356], %gather3A_353 {strides = array<i32>} : memref<64x128xf32, #tpu.memory_space<vmem>>, vector<16xf32>,
        %broadcast_in_dim3A_358 = arith.constant 4 : i32
        %broadcast_in_dim3A_359 = vector.broadcast %broadcast_in_dim3A_358 : i32 to vector<16xi32>
        %add3A_360 = arith.addi %shift_left3A, %broadcast_in_dim3A_359 : vector<16xi32>
        %gather3A_361 = tpu.vector_load_idx %arg15[%shift_right_logical3A, %add3A_360] : memref<125x128xf32, #tpu.memory_space<vmem>>[vector<16xi32>, vector<16xi32>], vector<16xf32>,
        %swap3A_362 = arith.constant 36 : i32
        %swap3A_363 = arith.index_cast %swap3A_362 : i32 to index
        %swap3A_364 = arith.index_cast %add3A_86 : i32 to index
        %swap3A_365 = tpu.vector_load %arg17[%swap3A_363, %swap3A_364] {strides = array<i32>} : memref<64x128xf32, #tpu.memory_space<vmem>>, vector<16xf32>,
        tpu.vector_store %arg17[%swap3A_363, %swap3A_364], %gather3A_361 {strides = array<i32>} : memref<64x128xf32, #tpu.memory_space<vmem>>, vector<16xf32>,
        %broadcast_in_dim3A_366 = arith.constant 5 : i32
        %broadcast_in_dim3A_367 = vector.broadcast %broadcast_in_dim3A_366 : i32 to vector<16xi32>
        %add3A_368 = arith.addi %shift_left3A, %broadcast_in_dim3A_367 : vector<16xi32>
        %gather3A_369 = tpu.vector_load_idx %arg15[%shift_right_logical3A, %add3A_368] : memref<125x128xf32, #tpu.memory_space<vmem>>[vector<16xi32>, vector<16xi32>], vector<16xf32>,
        %swap3A_370 = arith.constant 37 : i32
        %swap3A_371 = arith.index_cast %swap3A_370 : i32 to index
        %swap3A_372 = arith.index_cast %add3A_86 : i32 to index
        %swap3A_373 = tpu.vector_load %arg17[%swap3A_371, %swap3A_372] {strides = array<i32>} : memref<64x128xf32, #tpu.memory_space<vmem>>, vector<16xf32>,
        tpu.vector_store %arg17[%swap3A_371, %swap3A_372], %gather3A_369 {strides = array<i32>} : memref<64x128xf32, #tpu.memory_space<vmem>>, vector<16xf32>,
        %broadcast_in_dim3A_374 = arith.constant 6 : i32
        %broadcast_in_dim3A_375 = vector.broadcast %broadcast_in_dim3A_374 : i32 to vector<16xi32>
        %add3A_376 = arith.addi %shift_left3A, %broadcast_in_dim3A_375 : vector<16xi32>
        %gather3A_377 = tpu.vector_load_idx %arg15[%shift_right_logical3A, %add3A_376] : memref<125x128xf32, #tpu.memory_space<vmem>>[vector<16xi32>, vector<16xi32>], vector<16xf32>,
        %swap3A_378 = arith.constant 38 : i32
        %swap3A_379 = arith.index_cast %swap3A_378 : i32 to index
        %swap3A_380 = arith.index_cast %add3A_86 : i32 to index
        %swap3A_381 = tpu.vector_load %arg17[%swap3A_379, %swap3A_380] {strides = array<i32>} : memref<64x128xf32, #tpu.memory_space<vmem>>, vector<16xf32>,
        tpu.vector_store %arg17[%swap3A_379, %swap3A_380], %gather3A_377 {strides = array<i32>} : memref<64x128xf32, #tpu.memory_space<vmem>>, vector<16xf32>,
        %broadcast_in_dim3A_382 = arith.constant 7 : i32
        %broadcast_in_dim3A_383 = vector.broadcast %broadcast_in_dim3A_382 : i32 to vector<16xi32>
        %add3A_384 = arith.addi %shift_left3A, %broadcast_in_dim3A_383 : vector<16xi32>
        %gather3A_385 = tpu.vector_load_idx %arg15[%shift_right_logical3A, %add3A_384] : memref<125x128xf32, #tpu.memory_space<vmem>>[vector<16xi32>, vector<16xi32>], vector<16xf32>,
        %swap3A_386 = arith.constant 39 : i32
        %swap3A_387 = arith.index_cast %swap3A_386 : i32 to index
        %swap3A_388 = arith.index_cast %add3A_86 : i32 to index
        %swap3A_389 = tpu.vector_load %arg17[%swap3A_387, %swap3A_388] {strides = array<i32>} : memref<64x128xf32, #tpu.memory_space<vmem>>, vector<16xf32>,
        tpu.vector_store %arg17[%swap3A_387, %swap3A_388], %gather3A_385 {strides = array<i32>} : memref<64x128xf32, #tpu.memory_space<vmem>>, vector<16xf32>,
        %broadcast_in_dim3A_390 = arith.constant 8 : i32
        %broadcast_in_dim3A_391 = vector.broadcast %broadcast_in_dim3A_390 : i32 to vector<16xi32>
        %add3A_392 = arith.addi %shift_left3A, %broadcast_in_dim3A_391 : vector<16xi32>
        %gather3A_393 = tpu.vector_load_idx %arg15[%shift_right_logical3A, %add3A_392] : memref<125x128xf32, #tpu.memory_space<vmem>>[vector<16xi32>, vector<16xi32>], vector<16xf32>,
        %swap3A_394 = arith.constant 40 : i32
        %swap3A_395 = arith.index_cast %swap3A_394 : i32 to index
        %swap3A_396 = arith.index_cast %add3A_86 : i32 to index
        %swap3A_397 = tpu.vector_load %arg17[%swap3A_395, %swap3A_396] {strides = array<i32>} : memref<64x128xf32, #tpu.memory_space<vmem>>, vector<16xf32>,
        tpu.vector_store %arg17[%swap3A_395, %swap3A_396], %gather3A_393 {strides = array<i32>} : memref<64x128xf32, #tpu.memory_space<vmem>>, vector<16xf32>,
        %broadcast_in_dim3A_398 = arith.constant 9 : i32
        %broadcast_in_dim3A_399 = vector.broadcast %broadcast_in_dim3A_398 : i32 to vector<16xi32>
        %add3A_400 = arith.addi %shift_left3A, %broadcast_in_dim3A_399 : vector<16xi32>
        %gather3A_401 = tpu.vector_load_idx %arg15[%shift_right_logical3A, %add3A_400] : memref<125x128xf32, #tpu.memory_space<vmem>>[vector<16xi32>, vector<16xi32>], vector<16xf32>,
        %swap3A_402 = arith.constant 41 : i32
        %swap3A_403 = arith.index_cast %swap3A_402 : i32 to index
        %swap3A_404 = arith.index_cast %add3A_86 : i32 to index
        %swap3A_405 = tpu.vector_load %arg17[%swap3A_403, %swap3A_404] {strides = array<i32>} : memref<64x128xf32, #tpu.memory_space<vmem>>, vector<16xf32>,
        tpu.vector_store %arg17[%swap3A_403, %swap3A_404], %gather3A_401 {strides = array<i32>} : memref<64x128xf32, #tpu.memory_space<vmem>>, vector<16xf32>,
        %broadcast_in_dim3A_406 = arith.constant 10 : i32
        %broadcast_in_dim3A_407 = vector.broadcast %broadcast_in_dim3A_406 : i32 to vector<16xi32>
        %add3A_408 = arith.addi %shift_left3A, %broadcast_in_dim3A_407 : vector<16xi32>
        %gather3A_409 = tpu.vector_load_idx %arg15[%shift_right_logical3A, %add3A_408] : memref<125x128xf32, #tpu.memory_space<vmem>>[vector<16xi32>, vector<16xi32>], vector<16xf32>,
        %swap3A_410 = arith.constant 42 : i32
        %swap3A_411 = arith.index_cast %swap3A_410 : i32 to index
        %swap3A_412 = arith.index_cast %add3A_86 : i32 to index
        %swap3A_413 = tpu.vector_load %arg17[%swap3A_411, %swap3A_412] {strides = array<i32>} : memref<64x128xf32, #tpu.memory_space<vmem>>, vector<16xf32>,
        tpu.vector_store %arg17[%swap3A_411, %swap3A_412], %gather3A_409 {strides = array<i32>} : memref<64x128xf32, #tpu.memory_space<vmem>>, vector<16xf32>,
        %broadcast_in_dim3A_414 = arith.constant 11 : i32
        %broadcast_in_dim3A_415 = vector.broadcast %broadcast_in_dim3A_414 : i32 to vector<16xi32>
        %add3A_416 = arith.addi %shift_left3A, %broadcast_in_dim3A_415 : vector<16xi32>
        %gather3A_417 = tpu.vector_load_idx %arg15[%shift_right_logical3A, %add3A_416] : memref<125x128xf32, #tpu.memory_space<vmem>>[vector<16xi32>, vector<16xi32>], vector<16xf32>,
        %swap3A_418 = arith.constant 43 : i32
        %swap3A_419 = arith.index_cast %swap3A_418 : i32 to index
        %swap3A_420 = arith.index_cast %add3A_86 : i32 to index
        %swap3A_421 = tpu.vector_load %arg17[%swap3A_419, %swap3A_420] {strides = array<i32>} : memref<64x128xf32, #tpu.memory_space<vmem>>, vector<16xf32>,
        tpu.vector_store %arg17[%swap3A_419, %swap3A_420], %gather3A_417 {strides = array<i32>} : memref<64x128xf32, #tpu.memory_space<vmem>>, vector<16xf32>,
        %broadcast_in_dim3A_422 = arith.constant 12 : i32
        %broadcast_in_dim3A_423 = vector.broadcast %broadcast_in_dim3A_422 : i32 to vector<16xi32>
        %add3A_424 = arith.addi %shift_left3A, %broadcast_in_dim3A_423 : vector<16xi32>
        %gather3A_425 = tpu.vector_load_idx %arg15[%shift_right_logical3A, %add3A_424] : memref<125x128xf32, #tpu.memory_space<vmem>>[vector<16xi32>, vector<16xi32>], vector<16xf32>,
        %swap3A_426 = arith.constant 44 : i32
        %swap3A_427 = arith.index_cast %swap3A_426 : i32 to index
        %swap3A_428 = arith.index_cast %add3A_86 : i32 to index
        %swap3A_429 = tpu.vector_load %arg17[%swap3A_427, %swap3A_428] {strides = array<i32>} : memref<64x128xf32, #tpu.memory_space<vmem>>, vector<16xf32>,
        tpu.vector_store %arg17[%swap3A_427, %swap3A_428], %gather3A_425 {strides = array<i32>} : memref<64x128xf32, #tpu.memory_space<vmem>>, vector<16xf32>,
        %broadcast_in_dim3A_430 = arith.constant 13 : i32
        %broadcast_in_dim3A_431 = vector.broadcast %broadcast_in_dim3A_430 : i32 to vector<16xi32>
        %add3A_432 = arith.addi %shift_left3A, %broadcast_in_dim3A_431 : vector<16xi32>
        %gather3A_433 = tpu.vector_load_idx %arg15[%shift_right_logical3A, %add3A_432] : memref<125x128xf32, #tpu.memory_space<vmem>>[vector<16xi32>, vector<16xi32>], vector<16xf32>,
        %swap3A_434 = arith.constant 45 : i32
        %swap3A_435 = arith.index_cast %swap3A_434 : i32 to index
        %swap3A_436 = arith.index_cast %add3A_86 : i32 to index
        %swap3A_437 = tpu.vector_load %arg17[%swap3A_435, %swap3A_436] {strides = array<i32>} : memref<64x128xf32, #tpu.memory_space<vmem>>, vector<16xf32>,
        tpu.vector_store %arg17[%swap3A_435, %swap3A_436], %gather3A_433 {strides = array<i32>} : memref<64x128xf32, #tpu.memory_space<vmem>>, vector<16xf32>,
        %broadcast_in_dim3A_438 = arith.constant 14 : i32
        %broadcast_in_dim3A_439 = vector.broadcast %broadcast_in_dim3A_438 : i32 to vector<16xi32>
        %add3A_440 = arith.addi %shift_left3A, %broadcast_in_dim3A_439 : vector<16xi32>
        %gather3A_441 = tpu.vector_load_idx %arg15[%shift_right_logical3A, %add3A_440] : memref<125x128xf32, #tpu.memory_space<vmem>>[vector<16xi32>, vector<16xi32>], vector<16xf32>,
        %swap3A_442 = arith.constant 46 : i32
        %swap3A_443 = arith.index_cast %swap3A_442 : i32 to index
        %swap3A_444 = arith.index_cast %add3A_86 : i32 to index
        %swap3A_445 = tpu.vector_load %arg17[%swap3A_443, %swap3A_444] {strides = array<i32>} : memref<64x128xf32, #tpu.memory_space<vmem>>, vector<16xf32>,
        tpu.vector_store %arg17[%swap3A_443, %swap3A_444], %gather3A_441 {strides = array<i32>} : memref<64x128xf32, #tpu.memory_space<vmem>>, vector<16xf32>,
        %broadcast_in_dim3A_446 = arith.constant 15 : i32
        %broadcast_in_dim3A_447 = vector.broadcast %broadcast_in_dim3A_446 : i32 to vector<16xi32>
        %add3A_448 = arith.addi %shift_left3A, %broadcast_in_dim3A_447 : vector<16xi32>
        %gather3A_449 = tpu.vector_load_idx %arg15[%shift_right_logical3A, %add3A_448] : memref<125x128xf32, #tpu.memory_space<vmem>>[vector<16xi32>, vector<16xi32>], vector<16xf32>,
        %swap3A_450 = arith.constant 47 : i32
        %swap3A_451 = arith.index_cast %swap3A_450 : i32 to index
        %swap3A_452 = arith.index_cast %add3A_86 : i32 to index
        %swap3A_453 = tpu.vector_load %arg17[%swap3A_451, %swap3A_452] {strides = array<i32>} : memref<64x128xf32, #tpu.memory_space<vmem>>, vector<16xf32>,
        tpu.vector_store %arg17[%swap3A_451, %swap3A_452], %gather3A_449 {strides = array<i32>} : memref<64x128xf32, #tpu.memory_space<vmem>>, vector<16xf32>,
        %mul3A_454 = arith.constant 16 : i32
        %mul3A_455 = arith.muli %scan3A_78, %mul3A_454 : i32
        %get3A_456 = arith.index_cast %mul3A_16 : i32 to index
        %get3A_457 = arith.index_cast %mul3A_455 : i32 to index
        %get3A_458 = tpu.vector_load %arg12[%get3A_456, %get3A_457] {strides = array<i32>} : memref<16x32xi32, #tpu.memory_space<vmem>>, vector<16xi32>,
        %broadcast_in_dim3A_459 = arith.constant 3 : i32
        %broadcast_in_dim3A_460 = vector.broadcast %broadcast_in_dim3A_459 : i32 to vector<16xi32>
        %shift_right_logical3A_461 = arith.shrui %get3A_458, %broadcast_in_dim3A_460 : vector<16xi32>
        %broadcast_in_dim3A_462 = arith.constant 7 : i32
        %broadcast_in_dim3A_463 = vector.broadcast %broadcast_in_dim3A_462 : i32 to vector<16xi32>
        %and3A_464 = arith.andi %get3A_458, %broadcast_in_dim3A_463 : vector<16xi32>
        %broadcast_in_dim3A_465 = arith.constant 4 : i32
        %broadcast_in_dim3A_466 = vector.broadcast %broadcast_in_dim3A_465 : i32 to vector<16xi32>
        %shift_left3A_467 = arith.shli %and3A_464, %broadcast_in_dim3A_466 : vector<16xi32>
        %broadcast_in_dim3A_468 = arith.constant 0 : i32
        %broadcast_in_dim3A_469 = vector.broadcast %broadcast_in_dim3A_468 : i32 to vector<16xi32>
        %add3A_470 = arith.addi %shift_left3A_467, %broadcast_in_dim3A_469 : vector<16xi32>
        %gather3A_471 = tpu.vector_load_idx %arg16[%shift_right_logical3A_461, %add3A_470] : memref<125x128xf32, #tpu.memory_space<vmem>>[vector<16xi32>, vector<16xi32>], vector<16xf32>,
        %swap3A_472 = arith.constant 48 : i32
        %swap3A_473 = arith.index_cast %swap3A_472 : i32 to index
        %swap3A_474 = arith.index_cast %add3A_86 : i32 to index
        %swap3A_475 = tpu.vector_load %arg17[%swap3A_473, %swap3A_474] {strides = array<i32>} : memref<64x128xf32, #tpu.memory_space<vmem>>, vector<16xf32>,
        tpu.vector_store %arg17[%swap3A_473, %swap3A_474], %gather3A_471 {strides = array<i32>} : memref<64x128xf32, #tpu.memory_space<vmem>>, vector<16xf32>,
        %broadcast_in_dim3A_476 = arith.constant 1 : i32
        %broadcast_in_dim3A_477 = vector.broadcast %broadcast_in_dim3A_476 : i32 to vector<16xi32>
        %add3A_478 = arith.addi %shift_left3A_467, %broadcast_in_dim3A_477 : vector<16xi32>
        %gather3A_479 = tpu.vector_load_idx %arg16[%shift_right_logical3A_461, %add3A_478] : memref<125x128xf32, #tpu.memory_space<vmem>>[vector<16xi32>, vector<16xi32>], vector<16xf32>,
        %swap3A_480 = arith.constant 49 : i32
        %swap3A_481 = arith.index_cast %swap3A_480 : i32 to index
        %swap3A_482 = arith.index_cast %add3A_86 : i32 to index
        %swap3A_483 = tpu.vector_load %arg17[%swap3A_481, %swap3A_482] {strides = array<i32>} : memref<64x128xf32, #tpu.memory_space<vmem>>, vector<16xf32>,
        tpu.vector_store %arg17[%swap3A_481, %swap3A_482], %gather3A_479 {strides = array<i32>} : memref<64x128xf32, #tpu.memory_space<vmem>>, vector<16xf32>,
        %broadcast_in_dim3A_484 = arith.constant 2 : i32
        %broadcast_in_dim3A_485 = vector.broadcast %broadcast_in_dim3A_484 : i32 to vector<16xi32>
        %add3A_486 = arith.addi %shift_left3A_467, %broadcast_in_dim3A_485 : vector<16xi32>
        %gather3A_487 = tpu.vector_load_idx %arg16[%shift_right_logical3A_461, %add3A_486] : memref<125x128xf32, #tpu.memory_space<vmem>>[vector<16xi32>, vector<16xi32>], vector<16xf32>,
        %swap3A_488 = arith.constant 50 : i32
        %swap3A_489 = arith.index_cast %swap3A_488 : i32 to index
        %swap3A_490 = arith.index_cast %add3A_86 : i32 to index
        %swap3A_491 = tpu.vector_load %arg17[%swap3A_489, %swap3A_490] {strides = array<i32>} : memref<64x128xf32, #tpu.memory_space<vmem>>, vector<16xf32>,
        tpu.vector_store %arg17[%swap3A_489, %swap3A_490], %gather3A_487 {strides = array<i32>} : memref<64x128xf32, #tpu.memory_space<vmem>>, vector<16xf32>,
        %broadcast_in_dim3A_492 = arith.constant 3 : i32
        %broadcast_in_dim3A_493 = vector.broadcast %broadcast_in_dim3A_492 : i32 to vector<16xi32>
        %add3A_494 = arith.addi %shift_left3A_467, %broadcast_in_dim3A_493 : vector<16xi32>
        %gather3A_495 = tpu.vector_load_idx %arg16[%shift_right_logical3A_461, %add3A_494] : memref<125x128xf32, #tpu.memory_space<vmem>>[vector<16xi32>, vector<16xi32>], vector<16xf32>,
        %swap3A_496 = arith.constant 51 : i32
        %swap3A_497 = arith.index_cast %swap3A_496 : i32 to index
        %swap3A_498 = arith.index_cast %add3A_86 : i32 to index
        %swap3A_499 = tpu.vector_load %arg17[%swap3A_497, %swap3A_498] {strides = array<i32>} : memref<64x128xf32, #tpu.memory_space<vmem>>, vector<16xf32>,
        tpu.vector_store %arg17[%swap3A_497, %swap3A_498], %gather3A_495 {strides = array<i32>} : memref<64x128xf32, #tpu.memory_space<vmem>>, vector<16xf32>,
        %broadcast_in_dim3A_500 = arith.constant 4 : i32
        %broadcast_in_dim3A_501 = vector.broadcast %broadcast_in_dim3A_500 : i32 to vector<16xi32>
        %add3A_502 = arith.addi %shift_left3A_467, %broadcast_in_dim3A_501 : vector<16xi32>
        %gather3A_503 = tpu.vector_load_idx %arg16[%shift_right_logical3A_461, %add3A_502] : memref<125x128xf32, #tpu.memory_space<vmem>>[vector<16xi32>, vector<16xi32>], vector<16xf32>,
        %swap3A_504 = arith.constant 52 : i32
        %swap3A_505 = arith.index_cast %swap3A_504 : i32 to index
        %swap3A_506 = arith.index_cast %add3A_86 : i32 to index
        %swap3A_507 = tpu.vector_load %arg17[%swap3A_505, %swap3A_506] {strides = array<i32>} : memref<64x128xf32, #tpu.memory_space<vmem>>, vector<16xf32>,
        tpu.vector_store %arg17[%swap3A_505, %swap3A_506], %gather3A_503 {strides = array<i32>} : memref<64x128xf32, #tpu.memory_space<vmem>>, vector<16xf32>,
        %broadcast_in_dim3A_508 = arith.constant 5 : i32
        %broadcast_in_dim3A_509 = vector.broadcast %broadcast_in_dim3A_508 : i32 to vector<16xi32>
        %add3A_510 = arith.addi %shift_left3A_467, %broadcast_in_dim3A_509 : vector<16xi32>
        %gather3A_511 = tpu.vector_load_idx %arg16[%shift_right_logical3A_461, %add3A_510] : memref<125x128xf32, #tpu.memory_space<vmem>>[vector<16xi32>, vector<16xi32>], vector<16xf32>,
        %swap3A_512 = arith.constant 53 : i32
        %swap3A_513 = arith.index_cast %swap3A_512 : i32 to index
        %swap3A_514 = arith.index_cast %add3A_86 : i32 to index
        %swap3A_515 = tpu.vector_load %arg17[%swap3A_513, %swap3A_514] {strides = array<i32>} : memref<64x128xf32, #tpu.memory_space<vmem>>, vector<16xf32>,
        tpu.vector_store %arg17[%swap3A_513, %swap3A_514], %gather3A_511 {strides = array<i32>} : memref<64x128xf32, #tpu.memory_space<vmem>>, vector<16xf32>,
        %broadcast_in_dim3A_516 = arith.constant 6 : i32
        %broadcast_in_dim3A_517 = vector.broadcast %broadcast_in_dim3A_516 : i32 to vector<16xi32>
        %add3A_518 = arith.addi %shift_left3A_467, %broadcast_in_dim3A_517 : vector<16xi32>
        %gather3A_519 = tpu.vector_load_idx %arg16[%shift_right_logical3A_461, %add3A_518] : memref<125x128xf32, #tpu.memory_space<vmem>>[vector<16xi32>, vector<16xi32>], vector<16xf32>,
        %swap3A_520 = arith.constant 54 : i32
        %swap3A_521 = arith.index_cast %swap3A_520 : i32 to index
        %swap3A_522 = arith.index_cast %add3A_86 : i32 to index
        %swap3A_523 = tpu.vector_load %arg17[%swap3A_521, %swap3A_522] {strides = array<i32>} : memref<64x128xf32, #tpu.memory_space<vmem>>, vector<16xf32>,
        tpu.vector_store %arg17[%swap3A_521, %swap3A_522], %gather3A_519 {strides = array<i32>} : memref<64x128xf32, #tpu.memory_space<vmem>>, vector<16xf32>,
        %broadcast_in_dim3A_524 = arith.constant 7 : i32
        %broadcast_in_dim3A_525 = vector.broadcast %broadcast_in_dim3A_524 : i32 to vector<16xi32>
        %add3A_526 = arith.addi %shift_left3A_467, %broadcast_in_dim3A_525 : vector<16xi32>
        %gather3A_527 = tpu.vector_load_idx %arg16[%shift_right_logical3A_461, %add3A_526] : memref<125x128xf32, #tpu.memory_space<vmem>>[vector<16xi32>, vector<16xi32>], vector<16xf32>,
        %swap3A_528 = arith.constant 55 : i32
        %swap3A_529 = arith.index_cast %swap3A_528 : i32 to index
        %swap3A_530 = arith.index_cast %add3A_86 : i32 to index
        %swap3A_531 = tpu.vector_load %arg17[%swap3A_529, %swap3A_530] {strides = array<i32>} : memref<64x128xf32, #tpu.memory_space<vmem>>, vector<16xf32>,
        tpu.vector_store %arg17[%swap3A_529, %swap3A_530], %gather3A_527 {strides = array<i32>} : memref<64x128xf32, #tpu.memory_space<vmem>>, vector<16xf32>,
        %broadcast_in_dim3A_532 = arith.constant 8 : i32
        %broadcast_in_dim3A_533 = vector.broadcast %broadcast_in_dim3A_532 : i32 to vector<16xi32>
        %add3A_534 = arith.addi %shift_left3A_467, %broadcast_in_dim3A_533 : vector<16xi32>
        %gather3A_535 = tpu.vector_load_idx %arg16[%shift_right_logical3A_461, %add3A_534] : memref<125x128xf32, #tpu.memory_space<vmem>>[vector<16xi32>, vector<16xi32>], vector<16xf32>,
        %swap3A_536 = arith.constant 56 : i32
        %swap3A_537 = arith.index_cast %swap3A_536 : i32 to index
        %swap3A_538 = arith.index_cast %add3A_86 : i32 to index
        %swap3A_539 = tpu.vector_load %arg17[%swap3A_537, %swap3A_538] {strides = array<i32>} : memref<64x128xf32, #tpu.memory_space<vmem>>, vector<16xf32>,
        tpu.vector_store %arg17[%swap3A_537, %swap3A_538], %gather3A_535 {strides = array<i32>} : memref<64x128xf32, #tpu.memory_space<vmem>>, vector<16xf32>,
        %broadcast_in_dim3A_540 = arith.constant 9 : i32
        %broadcast_in_dim3A_541 = vector.broadcast %broadcast_in_dim3A_540 : i32 to vector<16xi32>
        %add3A_542 = arith.addi %shift_left3A_467, %broadcast_in_dim3A_541 : vector<16xi32>
        %gather3A_543 = tpu.vector_load_idx %arg16[%shift_right_logical3A_461, %add3A_542] : memref<125x128xf32, #tpu.memory_space<vmem>>[vector<16xi32>, vector<16xi32>], vector<16xf32>,
        %swap3A_544 = arith.constant 57 : i32
        %swap3A_545 = arith.index_cast %swap3A_544 : i32 to index
        %swap3A_546 = arith.index_cast %add3A_86 : i32 to index
        %swap3A_547 = tpu.vector_load %arg17[%swap3A_545, %swap3A_546] {strides = array<i32>} : memref<64x128xf32, #tpu.memory_space<vmem>>, vector<16xf32>,
        tpu.vector_store %arg17[%swap3A_545, %swap3A_546], %gather3A_543 {strides = array<i32>} : memref<64x128xf32, #tpu.memory_space<vmem>>, vector<16xf32>,
        %broadcast_in_dim3A_548 = arith.constant 10 : i32
        %broadcast_in_dim3A_549 = vector.broadcast %broadcast_in_dim3A_548 : i32 to vector<16xi32>
        %add3A_550 = arith.addi %shift_left3A_467, %broadcast_in_dim3A_549 : vector<16xi32>
        %gather3A_551 = tpu.vector_load_idx %arg16[%shift_right_logical3A_461, %add3A_550] : memref<125x128xf32, #tpu.memory_space<vmem>>[vector<16xi32>, vector<16xi32>], vector<16xf32>,
        %swap3A_552 = arith.constant 58 : i32
        %swap3A_553 = arith.index_cast %swap3A_552 : i32 to index
        %swap3A_554 = arith.index_cast %add3A_86 : i32 to index
        %swap3A_555 = tpu.vector_load %arg17[%swap3A_553, %swap3A_554] {strides = array<i32>} : memref<64x128xf32, #tpu.memory_space<vmem>>, vector<16xf32>,
        tpu.vector_store %arg17[%swap3A_553, %swap3A_554], %gather3A_551 {strides = array<i32>} : memref<64x128xf32, #tpu.memory_space<vmem>>, vector<16xf32>,
        %broadcast_in_dim3A_556 = arith.constant 11 : i32
        %broadcast_in_dim3A_557 = vector.broadcast %broadcast_in_dim3A_556 : i32 to vector<16xi32>
        %add3A_558 = arith.addi %shift_left3A_467, %broadcast_in_dim3A_557 : vector<16xi32>
        %gather3A_559 = tpu.vector_load_idx %arg16[%shift_right_logical3A_461, %add3A_558] : memref<125x128xf32, #tpu.memory_space<vmem>>[vector<16xi32>, vector<16xi32>], vector<16xf32>,
        %swap3A_560 = arith.constant 59 : i32
        %swap3A_561 = arith.index_cast %swap3A_560 : i32 to index
        %swap3A_562 = arith.index_cast %add3A_86 : i32 to index
        %swap3A_563 = tpu.vector_load %arg17[%swap3A_561, %swap3A_562] {strides = array<i32>} : memref<64x128xf32, #tpu.memory_space<vmem>>, vector<16xf32>,
        tpu.vector_store %arg17[%swap3A_561, %swap3A_562], %gather3A_559 {strides = array<i32>} : memref<64x128xf32, #tpu.memory_space<vmem>>, vector<16xf32>,
        %broadcast_in_dim3A_564 = arith.constant 12 : i32
        %broadcast_in_dim3A_565 = vector.broadcast %broadcast_in_dim3A_564 : i32 to vector<16xi32>
        %add3A_566 = arith.addi %shift_left3A_467, %broadcast_in_dim3A_565 : vector<16xi32>
        %gather3A_567 = tpu.vector_load_idx %arg16[%shift_right_logical3A_461, %add3A_566] : memref<125x128xf32, #tpu.memory_space<vmem>>[vector<16xi32>, vector<16xi32>], vector<16xf32>,
        %swap3A_568 = arith.constant 60 : i32
        %swap3A_569 = arith.index_cast %swap3A_568 : i32 to index
        %swap3A_570 = arith.index_cast %add3A_86 : i32 to index
        %swap3A_571 = tpu.vector_load %arg17[%swap3A_569, %swap3A_570] {strides = array<i32>} : memref<64x128xf32, #tpu.memory_space<vmem>>, vector<16xf32>,
        tpu.vector_store %arg17[%swap3A_569, %swap3A_570], %gather3A_567 {strides = array<i32>} : memref<64x128xf32, #tpu.memory_space<vmem>>, vector<16xf32>,
        %broadcast_in_dim3A_572 = arith.constant 13 : i32
        %broadcast_in_dim3A_573 = vector.broadcast %broadcast_in_dim3A_572 : i32 to vector<16xi32>
        %add3A_574 = arith.addi %shift_left3A_467, %broadcast_in_dim3A_573 : vector<16xi32>
        %gather3A_575 = tpu.vector_load_idx %arg16[%shift_right_logical3A_461, %add3A_574] : memref<125x128xf32, #tpu.memory_space<vmem>>[vector<16xi32>, vector<16xi32>], vector<16xf32>,
        %swap3A_576 = arith.constant 61 : i32
        %swap3A_577 = arith.index_cast %swap3A_576 : i32 to index
        %swap3A_578 = arith.index_cast %add3A_86 : i32 to index
        %swap3A_579 = tpu.vector_load %arg17[%swap3A_577, %swap3A_578] {strides = array<i32>} : memref<64x128xf32, #tpu.memory_space<vmem>>, vector<16xf32>,
        tpu.vector_store %arg17[%swap3A_577, %swap3A_578], %gather3A_575 {strides = array<i32>} : memref<64x128xf32, #tpu.memory_space<vmem>>, vector<16xf32>,
        %broadcast_in_dim3A_580 = arith.constant 14 : i32
        %broadcast_in_dim3A_581 = vector.broadcast %broadcast_in_dim3A_580 : i32 to vector<16xi32>
        %add3A_582 = arith.addi %shift_left3A_467, %broadcast_in_dim3A_581 : vector<16xi32>
        %gather3A_583 = tpu.vector_load_idx %arg16[%shift_right_logical3A_461, %add3A_582] : memref<125x128xf32, #tpu.memory_space<vmem>>[vector<16xi32>, vector<16xi32>], vector<16xf32>,
        %swap3A_584 = arith.constant 62 : i32
        %swap3A_585 = arith.index_cast %swap3A_584 : i32 to index
        %swap3A_586 = arith.index_cast %add3A_86 : i32 to index
        %swap3A_587 = tpu.vector_load %arg17[%swap3A_585, %swap3A_586] {strides = array<i32>} : memref<64x128xf32, #tpu.memory_space<vmem>>, vector<16xf32>,
        tpu.vector_store %arg17[%swap3A_585, %swap3A_586], %gather3A_583 {strides = array<i32>} : memref<64x128xf32, #tpu.memory_space<vmem>>, vector<16xf32>,
        %broadcast_in_dim3A_588 = arith.constant 15 : i32
        %broadcast_in_dim3A_589 = vector.broadcast %broadcast_in_dim3A_588 : i32 to vector<16xi32>
        %add3A_590 = arith.addi %shift_left3A_467, %broadcast_in_dim3A_589 : vector<16xi32>
        %gather3A_591 = tpu.vector_load_idx %arg16[%shift_right_logical3A_461, %add3A_590] : memref<125x128xf32, #tpu.memory_space<vmem>>[vector<16xi32>, vector<16xi32>], vector<16xf32>,
        %swap3A_592 = arith.constant 63 : i32
        %swap3A_593 = arith.index_cast %swap3A_592 : i32 to index
        %swap3A_594 = arith.index_cast %add3A_86 : i32 to index
        %swap3A_595 = tpu.vector_load %arg17[%swap3A_593, %swap3A_594] {strides = array<i32>} : memref<64x128xf32, #tpu.memory_space<vmem>>, vector<16xf32>,
        tpu.vector_store %arg17[%swap3A_593, %swap3A_594], %gather3A_591 {strides = array<i32>} : memref<64x128xf32, #tpu.memory_space<vmem>>, vector<16xf32>,
      }
      %scan3A_30 = arith.constant 2 : i32
      %add3A_31 = arith.constant 2 : i32
      %add3A_32 = arith.addi %mul3A_16, %add3A_31 : i32
      %scan3A_33 = arith.constant 0 : i32
      %scan3A_34 = arith.constant 0 : i32
      %scan3A_35 = arith.constant 2 : i32
      %scan3A_36 = arith.addi %scan3A_34, %scan3A_35 : i32
      %scan3A_37 = arith.constant 1 : i32
      scf.for %scan3A_78 = %scan3A_34 to %scan3A_36 step %scan3A_37  : i32 {
        %mul3A_79 = arith.constant 16 : i32
        %mul3A_80 = arith.muli %scan3A_78, %mul3A_79 : i32
        %get3A = arith.index_cast %add3A_32 : i32 to index
        %get3A_81 = arith.index_cast %mul3A_80 : i32 to index
        %get3A_82 = tpu.vector_load %arg10[%get3A, %get3A_81] {strides = array<i32>} : memref<16x32xi32, #tpu.memory_space<vmem>>, vector<16xi32>,
        %slice3A = vector.extract_strided_slice %get3A_82 {offsets = [0], sizes = [1], strides = [1]} : vector<16xi32> to vector<1xi32>
        %squeeze3A = vector.extract %slice3A[0] : i32 from vector<1xi32>
        %and3A = arith.constant -8 : i32
        %and3A_83 = arith.andi %squeeze3A, %and3A : i32
        %multiple_of3A_84 = tpu.assume_multiple %and3A_83, 8 : i32
        %mul3A_85 = arith.constant 16 : i32
        %mul3A_86 = arith.muli %scan3A_78, %mul3A_85 : i32
        %add3A_87 = arith.constant 0 : i32
        %add3A_88 = arith.addi %mul3A_86, %add3A_87 : i32
        %dma_start3A = arith.constant 0 : i32
        %dma_start3A_89 = arith.constant 0 : i32
        %dma_start3A_90 = tpu.memref_slice %arg13[%add3A_88, %dma_start3A, %dma_start3A_89] : memref<32x8x32xf32, #tpu.memory_space<vmem>> -> memref<1x8x32xf32, #tpu.memory_space<vmem>>
        %dma_start3A_91 = tpu.memref_squeeze %dma_start3A_90 : memref<1x8x32xf32, #tpu.memory_space<vmem>> -> memref<8x32xf32, #tpu.memory_space<vmem>>
        %dma_start3A_92 = arith.constant 0 : i32
        %dma_start3A_93 = tpu.memref_slice %arg5[%multiple_of3A_84, %dma_start3A_92] : memref<1000000x32xf32, #tpu.memory_space<hbm>> -> memref<8x32xf32, #tpu.memory_space<hbm>>
        %dma_start3A_94 = arith.constant 0 : i32
        %dma_start3A_95 = arith.constant 0 : i32
        %dma_start3A_96 = tpu.memref_slice %arg13[%add3A_88, %dma_start3A_94, %dma_start3A_95] : memref<32x8x32xf32, #tpu.memory_space<vmem>> -> memref<1x8x32xf32, #tpu.memory_space<vmem>>
        %dma_start3A_97 = tpu.memref_squeeze %dma_start3A_96 : memref<1x8x32xf32, #tpu.memory_space<vmem>> -> memref<8x32xf32, #tpu.memory_space<vmem>>
        %dma_start3A_98 = arith.constant 0 : i32
        %dma_start3A_99 = tpu.memref_slice %arg5[%multiple_of3A_84, %dma_start3A_98] : memref<1000000x32xf32, #tpu.memory_space<hbm>> -> memref<8x32xf32, #tpu.memory_space<hbm>>
        tpu.enqueue_dma source(%dma_start3A_99 : memref<8x32xf32, #tpu.memory_space<hbm>>) target(%dma_start3A_97 : memref<8x32xf32, #tpu.memory_space<vmem>>) target_semaphore(%arg18 : memref<!tpu.dma_semaphore, #tpu.memory_space<semaphore_mem>>)
        %slice3A_100 = vector.extract_strided_slice %get3A_82 {offsets = [1], sizes = [1], strides = [1]} : vector<16xi32> to vector<1xi32>
        %squeeze3A_101 = vector.extract %slice3A_100[0] : i32 from vector<1xi32>
        %and3A_102 = arith.constant -8 : i32
        %and3A_103 = arith.andi %squeeze3A_101, %and3A_102 : i32
        %multiple_of3A_104 = tpu.assume_multiple %and3A_103, 8 : i32
        %mul3A_105 = arith.constant 16 : i32
        %mul3A_106 = arith.muli %scan3A_78, %mul3A_105 : i32
        %add3A_107 = arith.constant 1 : i32
        %add3A_108 = arith.addi %mul3A_106, %add3A_107 : i32
        %dma_start3A_109 = arith.constant 0 : i32
        %dma_start3A_110 = arith.constant 0 : i32
        %dma_start3A_111 = tpu.memref_slice %arg13[%add3A_108, %dma_start3A_109, %dma_start3A_110] : memref<32x8x32xf32, #tpu.memory_space<vmem>> -> memref<1x8x32xf32, #tpu.memory_space<vmem>>
        %dma_start3A_112 = tpu.memref_squeeze %dma_start3A_111 : memref<1x8x32xf32, #tpu.memory_space<vmem>> -> memref<8x32xf32, #tpu.memory_space<vmem>>
        %dma_start3A_113 = arith.constant 0 : i32
        %dma_start3A_114 = tpu.memref_slice %arg5[%multiple_of3A_104, %dma_start3A_113] : memref<1000000x32xf32, #tpu.memory_space<hbm>> -> memref<8x32xf32, #tpu.memory_space<hbm>>
        %dma_start3A_115 = arith.constant 0 : i32
        %dma_start3A_116 = arith.constant 0 : i32
        %dma_start3A_117 = tpu.memref_slice %arg13[%add3A_108, %dma_start3A_115, %dma_start3A_116] : memref<32x8x32xf32, #tpu.memory_space<vmem>> -> memref<1x8x32xf32, #tpu.memory_space<vmem>>
        %dma_start3A_118 = tpu.memref_squeeze %dma_start3A_117 : memref<1x8x32xf32, #tpu.memory_space<vmem>> -> memref<8x32xf32, #tpu.memory_space<vmem>>
        %dma_start3A_119 = arith.constant 0 : i32
        %dma_start3A_120 = tpu.memref_slice %arg5[%multiple_of3A_104, %dma_start3A_119] : memref<1000000x32xf32, #tpu.memory_space<hbm>> -> memref<8x32xf32, #tpu.memory_space<hbm>>
        tpu.enqueue_dma source(%dma_start3A_120 : memref<8x32xf32, #tpu.memory_space<hbm>>) target(%dma_start3A_118 : memref<8x32xf32, #tpu.memory_space<vmem>>) target_semaphore(%arg18 : memref<!tpu.dma_semaphore, #tpu.memory_space<semaphore_mem>>)
        %slice3A_121 = vector.extract_strided_slice %get3A_82 {offsets = [2], sizes = [1], strides = [1]} : vector<16xi32> to vector<1xi32>
        %squeeze3A_122 = vector.extract %slice3A_121[0] : i32 from vector<1xi32>
        %and3A_123 = arith.constant -8 : i32
        %and3A_124 = arith.andi %squeeze3A_122, %and3A_123 : i32
        %multiple_of3A_125 = tpu.assume_multiple %and3A_124, 8 : i32
        %mul3A_126 = arith.constant 16 : i32
        %mul3A_127 = arith.muli %scan3A_78, %mul3A_126 : i32
        %add3A_128 = arith.constant 2 : i32
        %add3A_129 = arith.addi %mul3A_127, %add3A_128 : i32
        %dma_start3A_130 = arith.constant 0 : i32
        %dma_start3A_131 = arith.constant 0 : i32
        %dma_start3A_132 = tpu.memref_slice %arg13[%add3A_129, %dma_start3A_130, %dma_start3A_131] : memref<32x8x32xf32, #tpu.memory_space<vmem>> -> memref<1x8x32xf32, #tpu.memory_space<vmem>>
        %dma_start3A_133 = tpu.memref_squeeze %dma_start3A_132 : memref<1x8x32xf32, #tpu.memory_space<vmem>> -> memref<8x32xf32, #tpu.memory_space<vmem>>
        %dma_start3A_134 = arith.constant 0 : i32
        %dma_start3A_135 = tpu.memref_slice %arg5[%multiple_of3A_125, %dma_start3A_134] : memref<1000000x32xf32, #tpu.memory_space<hbm>> -> memref<8x32xf32, #tpu.memory_space<hbm>>
        %dma_start3A_136 = arith.constant 0 : i32
        %dma_start3A_137 = arith.constant 0 : i32
        %dma_start3A_138 = tpu.memref_slice %arg13[%add3A_129, %dma_start3A_136, %dma_start3A_137] : memref<32x8x32xf32, #tpu.memory_space<vmem>> -> memref<1x8x32xf32, #tpu.memory_space<vmem>>
        %dma_start3A_139 = tpu.memref_squeeze %dma_start3A_138 : memref<1x8x32xf32, #tpu.memory_space<vmem>> -> memref<8x32xf32, #tpu.memory_space<vmem>>
        %dma_start3A_140 = arith.constant 0 : i32
        %dma_start3A_141 = tpu.memref_slice %arg5[%multiple_of3A_125, %dma_start3A_140] : memref<1000000x32xf32, #tpu.memory_space<hbm>> -> memref<8x32xf32, #tpu.memory_space<hbm>>
        tpu.enqueue_dma source(%dma_start3A_141 : memref<8x32xf32, #tpu.memory_space<hbm>>) target(%dma_start3A_139 : memref<8x32xf32, #tpu.memory_space<vmem>>) target_semaphore(%arg18 : memref<!tpu.dma_semaphore, #tpu.memory_space<semaphore_mem>>)
        %slice3A_142 = vector.extract_strided_slice %get3A_82 {offsets = [3], sizes = [1], strides = [1]} : vector<16xi32> to vector<1xi32>
        %squeeze3A_143 = vector.extract %slice3A_142[0] : i32 from vector<1xi32>
        %and3A_144 = arith.constant -8 : i32
        %and3A_145 = arith.andi %squeeze3A_143, %and3A_144 : i32
        %multiple_of3A_146 = tpu.assume_multiple %and3A_145, 8 : i32
        %mul3A_147 = arith.constant 16 : i32
        %mul3A_148 = arith.muli %scan3A_78, %mul3A_147 : i32
        %add3A_149 = arith.constant 3 : i32
        %add3A_150 = arith.addi %mul3A_148, %add3A_149 : i32
        %dma_start3A_151 = arith.constant 0 : i32
        %dma_start3A_152 = arith.constant 0 : i32
        %dma_start3A_153 = tpu.memref_slice %arg13[%add3A_150, %dma_start3A_151, %dma_start3A_152] : memref<32x8x32xf32, #tpu.memory_space<vmem>> -> memref<1x8x32xf32, #tpu.memory_space<vmem>>
        %dma_start3A_154 = tpu.memref_squeeze %dma_start3A_153 : memref<1x8x32xf32, #tpu.memory_space<vmem>> -> memref<8x32xf32, #tpu.memory_space<vmem>>
        %dma_start3A_155 = arith.constant 0 : i32
        %dma_start3A_156 = tpu.memref_slice %arg5[%multiple_of3A_146, %dma_start3A_155] : memref<1000000x32xf32, #tpu.memory_space<hbm>> -> memref<8x32xf32, #tpu.memory_space<hbm>>
        %dma_start3A_157 = arith.constant 0 : i32
        %dma_start3A_158 = arith.constant 0 : i32
        %dma_start3A_159 = tpu.memref_slice %arg13[%add3A_150, %dma_start3A_157, %dma_start3A_158] : memref<32x8x32xf32, #tpu.memory_space<vmem>> -> memref<1x8x32xf32, #tpu.memory_space<vmem>>
        %dma_start3A_160 = tpu.memref_squeeze %dma_start3A_159 : memref<1x8x32xf32, #tpu.memory_space<vmem>> -> memref<8x32xf32, #tpu.memory_space<vmem>>
        %dma_start3A_161 = arith.constant 0 : i32
        %dma_start3A_162 = tpu.memref_slice %arg5[%multiple_of3A_146, %dma_start3A_161] : memref<1000000x32xf32, #tpu.memory_space<hbm>> -> memref<8x32xf32, #tpu.memory_space<hbm>>
        tpu.enqueue_dma source(%dma_start3A_162 : memref<8x32xf32, #tpu.memory_space<hbm>>) target(%dma_start3A_160 : memref<8x32xf32, #tpu.memory_space<vmem>>) target_semaphore(%arg18 : memref<!tpu.dma_semaphore, #tpu.memory_space<semaphore_mem>>)
        %slice3A_163 = vector.extract_strided_slice %get3A_82 {offsets = [4], sizes = [1], strides = [1]} : vector<16xi32> to vector<1xi32>
        %squeeze3A_164 = vector.extract %slice3A_163[0] : i32 from vector<1xi32>
        %and3A_165 = arith.constant -8 : i32
        %and3A_166 = arith.andi %squeeze3A_164, %and3A_165 : i32
        %multiple_of3A_167 = tpu.assume_multiple %and3A_166, 8 : i32
        %mul3A_168 = arith.constant 16 : i32
        %mul3A_169 = arith.muli %scan3A_78, %mul3A_168 : i32
        %add3A_170 = arith.constant 4 : i32
        %add3A_171 = arith.addi %mul3A_169, %add3A_170 : i32
        %dma_start3A_172 = arith.constant 0 : i32
        %dma_start3A_173 = arith.constant 0 : i32
        %dma_start3A_174 = tpu.memref_slice %arg13[%add3A_171, %dma_start3A_172, %dma_start3A_173] : memref<32x8x32xf32, #tpu.memory_space<vmem>> -> memref<1x8x32xf32, #tpu.memory_space<vmem>>
        %dma_start3A_175 = tpu.memref_squeeze %dma_start3A_174 : memref<1x8x32xf32, #tpu.memory_space<vmem>> -> memref<8x32xf32, #tpu.memory_space<vmem>>
        %dma_start3A_176 = arith.constant 0 : i32
        %dma_start3A_177 = tpu.memref_slice %arg5[%multiple_of3A_167, %dma_start3A_176] : memref<1000000x32xf32, #tpu.memory_space<hbm>> -> memref<8x32xf32, #tpu.memory_space<hbm>>
        %dma_start3A_178 = arith.constant 0 : i32
        %dma_start3A_179 = arith.constant 0 : i32
        %dma_start3A_180 = tpu.memref_slice %arg13[%add3A_171, %dma_start3A_178, %dma_start3A_179] : memref<32x8x32xf32, #tpu.memory_space<vmem>> -> memref<1x8x32xf32, #tpu.memory_space<vmem>>
        %dma_start3A_181 = tpu.memref_squeeze %dma_start3A_180 : memref<1x8x32xf32, #tpu.memory_space<vmem>> -> memref<8x32xf32, #tpu.memory_space<vmem>>
        %dma_start3A_182 = arith.constant 0 : i32
        %dma_start3A_183 = tpu.memref_slice %arg5[%multiple_of3A_167, %dma_start3A_182] : memref<1000000x32xf32, #tpu.memory_space<hbm>> -> memref<8x32xf32, #tpu.memory_space<hbm>>
        tpu.enqueue_dma source(%dma_start3A_183 : memref<8x32xf32, #tpu.memory_space<hbm>>) target(%dma_start3A_181 : memref<8x32xf32, #tpu.memory_space<vmem>>) target_semaphore(%arg18 : memref<!tpu.dma_semaphore, #tpu.memory_space<semaphore_mem>>)
        %slice3A_184 = vector.extract_strided_slice %get3A_82 {offsets = [5], sizes = [1], strides = [1]} : vector<16xi32> to vector<1xi32>
        %squeeze3A_185 = vector.extract %slice3A_184[0] : i32 from vector<1xi32>
        %and3A_186 = arith.constant -8 : i32
        %and3A_187 = arith.andi %squeeze3A_185, %and3A_186 : i32
        %multiple_of3A_188 = tpu.assume_multiple %and3A_187, 8 : i32
        %mul3A_189 = arith.constant 16 : i32
        %mul3A_190 = arith.muli %scan3A_78, %mul3A_189 : i32
        %add3A_191 = arith.constant 5 : i32
        %add3A_192 = arith.addi %mul3A_190, %add3A_191 : i32
        %dma_start3A_193 = arith.constant 0 : i32
        %dma_start3A_194 = arith.constant 0 : i32
        %dma_start3A_195 = tpu.memref_slice %arg13[%add3A_192, %dma_start3A_193, %dma_start3A_194] : memref<32x8x32xf32, #tpu.memory_space<vmem>> -> memref<1x8x32xf32, #tpu.memory_space<vmem>>
        %dma_start3A_196 = tpu.memref_squeeze %dma_start3A_195 : memref<1x8x32xf32, #tpu.memory_space<vmem>> -> memref<8x32xf32, #tpu.memory_space<vmem>>
        %dma_start3A_197 = arith.constant 0 : i32
        %dma_start3A_198 = tpu.memref_slice %arg5[%multiple_of3A_188, %dma_start3A_197] : memref<1000000x32xf32, #tpu.memory_space<hbm>> -> memref<8x32xf32, #tpu.memory_space<hbm>>
        %dma_start3A_199 = arith.constant 0 : i32
        %dma_start3A_200 = arith.constant 0 : i32
        %dma_start3A_201 = tpu.memref_slice %arg13[%add3A_192, %dma_start3A_199, %dma_start3A_200] : memref<32x8x32xf32, #tpu.memory_space<vmem>> -> memref<1x8x32xf32, #tpu.memory_space<vmem>>
        %dma_start3A_202 = tpu.memref_squeeze %dma_start3A_201 : memref<1x8x32xf32, #tpu.memory_space<vmem>> -> memref<8x32xf32, #tpu.memory_space<vmem>>
        %dma_start3A_203 = arith.constant 0 : i32
        %dma_start3A_204 = tpu.memref_slice %arg5[%multiple_of3A_188, %dma_start3A_203] : memref<1000000x32xf32, #tpu.memory_space<hbm>> -> memref<8x32xf32, #tpu.memory_space<hbm>>
        tpu.enqueue_dma source(%dma_start3A_204 : memref<8x32xf32, #tpu.memory_space<hbm>>) target(%dma_start3A_202 : memref<8x32xf32, #tpu.memory_space<vmem>>) target_semaphore(%arg18 : memref<!tpu.dma_semaphore, #tpu.memory_space<semaphore_mem>>)
        %slice3A_205 = vector.extract_strided_slice %get3A_82 {offsets = [6], sizes = [1], strides = [1]} : vector<16xi32> to vector<1xi32>
        %squeeze3A_206 = vector.extract %slice3A_205[0] : i32 from vector<1xi32>
        %and3A_207 = arith.constant -8 : i32
        %and3A_208 = arith.andi %squeeze3A_206, %and3A_207 : i32
        %multiple_of3A_209 = tpu.assume_multiple %and3A_208, 8 : i32
        %mul3A_210 = arith.constant 16 : i32
        %mul3A_211 = arith.muli %scan3A_78, %mul3A_210 : i32
        %add3A_212 = arith.constant 6 : i32
        %add3A_213 = arith.addi %mul3A_211, %add3A_212 : i32
        %dma_start3A_214 = arith.constant 0 : i32
        %dma_start3A_215 = arith.constant 0 : i32
        %dma_start3A_216 = tpu.memref_slice %arg13[%add3A_213, %dma_start3A_214, %dma_start3A_215] : memref<32x8x32xf32, #tpu.memory_space<vmem>> -> memref<1x8x32xf32, #tpu.memory_space<vmem>>
        %dma_start3A_217 = tpu.memref_squeeze %dma_start3A_216 : memref<1x8x32xf32, #tpu.memory_space<vmem>> -> memref<8x32xf32, #tpu.memory_space<vmem>>
        %dma_start3A_218 = arith.constant 0 : i32
        %dma_start3A_219 = tpu.memref_slice %arg5[%multiple_of3A_209, %dma_start3A_218] : memref<1000000x32xf32, #tpu.memory_space<hbm>> -> memref<8x32xf32, #tpu.memory_space<hbm>>
        %dma_start3A_220 = arith.constant 0 : i32
        %dma_start3A_221 = arith.constant 0 : i32
        %dma_start3A_222 = tpu.memref_slice %arg13[%add3A_213, %dma_start3A_220, %dma_start3A_221] : memref<32x8x32xf32, #tpu.memory_space<vmem>> -> memref<1x8x32xf32, #tpu.memory_space<vmem>>
        %dma_start3A_223 = tpu.memref_squeeze %dma_start3A_222 : memref<1x8x32xf32, #tpu.memory_space<vmem>> -> memref<8x32xf32, #tpu.memory_space<vmem>>
        %dma_start3A_224 = arith.constant 0 : i32
        %dma_start3A_225 = tpu.memref_slice %arg5[%multiple_of3A_209, %dma_start3A_224] : memref<1000000x32xf32, #tpu.memory_space<hbm>> -> memref<8x32xf32, #tpu.memory_space<hbm>>
        tpu.enqueue_dma source(%dma_start3A_225 : memref<8x32xf32, #tpu.memory_space<hbm>>) target(%dma_start3A_223 : memref<8x32xf32, #tpu.memory_space<vmem>>) target_semaphore(%arg18 : memref<!tpu.dma_semaphore, #tpu.memory_space<semaphore_mem>>)
        %slice3A_226 = vector.extract_strided_slice %get3A_82 {offsets = [7], sizes = [1], strides = [1]} : vector<16xi32> to vector<1xi32>
        %squeeze3A_227 = vector.extract %slice3A_226[0] : i32 from vector<1xi32>
        %and3A_228 = arith.constant -8 : i32
        %and3A_229 = arith.andi %squeeze3A_227, %and3A_228 : i32
        %multiple_of3A_230 = tpu.assume_multiple %and3A_229, 8 : i32
        %mul3A_231 = arith.constant 16 : i32
        %mul3A_232 = arith.muli %scan3A_78, %mul3A_231 : i32
        %add3A_233 = arith.constant 7 : i32
        %add3A_234 = arith.addi %mul3A_232, %add3A_233 : i32
        %dma_start3A_235 = arith.constant 0 : i32
        %dma_start3A_236 = arith.constant 0 : i32
        %dma_start3A_237 = tpu.memref_slice %arg13[%add3A_234, %dma_start3A_235, %dma_start3A_236] : memref<32x8x32xf32, #tpu.memory_space<vmem>> -> memref<1x8x32xf32, #tpu.memory_space<vmem>>
        %dma_start3A_238 = tpu.memref_squeeze %dma_start3A_237 : memref<1x8x32xf32, #tpu.memory_space<vmem>> -> memref<8x32xf32, #tpu.memory_space<vmem>>
        %dma_start3A_239 = arith.constant 0 : i32
        %dma_start3A_240 = tpu.memref_slice %arg5[%multiple_of3A_230, %dma_start3A_239] : memref<1000000x32xf32, #tpu.memory_space<hbm>> -> memref<8x32xf32, #tpu.memory_space<hbm>>
        %dma_start3A_241 = arith.constant 0 : i32
        %dma_start3A_242 = arith.constant 0 : i32
        %dma_start3A_243 = tpu.memref_slice %arg13[%add3A_234, %dma_start3A_241, %dma_start3A_242] : memref<32x8x32xf32, #tpu.memory_space<vmem>> -> memref<1x8x32xf32, #tpu.memory_space<vmem>>
        %dma_start3A_244 = tpu.memref_squeeze %dma_start3A_243 : memref<1x8x32xf32, #tpu.memory_space<vmem>> -> memref<8x32xf32, #tpu.memory_space<vmem>>
        %dma_start3A_245 = arith.constant 0 : i32
        %dma_start3A_246 = tpu.memref_slice %arg5[%multiple_of3A_230, %dma_start3A_245] : memref<1000000x32xf32, #tpu.memory_space<hbm>> -> memref<8x32xf32, #tpu.memory_space<hbm>>
        tpu.enqueue_dma source(%dma_start3A_246 : memref<8x32xf32, #tpu.memory_space<hbm>>) target(%dma_start3A_244 : memref<8x32xf32, #tpu.memory_space<vmem>>) target_semaphore(%arg18 : memref<!tpu.dma_semaphore, #tpu.memory_space<semaphore_mem>>)
        %slice3A_247 = vector.extract_strided_slice %get3A_82 {offsets = [8], sizes = [1], strides = [1]} : vector<16xi32> to vector<1xi32>
        %squeeze3A_248 = vector.extract %slice3A_247[0] : i32 from vector<1xi32>
        %and3A_249 = arith.constant -8 : i32
        %and3A_250 = arith.andi %squeeze3A_248, %and3A_249 : i32
        %multiple_of3A_251 = tpu.assume_multiple %and3A_250, 8 : i32
        %mul3A_252 = arith.constant 16 : i32
        %mul3A_253 = arith.muli %scan3A_78, %mul3A_252 : i32
        %add3A_254 = arith.constant 8 : i32
        %add3A_255 = arith.addi %mul3A_253, %add3A_254 : i32
        %dma_start3A_256 = arith.constant 0 : i32
        %dma_start3A_257 = arith.constant 0 : i32
        %dma_start3A_258 = tpu.memref_slice %arg13[%add3A_255, %dma_start3A_256, %dma_start3A_257] : memref<32x8x32xf32, #tpu.memory_space<vmem>> -> memref<1x8x32xf32, #tpu.memory_space<vmem>>
        %dma_start3A_259 = tpu.memref_squeeze %dma_start3A_258 : memref<1x8x32xf32, #tpu.memory_space<vmem>> -> memref<8x32xf32, #tpu.memory_space<vmem>>
        %dma_start3A_260 = arith.constant 0 : i32
        %dma_start3A_261 = tpu.memref_slice %arg5[%multiple_of3A_251, %dma_start3A_260] : memref<1000000x32xf32, #tpu.memory_space<hbm>> -> memref<8x32xf32, #tpu.memory_space<hbm>>
        %dma_start3A_262 = arith.constant 0 : i32
        %dma_start3A_263 = arith.constant 0 : i32
        %dma_start3A_264 = tpu.memref_slice %arg13[%add3A_255, %dma_start3A_262, %dma_start3A_263] : memref<32x8x32xf32, #tpu.memory_space<vmem>> -> memref<1x8x32xf32, #tpu.memory_space<vmem>>
        %dma_start3A_265 = tpu.memref_squeeze %dma_start3A_264 : memref<1x8x32xf32, #tpu.memory_space<vmem>> -> memref<8x32xf32, #tpu.memory_space<vmem>>
        %dma_start3A_266 = arith.constant 0 : i32
        %dma_start3A_267 = tpu.memref_slice %arg5[%multiple_of3A_251, %dma_start3A_266] : memref<1000000x32xf32, #tpu.memory_space<hbm>> -> memref<8x32xf32, #tpu.memory_space<hbm>>
        tpu.enqueue_dma source(%dma_start3A_267 : memref<8x32xf32, #tpu.memory_space<hbm>>) target(%dma_start3A_265 : memref<8x32xf32, #tpu.memory_space<vmem>>) target_semaphore(%arg18 : memref<!tpu.dma_semaphore, #tpu.memory_space<semaphore_mem>>)
        %slice3A_268 = vector.extract_strided_slice %get3A_82 {offsets = [9], sizes = [1], strides = [1]} : vector<16xi32> to vector<1xi32>
        %squeeze3A_269 = vector.extract %slice3A_268[0] : i32 from vector<1xi32>
        %and3A_270 = arith.constant -8 : i32
        %and3A_271 = arith.andi %squeeze3A_269, %and3A_270 : i32
        %multiple_of3A_272 = tpu.assume_multiple %and3A_271, 8 : i32
        %mul3A_273 = arith.constant 16 : i32
        %mul3A_274 = arith.muli %scan3A_78, %mul3A_273 : i32
        %add3A_275 = arith.constant 9 : i32
        %add3A_276 = arith.addi %mul3A_274, %add3A_275 : i32
        %dma_start3A_277 = arith.constant 0 : i32
        %dma_start3A_278 = arith.constant 0 : i32
        %dma_start3A_279 = tpu.memref_slice %arg13[%add3A_276, %dma_start3A_277, %dma_start3A_278] : memref<32x8x32xf32, #tpu.memory_space<vmem>> -> memref<1x8x32xf32, #tpu.memory_space<vmem>>
        %dma_start3A_280 = tpu.memref_squeeze %dma_start3A_279 : memref<1x8x32xf32, #tpu.memory_space<vmem>> -> memref<8x32xf32, #tpu.memory_space<vmem>>
        %dma_start3A_281 = arith.constant 0 : i32
        %dma_start3A_282 = tpu.memref_slice %arg5[%multiple_of3A_272, %dma_start3A_281] : memref<1000000x32xf32, #tpu.memory_space<hbm>> -> memref<8x32xf32, #tpu.memory_space<hbm>>
        %dma_start3A_283 = arith.constant 0 : i32
        %dma_start3A_284 = arith.constant 0 : i32
        %dma_start3A_285 = tpu.memref_slice %arg13[%add3A_276, %dma_start3A_283, %dma_start3A_284] : memref<32x8x32xf32, #tpu.memory_space<vmem>> -> memref<1x8x32xf32, #tpu.memory_space<vmem>>
        %dma_start3A_286 = tpu.memref_squeeze %dma_start3A_285 : memref<1x8x32xf32, #tpu.memory_space<vmem>> -> memref<8x32xf32, #tpu.memory_space<vmem>>
        %dma_start3A_287 = arith.constant 0 : i32
        %dma_start3A_288 = tpu.memref_slice %arg5[%multiple_of3A_272, %dma_start3A_287] : memref<1000000x32xf32, #tpu.memory_space<hbm>> -> memref<8x32xf32, #tpu.memory_space<hbm>>
        tpu.enqueue_dma source(%dma_start3A_288 : memref<8x32xf32, #tpu.memory_space<hbm>>) target(%dma_start3A_286 : memref<8x32xf32, #tpu.memory_space<vmem>>) target_semaphore(%arg18 : memref<!tpu.dma_semaphore, #tpu.memory_space<semaphore_mem>>)
        %slice3A_289 = vector.extract_strided_slice %get3A_82 {offsets = [10], sizes = [1], strides = [1]} : vector<16xi32> to vector<1xi32>
        %squeeze3A_290 = vector.extract %slice3A_289[0] : i32 from vector<1xi32>
        %and3A_291 = arith.constant -8 : i32
        %and3A_292 = arith.andi %squeeze3A_290, %and3A_291 : i32
        %multiple_of3A_293 = tpu.assume_multiple %and3A_292, 8 : i32
        %mul3A_294 = arith.constant 16 : i32
        %mul3A_295 = arith.muli %scan3A_78, %mul3A_294 : i32
        %add3A_296 = arith.constant 10 : i32
        %add3A_297 = arith.addi %mul3A_295, %add3A_296 : i32
        %dma_start3A_298 = arith.constant 0 : i32
        %dma_start3A_299 = arith.constant 0 : i32
        %dma_start3A_300 = tpu.memref_slice %arg13[%add3A_297, %dma_start3A_298, %dma_start3A_299] : memref<32x8x32xf32, #tpu.memory_space<vmem>> -> memref<1x8x32xf32, #tpu.memory_space<vmem>>
        %dma_start3A_301 = tpu.memref_squeeze %dma_start3A_300 : memref<1x8x32xf32, #tpu.memory_space<vmem>> -> memref<8x32xf32, #tpu.memory_space<vmem>>
        %dma_start3A_302 = arith.constant 0 : i32
        %dma_start3A_303 = tpu.memref_slice %arg5[%multiple_of3A_293, %dma_start3A_302] : memref<1000000x32xf32, #tpu.memory_space<hbm>> -> memref<8x32xf32, #tpu.memory_space<hbm>>
        %dma_start3A_304 = arith.constant 0 : i32
        %dma_start3A_305 = arith.constant 0 : i32
        %dma_start3A_306 = tpu.memref_slice %arg13[%add3A_297, %dma_start3A_304, %dma_start3A_305] : memref<32x8x32xf32, #tpu.memory_space<vmem>> -> memref<1x8x32xf32, #tpu.memory_space<vmem>>
        %dma_start3A_307 = tpu.memref_squeeze %dma_start3A_306 : memref<1x8x32xf32, #tpu.memory_space<vmem>> -> memref<8x32xf32, #tpu.memory_space<vmem>>
        %dma_start3A_308 = arith.constant 0 : i32
        %dma_start3A_309 = tpu.memref_slice %arg5[%multiple_of3A_293, %dma_start3A_308] : memref<1000000x32xf32, #tpu.memory_space<hbm>> -> memref<8x32xf32, #tpu.memory_space<hbm>>
        tpu.enqueue_dma source(%dma_start3A_309 : memref<8x32xf32, #tpu.memory_space<hbm>>) target(%dma_start3A_307 : memref<8x32xf32, #tpu.memory_space<vmem>>) target_semaphore(%arg18 : memref<!tpu.dma_semaphore, #tpu.memory_space<semaphore_mem>>)
        %slice3A_310 = vector.extract_strided_slice %get3A_82 {offsets = [11], sizes = [1], strides = [1]} : vector<16xi32> to vector<1xi32>
        %squeeze3A_311 = vector.extract %slice3A_310[0] : i32 from vector<1xi32>
        %and3A_312 = arith.constant -8 : i32
        %and3A_313 = arith.andi %squeeze3A_311, %and3A_312 : i32
        %multiple_of3A_314 = tpu.assume_multiple %and3A_313, 8 : i32
        %mul3A_315 = arith.constant 16 : i32
        %mul3A_316 = arith.muli %scan3A_78, %mul3A_315 : i32
        %add3A_317 = arith.constant 11 : i32
        %add3A_318 = arith.addi %mul3A_316, %add3A_317 : i32
        %dma_start3A_319 = arith.constant 0 : i32
        %dma_start3A_320 = arith.constant 0 : i32
        %dma_start3A_321 = tpu.memref_slice %arg13[%add3A_318, %dma_start3A_319, %dma_start3A_320] : memref<32x8x32xf32, #tpu.memory_space<vmem>> -> memref<1x8x32xf32, #tpu.memory_space<vmem>>
        %dma_start3A_322 = tpu.memref_squeeze %dma_start3A_321 : memref<1x8x32xf32, #tpu.memory_space<vmem>> -> memref<8x32xf32, #tpu.memory_space<vmem>>
        %dma_start3A_323 = arith.constant 0 : i32
        %dma_start3A_324 = tpu.memref_slice %arg5[%multiple_of3A_314, %dma_start3A_323] : memref<1000000x32xf32, #tpu.memory_space<hbm>> -> memref<8x32xf32, #tpu.memory_space<hbm>>
        %dma_start3A_325 = arith.constant 0 : i32
        %dma_start3A_326 = arith.constant 0 : i32
        %dma_start3A_327 = tpu.memref_slice %arg13[%add3A_318, %dma_start3A_325, %dma_start3A_326] : memref<32x8x32xf32, #tpu.memory_space<vmem>> -> memref<1x8x32xf32, #tpu.memory_space<vmem>>
        %dma_start3A_328 = tpu.memref_squeeze %dma_start3A_327 : memref<1x8x32xf32, #tpu.memory_space<vmem>> -> memref<8x32xf32, #tpu.memory_space<vmem>>
        %dma_start3A_329 = arith.constant 0 : i32
        %dma_start3A_330 = tpu.memref_slice %arg5[%multiple_of3A_314, %dma_start3A_329] : memref<1000000x32xf32, #tpu.memory_space<hbm>> -> memref<8x32xf32, #tpu.memory_space<hbm>>
        tpu.enqueue_dma source(%dma_start3A_330 : memref<8x32xf32, #tpu.memory_space<hbm>>) target(%dma_start3A_328 : memref<8x32xf32, #tpu.memory_space<vmem>>) target_semaphore(%arg18 : memref<!tpu.dma_semaphore, #tpu.memory_space<semaphore_mem>>)
        %slice3A_331 = vector.extract_strided_slice %get3A_82 {offsets = [12], sizes = [1], strides = [1]} : vector<16xi32> to vector<1xi32>
        %squeeze3A_332 = vector.extract %slice3A_331[0] : i32 from vector<1xi32>
        %and3A_333 = arith.constant -8 : i32
        %and3A_334 = arith.andi %squeeze3A_332, %and3A_333 : i32
        %multiple_of3A_335 = tpu.assume_multiple %and3A_334, 8 : i32
        %mul3A_336 = arith.constant 16 : i32
        %mul3A_337 = arith.muli %scan3A_78, %mul3A_336 : i32
        %add3A_338 = arith.constant 12 : i32
        %add3A_339 = arith.addi %mul3A_337, %add3A_338 : i32
        %dma_start3A_340 = arith.constant 0 : i32
        %dma_start3A_341 = arith.constant 0 : i32
        %dma_start3A_342 = tpu.memref_slice %arg13[%add3A_339, %dma_start3A_340, %dma_start3A_341] : memref<32x8x32xf32, #tpu.memory_space<vmem>> -> memref<1x8x32xf32, #tpu.memory_space<vmem>>
        %dma_start3A_343 = tpu.memref_squeeze %dma_start3A_342 : memref<1x8x32xf32, #tpu.memory_space<vmem>> -> memref<8x32xf32, #tpu.memory_space<vmem>>
        %dma_start3A_344 = arith.constant 0 : i32
        %dma_start3A_345 = tpu.memref_slice %arg5[%multiple_of3A_335, %dma_start3A_344] : memref<1000000x32xf32, #tpu.memory_space<hbm>> -> memref<8x32xf32, #tpu.memory_space<hbm>>
        %dma_start3A_346 = arith.constant 0 : i32
        %dma_start3A_347 = arith.constant 0 : i32
        %dma_start3A_348 = tpu.memref_slice %arg13[%add3A_339, %dma_start3A_346, %dma_start3A_347] : memref<32x8x32xf32, #tpu.memory_space<vmem>> -> memref<1x8x32xf32, #tpu.memory_space<vmem>>
        %dma_start3A_349 = tpu.memref_squeeze %dma_start3A_348 : memref<1x8x32xf32, #tpu.memory_space<vmem>> -> memref<8x32xf32, #tpu.memory_space<vmem>>
        %dma_start3A_350 = arith.constant 0 : i32
        %dma_start3A_351 = tpu.memref_slice %arg5[%multiple_of3A_335, %dma_start3A_350] : memref<1000000x32xf32, #tpu.memory_space<hbm>> -> memref<8x32xf32, #tpu.memory_space<hbm>>
        tpu.enqueue_dma source(%dma_start3A_351 : memref<8x32xf32, #tpu.memory_space<hbm>>) target(%dma_start3A_349 : memref<8x32xf32, #tpu.memory_space<vmem>>) target_semaphore(%arg18 : memref<!tpu.dma_semaphore, #tpu.memory_space<semaphore_mem>>)
        %slice3A_352 = vector.extract_strided_slice %get3A_82 {offsets = [13], sizes = [1], strides = [1]} : vector<16xi32> to vector<1xi32>
        %squeeze3A_353 = vector.extract %slice3A_352[0] : i32 from vector<1xi32>
        %and3A_354 = arith.constant -8 : i32
        %and3A_355 = arith.andi %squeeze3A_353, %and3A_354 : i32
        %multiple_of3A_356 = tpu.assume_multiple %and3A_355, 8 : i32
        %mul3A_357 = arith.constant 16 : i32
        %mul3A_358 = arith.muli %scan3A_78, %mul3A_357 : i32
        %add3A_359 = arith.constant 13 : i32
        %add3A_360 = arith.addi %mul3A_358, %add3A_359 : i32
        %dma_start3A_361 = arith.constant 0 : i32
        %dma_start3A_362 = arith.constant 0 : i32
        %dma_start3A_363 = tpu.memref_slice %arg13[%add3A_360, %dma_start3A_361, %dma_start3A_362] : memref<32x8x32xf32, #tpu.memory_space<vmem>> -> memref<1x8x32xf32, #tpu.memory_space<vmem>>
        %dma_start3A_364 = tpu.memref_squeeze %dma_start3A_363 : memref<1x8x32xf32, #tpu.memory_space<vmem>> -> memref<8x32xf32, #tpu.memory_space<vmem>>
        %dma_start3A_365 = arith.constant 0 : i32
        %dma_start3A_366 = tpu.memref_slice %arg5[%multiple_of3A_356, %dma_start3A_365] : memref<1000000x32xf32, #tpu.memory_space<hbm>> -> memref<8x32xf32, #tpu.memory_space<hbm>>
        %dma_start3A_367 = arith.constant 0 : i32
        %dma_start3A_368 = arith.constant 0 : i32
        %dma_start3A_369 = tpu.memref_slice %arg13[%add3A_360, %dma_start3A_367, %dma_start3A_368] : memref<32x8x32xf32, #tpu.memory_space<vmem>> -> memref<1x8x32xf32, #tpu.memory_space<vmem>>
        %dma_start3A_370 = tpu.memref_squeeze %dma_start3A_369 : memref<1x8x32xf32, #tpu.memory_space<vmem>> -> memref<8x32xf32, #tpu.memory_space<vmem>>
        %dma_start3A_371 = arith.constant 0 : i32
        %dma_start3A_372 = tpu.memref_slice %arg5[%multiple_of3A_356, %dma_start3A_371] : memref<1000000x32xf32, #tpu.memory_space<hbm>> -> memref<8x32xf32, #tpu.memory_space<hbm>>
        tpu.enqueue_dma source(%dma_start3A_372 : memref<8x32xf32, #tpu.memory_space<hbm>>) target(%dma_start3A_370 : memref<8x32xf32, #tpu.memory_space<vmem>>) target_semaphore(%arg18 : memref<!tpu.dma_semaphore, #tpu.memory_space<semaphore_mem>>)
        %slice3A_373 = vector.extract_strided_slice %get3A_82 {offsets = [14], sizes = [1], strides = [1]} : vector<16xi32> to vector<1xi32>
        %squeeze3A_374 = vector.extract %slice3A_373[0] : i32 from vector<1xi32>
        %and3A_375 = arith.constant -8 : i32
        %and3A_376 = arith.andi %squeeze3A_374, %and3A_375 : i32
        %multiple_of3A_377 = tpu.assume_multiple %and3A_376, 8 : i32
        %mul3A_378 = arith.constant 16 : i32
        %mul3A_379 = arith.muli %scan3A_78, %mul3A_378 : i32
        %add3A_380 = arith.constant 14 : i32
        %add3A_381 = arith.addi %mul3A_379, %add3A_380 : i32
        %dma_start3A_382 = arith.constant 0 : i32
        %dma_start3A_383 = arith.constant 0 : i32
        %dma_start3A_384 = tpu.memref_slice %arg13[%add3A_381, %dma_start3A_382, %dma_start3A_383] : memref<32x8x32xf32, #tpu.memory_space<vmem>> -> memref<1x8x32xf32, #tpu.memory_space<vmem>>
        %dma_start3A_385 = tpu.memref_squeeze %dma_start3A_384 : memref<1x8x32xf32, #tpu.memory_space<vmem>> -> memref<8x32xf32, #tpu.memory_space<vmem>>
        %dma_start3A_386 = arith.constant 0 : i32
        %dma_start3A_387 = tpu.memref_slice %arg5[%multiple_of3A_377, %dma_start3A_386] : memref<1000000x32xf32, #tpu.memory_space<hbm>> -> memref<8x32xf32, #tpu.memory_space<hbm>>
        %dma_start3A_388 = arith.constant 0 : i32
        %dma_start3A_389 = arith.constant 0 : i32
        %dma_start3A_390 = tpu.memref_slice %arg13[%add3A_381, %dma_start3A_388, %dma_start3A_389] : memref<32x8x32xf32, #tpu.memory_space<vmem>> -> memref<1x8x32xf32, #tpu.memory_space<vmem>>
        %dma_start3A_391 = tpu.memref_squeeze %dma_start3A_390 : memref<1x8x32xf32, #tpu.memory_space<vmem>> -> memref<8x32xf32, #tpu.memory_space<vmem>>
        %dma_start3A_392 = arith.constant 0 : i32
        %dma_start3A_393 = tpu.memref_slice %arg5[%multiple_of3A_377, %dma_start3A_392] : memref<1000000x32xf32, #tpu.memory_space<hbm>> -> memref<8x32xf32, #tpu.memory_space<hbm>>
        tpu.enqueue_dma source(%dma_start3A_393 : memref<8x32xf32, #tpu.memory_space<hbm>>) target(%dma_start3A_391 : memref<8x32xf32, #tpu.memory_space<vmem>>) target_semaphore(%arg18 : memref<!tpu.dma_semaphore, #tpu.memory_space<semaphore_mem>>)
        %slice3A_394 = vector.extract_strided_slice %get3A_82 {offsets = [15], sizes = [1], strides = [1]} : vector<16xi32> to vector<1xi32>
        %squeeze3A_395 = vector.extract %slice3A_394[0] : i32 from vector<1xi32>
        %and3A_396 = arith.constant -8 : i32
        %and3A_397 = arith.andi %squeeze3A_395, %and3A_396 : i32
        %multiple_of3A_398 = tpu.assume_multiple %and3A_397, 8 : i32
        %mul3A_399 = arith.constant 16 : i32
        %mul3A_400 = arith.muli %scan3A_78, %mul3A_399 : i32
        %add3A_401 = arith.constant 15 : i32
        %add3A_402 = arith.addi %mul3A_400, %add3A_401 : i32
        %dma_start3A_403 = arith.constant 0 : i32
        %dma_start3A_404 = arith.constant 0 : i32
        %dma_start3A_405 = tpu.memref_slice %arg13[%add3A_402, %dma_start3A_403, %dma_start3A_404] : memref<32x8x32xf32, #tpu.memory_space<vmem>> -> memref<1x8x32xf32, #tpu.memory_space<vmem>>
        %dma_start3A_406 = tpu.memref_squeeze %dma_start3A_405 : memref<1x8x32xf32, #tpu.memory_space<vmem>> -> memref<8x32xf32, #tpu.memory_space<vmem>>
        %dma_start3A_407 = arith.constant 0 : i32
        %dma_start3A_408 = tpu.memref_slice %arg5[%multiple_of3A_398, %dma_start3A_407] : memref<1000000x32xf32, #tpu.memory_space<hbm>> -> memref<8x32xf32, #tpu.memory_space<hbm>>
        %dma_start3A_409 = arith.constant 0 : i32
        %dma_start3A_410 = arith.constant 0 : i32
        %dma_start3A_411 = tpu.memref_slice %arg13[%add3A_402, %dma_start3A_409, %dma_start3A_410] : memref<32x8x32xf32, #tpu.memory_space<vmem>> -> memref<1x8x32xf32, #tpu.memory_space<vmem>>
        %dma_start3A_412 = tpu.memref_squeeze %dma_start3A_411 : memref<1x8x32xf32, #tpu.memory_space<vmem>> -> memref<8x32xf32, #tpu.memory_space<vmem>>
        %dma_start3A_413 = arith.constant 0 : i32
        %dma_start3A_414 = tpu.memref_slice %arg5[%multiple_of3A_398, %dma_start3A_413] : memref<1000000x32xf32, #tpu.memory_space<hbm>> -> memref<8x32xf32, #tpu.memory_space<hbm>>
        tpu.enqueue_dma source(%dma_start3A_414 : memref<8x32xf32, #tpu.memory_space<hbm>>) target(%dma_start3A_412 : memref<8x32xf32, #tpu.memory_space<vmem>>) target_semaphore(%arg18 : memref<!tpu.dma_semaphore, #tpu.memory_space<semaphore_mem>>)
      }
      %scan3A_38 = arith.constant 2 : i32
      tpu.wait_dma2 semaphore(%arg19 : memref<!tpu.dma_semaphore, #tpu.memory_space<semaphore_mem>>) src(%arg8 : memref<32x8x32xf32, #tpu.memory_space<hbm>>) dst(%arg14 : memref<32x8x32xf32, #tpu.memory_space<vmem>>)
      %add3A_39 = arith.constant 1 : i32
      %add3A_40 = arith.addi %mul3A_16, %add3A_39 : i32
      %scan3A_41 = arith.constant 0 : i32
      %scan3A_42 = arith.constant 0 : i32
      %scan3A_43 = arith.constant 2 : i32
      %scan3A_44 = arith.addi %scan3A_42, %scan3A_43 : i32
      %scan3A_45 = arith.constant 1 : i32
      scf.for %scan3A_78 = %scan3A_42 to %scan3A_44 step %scan3A_45  : i32 {
        %mul3A_79 = arith.constant 16 : i32
        %mul3A_80 = arith.muli %scan3A_78, %mul3A_79 : i32
        %add3A_81 = vector.broadcast %mul3A_80 : i32 to vector<16xi32>
        %add3A_82 = arith.addi %iota3A, %add3A_81 : vector<16xi32>
        %mul3A_83 = arith.constant 16 : i32
        %mul3A_84 = arith.muli %scan3A_78, %mul3A_83 : i32
        %add3A_85 = arith.constant 32 : i32
        %add3A_86 = arith.addi %add3A_85, %mul3A_84 : i32
        %mul3A_87 = arith.constant 16 : i32
        %mul3A_88 = arith.muli %scan3A_78, %mul3A_87 : i32
        %get3A = arith.index_cast %add3A_40 : i32 to index
        %get3A_89 = arith.index_cast %mul3A_88 : i32 to index
        %get3A_90 = tpu.vector_load %arg10[%get3A, %get3A_89] {strides = array<i32>} : memref<16x32xi32, #tpu.memory_space<vmem>>, vector<16xi32>,
        %broadcast_in_dim3A = arith.constant 7 : i32
        %broadcast_in_dim3A_91 = vector.broadcast %broadcast_in_dim3A : i32 to vector<16xi32>
        %and3A = arith.andi %get3A_90, %broadcast_in_dim3A_91 : vector<16xi32>
        %broadcast_in_dim3A_92 = arith.constant 0 : i32
        %broadcast_in_dim3A_93 = vector.broadcast %broadcast_in_dim3A_92 : i32 to vector<16xi32>
        %gather3A = tpu.vector_load_idx %arg14[%add3A_82, %and3A, %broadcast_in_dim3A_93] : memref<32x8x32xf32, #tpu.memory_space<vmem>>[vector<16xi32>, vector<16xi32>, vector<16xi32>], vector<16xf32>,
        %swap3A = arith.constant 0 : i32
        %swap3A_94 = arith.index_cast %swap3A : i32 to index
        %swap3A_95 = arith.index_cast %add3A_86 : i32 to index
        %swap3A_96 = tpu.vector_load %arg17[%swap3A_94, %swap3A_95] {strides = array<i32>} : memref<64x128xf32, #tpu.memory_space<vmem>>, vector<16xf32>,
        tpu.vector_store %arg17[%swap3A_94, %swap3A_95], %gather3A {strides = array<i32>} : memref<64x128xf32, #tpu.memory_space<vmem>>, vector<16xf32>,
        %broadcast_in_dim3A_97 = arith.constant 1 : i32
        %broadcast_in_dim3A_98 = vector.broadcast %broadcast_in_dim3A_97 : i32 to vector<16xi32>
        %gather3A_99 = tpu.vector_load_idx %arg14[%add3A_82, %and3A, %broadcast_in_dim3A_98] : memref<32x8x32xf32, #tpu.memory_space<vmem>>[vector<16xi32>, vector<16xi32>, vector<16xi32>], vector<16xf32>,
        %swap3A_100 = arith.constant 1 : i32
        %swap3A_101 = arith.index_cast %swap3A_100 : i32 to index
        %swap3A_102 = arith.index_cast %add3A_86 : i32 to index
        %swap3A_103 = tpu.vector_load %arg17[%swap3A_101, %swap3A_102] {strides = array<i32>} : memref<64x128xf32, #tpu.memory_space<vmem>>, vector<16xf32>,
        tpu.vector_store %arg17[%swap3A_101, %swap3A_102], %gather3A_99 {strides = array<i32>} : memref<64x128xf32, #tpu.memory_space<vmem>>, vector<16xf32>,
        %broadcast_in_dim3A_104 = arith.constant 2 : i32
        %broadcast_in_dim3A_105 = vector.broadcast %broadcast_in_dim3A_104 : i32 to vector<16xi32>
        %gather3A_106 = tpu.vector_load_idx %arg14[%add3A_82, %and3A, %broadcast_in_dim3A_105] : memref<32x8x32xf32, #tpu.memory_space<vmem>>[vector<16xi32>, vector<16xi32>, vector<16xi32>], vector<16xf32>,
        %swap3A_107 = arith.constant 2 : i32
        %swap3A_108 = arith.index_cast %swap3A_107 : i32 to index
        %swap3A_109 = arith.index_cast %add3A_86 : i32 to index
        %swap3A_110 = tpu.vector_load %arg17[%swap3A_108, %swap3A_109] {strides = array<i32>} : memref<64x128xf32, #tpu.memory_space<vmem>>, vector<16xf32>,
        tpu.vector_store %arg17[%swap3A_108, %swap3A_109], %gather3A_106 {strides = array<i32>} : memref<64x128xf32, #tpu.memory_space<vmem>>, vector<16xf32>,
        %broadcast_in_dim3A_111 = arith.constant 3 : i32
        %broadcast_in_dim3A_112 = vector.broadcast %broadcast_in_dim3A_111 : i32 to vector<16xi32>
        %gather3A_113 = tpu.vector_load_idx %arg14[%add3A_82, %and3A, %broadcast_in_dim3A_112] : memref<32x8x32xf32, #tpu.memory_space<vmem>>[vector<16xi32>, vector<16xi32>, vector<16xi32>], vector<16xf32>,
        %swap3A_114 = arith.constant 3 : i32
        %swap3A_115 = arith.index_cast %swap3A_114 : i32 to index
        %swap3A_116 = arith.index_cast %add3A_86 : i32 to index
        %swap3A_117 = tpu.vector_load %arg17[%swap3A_115, %swap3A_116] {strides = array<i32>} : memref<64x128xf32, #tpu.memory_space<vmem>>, vector<16xf32>,
        tpu.vector_store %arg17[%swap3A_115, %swap3A_116], %gather3A_113 {strides = array<i32>} : memref<64x128xf32, #tpu.memory_space<vmem>>, vector<16xf32>,
        %broadcast_in_dim3A_118 = arith.constant 4 : i32
        %broadcast_in_dim3A_119 = vector.broadcast %broadcast_in_dim3A_118 : i32 to vector<16xi32>
        %gather3A_120 = tpu.vector_load_idx %arg14[%add3A_82, %and3A, %broadcast_in_dim3A_119] : memref<32x8x32xf32, #tpu.memory_space<vmem>>[vector<16xi32>, vector<16xi32>, vector<16xi32>], vector<16xf32>,
        %swap3A_121 = arith.constant 4 : i32
        %swap3A_122 = arith.index_cast %swap3A_121 : i32 to index
        %swap3A_123 = arith.index_cast %add3A_86 : i32 to index
        %swap3A_124 = tpu.vector_load %arg17[%swap3A_122, %swap3A_123] {strides = array<i32>} : memref<64x128xf32, #tpu.memory_space<vmem>>, vector<16xf32>,
        tpu.vector_store %arg17[%swap3A_122, %swap3A_123], %gather3A_120 {strides = array<i32>} : memref<64x128xf32, #tpu.memory_space<vmem>>, vector<16xf32>,
        %broadcast_in_dim3A_125 = arith.constant 5 : i32
        %broadcast_in_dim3A_126 = vector.broadcast %broadcast_in_dim3A_125 : i32 to vector<16xi32>
        %gather3A_127 = tpu.vector_load_idx %arg14[%add3A_82, %and3A, %broadcast_in_dim3A_126] : memref<32x8x32xf32, #tpu.memory_space<vmem>>[vector<16xi32>, vector<16xi32>, vector<16xi32>], vector<16xf32>,
        %swap3A_128 = arith.constant 5 : i32
        %swap3A_129 = arith.index_cast %swap3A_128 : i32 to index
        %swap3A_130 = arith.index_cast %add3A_86 : i32 to index
        %swap3A_131 = tpu.vector_load %arg17[%swap3A_129, %swap3A_130] {strides = array<i32>} : memref<64x128xf32, #tpu.memory_space<vmem>>, vector<16xf32>,
        tpu.vector_store %arg17[%swap3A_129, %swap3A_130], %gather3A_127 {strides = array<i32>} : memref<64x128xf32, #tpu.memory_space<vmem>>, vector<16xf32>,
        %broadcast_in_dim3A_132 = arith.constant 6 : i32
        %broadcast_in_dim3A_133 = vector.broadcast %broadcast_in_dim3A_132 : i32 to vector<16xi32>
        %gather3A_134 = tpu.vector_load_idx %arg14[%add3A_82, %and3A, %broadcast_in_dim3A_133] : memref<32x8x32xf32, #tpu.memory_space<vmem>>[vector<16xi32>, vector<16xi32>, vector<16xi32>], vector<16xf32>,
        %swap3A_135 = arith.constant 6 : i32
        %swap3A_136 = arith.index_cast %swap3A_135 : i32 to index
        %swap3A_137 = arith.index_cast %add3A_86 : i32 to index
        %swap3A_138 = tpu.vector_load %arg17[%swap3A_136, %swap3A_137] {strides = array<i32>} : memref<64x128xf32, #tpu.memory_space<vmem>>, vector<16xf32>,
        tpu.vector_store %arg17[%swap3A_136, %swap3A_137], %gather3A_134 {strides = array<i32>} : memref<64x128xf32, #tpu.memory_space<vmem>>, vector<16xf32>,
        %broadcast_in_dim3A_139 = arith.constant 7 : i32
        %broadcast_in_dim3A_140 = vector.broadcast %broadcast_in_dim3A_139 : i32 to vector<16xi32>
        %gather3A_141 = tpu.vector_load_idx %arg14[%add3A_82, %and3A, %broadcast_in_dim3A_140] : memref<32x8x32xf32, #tpu.memory_space<vmem>>[vector<16xi32>, vector<16xi32>, vector<16xi32>], vector<16xf32>,
        %swap3A_142 = arith.constant 7 : i32
        %swap3A_143 = arith.index_cast %swap3A_142 : i32 to index
        %swap3A_144 = arith.index_cast %add3A_86 : i32 to index
        %swap3A_145 = tpu.vector_load %arg17[%swap3A_143, %swap3A_144] {strides = array<i32>} : memref<64x128xf32, #tpu.memory_space<vmem>>, vector<16xf32>,
        tpu.vector_store %arg17[%swap3A_143, %swap3A_144], %gather3A_141 {strides = array<i32>} : memref<64x128xf32, #tpu.memory_space<vmem>>, vector<16xf32>,
        %broadcast_in_dim3A_146 = arith.constant 8 : i32
        %broadcast_in_dim3A_147 = vector.broadcast %broadcast_in_dim3A_146 : i32 to vector<16xi32>
        %gather3A_148 = tpu.vector_load_idx %arg14[%add3A_82, %and3A, %broadcast_in_dim3A_147] : memref<32x8x32xf32, #tpu.memory_space<vmem>>[vector<16xi32>, vector<16xi32>, vector<16xi32>], vector<16xf32>,
        %swap3A_149 = arith.constant 8 : i32
        %swap3A_150 = arith.index_cast %swap3A_149 : i32 to index
        %swap3A_151 = arith.index_cast %add3A_86 : i32 to index
        %swap3A_152 = tpu.vector_load %arg17[%swap3A_150, %swap3A_151] {strides = array<i32>} : memref<64x128xf32, #tpu.memory_space<vmem>>, vector<16xf32>,
        tpu.vector_store %arg17[%swap3A_150, %swap3A_151], %gather3A_148 {strides = array<i32>} : memref<64x128xf32, #tpu.memory_space<vmem>>, vector<16xf32>,
        %broadcast_in_dim3A_153 = arith.constant 9 : i32
        %broadcast_in_dim3A_154 = vector.broadcast %broadcast_in_dim3A_153 : i32 to vector<16xi32>
        %gather3A_155 = tpu.vector_load_idx %arg14[%add3A_82, %and3A, %broadcast_in_dim3A_154] : memref<32x8x32xf32, #tpu.memory_space<vmem>>[vector<16xi32>, vector<16xi32>, vector<16xi32>], vector<16xf32>,
        %swap3A_156 = arith.constant 9 : i32
        %swap3A_157 = arith.index_cast %swap3A_156 : i32 to index
        %swap3A_158 = arith.index_cast %add3A_86 : i32 to index
        %swap3A_159 = tpu.vector_load %arg17[%swap3A_157, %swap3A_158] {strides = array<i32>} : memref<64x128xf32, #tpu.memory_space<vmem>>, vector<16xf32>,
        tpu.vector_store %arg17[%swap3A_157, %swap3A_158], %gather3A_155 {strides = array<i32>} : memref<64x128xf32, #tpu.memory_space<vmem>>, vector<16xf32>,
        %broadcast_in_dim3A_160 = arith.constant 10 : i32
        %broadcast_in_dim3A_161 = vector.broadcast %broadcast_in_dim3A_160 : i32 to vector<16xi32>
        %gather3A_162 = tpu.vector_load_idx %arg14[%add3A_82, %and3A, %broadcast_in_dim3A_161] : memref<32x8x32xf32, #tpu.memory_space<vmem>>[vector<16xi32>, vector<16xi32>, vector<16xi32>], vector<16xf32>,
        %swap3A_163 = arith.constant 10 : i32
        %swap3A_164 = arith.index_cast %swap3A_163 : i32 to index
        %swap3A_165 = arith.index_cast %add3A_86 : i32 to index
        %swap3A_166 = tpu.vector_load %arg17[%swap3A_164, %swap3A_165] {strides = array<i32>} : memref<64x128xf32, #tpu.memory_space<vmem>>, vector<16xf32>,
        tpu.vector_store %arg17[%swap3A_164, %swap3A_165], %gather3A_162 {strides = array<i32>} : memref<64x128xf32, #tpu.memory_space<vmem>>, vector<16xf32>,
        %broadcast_in_dim3A_167 = arith.constant 11 : i32
        %broadcast_in_dim3A_168 = vector.broadcast %broadcast_in_dim3A_167 : i32 to vector<16xi32>
        %gather3A_169 = tpu.vector_load_idx %arg14[%add3A_82, %and3A, %broadcast_in_dim3A_168] : memref<32x8x32xf32, #tpu.memory_space<vmem>>[vector<16xi32>, vector<16xi32>, vector<16xi32>], vector<16xf32>,
        %swap3A_170 = arith.constant 11 : i32
        %swap3A_171 = arith.index_cast %swap3A_170 : i32 to index
        %swap3A_172 = arith.index_cast %add3A_86 : i32 to index
        %swap3A_173 = tpu.vector_load %arg17[%swap3A_171, %swap3A_172] {strides = array<i32>} : memref<64x128xf32, #tpu.memory_space<vmem>>, vector<16xf32>,
        tpu.vector_store %arg17[%swap3A_171, %swap3A_172], %gather3A_169 {strides = array<i32>} : memref<64x128xf32, #tpu.memory_space<vmem>>, vector<16xf32>,
        %broadcast_in_dim3A_174 = arith.constant 12 : i32
        %broadcast_in_dim3A_175 = vector.broadcast %broadcast_in_dim3A_174 : i32 to vector<16xi32>
        %gather3A_176 = tpu.vector_load_idx %arg14[%add3A_82, %and3A, %broadcast_in_dim3A_175] : memref<32x8x32xf32, #tpu.memory_space<vmem>>[vector<16xi32>, vector<16xi32>, vector<16xi32>], vector<16xf32>,
        %swap3A_177 = arith.constant 12 : i32
        %swap3A_178 = arith.index_cast %swap3A_177 : i32 to index
        %swap3A_179 = arith.index_cast %add3A_86 : i32 to index
        %swap3A_180 = tpu.vector_load %arg17[%swap3A_178, %swap3A_179] {strides = array<i32>} : memref<64x128xf32, #tpu.memory_space<vmem>>, vector<16xf32>,
        tpu.vector_store %arg17[%swap3A_178, %swap3A_179], %gather3A_176 {strides = array<i32>} : memref<64x128xf32, #tpu.memory_space<vmem>>, vector<16xf32>,
        %broadcast_in_dim3A_181 = arith.constant 13 : i32
        %broadcast_in_dim3A_182 = vector.broadcast %broadcast_in_dim3A_181 : i32 to vector<16xi32>
        %gather3A_183 = tpu.vector_load_idx %arg14[%add3A_82, %and3A, %broadcast_in_dim3A_182] : memref<32x8x32xf32, #tpu.memory_space<vmem>>[vector<16xi32>, vector<16xi32>, vector<16xi32>], vector<16xf32>,
        %swap3A_184 = arith.constant 13 : i32
        %swap3A_185 = arith.index_cast %swap3A_184 : i32 to index
        %swap3A_186 = arith.index_cast %add3A_86 : i32 to index
        %swap3A_187 = tpu.vector_load %arg17[%swap3A_185, %swap3A_186] {strides = array<i32>} : memref<64x128xf32, #tpu.memory_space<vmem>>, vector<16xf32>,
        tpu.vector_store %arg17[%swap3A_185, %swap3A_186], %gather3A_183 {strides = array<i32>} : memref<64x128xf32, #tpu.memory_space<vmem>>, vector<16xf32>,
        %broadcast_in_dim3A_188 = arith.constant 14 : i32
        %broadcast_in_dim3A_189 = vector.broadcast %broadcast_in_dim3A_188 : i32 to vector<16xi32>
        %gather3A_190 = tpu.vector_load_idx %arg14[%add3A_82, %and3A, %broadcast_in_dim3A_189] : memref<32x8x32xf32, #tpu.memory_space<vmem>>[vector<16xi32>, vector<16xi32>, vector<16xi32>], vector<16xf32>,
        %swap3A_191 = arith.constant 14 : i32
        %swap3A_192 = arith.index_cast %swap3A_191 : i32 to index
        %swap3A_193 = arith.index_cast %add3A_86 : i32 to index
        %swap3A_194 = tpu.vector_load %arg17[%swap3A_192, %swap3A_193] {strides = array<i32>} : memref<64x128xf32, #tpu.memory_space<vmem>>, vector<16xf32>,
        tpu.vector_store %arg17[%swap3A_192, %swap3A_193], %gather3A_190 {strides = array<i32>} : memref<64x128xf32, #tpu.memory_space<vmem>>, vector<16xf32>,
        %broadcast_in_dim3A_195 = arith.constant 15 : i32
        %broadcast_in_dim3A_196 = vector.broadcast %broadcast_in_dim3A_195 : i32 to vector<16xi32>
        %gather3A_197 = tpu.vector_load_idx %arg14[%add3A_82, %and3A, %broadcast_in_dim3A_196] : memref<32x8x32xf32, #tpu.memory_space<vmem>>[vector<16xi32>, vector<16xi32>, vector<16xi32>], vector<16xf32>,
        %swap3A_198 = arith.constant 15 : i32
        %swap3A_199 = arith.index_cast %swap3A_198 : i32 to index
        %swap3A_200 = arith.index_cast %add3A_86 : i32 to index
        %swap3A_201 = tpu.vector_load %arg17[%swap3A_199, %swap3A_200] {strides = array<i32>} : memref<64x128xf32, #tpu.memory_space<vmem>>, vector<16xf32>,
        tpu.vector_store %arg17[%swap3A_199, %swap3A_200], %gather3A_197 {strides = array<i32>} : memref<64x128xf32, #tpu.memory_space<vmem>>, vector<16xf32>,
        %broadcast_in_dim3A_202 = arith.constant 16 : i32
        %broadcast_in_dim3A_203 = vector.broadcast %broadcast_in_dim3A_202 : i32 to vector<16xi32>
        %gather3A_204 = tpu.vector_load_idx %arg14[%add3A_82, %and3A, %broadcast_in_dim3A_203] : memref<32x8x32xf32, #tpu.memory_space<vmem>>[vector<16xi32>, vector<16xi32>, vector<16xi32>], vector<16xf32>,
        %swap3A_205 = arith.constant 16 : i32
        %swap3A_206 = arith.index_cast %swap3A_205 : i32 to index
        %swap3A_207 = arith.index_cast %add3A_86 : i32 to index
        %swap3A_208 = tpu.vector_load %arg17[%swap3A_206, %swap3A_207] {strides = array<i32>} : memref<64x128xf32, #tpu.memory_space<vmem>>, vector<16xf32>,
        tpu.vector_store %arg17[%swap3A_206, %swap3A_207], %gather3A_204 {strides = array<i32>} : memref<64x128xf32, #tpu.memory_space<vmem>>, vector<16xf32>,
        %broadcast_in_dim3A_209 = arith.constant 17 : i32
        %broadcast_in_dim3A_210 = vector.broadcast %broadcast_in_dim3A_209 : i32 to vector<16xi32>
        %gather3A_211 = tpu.vector_load_idx %arg14[%add3A_82, %and3A, %broadcast_in_dim3A_210] : memref<32x8x32xf32, #tpu.memory_space<vmem>>[vector<16xi32>, vector<16xi32>, vector<16xi32>], vector<16xf32>,
        %swap3A_212 = arith.constant 17 : i32
        %swap3A_213 = arith.index_cast %swap3A_212 : i32 to index
        %swap3A_214 = arith.index_cast %add3A_86 : i32 to index
        %swap3A_215 = tpu.vector_load %arg17[%swap3A_213, %swap3A_214] {strides = array<i32>} : memref<64x128xf32, #tpu.memory_space<vmem>>, vector<16xf32>,
        tpu.vector_store %arg17[%swap3A_213, %swap3A_214], %gather3A_211 {strides = array<i32>} : memref<64x128xf32, #tpu.memory_space<vmem>>, vector<16xf32>,
        %broadcast_in_dim3A_216 = arith.constant 18 : i32
        %broadcast_in_dim3A_217 = vector.broadcast %broadcast_in_dim3A_216 : i32 to vector<16xi32>
        %gather3A_218 = tpu.vector_load_idx %arg14[%add3A_82, %and3A, %broadcast_in_dim3A_217] : memref<32x8x32xf32, #tpu.memory_space<vmem>>[vector<16xi32>, vector<16xi32>, vector<16xi32>], vector<16xf32>,
        %swap3A_219 = arith.constant 18 : i32
        %swap3A_220 = arith.index_cast %swap3A_219 : i32 to index
        %swap3A_221 = arith.index_cast %add3A_86 : i32 to index
        %swap3A_222 = tpu.vector_load %arg17[%swap3A_220, %swap3A_221] {strides = array<i32>} : memref<64x128xf32, #tpu.memory_space<vmem>>, vector<16xf32>,
        tpu.vector_store %arg17[%swap3A_220, %swap3A_221], %gather3A_218 {strides = array<i32>} : memref<64x128xf32, #tpu.memory_space<vmem>>, vector<16xf32>,
        %broadcast_in_dim3A_223 = arith.constant 19 : i32
        %broadcast_in_dim3A_224 = vector.broadcast %broadcast_in_dim3A_223 : i32 to vector<16xi32>
        %gather3A_225 = tpu.vector_load_idx %arg14[%add3A_82, %and3A, %broadcast_in_dim3A_224] : memref<32x8x32xf32, #tpu.memory_space<vmem>>[vector<16xi32>, vector<16xi32>, vector<16xi32>], vector<16xf32>,
        %swap3A_226 = arith.constant 19 : i32
        %swap3A_227 = arith.index_cast %swap3A_226 : i32 to index
        %swap3A_228 = arith.index_cast %add3A_86 : i32 to index
        %swap3A_229 = tpu.vector_load %arg17[%swap3A_227, %swap3A_228] {strides = array<i32>} : memref<64x128xf32, #tpu.memory_space<vmem>>, vector<16xf32>,
        tpu.vector_store %arg17[%swap3A_227, %swap3A_228], %gather3A_225 {strides = array<i32>} : memref<64x128xf32, #tpu.memory_space<vmem>>, vector<16xf32>,
        %broadcast_in_dim3A_230 = arith.constant 20 : i32
        %broadcast_in_dim3A_231 = vector.broadcast %broadcast_in_dim3A_230 : i32 to vector<16xi32>
        %gather3A_232 = tpu.vector_load_idx %arg14[%add3A_82, %and3A, %broadcast_in_dim3A_231] : memref<32x8x32xf32, #tpu.memory_space<vmem>>[vector<16xi32>, vector<16xi32>, vector<16xi32>], vector<16xf32>,
        %swap3A_233 = arith.constant 20 : i32
        %swap3A_234 = arith.index_cast %swap3A_233 : i32 to index
        %swap3A_235 = arith.index_cast %add3A_86 : i32 to index
        %swap3A_236 = tpu.vector_load %arg17[%swap3A_234, %swap3A_235] {strides = array<i32>} : memref<64x128xf32, #tpu.memory_space<vmem>>, vector<16xf32>,
        tpu.vector_store %arg17[%swap3A_234, %swap3A_235], %gather3A_232 {strides = array<i32>} : memref<64x128xf32, #tpu.memory_space<vmem>>, vector<16xf32>,
        %broadcast_in_dim3A_237 = arith.constant 21 : i32
        %broadcast_in_dim3A_238 = vector.broadcast %broadcast_in_dim3A_237 : i32 to vector<16xi32>
        %gather3A_239 = tpu.vector_load_idx %arg14[%add3A_82, %and3A, %broadcast_in_dim3A_238] : memref<32x8x32xf32, #tpu.memory_space<vmem>>[vector<16xi32>, vector<16xi32>, vector<16xi32>], vector<16xf32>,
        %swap3A_240 = arith.constant 21 : i32
        %swap3A_241 = arith.index_cast %swap3A_240 : i32 to index
        %swap3A_242 = arith.index_cast %add3A_86 : i32 to index
        %swap3A_243 = tpu.vector_load %arg17[%swap3A_241, %swap3A_242] {strides = array<i32>} : memref<64x128xf32, #tpu.memory_space<vmem>>, vector<16xf32>,
        tpu.vector_store %arg17[%swap3A_241, %swap3A_242], %gather3A_239 {strides = array<i32>} : memref<64x128xf32, #tpu.memory_space<vmem>>, vector<16xf32>,
        %broadcast_in_dim3A_244 = arith.constant 22 : i32
        %broadcast_in_dim3A_245 = vector.broadcast %broadcast_in_dim3A_244 : i32 to vector<16xi32>
        %gather3A_246 = tpu.vector_load_idx %arg14[%add3A_82, %and3A, %broadcast_in_dim3A_245] : memref<32x8x32xf32, #tpu.memory_space<vmem>>[vector<16xi32>, vector<16xi32>, vector<16xi32>], vector<16xf32>,
        %swap3A_247 = arith.constant 22 : i32
        %swap3A_248 = arith.index_cast %swap3A_247 : i32 to index
        %swap3A_249 = arith.index_cast %add3A_86 : i32 to index
        %swap3A_250 = tpu.vector_load %arg17[%swap3A_248, %swap3A_249] {strides = array<i32>} : memref<64x128xf32, #tpu.memory_space<vmem>>, vector<16xf32>,
        tpu.vector_store %arg17[%swap3A_248, %swap3A_249], %gather3A_246 {strides = array<i32>} : memref<64x128xf32, #tpu.memory_space<vmem>>, vector<16xf32>,
        %broadcast_in_dim3A_251 = arith.constant 23 : i32
        %broadcast_in_dim3A_252 = vector.broadcast %broadcast_in_dim3A_251 : i32 to vector<16xi32>
        %gather3A_253 = tpu.vector_load_idx %arg14[%add3A_82, %and3A, %broadcast_in_dim3A_252] : memref<32x8x32xf32, #tpu.memory_space<vmem>>[vector<16xi32>, vector<16xi32>, vector<16xi32>], vector<16xf32>,
        %swap3A_254 = arith.constant 23 : i32
        %swap3A_255 = arith.index_cast %swap3A_254 : i32 to index
        %swap3A_256 = arith.index_cast %add3A_86 : i32 to index
        %swap3A_257 = tpu.vector_load %arg17[%swap3A_255, %swap3A_256] {strides = array<i32>} : memref<64x128xf32, #tpu.memory_space<vmem>>, vector<16xf32>,
        tpu.vector_store %arg17[%swap3A_255, %swap3A_256], %gather3A_253 {strides = array<i32>} : memref<64x128xf32, #tpu.memory_space<vmem>>, vector<16xf32>,
        %broadcast_in_dim3A_258 = arith.constant 24 : i32
        %broadcast_in_dim3A_259 = vector.broadcast %broadcast_in_dim3A_258 : i32 to vector<16xi32>
        %gather3A_260 = tpu.vector_load_idx %arg14[%add3A_82, %and3A, %broadcast_in_dim3A_259] : memref<32x8x32xf32, #tpu.memory_space<vmem>>[vector<16xi32>, vector<16xi32>, vector<16xi32>], vector<16xf32>,
        %swap3A_261 = arith.constant 24 : i32
        %swap3A_262 = arith.index_cast %swap3A_261 : i32 to index
        %swap3A_263 = arith.index_cast %add3A_86 : i32 to index
        %swap3A_264 = tpu.vector_load %arg17[%swap3A_262, %swap3A_263] {strides = array<i32>} : memref<64x128xf32, #tpu.memory_space<vmem>>, vector<16xf32>,
        tpu.vector_store %arg17[%swap3A_262, %swap3A_263], %gather3A_260 {strides = array<i32>} : memref<64x128xf32, #tpu.memory_space<vmem>>, vector<16xf32>,
        %broadcast_in_dim3A_265 = arith.constant 25 : i32
        %broadcast_in_dim3A_266 = vector.broadcast %broadcast_in_dim3A_265 : i32 to vector<16xi32>
        %gather3A_267 = tpu.vector_load_idx %arg14[%add3A_82, %and3A, %broadcast_in_dim3A_266] : memref<32x8x32xf32, #tpu.memory_space<vmem>>[vector<16xi32>, vector<16xi32>, vector<16xi32>], vector<16xf32>,
        %swap3A_268 = arith.constant 25 : i32
        %swap3A_269 = arith.index_cast %swap3A_268 : i32 to index
        %swap3A_270 = arith.index_cast %add3A_86 : i32 to index
        %swap3A_271 = tpu.vector_load %arg17[%swap3A_269, %swap3A_270] {strides = array<i32>} : memref<64x128xf32, #tpu.memory_space<vmem>>, vector<16xf32>,
        tpu.vector_store %arg17[%swap3A_269, %swap3A_270], %gather3A_267 {strides = array<i32>} : memref<64x128xf32, #tpu.memory_space<vmem>>, vector<16xf32>,
        %broadcast_in_dim3A_272 = arith.constant 26 : i32
        %broadcast_in_dim3A_273 = vector.broadcast %broadcast_in_dim3A_272 : i32 to vector<16xi32>
        %gather3A_274 = tpu.vector_load_idx %arg14[%add3A_82, %and3A, %broadcast_in_dim3A_273] : memref<32x8x32xf32, #tpu.memory_space<vmem>>[vector<16xi32>, vector<16xi32>, vector<16xi32>], vector<16xf32>,
        %swap3A_275 = arith.constant 26 : i32
        %swap3A_276 = arith.index_cast %swap3A_275 : i32 to index
        %swap3A_277 = arith.index_cast %add3A_86 : i32 to index
        %swap3A_278 = tpu.vector_load %arg17[%swap3A_276, %swap3A_277] {strides = array<i32>} : memref<64x128xf32, #tpu.memory_space<vmem>>, vector<16xf32>,
        tpu.vector_store %arg17[%swap3A_276, %swap3A_277], %gather3A_274 {strides = array<i32>} : memref<64x128xf32, #tpu.memory_space<vmem>>, vector<16xf32>,
        %broadcast_in_dim3A_279 = arith.constant 27 : i32
        %broadcast_in_dim3A_280 = vector.broadcast %broadcast_in_dim3A_279 : i32 to vector<16xi32>
        %gather3A_281 = tpu.vector_load_idx %arg14[%add3A_82, %and3A, %broadcast_in_dim3A_280] : memref<32x8x32xf32, #tpu.memory_space<vmem>>[vector<16xi32>, vector<16xi32>, vector<16xi32>], vector<16xf32>,
        %swap3A_282 = arith.constant 27 : i32
        %swap3A_283 = arith.index_cast %swap3A_282 : i32 to index
        %swap3A_284 = arith.index_cast %add3A_86 : i32 to index
        %swap3A_285 = tpu.vector_load %arg17[%swap3A_283, %swap3A_284] {strides = array<i32>} : memref<64x128xf32, #tpu.memory_space<vmem>>, vector<16xf32>,
        tpu.vector_store %arg17[%swap3A_283, %swap3A_284], %gather3A_281 {strides = array<i32>} : memref<64x128xf32, #tpu.memory_space<vmem>>, vector<16xf32>,
        %broadcast_in_dim3A_286 = arith.constant 28 : i32
        %broadcast_in_dim3A_287 = vector.broadcast %broadcast_in_dim3A_286 : i32 to vector<16xi32>
        %gather3A_288 = tpu.vector_load_idx %arg14[%add3A_82, %and3A, %broadcast_in_dim3A_287] : memref<32x8x32xf32, #tpu.memory_space<vmem>>[vector<16xi32>, vector<16xi32>, vector<16xi32>], vector<16xf32>,
        %swap3A_289 = arith.constant 28 : i32
        %swap3A_290 = arith.index_cast %swap3A_289 : i32 to index
        %swap3A_291 = arith.index_cast %add3A_86 : i32 to index
        %swap3A_292 = tpu.vector_load %arg17[%swap3A_290, %swap3A_291] {strides = array<i32>} : memref<64x128xf32, #tpu.memory_space<vmem>>, vector<16xf32>,
        tpu.vector_store %arg17[%swap3A_290, %swap3A_291], %gather3A_288 {strides = array<i32>} : memref<64x128xf32, #tpu.memory_space<vmem>>, vector<16xf32>,
        %broadcast_in_dim3A_293 = arith.constant 29 : i32
        %broadcast_in_dim3A_294 = vector.broadcast %broadcast_in_dim3A_293 : i32 to vector<16xi32>
        %gather3A_295 = tpu.vector_load_idx %arg14[%add3A_82, %and3A, %broadcast_in_dim3A_294] : memref<32x8x32xf32, #tpu.memory_space<vmem>>[vector<16xi32>, vector<16xi32>, vector<16xi32>], vector<16xf32>,
        %swap3A_296 = arith.constant 29 : i32
        %swap3A_297 = arith.index_cast %swap3A_296 : i32 to index
        %swap3A_298 = arith.index_cast %add3A_86 : i32 to index
        %swap3A_299 = tpu.vector_load %arg17[%swap3A_297, %swap3A_298] {strides = array<i32>} : memref<64x128xf32, #tpu.memory_space<vmem>>, vector<16xf32>,
        tpu.vector_store %arg17[%swap3A_297, %swap3A_298], %gather3A_295 {strides = array<i32>} : memref<64x128xf32, #tpu.memory_space<vmem>>, vector<16xf32>,
        %broadcast_in_dim3A_300 = arith.constant 30 : i32
        %broadcast_in_dim3A_301 = vector.broadcast %broadcast_in_dim3A_300 : i32 to vector<16xi32>
        %gather3A_302 = tpu.vector_load_idx %arg14[%add3A_82, %and3A, %broadcast_in_dim3A_301] : memref<32x8x32xf32, #tpu.memory_space<vmem>>[vector<16xi32>, vector<16xi32>, vector<16xi32>], vector<16xf32>,
        %swap3A_303 = arith.constant 30 : i32
        %swap3A_304 = arith.index_cast %swap3A_303 : i32 to index
        %swap3A_305 = arith.index_cast %add3A_86 : i32 to index
        %swap3A_306 = tpu.vector_load %arg17[%swap3A_304, %swap3A_305] {strides = array<i32>} : memref<64x128xf32, #tpu.memory_space<vmem>>, vector<16xf32>,
        tpu.vector_store %arg17[%swap3A_304, %swap3A_305], %gather3A_302 {strides = array<i32>} : memref<64x128xf32, #tpu.memory_space<vmem>>, vector<16xf32>,
        %broadcast_in_dim3A_307 = arith.constant 31 : i32
        %broadcast_in_dim3A_308 = vector.broadcast %broadcast_in_dim3A_307 : i32 to vector<16xi32>
        %gather3A_309 = tpu.vector_load_idx %arg14[%add3A_82, %and3A, %broadcast_in_dim3A_308] : memref<32x8x32xf32, #tpu.memory_space<vmem>>[vector<16xi32>, vector<16xi32>, vector<16xi32>], vector<16xf32>,
        %swap3A_310 = arith.constant 31 : i32
        %swap3A_311 = arith.index_cast %swap3A_310 : i32 to index
        %swap3A_312 = arith.index_cast %add3A_86 : i32 to index
        %swap3A_313 = tpu.vector_load %arg17[%swap3A_311, %swap3A_312] {strides = array<i32>} : memref<64x128xf32, #tpu.memory_space<vmem>>, vector<16xf32>,
        tpu.vector_store %arg17[%swap3A_311, %swap3A_312], %gather3A_309 {strides = array<i32>} : memref<64x128xf32, #tpu.memory_space<vmem>>, vector<16xf32>,
        %mul3A_314 = arith.constant 16 : i32
        %mul3A_315 = arith.muli %scan3A_78, %mul3A_314 : i32
        %get3A_316 = arith.index_cast %add3A_40 : i32 to index
        %get3A_317 = arith.index_cast %mul3A_315 : i32 to index
        %get3A_318 = tpu.vector_load %arg11[%get3A_316, %get3A_317] {strides = array<i32>} : memref<16x32xi32, #tpu.memory_space<vmem>>, vector<16xi32>,
        %broadcast_in_dim3A_319 = arith.constant 3 : i32
        %broadcast_in_dim3A_320 = vector.broadcast %broadcast_in_dim3A_319 : i32 to vector<16xi32>
        %shift_right_logical3A = arith.shrui %get3A_318, %broadcast_in_dim3A_320 : vector<16xi32>
        %broadcast_in_dim3A_321 = arith.constant 7 : i32
        %broadcast_in_dim3A_322 = vector.broadcast %broadcast_in_dim3A_321 : i32 to vector<16xi32>
        %and3A_323 = arith.andi %get3A_318, %broadcast_in_dim3A_322 : vector<16xi32>
        %broadcast_in_dim3A_324 = arith.constant 4 : i32
        %broadcast_in_dim3A_325 = vector.broadcast %broadcast_in_dim3A_324 : i32 to vector<16xi32>
        %shift_left3A = arith.shli %and3A_323, %broadcast_in_dim3A_325 : vector<16xi32>
        %broadcast_in_dim3A_326 = arith.constant 0 : i32
        %broadcast_in_dim3A_327 = vector.broadcast %broadcast_in_dim3A_326 : i32 to vector<16xi32>
        %add3A_328 = arith.addi %shift_left3A, %broadcast_in_dim3A_327 : vector<16xi32>
        %gather3A_329 = tpu.vector_load_idx %arg15[%shift_right_logical3A, %add3A_328] : memref<125x128xf32, #tpu.memory_space<vmem>>[vector<16xi32>, vector<16xi32>], vector<16xf32>,
        %swap3A_330 = arith.constant 32 : i32
        %swap3A_331 = arith.index_cast %swap3A_330 : i32 to index
        %swap3A_332 = arith.index_cast %add3A_86 : i32 to index
        %swap3A_333 = tpu.vector_load %arg17[%swap3A_331, %swap3A_332] {strides = array<i32>} : memref<64x128xf32, #tpu.memory_space<vmem>>, vector<16xf32>,
        tpu.vector_store %arg17[%swap3A_331, %swap3A_332], %gather3A_329 {strides = array<i32>} : memref<64x128xf32, #tpu.memory_space<vmem>>, vector<16xf32>,
        %broadcast_in_dim3A_334 = arith.constant 1 : i32
        %broadcast_in_dim3A_335 = vector.broadcast %broadcast_in_dim3A_334 : i32 to vector<16xi32>
        %add3A_336 = arith.addi %shift_left3A, %broadcast_in_dim3A_335 : vector<16xi32>
        %gather3A_337 = tpu.vector_load_idx %arg15[%shift_right_logical3A, %add3A_336] : memref<125x128xf32, #tpu.memory_space<vmem>>[vector<16xi32>, vector<16xi32>], vector<16xf32>,
        %swap3A_338 = arith.constant 33 : i32
        %swap3A_339 = arith.index_cast %swap3A_338 : i32 to index
        %swap3A_340 = arith.index_cast %add3A_86 : i32 to index
        %swap3A_341 = tpu.vector_load %arg17[%swap3A_339, %swap3A_340] {strides = array<i32>} : memref<64x128xf32, #tpu.memory_space<vmem>>, vector<16xf32>,
        tpu.vector_store %arg17[%swap3A_339, %swap3A_340], %gather3A_337 {strides = array<i32>} : memref<64x128xf32, #tpu.memory_space<vmem>>, vector<16xf32>,
        %broadcast_in_dim3A_342 = arith.constant 2 : i32
        %broadcast_in_dim3A_343 = vector.broadcast %broadcast_in_dim3A_342 : i32 to vector<16xi32>
        %add3A_344 = arith.addi %shift_left3A, %broadcast_in_dim3A_343 : vector<16xi32>
        %gather3A_345 = tpu.vector_load_idx %arg15[%shift_right_logical3A, %add3A_344] : memref<125x128xf32, #tpu.memory_space<vmem>>[vector<16xi32>, vector<16xi32>], vector<16xf32>,
        %swap3A_346 = arith.constant 34 : i32
        %swap3A_347 = arith.index_cast %swap3A_346 : i32 to index
        %swap3A_348 = arith.index_cast %add3A_86 : i32 to index
        %swap3A_349 = tpu.vector_load %arg17[%swap3A_347, %swap3A_348] {strides = array<i32>} : memref<64x128xf32, #tpu.memory_space<vmem>>, vector<16xf32>,
        tpu.vector_store %arg17[%swap3A_347, %swap3A_348], %gather3A_345 {strides = array<i32>} : memref<64x128xf32, #tpu.memory_space<vmem>>, vector<16xf32>,
        %broadcast_in_dim3A_350 = arith.constant 3 : i32
        %broadcast_in_dim3A_351 = vector.broadcast %broadcast_in_dim3A_350 : i32 to vector<16xi32>
        %add3A_352 = arith.addi %shift_left3A, %broadcast_in_dim3A_351 : vector<16xi32>
        %gather3A_353 = tpu.vector_load_idx %arg15[%shift_right_logical3A, %add3A_352] : memref<125x128xf32, #tpu.memory_space<vmem>>[vector<16xi32>, vector<16xi32>], vector<16xf32>,
        %swap3A_354 = arith.constant 35 : i32
        %swap3A_355 = arith.index_cast %swap3A_354 : i32 to index
        %swap3A_356 = arith.index_cast %add3A_86 : i32 to index
        %swap3A_357 = tpu.vector_load %arg17[%swap3A_355, %swap3A_356] {strides = array<i32>} : memref<64x128xf32, #tpu.memory_space<vmem>>, vector<16xf32>,
        tpu.vector_store %arg17[%swap3A_355, %swap3A_356], %gather3A_353 {strides = array<i32>} : memref<64x128xf32, #tpu.memory_space<vmem>>, vector<16xf32>,
        %broadcast_in_dim3A_358 = arith.constant 4 : i32
        %broadcast_in_dim3A_359 = vector.broadcast %broadcast_in_dim3A_358 : i32 to vector<16xi32>
        %add3A_360 = arith.addi %shift_left3A, %broadcast_in_dim3A_359 : vector<16xi32>
        %gather3A_361 = tpu.vector_load_idx %arg15[%shift_right_logical3A, %add3A_360] : memref<125x128xf32, #tpu.memory_space<vmem>>[vector<16xi32>, vector<16xi32>], vector<16xf32>,
        %swap3A_362 = arith.constant 36 : i32
        %swap3A_363 = arith.index_cast %swap3A_362 : i32 to index
        %swap3A_364 = arith.index_cast %add3A_86 : i32 to index
        %swap3A_365 = tpu.vector_load %arg17[%swap3A_363, %swap3A_364] {strides = array<i32>} : memref<64x128xf32, #tpu.memory_space<vmem>>, vector<16xf32>,
        tpu.vector_store %arg17[%swap3A_363, %swap3A_364], %gather3A_361 {strides = array<i32>} : memref<64x128xf32, #tpu.memory_space<vmem>>, vector<16xf32>,
        %broadcast_in_dim3A_366 = arith.constant 5 : i32
        %broadcast_in_dim3A_367 = vector.broadcast %broadcast_in_dim3A_366 : i32 to vector<16xi32>
        %add3A_368 = arith.addi %shift_left3A, %broadcast_in_dim3A_367 : vector<16xi32>
        %gather3A_369 = tpu.vector_load_idx %arg15[%shift_right_logical3A, %add3A_368] : memref<125x128xf32, #tpu.memory_space<vmem>>[vector<16xi32>, vector<16xi32>], vector<16xf32>,
        %swap3A_370 = arith.constant 37 : i32
        %swap3A_371 = arith.index_cast %swap3A_370 : i32 to index
        %swap3A_372 = arith.index_cast %add3A_86 : i32 to index
        %swap3A_373 = tpu.vector_load %arg17[%swap3A_371, %swap3A_372] {strides = array<i32>} : memref<64x128xf32, #tpu.memory_space<vmem>>, vector<16xf32>,
        tpu.vector_store %arg17[%swap3A_371, %swap3A_372], %gather3A_369 {strides = array<i32>} : memref<64x128xf32, #tpu.memory_space<vmem>>, vector<16xf32>,
        %broadcast_in_dim3A_374 = arith.constant 6 : i32
        %broadcast_in_dim3A_375 = vector.broadcast %broadcast_in_dim3A_374 : i32 to vector<16xi32>
        %add3A_376 = arith.addi %shift_left3A, %broadcast_in_dim3A_375 : vector<16xi32>
        %gather3A_377 = tpu.vector_load_idx %arg15[%shift_right_logical3A, %add3A_376] : memref<125x128xf32, #tpu.memory_space<vmem>>[vector<16xi32>, vector<16xi32>], vector<16xf32>,
        %swap3A_378 = arith.constant 38 : i32
        %swap3A_379 = arith.index_cast %swap3A_378 : i32 to index
        %swap3A_380 = arith.index_cast %add3A_86 : i32 to index
        %swap3A_381 = tpu.vector_load %arg17[%swap3A_379, %swap3A_380] {strides = array<i32>} : memref<64x128xf32, #tpu.memory_space<vmem>>, vector<16xf32>,
        tpu.vector_store %arg17[%swap3A_379, %swap3A_380], %gather3A_377 {strides = array<i32>} : memref<64x128xf32, #tpu.memory_space<vmem>>, vector<16xf32>,
        %broadcast_in_dim3A_382 = arith.constant 7 : i32
        %broadcast_in_dim3A_383 = vector.broadcast %broadcast_in_dim3A_382 : i32 to vector<16xi32>
        %add3A_384 = arith.addi %shift_left3A, %broadcast_in_dim3A_383 : vector<16xi32>
        %gather3A_385 = tpu.vector_load_idx %arg15[%shift_right_logical3A, %add3A_384] : memref<125x128xf32, #tpu.memory_space<vmem>>[vector<16xi32>, vector<16xi32>], vector<16xf32>,
        %swap3A_386 = arith.constant 39 : i32
        %swap3A_387 = arith.index_cast %swap3A_386 : i32 to index
        %swap3A_388 = arith.index_cast %add3A_86 : i32 to index
        %swap3A_389 = tpu.vector_load %arg17[%swap3A_387, %swap3A_388] {strides = array<i32>} : memref<64x128xf32, #tpu.memory_space<vmem>>, vector<16xf32>,
        tpu.vector_store %arg17[%swap3A_387, %swap3A_388], %gather3A_385 {strides = array<i32>} : memref<64x128xf32, #tpu.memory_space<vmem>>, vector<16xf32>,
        %broadcast_in_dim3A_390 = arith.constant 8 : i32
        %broadcast_in_dim3A_391 = vector.broadcast %broadcast_in_dim3A_390 : i32 to vector<16xi32>
        %add3A_392 = arith.addi %shift_left3A, %broadcast_in_dim3A_391 : vector<16xi32>
        %gather3A_393 = tpu.vector_load_idx %arg15[%shift_right_logical3A, %add3A_392] : memref<125x128xf32, #tpu.memory_space<vmem>>[vector<16xi32>, vector<16xi32>], vector<16xf32>,
        %swap3A_394 = arith.constant 40 : i32
        %swap3A_395 = arith.index_cast %swap3A_394 : i32 to index
        %swap3A_396 = arith.index_cast %add3A_86 : i32 to index
        %swap3A_397 = tpu.vector_load %arg17[%swap3A_395, %swap3A_396] {strides = array<i32>} : memref<64x128xf32, #tpu.memory_space<vmem>>, vector<16xf32>,
        tpu.vector_store %arg17[%swap3A_395, %swap3A_396], %gather3A_393 {strides = array<i32>} : memref<64x128xf32, #tpu.memory_space<vmem>>, vector<16xf32>,
        %broadcast_in_dim3A_398 = arith.constant 9 : i32
        %broadcast_in_dim3A_399 = vector.broadcast %broadcast_in_dim3A_398 : i32 to vector<16xi32>
        %add3A_400 = arith.addi %shift_left3A, %broadcast_in_dim3A_399 : vector<16xi32>
        %gather3A_401 = tpu.vector_load_idx %arg15[%shift_right_logical3A, %add3A_400] : memref<125x128xf32, #tpu.memory_space<vmem>>[vector<16xi32>, vector<16xi32>], vector<16xf32>,
        %swap3A_402 = arith.constant 41 : i32
        %swap3A_403 = arith.index_cast %swap3A_402 : i32 to index
        %swap3A_404 = arith.index_cast %add3A_86 : i32 to index
        %swap3A_405 = tpu.vector_load %arg17[%swap3A_403, %swap3A_404] {strides = array<i32>} : memref<64x128xf32, #tpu.memory_space<vmem>>, vector<16xf32>,
        tpu.vector_store %arg17[%swap3A_403, %swap3A_404], %gather3A_401 {strides = array<i32>} : memref<64x128xf32, #tpu.memory_space<vmem>>, vector<16xf32>,
        %broadcast_in_dim3A_406 = arith.constant 10 : i32
        %broadcast_in_dim3A_407 = vector.broadcast %broadcast_in_dim3A_406 : i32 to vector<16xi32>
        %add3A_408 = arith.addi %shift_left3A, %broadcast_in_dim3A_407 : vector<16xi32>
        %gather3A_409 = tpu.vector_load_idx %arg15[%shift_right_logical3A, %add3A_408] : memref<125x128xf32, #tpu.memory_space<vmem>>[vector<16xi32>, vector<16xi32>], vector<16xf32>,
        %swap3A_410 = arith.constant 42 : i32
        %swap3A_411 = arith.index_cast %swap3A_410 : i32 to index
        %swap3A_412 = arith.index_cast %add3A_86 : i32 to index
        %swap3A_413 = tpu.vector_load %arg17[%swap3A_411, %swap3A_412] {strides = array<i32>} : memref<64x128xf32, #tpu.memory_space<vmem>>, vector<16xf32>,
        tpu.vector_store %arg17[%swap3A_411, %swap3A_412], %gather3A_409 {strides = array<i32>} : memref<64x128xf32, #tpu.memory_space<vmem>>, vector<16xf32>,
        %broadcast_in_dim3A_414 = arith.constant 11 : i32
        %broadcast_in_dim3A_415 = vector.broadcast %broadcast_in_dim3A_414 : i32 to vector<16xi32>
        %add3A_416 = arith.addi %shift_left3A, %broadcast_in_dim3A_415 : vector<16xi32>
        %gather3A_417 = tpu.vector_load_idx %arg15[%shift_right_logical3A, %add3A_416] : memref<125x128xf32, #tpu.memory_space<vmem>>[vector<16xi32>, vector<16xi32>], vector<16xf32>,
        %swap3A_418 = arith.constant 43 : i32
        %swap3A_419 = arith.index_cast %swap3A_418 : i32 to index
        %swap3A_420 = arith.index_cast %add3A_86 : i32 to index
        %swap3A_421 = tpu.vector_load %arg17[%swap3A_419, %swap3A_420] {strides = array<i32>} : memref<64x128xf32, #tpu.memory_space<vmem>>, vector<16xf32>,
        tpu.vector_store %arg17[%swap3A_419, %swap3A_420], %gather3A_417 {strides = array<i32>} : memref<64x128xf32, #tpu.memory_space<vmem>>, vector<16xf32>,
        %broadcast_in_dim3A_422 = arith.constant 12 : i32
        %broadcast_in_dim3A_423 = vector.broadcast %broadcast_in_dim3A_422 : i32 to vector<16xi32>
        %add3A_424 = arith.addi %shift_left3A, %broadcast_in_dim3A_423 : vector<16xi32>
        %gather3A_425 = tpu.vector_load_idx %arg15[%shift_right_logical3A, %add3A_424] : memref<125x128xf32, #tpu.memory_space<vmem>>[vector<16xi32>, vector<16xi32>], vector<16xf32>,
        %swap3A_426 = arith.constant 44 : i32
        %swap3A_427 = arith.index_cast %swap3A_426 : i32 to index
        %swap3A_428 = arith.index_cast %add3A_86 : i32 to index
        %swap3A_429 = tpu.vector_load %arg17[%swap3A_427, %swap3A_428] {strides = array<i32>} : memref<64x128xf32, #tpu.memory_space<vmem>>, vector<16xf32>,
        tpu.vector_store %arg17[%swap3A_427, %swap3A_428], %gather3A_425 {strides = array<i32>} : memref<64x128xf32, #tpu.memory_space<vmem>>, vector<16xf32>,
        %broadcast_in_dim3A_430 = arith.constant 13 : i32
        %broadcast_in_dim3A_431 = vector.broadcast %broadcast_in_dim3A_430 : i32 to vector<16xi32>
        %add3A_432 = arith.addi %shift_left3A, %broadcast_in_dim3A_431 : vector<16xi32>
        %gather3A_433 = tpu.vector_load_idx %arg15[%shift_right_logical3A, %add3A_432] : memref<125x128xf32, #tpu.memory_space<vmem>>[vector<16xi32>, vector<16xi32>], vector<16xf32>,
        %swap3A_434 = arith.constant 45 : i32
        %swap3A_435 = arith.index_cast %swap3A_434 : i32 to index
        %swap3A_436 = arith.index_cast %add3A_86 : i32 to index
        %swap3A_437 = tpu.vector_load %arg17[%swap3A_435, %swap3A_436] {strides = array<i32>} : memref<64x128xf32, #tpu.memory_space<vmem>>, vector<16xf32>,
        tpu.vector_store %arg17[%swap3A_435, %swap3A_436], %gather3A_433 {strides = array<i32>} : memref<64x128xf32, #tpu.memory_space<vmem>>, vector<16xf32>,
        %broadcast_in_dim3A_438 = arith.constant 14 : i32
        %broadcast_in_dim3A_439 = vector.broadcast %broadcast_in_dim3A_438 : i32 to vector<16xi32>
        %add3A_440 = arith.addi %shift_left3A, %broadcast_in_dim3A_439 : vector<16xi32>
        %gather3A_441 = tpu.vector_load_idx %arg15[%shift_right_logical3A, %add3A_440] : memref<125x128xf32, #tpu.memory_space<vmem>>[vector<16xi32>, vector<16xi32>], vector<16xf32>,
        %swap3A_442 = arith.constant 46 : i32
        %swap3A_443 = arith.index_cast %swap3A_442 : i32 to index
        %swap3A_444 = arith.index_cast %add3A_86 : i32 to index
        %swap3A_445 = tpu.vector_load %arg17[%swap3A_443, %swap3A_444] {strides = array<i32>} : memref<64x128xf32, #tpu.memory_space<vmem>>, vector<16xf32>,
        tpu.vector_store %arg17[%swap3A_443, %swap3A_444], %gather3A_441 {strides = array<i32>} : memref<64x128xf32, #tpu.memory_space<vmem>>, vector<16xf32>,
        %broadcast_in_dim3A_446 = arith.constant 15 : i32
        %broadcast_in_dim3A_447 = vector.broadcast %broadcast_in_dim3A_446 : i32 to vector<16xi32>
        %add3A_448 = arith.addi %shift_left3A, %broadcast_in_dim3A_447 : vector<16xi32>
        %gather3A_449 = tpu.vector_load_idx %arg15[%shift_right_logical3A, %add3A_448] : memref<125x128xf32, #tpu.memory_space<vmem>>[vector<16xi32>, vector<16xi32>], vector<16xf32>,
        %swap3A_450 = arith.constant 47 : i32
        %swap3A_451 = arith.index_cast %swap3A_450 : i32 to index
        %swap3A_452 = arith.index_cast %add3A_86 : i32 to index
        %swap3A_453 = tpu.vector_load %arg17[%swap3A_451, %swap3A_452] {strides = array<i32>} : memref<64x128xf32, #tpu.memory_space<vmem>>, vector<16xf32>,
        tpu.vector_store %arg17[%swap3A_451, %swap3A_452], %gather3A_449 {strides = array<i32>} : memref<64x128xf32, #tpu.memory_space<vmem>>, vector<16xf32>,
        %mul3A_454 = arith.constant 16 : i32
        %mul3A_455 = arith.muli %scan3A_78, %mul3A_454 : i32
        %get3A_456 = arith.index_cast %add3A_40 : i32 to index
        %get3A_457 = arith.index_cast %mul3A_455 : i32 to index
        %get3A_458 = tpu.vector_load %arg12[%get3A_456, %get3A_457] {strides = array<i32>} : memref<16x32xi32, #tpu.memory_space<vmem>>, vector<16xi32>,
        %broadcast_in_dim3A_459 = arith.constant 3 : i32
        %broadcast_in_dim3A_460 = vector.broadcast %broadcast_in_dim3A_459 : i32 to vector<16xi32>
        %shift_right_logical3A_461 = arith.shrui %get3A_458, %broadcast_in_dim3A_460 : vector<16xi32>
        %broadcast_in_dim3A_462 = arith.constant 7 : i32
        %broadcast_in_dim3A_463 = vector.broadcast %broadcast_in_dim3A_462 : i32 to vector<16xi32>
        %and3A_464 = arith.andi %get3A_458, %broadcast_in_dim3A_463 : vector<16xi32>
        %broadcast_in_dim3A_465 = arith.constant 4 : i32
        %broadcast_in_dim3A_466 = vector.broadcast %broadcast_in_dim3A_465 : i32 to vector<16xi32>
        %shift_left3A_467 = arith.shli %and3A_464, %broadcast_in_dim3A_466 : vector<16xi32>
        %broadcast_in_dim3A_468 = arith.constant 0 : i32
        %broadcast_in_dim3A_469 = vector.broadcast %broadcast_in_dim3A_468 : i32 to vector<16xi32>
        %add3A_470 = arith.addi %shift_left3A_467, %broadcast_in_dim3A_469 : vector<16xi32>
        %gather3A_471 = tpu.vector_load_idx %arg16[%shift_right_logical3A_461, %add3A_470] : memref<125x128xf32, #tpu.memory_space<vmem>>[vector<16xi32>, vector<16xi32>], vector<16xf32>,
        %swap3A_472 = arith.constant 48 : i32
        %swap3A_473 = arith.index_cast %swap3A_472 : i32 to index
        %swap3A_474 = arith.index_cast %add3A_86 : i32 to index
        %swap3A_475 = tpu.vector_load %arg17[%swap3A_473, %swap3A_474] {strides = array<i32>} : memref<64x128xf32, #tpu.memory_space<vmem>>, vector<16xf32>,
        tpu.vector_store %arg17[%swap3A_473, %swap3A_474], %gather3A_471 {strides = array<i32>} : memref<64x128xf32, #tpu.memory_space<vmem>>, vector<16xf32>,
        %broadcast_in_dim3A_476 = arith.constant 1 : i32
        %broadcast_in_dim3A_477 = vector.broadcast %broadcast_in_dim3A_476 : i32 to vector<16xi32>
        %add3A_478 = arith.addi %shift_left3A_467, %broadcast_in_dim3A_477 : vector<16xi32>
        %gather3A_479 = tpu.vector_load_idx %arg16[%shift_right_logical3A_461, %add3A_478] : memref<125x128xf32, #tpu.memory_space<vmem>>[vector<16xi32>, vector<16xi32>], vector<16xf32>,
        %swap3A_480 = arith.constant 49 : i32
        %swap3A_481 = arith.index_cast %swap3A_480 : i32 to index
        %swap3A_482 = arith.index_cast %add3A_86 : i32 to index
        %swap3A_483 = tpu.vector_load %arg17[%swap3A_481, %swap3A_482] {strides = array<i32>} : memref<64x128xf32, #tpu.memory_space<vmem>>, vector<16xf32>,
        tpu.vector_store %arg17[%swap3A_481, %swap3A_482], %gather3A_479 {strides = array<i32>} : memref<64x128xf32, #tpu.memory_space<vmem>>, vector<16xf32>,
        %broadcast_in_dim3A_484 = arith.constant 2 : i32
        %broadcast_in_dim3A_485 = vector.broadcast %broadcast_in_dim3A_484 : i32 to vector<16xi32>
        %add3A_486 = arith.addi %shift_left3A_467, %broadcast_in_dim3A_485 : vector<16xi32>
        %gather3A_487 = tpu.vector_load_idx %arg16[%shift_right_logical3A_461, %add3A_486] : memref<125x128xf32, #tpu.memory_space<vmem>>[vector<16xi32>, vector<16xi32>], vector<16xf32>,
        %swap3A_488 = arith.constant 50 : i32
        %swap3A_489 = arith.index_cast %swap3A_488 : i32 to index
        %swap3A_490 = arith.index_cast %add3A_86 : i32 to index
        %swap3A_491 = tpu.vector_load %arg17[%swap3A_489, %swap3A_490] {strides = array<i32>} : memref<64x128xf32, #tpu.memory_space<vmem>>, vector<16xf32>,
        tpu.vector_store %arg17[%swap3A_489, %swap3A_490], %gather3A_487 {strides = array<i32>} : memref<64x128xf32, #tpu.memory_space<vmem>>, vector<16xf32>,
        %broadcast_in_dim3A_492 = arith.constant 3 : i32
        %broadcast_in_dim3A_493 = vector.broadcast %broadcast_in_dim3A_492 : i32 to vector<16xi32>
        %add3A_494 = arith.addi %shift_left3A_467, %broadcast_in_dim3A_493 : vector<16xi32>
        %gather3A_495 = tpu.vector_load_idx %arg16[%shift_right_logical3A_461, %add3A_494] : memref<125x128xf32, #tpu.memory_space<vmem>>[vector<16xi32>, vector<16xi32>], vector<16xf32>,
        %swap3A_496 = arith.constant 51 : i32
        %swap3A_497 = arith.index_cast %swap3A_496 : i32 to index
        %swap3A_498 = arith.index_cast %add3A_86 : i32 to index
        %swap3A_499 = tpu.vector_load %arg17[%swap3A_497, %swap3A_498] {strides = array<i32>} : memref<64x128xf32, #tpu.memory_space<vmem>>, vector<16xf32>,
        tpu.vector_store %arg17[%swap3A_497, %swap3A_498], %gather3A_495 {strides = array<i32>} : memref<64x128xf32, #tpu.memory_space<vmem>>, vector<16xf32>,
        %broadcast_in_dim3A_500 = arith.constant 4 : i32
        %broadcast_in_dim3A_501 = vector.broadcast %broadcast_in_dim3A_500 : i32 to vector<16xi32>
        %add3A_502 = arith.addi %shift_left3A_467, %broadcast_in_dim3A_501 : vector<16xi32>
        %gather3A_503 = tpu.vector_load_idx %arg16[%shift_right_logical3A_461, %add3A_502] : memref<125x128xf32, #tpu.memory_space<vmem>>[vector<16xi32>, vector<16xi32>], vector<16xf32>,
        %swap3A_504 = arith.constant 52 : i32
        %swap3A_505 = arith.index_cast %swap3A_504 : i32 to index
        %swap3A_506 = arith.index_cast %add3A_86 : i32 to index
        %swap3A_507 = tpu.vector_load %arg17[%swap3A_505, %swap3A_506] {strides = array<i32>} : memref<64x128xf32, #tpu.memory_space<vmem>>, vector<16xf32>,
        tpu.vector_store %arg17[%swap3A_505, %swap3A_506], %gather3A_503 {strides = array<i32>} : memref<64x128xf32, #tpu.memory_space<vmem>>, vector<16xf32>,
        %broadcast_in_dim3A_508 = arith.constant 5 : i32
        %broadcast_in_dim3A_509 = vector.broadcast %broadcast_in_dim3A_508 : i32 to vector<16xi32>
        %add3A_510 = arith.addi %shift_left3A_467, %broadcast_in_dim3A_509 : vector<16xi32>
        %gather3A_511 = tpu.vector_load_idx %arg16[%shift_right_logical3A_461, %add3A_510] : memref<125x128xf32, #tpu.memory_space<vmem>>[vector<16xi32>, vector<16xi32>], vector<16xf32>,
        %swap3A_512 = arith.constant 53 : i32
        %swap3A_513 = arith.index_cast %swap3A_512 : i32 to index
        %swap3A_514 = arith.index_cast %add3A_86 : i32 to index
        %swap3A_515 = tpu.vector_load %arg17[%swap3A_513, %swap3A_514] {strides = array<i32>} : memref<64x128xf32, #tpu.memory_space<vmem>>, vector<16xf32>,
        tpu.vector_store %arg17[%swap3A_513, %swap3A_514], %gather3A_511 {strides = array<i32>} : memref<64x128xf32, #tpu.memory_space<vmem>>, vector<16xf32>,
        %broadcast_in_dim3A_516 = arith.constant 6 : i32
        %broadcast_in_dim3A_517 = vector.broadcast %broadcast_in_dim3A_516 : i32 to vector<16xi32>
        %add3A_518 = arith.addi %shift_left3A_467, %broadcast_in_dim3A_517 : vector<16xi32>
        %gather3A_519 = tpu.vector_load_idx %arg16[%shift_right_logical3A_461, %add3A_518] : memref<125x128xf32, #tpu.memory_space<vmem>>[vector<16xi32>, vector<16xi32>], vector<16xf32>,
        %swap3A_520 = arith.constant 54 : i32
        %swap3A_521 = arith.index_cast %swap3A_520 : i32 to index
        %swap3A_522 = arith.index_cast %add3A_86 : i32 to index
        %swap3A_523 = tpu.vector_load %arg17[%swap3A_521, %swap3A_522] {strides = array<i32>} : memref<64x128xf32, #tpu.memory_space<vmem>>, vector<16xf32>,
        tpu.vector_store %arg17[%swap3A_521, %swap3A_522], %gather3A_519 {strides = array<i32>} : memref<64x128xf32, #tpu.memory_space<vmem>>, vector<16xf32>,
        %broadcast_in_dim3A_524 = arith.constant 7 : i32
        %broadcast_in_dim3A_525 = vector.broadcast %broadcast_in_dim3A_524 : i32 to vector<16xi32>
        %add3A_526 = arith.addi %shift_left3A_467, %broadcast_in_dim3A_525 : vector<16xi32>
        %gather3A_527 = tpu.vector_load_idx %arg16[%shift_right_logical3A_461, %add3A_526] : memref<125x128xf32, #tpu.memory_space<vmem>>[vector<16xi32>, vector<16xi32>], vector<16xf32>,
        %swap3A_528 = arith.constant 55 : i32
        %swap3A_529 = arith.index_cast %swap3A_528 : i32 to index
        %swap3A_530 = arith.index_cast %add3A_86 : i32 to index
        %swap3A_531 = tpu.vector_load %arg17[%swap3A_529, %swap3A_530] {strides = array<i32>} : memref<64x128xf32, #tpu.memory_space<vmem>>, vector<16xf32>,
        tpu.vector_store %arg17[%swap3A_529, %swap3A_530], %gather3A_527 {strides = array<i32>} : memref<64x128xf32, #tpu.memory_space<vmem>>, vector<16xf32>,
        %broadcast_in_dim3A_532 = arith.constant 8 : i32
        %broadcast_in_dim3A_533 = vector.broadcast %broadcast_in_dim3A_532 : i32 to vector<16xi32>
        %add3A_534 = arith.addi %shift_left3A_467, %broadcast_in_dim3A_533 : vector<16xi32>
        %gather3A_535 = tpu.vector_load_idx %arg16[%shift_right_logical3A_461, %add3A_534] : memref<125x128xf32, #tpu.memory_space<vmem>>[vector<16xi32>, vector<16xi32>], vector<16xf32>,
        %swap3A_536 = arith.constant 56 : i32
        %swap3A_537 = arith.index_cast %swap3A_536 : i32 to index
        %swap3A_538 = arith.index_cast %add3A_86 : i32 to index
        %swap3A_539 = tpu.vector_load %arg17[%swap3A_537, %swap3A_538] {strides = array<i32>} : memref<64x128xf32, #tpu.memory_space<vmem>>, vector<16xf32>,
        tpu.vector_store %arg17[%swap3A_537, %swap3A_538], %gather3A_535 {strides = array<i32>} : memref<64x128xf32, #tpu.memory_space<vmem>>, vector<16xf32>,
        %broadcast_in_dim3A_540 = arith.constant 9 : i32
        %broadcast_in_dim3A_541 = vector.broadcast %broadcast_in_dim3A_540 : i32 to vector<16xi32>
        %add3A_542 = arith.addi %shift_left3A_467, %broadcast_in_dim3A_541 : vector<16xi32>
        %gather3A_543 = tpu.vector_load_idx %arg16[%shift_right_logical3A_461, %add3A_542] : memref<125x128xf32, #tpu.memory_space<vmem>>[vector<16xi32>, vector<16xi32>], vector<16xf32>,
        %swap3A_544 = arith.constant 57 : i32
        %swap3A_545 = arith.index_cast %swap3A_544 : i32 to index
        %swap3A_546 = arith.index_cast %add3A_86 : i32 to index
        %swap3A_547 = tpu.vector_load %arg17[%swap3A_545, %swap3A_546] {strides = array<i32>} : memref<64x128xf32, #tpu.memory_space<vmem>>, vector<16xf32>,
        tpu.vector_store %arg17[%swap3A_545, %swap3A_546], %gather3A_543 {strides = array<i32>} : memref<64x128xf32, #tpu.memory_space<vmem>>, vector<16xf32>,
        %broadcast_in_dim3A_548 = arith.constant 10 : i32
        %broadcast_in_dim3A_549 = vector.broadcast %broadcast_in_dim3A_548 : i32 to vector<16xi32>
        %add3A_550 = arith.addi %shift_left3A_467, %broadcast_in_dim3A_549 : vector<16xi32>
        %gather3A_551 = tpu.vector_load_idx %arg16[%shift_right_logical3A_461, %add3A_550] : memref<125x128xf32, #tpu.memory_space<vmem>>[vector<16xi32>, vector<16xi32>], vector<16xf32>,
        %swap3A_552 = arith.constant 58 : i32
        %swap3A_553 = arith.index_cast %swap3A_552 : i32 to index
        %swap3A_554 = arith.index_cast %add3A_86 : i32 to index
        %swap3A_555 = tpu.vector_load %arg17[%swap3A_553, %swap3A_554] {strides = array<i32>} : memref<64x128xf32, #tpu.memory_space<vmem>>, vector<16xf32>,
        tpu.vector_store %arg17[%swap3A_553, %swap3A_554], %gather3A_551 {strides = array<i32>} : memref<64x128xf32, #tpu.memory_space<vmem>>, vector<16xf32>,
        %broadcast_in_dim3A_556 = arith.constant 11 : i32
        %broadcast_in_dim3A_557 = vector.broadcast %broadcast_in_dim3A_556 : i32 to vector<16xi32>
        %add3A_558 = arith.addi %shift_left3A_467, %broadcast_in_dim3A_557 : vector<16xi32>
        %gather3A_559 = tpu.vector_load_idx %arg16[%shift_right_logical3A_461, %add3A_558] : memref<125x128xf32, #tpu.memory_space<vmem>>[vector<16xi32>, vector<16xi32>], vector<16xf32>,
        %swap3A_560 = arith.constant 59 : i32
        %swap3A_561 = arith.index_cast %swap3A_560 : i32 to index
        %swap3A_562 = arith.index_cast %add3A_86 : i32 to index
        %swap3A_563 = tpu.vector_load %arg17[%swap3A_561, %swap3A_562] {strides = array<i32>} : memref<64x128xf32, #tpu.memory_space<vmem>>, vector<16xf32>,
        tpu.vector_store %arg17[%swap3A_561, %swap3A_562], %gather3A_559 {strides = array<i32>} : memref<64x128xf32, #tpu.memory_space<vmem>>, vector<16xf32>,
        %broadcast_in_dim3A_564 = arith.constant 12 : i32
        %broadcast_in_dim3A_565 = vector.broadcast %broadcast_in_dim3A_564 : i32 to vector<16xi32>
        %add3A_566 = arith.addi %shift_left3A_467, %broadcast_in_dim3A_565 : vector<16xi32>
        %gather3A_567 = tpu.vector_load_idx %arg16[%shift_right_logical3A_461, %add3A_566] : memref<125x128xf32, #tpu.memory_space<vmem>>[vector<16xi32>, vector<16xi32>], vector<16xf32>,
        %swap3A_568 = arith.constant 60 : i32
        %swap3A_569 = arith.index_cast %swap3A_568 : i32 to index
        %swap3A_570 = arith.index_cast %add3A_86 : i32 to index
        %swap3A_571 = tpu.vector_load %arg17[%swap3A_569, %swap3A_570] {strides = array<i32>} : memref<64x128xf32, #tpu.memory_space<vmem>>, vector<16xf32>,
        tpu.vector_store %arg17[%swap3A_569, %swap3A_570], %gather3A_567 {strides = array<i32>} : memref<64x128xf32, #tpu.memory_space<vmem>>, vector<16xf32>,
        %broadcast_in_dim3A_572 = arith.constant 13 : i32
        %broadcast_in_dim3A_573 = vector.broadcast %broadcast_in_dim3A_572 : i32 to vector<16xi32>
        %add3A_574 = arith.addi %shift_left3A_467, %broadcast_in_dim3A_573 : vector<16xi32>
        %gather3A_575 = tpu.vector_load_idx %arg16[%shift_right_logical3A_461, %add3A_574] : memref<125x128xf32, #tpu.memory_space<vmem>>[vector<16xi32>, vector<16xi32>], vector<16xf32>,
        %swap3A_576 = arith.constant 61 : i32
        %swap3A_577 = arith.index_cast %swap3A_576 : i32 to index
        %swap3A_578 = arith.index_cast %add3A_86 : i32 to index
        %swap3A_579 = tpu.vector_load %arg17[%swap3A_577, %swap3A_578] {strides = array<i32>} : memref<64x128xf32, #tpu.memory_space<vmem>>, vector<16xf32>,
        tpu.vector_store %arg17[%swap3A_577, %swap3A_578], %gather3A_575 {strides = array<i32>} : memref<64x128xf32, #tpu.memory_space<vmem>>, vector<16xf32>,
        %broadcast_in_dim3A_580 = arith.constant 14 : i32
        %broadcast_in_dim3A_581 = vector.broadcast %broadcast_in_dim3A_580 : i32 to vector<16xi32>
        %add3A_582 = arith.addi %shift_left3A_467, %broadcast_in_dim3A_581 : vector<16xi32>
        %gather3A_583 = tpu.vector_load_idx %arg16[%shift_right_logical3A_461, %add3A_582] : memref<125x128xf32, #tpu.memory_space<vmem>>[vector<16xi32>, vector<16xi32>], vector<16xf32>,
        %swap3A_584 = arith.constant 62 : i32
        %swap3A_585 = arith.index_cast %swap3A_584 : i32 to index
        %swap3A_586 = arith.index_cast %add3A_86 : i32 to index
        %swap3A_587 = tpu.vector_load %arg17[%swap3A_585, %swap3A_586] {strides = array<i32>} : memref<64x128xf32, #tpu.memory_space<vmem>>, vector<16xf32>,
        tpu.vector_store %arg17[%swap3A_585, %swap3A_586], %gather3A_583 {strides = array<i32>} : memref<64x128xf32, #tpu.memory_space<vmem>>, vector<16xf32>,
        %broadcast_in_dim3A_588 = arith.constant 15 : i32
        %broadcast_in_dim3A_589 = vector.broadcast %broadcast_in_dim3A_588 : i32 to vector<16xi32>
        %add3A_590 = arith.addi %shift_left3A_467, %broadcast_in_dim3A_589 : vector<16xi32>
        %gather3A_591 = tpu.vector_load_idx %arg16[%shift_right_logical3A_461, %add3A_590] : memref<125x128xf32, #tpu.memory_space<vmem>>[vector<16xi32>, vector<16xi32>], vector<16xf32>,
        %swap3A_592 = arith.constant 63 : i32
        %swap3A_593 = arith.index_cast %swap3A_592 : i32 to index
        %swap3A_594 = arith.index_cast %add3A_86 : i32 to index
        %swap3A_595 = tpu.vector_load %arg17[%swap3A_593, %swap3A_594] {strides = array<i32>} : memref<64x128xf32, #tpu.memory_space<vmem>>, vector<16xf32>,
        tpu.vector_store %arg17[%swap3A_593, %swap3A_594], %gather3A_591 {strides = array<i32>} : memref<64x128xf32, #tpu.memory_space<vmem>>, vector<16xf32>,
      }
      %scan3A_46 = arith.constant 2 : i32
      %add3A_47 = arith.constant 3 : i32
      %add3A_48 = arith.addi %mul3A_16, %add3A_47 : i32
      %scan3A_49 = arith.constant 0 : i32
      %scan3A_50 = arith.constant 0 : i32
      %scan3A_51 = arith.constant 2 : i32
      %scan3A_52 = arith.addi %scan3A_50, %scan3A_51 : i32
      %scan3A_53 = arith.constant 1 : i32
      scf.for %scan3A_78 = %scan3A_50 to %scan3A_52 step %scan3A_53  : i32 {
        %mul3A_79 = arith.constant 16 : i32
        %mul3A_80 = arith.muli %scan3A_78, %mul3A_79 : i32
        %get3A = arith.index_cast %add3A_48 : i32 to index
        %get3A_81 = arith.index_cast %mul3A_80 : i32 to index
        %get3A_82 = tpu.vector_load %arg10[%get3A, %get3A_81] {strides = array<i32>} : memref<16x32xi32, #tpu.memory_space<vmem>>, vector<16xi32>,
        %slice3A = vector.extract_strided_slice %get3A_82 {offsets = [0], sizes = [1], strides = [1]} : vector<16xi32> to vector<1xi32>
        %squeeze3A = vector.extract %slice3A[0] : i32 from vector<1xi32>
        %and3A = arith.constant -8 : i32
        %and3A_83 = arith.andi %squeeze3A, %and3A : i32
        %multiple_of3A_84 = tpu.assume_multiple %and3A_83, 8 : i32
        %mul3A_85 = arith.constant 16 : i32
        %mul3A_86 = arith.muli %scan3A_78, %mul3A_85 : i32
        %add3A_87 = arith.constant 0 : i32
        %add3A_88 = arith.addi %mul3A_86, %add3A_87 : i32
        %dma_start3A = arith.constant 0 : i32
        %dma_start3A_89 = arith.constant 0 : i32
        %dma_start3A_90 = tpu.memref_slice %arg14[%add3A_88, %dma_start3A, %dma_start3A_89] : memref<32x8x32xf32, #tpu.memory_space<vmem>> -> memref<1x8x32xf32, #tpu.memory_space<vmem>>
        %dma_start3A_91 = tpu.memref_squeeze %dma_start3A_90 : memref<1x8x32xf32, #tpu.memory_space<vmem>> -> memref<8x32xf32, #tpu.memory_space<vmem>>
        %dma_start3A_92 = arith.constant 0 : i32
        %dma_start3A_93 = tpu.memref_slice %arg5[%multiple_of3A_84, %dma_start3A_92] : memref<1000000x32xf32, #tpu.memory_space<hbm>> -> memref<8x32xf32, #tpu.memory_space<hbm>>
        %dma_start3A_94 = arith.constant 0 : i32
        %dma_start3A_95 = arith.constant 0 : i32
        %dma_start3A_96 = tpu.memref_slice %arg14[%add3A_88, %dma_start3A_94, %dma_start3A_95] : memref<32x8x32xf32, #tpu.memory_space<vmem>> -> memref<1x8x32xf32, #tpu.memory_space<vmem>>
        %dma_start3A_97 = tpu.memref_squeeze %dma_start3A_96 : memref<1x8x32xf32, #tpu.memory_space<vmem>> -> memref<8x32xf32, #tpu.memory_space<vmem>>
        %dma_start3A_98 = arith.constant 0 : i32
        %dma_start3A_99 = tpu.memref_slice %arg5[%multiple_of3A_84, %dma_start3A_98] : memref<1000000x32xf32, #tpu.memory_space<hbm>> -> memref<8x32xf32, #tpu.memory_space<hbm>>
        tpu.enqueue_dma source(%dma_start3A_99 : memref<8x32xf32, #tpu.memory_space<hbm>>) target(%dma_start3A_97 : memref<8x32xf32, #tpu.memory_space<vmem>>) target_semaphore(%arg19 : memref<!tpu.dma_semaphore, #tpu.memory_space<semaphore_mem>>)
        %slice3A_100 = vector.extract_strided_slice %get3A_82 {offsets = [1], sizes = [1], strides = [1]} : vector<16xi32> to vector<1xi32>
        %squeeze3A_101 = vector.extract %slice3A_100[0] : i32 from vector<1xi32>
        %and3A_102 = arith.constant -8 : i32
        %and3A_103 = arith.andi %squeeze3A_101, %and3A_102 : i32
        %multiple_of3A_104 = tpu.assume_multiple %and3A_103, 8 : i32
        %mul3A_105 = arith.constant 16 : i32
        %mul3A_106 = arith.muli %scan3A_78, %mul3A_105 : i32
        %add3A_107 = arith.constant 1 : i32
        %add3A_108 = arith.addi %mul3A_106, %add3A_107 : i32
        %dma_start3A_109 = arith.constant 0 : i32
        %dma_start3A_110 = arith.constant 0 : i32
        %dma_start3A_111 = tpu.memref_slice %arg14[%add3A_108, %dma_start3A_109, %dma_start3A_110] : memref<32x8x32xf32, #tpu.memory_space<vmem>> -> memref<1x8x32xf32, #tpu.memory_space<vmem>>
        %dma_start3A_112 = tpu.memref_squeeze %dma_start3A_111 : memref<1x8x32xf32, #tpu.memory_space<vmem>> -> memref<8x32xf32, #tpu.memory_space<vmem>>
        %dma_start3A_113 = arith.constant 0 : i32
        %dma_start3A_114 = tpu.memref_slice %arg5[%multiple_of3A_104, %dma_start3A_113] : memref<1000000x32xf32, #tpu.memory_space<hbm>> -> memref<8x32xf32, #tpu.memory_space<hbm>>
        %dma_start3A_115 = arith.constant 0 : i32
        %dma_start3A_116 = arith.constant 0 : i32
        %dma_start3A_117 = tpu.memref_slice %arg14[%add3A_108, %dma_start3A_115, %dma_start3A_116] : memref<32x8x32xf32, #tpu.memory_space<vmem>> -> memref<1x8x32xf32, #tpu.memory_space<vmem>>
        %dma_start3A_118 = tpu.memref_squeeze %dma_start3A_117 : memref<1x8x32xf32, #tpu.memory_space<vmem>> -> memref<8x32xf32, #tpu.memory_space<vmem>>
        %dma_start3A_119 = arith.constant 0 : i32
        %dma_start3A_120 = tpu.memref_slice %arg5[%multiple_of3A_104, %dma_start3A_119] : memref<1000000x32xf32, #tpu.memory_space<hbm>> -> memref<8x32xf32, #tpu.memory_space<hbm>>
        tpu.enqueue_dma source(%dma_start3A_120 : memref<8x32xf32, #tpu.memory_space<hbm>>) target(%dma_start3A_118 : memref<8x32xf32, #tpu.memory_space<vmem>>) target_semaphore(%arg19 : memref<!tpu.dma_semaphore, #tpu.memory_space<semaphore_mem>>)
        %slice3A_121 = vector.extract_strided_slice %get3A_82 {offsets = [2], sizes = [1], strides = [1]} : vector<16xi32> to vector<1xi32>
        %squeeze3A_122 = vector.extract %slice3A_121[0] : i32 from vector<1xi32>
        %and3A_123 = arith.constant -8 : i32
        %and3A_124 = arith.andi %squeeze3A_122, %and3A_123 : i32
        %multiple_of3A_125 = tpu.assume_multiple %and3A_124, 8 : i32
        %mul3A_126 = arith.constant 16 : i32
        %mul3A_127 = arith.muli %scan3A_78, %mul3A_126 : i32
        %add3A_128 = arith.constant 2 : i32
        %add3A_129 = arith.addi %mul3A_127, %add3A_128 : i32
        %dma_start3A_130 = arith.constant 0 : i32
        %dma_start3A_131 = arith.constant 0 : i32
        %dma_start3A_132 = tpu.memref_slice %arg14[%add3A_129, %dma_start3A_130, %dma_start3A_131] : memref<32x8x32xf32, #tpu.memory_space<vmem>> -> memref<1x8x32xf32, #tpu.memory_space<vmem>>
        %dma_start3A_133 = tpu.memref_squeeze %dma_start3A_132 : memref<1x8x32xf32, #tpu.memory_space<vmem>> -> memref<8x32xf32, #tpu.memory_space<vmem>>
        %dma_start3A_134 = arith.constant 0 : i32
        %dma_start3A_135 = tpu.memref_slice %arg5[%multiple_of3A_125, %dma_start3A_134] : memref<1000000x32xf32, #tpu.memory_space<hbm>> -> memref<8x32xf32, #tpu.memory_space<hbm>>
        %dma_start3A_136 = arith.constant 0 : i32
        %dma_start3A_137 = arith.constant 0 : i32
        %dma_start3A_138 = tpu.memref_slice %arg14[%add3A_129, %dma_start3A_136, %dma_start3A_137] : memref<32x8x32xf32, #tpu.memory_space<vmem>> -> memref<1x8x32xf32, #tpu.memory_space<vmem>>
        %dma_start3A_139 = tpu.memref_squeeze %dma_start3A_138 : memref<1x8x32xf32, #tpu.memory_space<vmem>> -> memref<8x32xf32, #tpu.memory_space<vmem>>
        %dma_start3A_140 = arith.constant 0 : i32
        %dma_start3A_141 = tpu.memref_slice %arg5[%multiple_of3A_125, %dma_start3A_140] : memref<1000000x32xf32, #tpu.memory_space<hbm>> -> memref<8x32xf32, #tpu.memory_space<hbm>>
        tpu.enqueue_dma source(%dma_start3A_141 : memref<8x32xf32, #tpu.memory_space<hbm>>) target(%dma_start3A_139 : memref<8x32xf32, #tpu.memory_space<vmem>>) target_semaphore(%arg19 : memref<!tpu.dma_semaphore, #tpu.memory_space<semaphore_mem>>)
        %slice3A_142 = vector.extract_strided_slice %get3A_82 {offsets = [3], sizes = [1], strides = [1]} : vector<16xi32> to vector<1xi32>
        %squeeze3A_143 = vector.extract %slice3A_142[0] : i32 from vector<1xi32>
        %and3A_144 = arith.constant -8 : i32
        %and3A_145 = arith.andi %squeeze3A_143, %and3A_144 : i32
        %multiple_of3A_146 = tpu.assume_multiple %and3A_145, 8 : i32
        %mul3A_147 = arith.constant 16 : i32
        %mul3A_148 = arith.muli %scan3A_78, %mul3A_147 : i32
        %add3A_149 = arith.constant 3 : i32
        %add3A_150 = arith.addi %mul3A_148, %add3A_149 : i32
        %dma_start3A_151 = arith.constant 0 : i32
        %dma_start3A_152 = arith.constant 0 : i32
        %dma_start3A_153 = tpu.memref_slice %arg14[%add3A_150, %dma_start3A_151, %dma_start3A_152] : memref<32x8x32xf32, #tpu.memory_space<vmem>> -> memref<1x8x32xf32, #tpu.memory_space<vmem>>
        %dma_start3A_154 = tpu.memref_squeeze %dma_start3A_153 : memref<1x8x32xf32, #tpu.memory_space<vmem>> -> memref<8x32xf32, #tpu.memory_space<vmem>>
        %dma_start3A_155 = arith.constant 0 : i32
        %dma_start3A_156 = tpu.memref_slice %arg5[%multiple_of3A_146, %dma_start3A_155] : memref<1000000x32xf32, #tpu.memory_space<hbm>> -> memref<8x32xf32, #tpu.memory_space<hbm>>
        %dma_start3A_157 = arith.constant 0 : i32
        %dma_start3A_158 = arith.constant 0 : i32
        %dma_start3A_159 = tpu.memref_slice %arg14[%add3A_150, %dma_start3A_157, %dma_start3A_158] : memref<32x8x32xf32, #tpu.memory_space<vmem>> -> memref<1x8x32xf32, #tpu.memory_space<vmem>>
        %dma_start3A_160 = tpu.memref_squeeze %dma_start3A_159 : memref<1x8x32xf32, #tpu.memory_space<vmem>> -> memref<8x32xf32, #tpu.memory_space<vmem>>
        %dma_start3A_161 = arith.constant 0 : i32
        %dma_start3A_162 = tpu.memref_slice %arg5[%multiple_of3A_146, %dma_start3A_161] : memref<1000000x32xf32, #tpu.memory_space<hbm>> -> memref<8x32xf32, #tpu.memory_space<hbm>>
        tpu.enqueue_dma source(%dma_start3A_162 : memref<8x32xf32, #tpu.memory_space<hbm>>) target(%dma_start3A_160 : memref<8x32xf32, #tpu.memory_space<vmem>>) target_semaphore(%arg19 : memref<!tpu.dma_semaphore, #tpu.memory_space<semaphore_mem>>)
        %slice3A_163 = vector.extract_strided_slice %get3A_82 {offsets = [4], sizes = [1], strides = [1]} : vector<16xi32> to vector<1xi32>
        %squeeze3A_164 = vector.extract %slice3A_163[0] : i32 from vector<1xi32>
        %and3A_165 = arith.constant -8 : i32
        %and3A_166 = arith.andi %squeeze3A_164, %and3A_165 : i32
        %multiple_of3A_167 = tpu.assume_multiple %and3A_166, 8 : i32
        %mul3A_168 = arith.constant 16 : i32
        %mul3A_169 = arith.muli %scan3A_78, %mul3A_168 : i32
        %add3A_170 = arith.constant 4 : i32
        %add3A_171 = arith.addi %mul3A_169, %add3A_170 : i32
        %dma_start3A_172 = arith.constant 0 : i32
        %dma_start3A_173 = arith.constant 0 : i32
        %dma_start3A_174 = tpu.memref_slice %arg14[%add3A_171, %dma_start3A_172, %dma_start3A_173] : memref<32x8x32xf32, #tpu.memory_space<vmem>> -> memref<1x8x32xf32, #tpu.memory_space<vmem>>
        %dma_start3A_175 = tpu.memref_squeeze %dma_start3A_174 : memref<1x8x32xf32, #tpu.memory_space<vmem>> -> memref<8x32xf32, #tpu.memory_space<vmem>>
        %dma_start3A_176 = arith.constant 0 : i32
        %dma_start3A_177 = tpu.memref_slice %arg5[%multiple_of3A_167, %dma_start3A_176] : memref<1000000x32xf32, #tpu.memory_space<hbm>> -> memref<8x32xf32, #tpu.memory_space<hbm>>
        %dma_start3A_178 = arith.constant 0 : i32
        %dma_start3A_179 = arith.constant 0 : i32
        %dma_start3A_180 = tpu.memref_slice %arg14[%add3A_171, %dma_start3A_178, %dma_start3A_179] : memref<32x8x32xf32, #tpu.memory_space<vmem>> -> memref<1x8x32xf32, #tpu.memory_space<vmem>>
        %dma_start3A_181 = tpu.memref_squeeze %dma_start3A_180 : memref<1x8x32xf32, #tpu.memory_space<vmem>> -> memref<8x32xf32, #tpu.memory_space<vmem>>
        %dma_start3A_182 = arith.constant 0 : i32
        %dma_start3A_183 = tpu.memref_slice %arg5[%multiple_of3A_167, %dma_start3A_182] : memref<1000000x32xf32, #tpu.memory_space<hbm>> -> memref<8x32xf32, #tpu.memory_space<hbm>>
        tpu.enqueue_dma source(%dma_start3A_183 : memref<8x32xf32, #tpu.memory_space<hbm>>) target(%dma_start3A_181 : memref<8x32xf32, #tpu.memory_space<vmem>>) target_semaphore(%arg19 : memref<!tpu.dma_semaphore, #tpu.memory_space<semaphore_mem>>)
        %slice3A_184 = vector.extract_strided_slice %get3A_82 {offsets = [5], sizes = [1], strides = [1]} : vector<16xi32> to vector<1xi32>
        %squeeze3A_185 = vector.extract %slice3A_184[0] : i32 from vector<1xi32>
        %and3A_186 = arith.constant -8 : i32
        %and3A_187 = arith.andi %squeeze3A_185, %and3A_186 : i32
        %multiple_of3A_188 = tpu.assume_multiple %and3A_187, 8 : i32
        %mul3A_189 = arith.constant 16 : i32
        %mul3A_190 = arith.muli %scan3A_78, %mul3A_189 : i32
        %add3A_191 = arith.constant 5 : i32
        %add3A_192 = arith.addi %mul3A_190, %add3A_191 : i32
        %dma_start3A_193 = arith.constant 0 : i32
        %dma_start3A_194 = arith.constant 0 : i32
        %dma_start3A_195 = tpu.memref_slice %arg14[%add3A_192, %dma_start3A_193, %dma_start3A_194] : memref<32x8x32xf32, #tpu.memory_space<vmem>> -> memref<1x8x32xf32, #tpu.memory_space<vmem>>
        %dma_start3A_196 = tpu.memref_squeeze %dma_start3A_195 : memref<1x8x32xf32, #tpu.memory_space<vmem>> -> memref<8x32xf32, #tpu.memory_space<vmem>>
        %dma_start3A_197 = arith.constant 0 : i32
        %dma_start3A_198 = tpu.memref_slice %arg5[%multiple_of3A_188, %dma_start3A_197] : memref<1000000x32xf32, #tpu.memory_space<hbm>> -> memref<8x32xf32, #tpu.memory_space<hbm>>
        %dma_start3A_199 = arith.constant 0 : i32
        %dma_start3A_200 = arith.constant 0 : i32
        %dma_start3A_201 = tpu.memref_slice %arg14[%add3A_192, %dma_start3A_199, %dma_start3A_200] : memref<32x8x32xf32, #tpu.memory_space<vmem>> -> memref<1x8x32xf32, #tpu.memory_space<vmem>>
        %dma_start3A_202 = tpu.memref_squeeze %dma_start3A_201 : memref<1x8x32xf32, #tpu.memory_space<vmem>> -> memref<8x32xf32, #tpu.memory_space<vmem>>
        %dma_start3A_203 = arith.constant 0 : i32
        %dma_start3A_204 = tpu.memref_slice %arg5[%multiple_of3A_188, %dma_start3A_203] : memref<1000000x32xf32, #tpu.memory_space<hbm>> -> memref<8x32xf32, #tpu.memory_space<hbm>>
        tpu.enqueue_dma source(%dma_start3A_204 : memref<8x32xf32, #tpu.memory_space<hbm>>) target(%dma_start3A_202 : memref<8x32xf32, #tpu.memory_space<vmem>>) target_semaphore(%arg19 : memref<!tpu.dma_semaphore, #tpu.memory_space<semaphore_mem>>)
        %slice3A_205 = vector.extract_strided_slice %get3A_82 {offsets = [6], sizes = [1], strides = [1]} : vector<16xi32> to vector<1xi32>
        %squeeze3A_206 = vector.extract %slice3A_205[0] : i32 from vector<1xi32>
        %and3A_207 = arith.constant -8 : i32
        %and3A_208 = arith.andi %squeeze3A_206, %and3A_207 : i32
        %multiple_of3A_209 = tpu.assume_multiple %and3A_208, 8 : i32
        %mul3A_210 = arith.constant 16 : i32
        %mul3A_211 = arith.muli %scan3A_78, %mul3A_210 : i32
        %add3A_212 = arith.constant 6 : i32
        %add3A_213 = arith.addi %mul3A_211, %add3A_212 : i32
        %dma_start3A_214 = arith.constant 0 : i32
        %dma_start3A_215 = arith.constant 0 : i32
        %dma_start3A_216 = tpu.memref_slice %arg14[%add3A_213, %dma_start3A_214, %dma_start3A_215] : memref<32x8x32xf32, #tpu.memory_space<vmem>> -> memref<1x8x32xf32, #tpu.memory_space<vmem>>
        %dma_start3A_217 = tpu.memref_squeeze %dma_start3A_216 : memref<1x8x32xf32, #tpu.memory_space<vmem>> -> memref<8x32xf32, #tpu.memory_space<vmem>>
        %dma_start3A_218 = arith.constant 0 : i32
        %dma_start3A_219 = tpu.memref_slice %arg5[%multiple_of3A_209, %dma_start3A_218] : memref<1000000x32xf32, #tpu.memory_space<hbm>> -> memref<8x32xf32, #tpu.memory_space<hbm>>
        %dma_start3A_220 = arith.constant 0 : i32
        %dma_start3A_221 = arith.constant 0 : i32
        %dma_start3A_222 = tpu.memref_slice %arg14[%add3A_213, %dma_start3A_220, %dma_start3A_221] : memref<32x8x32xf32, #tpu.memory_space<vmem>> -> memref<1x8x32xf32, #tpu.memory_space<vmem>>
        %dma_start3A_223 = tpu.memref_squeeze %dma_start3A_222 : memref<1x8x32xf32, #tpu.memory_space<vmem>> -> memref<8x32xf32, #tpu.memory_space<vmem>>
        %dma_start3A_224 = arith.constant 0 : i32
        %dma_start3A_225 = tpu.memref_slice %arg5[%multiple_of3A_209, %dma_start3A_224] : memref<1000000x32xf32, #tpu.memory_space<hbm>> -> memref<8x32xf32, #tpu.memory_space<hbm>>
        tpu.enqueue_dma source(%dma_start3A_225 : memref<8x32xf32, #tpu.memory_space<hbm>>) target(%dma_start3A_223 : memref<8x32xf32, #tpu.memory_space<vmem>>) target_semaphore(%arg19 : memref<!tpu.dma_semaphore, #tpu.memory_space<semaphore_mem>>)
        %slice3A_226 = vector.extract_strided_slice %get3A_82 {offsets = [7], sizes = [1], strides = [1]} : vector<16xi32> to vector<1xi32>
        %squeeze3A_227 = vector.extract %slice3A_226[0] : i32 from vector<1xi32>
        %and3A_228 = arith.constant -8 : i32
        %and3A_229 = arith.andi %squeeze3A_227, %and3A_228 : i32
        %multiple_of3A_230 = tpu.assume_multiple %and3A_229, 8 : i32
        %mul3A_231 = arith.constant 16 : i32
        %mul3A_232 = arith.muli %scan3A_78, %mul3A_231 : i32
        %add3A_233 = arith.constant 7 : i32
        %add3A_234 = arith.addi %mul3A_232, %add3A_233 : i32
        %dma_start3A_235 = arith.constant 0 : i32
        %dma_start3A_236 = arith.constant 0 : i32
        %dma_start3A_237 = tpu.memref_slice %arg14[%add3A_234, %dma_start3A_235, %dma_start3A_236] : memref<32x8x32xf32, #tpu.memory_space<vmem>> -> memref<1x8x32xf32, #tpu.memory_space<vmem>>
        %dma_start3A_238 = tpu.memref_squeeze %dma_start3A_237 : memref<1x8x32xf32, #tpu.memory_space<vmem>> -> memref<8x32xf32, #tpu.memory_space<vmem>>
        %dma_start3A_239 = arith.constant 0 : i32
        %dma_start3A_240 = tpu.memref_slice %arg5[%multiple_of3A_230, %dma_start3A_239] : memref<1000000x32xf32, #tpu.memory_space<hbm>> -> memref<8x32xf32, #tpu.memory_space<hbm>>
        %dma_start3A_241 = arith.constant 0 : i32
        %dma_start3A_242 = arith.constant 0 : i32
        %dma_start3A_243 = tpu.memref_slice %arg14[%add3A_234, %dma_start3A_241, %dma_start3A_242] : memref<32x8x32xf32, #tpu.memory_space<vmem>> -> memref<1x8x32xf32, #tpu.memory_space<vmem>>
        %dma_start3A_244 = tpu.memref_squeeze %dma_start3A_243 : memref<1x8x32xf32, #tpu.memory_space<vmem>> -> memref<8x32xf32, #tpu.memory_space<vmem>>
        %dma_start3A_245 = arith.constant 0 : i32
        %dma_start3A_246 = tpu.memref_slice %arg5[%multiple_of3A_230, %dma_start3A_245] : memref<1000000x32xf32, #tpu.memory_space<hbm>> -> memref<8x32xf32, #tpu.memory_space<hbm>>
        tpu.enqueue_dma source(%dma_start3A_246 : memref<8x32xf32, #tpu.memory_space<hbm>>) target(%dma_start3A_244 : memref<8x32xf32, #tpu.memory_space<vmem>>) target_semaphore(%arg19 : memref<!tpu.dma_semaphore, #tpu.memory_space<semaphore_mem>>)
        %slice3A_247 = vector.extract_strided_slice %get3A_82 {offsets = [8], sizes = [1], strides = [1]} : vector<16xi32> to vector<1xi32>
        %squeeze3A_248 = vector.extract %slice3A_247[0] : i32 from vector<1xi32>
        %and3A_249 = arith.constant -8 : i32
        %and3A_250 = arith.andi %squeeze3A_248, %and3A_249 : i32
        %multiple_of3A_251 = tpu.assume_multiple %and3A_250, 8 : i32
        %mul3A_252 = arith.constant 16 : i32
        %mul3A_253 = arith.muli %scan3A_78, %mul3A_252 : i32
        %add3A_254 = arith.constant 8 : i32
        %add3A_255 = arith.addi %mul3A_253, %add3A_254 : i32
        %dma_start3A_256 = arith.constant 0 : i32
        %dma_start3A_257 = arith.constant 0 : i32
        %dma_start3A_258 = tpu.memref_slice %arg14[%add3A_255, %dma_start3A_256, %dma_start3A_257] : memref<32x8x32xf32, #tpu.memory_space<vmem>> -> memref<1x8x32xf32, #tpu.memory_space<vmem>>
        %dma_start3A_259 = tpu.memref_squeeze %dma_start3A_258 : memref<1x8x32xf32, #tpu.memory_space<vmem>> -> memref<8x32xf32, #tpu.memory_space<vmem>>
        %dma_start3A_260 = arith.constant 0 : i32
        %dma_start3A_261 = tpu.memref_slice %arg5[%multiple_of3A_251, %dma_start3A_260] : memref<1000000x32xf32, #tpu.memory_space<hbm>> -> memref<8x32xf32, #tpu.memory_space<hbm>>
        %dma_start3A_262 = arith.constant 0 : i32
        %dma_start3A_263 = arith.constant 0 : i32
        %dma_start3A_264 = tpu.memref_slice %arg14[%add3A_255, %dma_start3A_262, %dma_start3A_263] : memref<32x8x32xf32, #tpu.memory_space<vmem>> -> memref<1x8x32xf32, #tpu.memory_space<vmem>>
        %dma_start3A_265 = tpu.memref_squeeze %dma_start3A_264 : memref<1x8x32xf32, #tpu.memory_space<vmem>> -> memref<8x32xf32, #tpu.memory_space<vmem>>
        %dma_start3A_266 = arith.constant 0 : i32
        %dma_start3A_267 = tpu.memref_slice %arg5[%multiple_of3A_251, %dma_start3A_266] : memref<1000000x32xf32, #tpu.memory_space<hbm>> -> memref<8x32xf32, #tpu.memory_space<hbm>>
        tpu.enqueue_dma source(%dma_start3A_267 : memref<8x32xf32, #tpu.memory_space<hbm>>) target(%dma_start3A_265 : memref<8x32xf32, #tpu.memory_space<vmem>>) target_semaphore(%arg19 : memref<!tpu.dma_semaphore, #tpu.memory_space<semaphore_mem>>)
        %slice3A_268 = vector.extract_strided_slice %get3A_82 {offsets = [9], sizes = [1], strides = [1]} : vector<16xi32> to vector<1xi32>
        %squeeze3A_269 = vector.extract %slice3A_268[0] : i32 from vector<1xi32>
        %and3A_270 = arith.constant -8 : i32
        %and3A_271 = arith.andi %squeeze3A_269, %and3A_270 : i32
        %multiple_of3A_272 = tpu.assume_multiple %and3A_271, 8 : i32
        %mul3A_273 = arith.constant 16 : i32
        %mul3A_274 = arith.muli %scan3A_78, %mul3A_273 : i32
        %add3A_275 = arith.constant 9 : i32
        %add3A_276 = arith.addi %mul3A_274, %add3A_275 : i32
        %dma_start3A_277 = arith.constant 0 : i32
        %dma_start3A_278 = arith.constant 0 : i32
        %dma_start3A_279 = tpu.memref_slice %arg14[%add3A_276, %dma_start3A_277, %dma_start3A_278] : memref<32x8x32xf32, #tpu.memory_space<vmem>> -> memref<1x8x32xf32, #tpu.memory_space<vmem>>
        %dma_start3A_280 = tpu.memref_squeeze %dma_start3A_279 : memref<1x8x32xf32, #tpu.memory_space<vmem>> -> memref<8x32xf32, #tpu.memory_space<vmem>>
        %dma_start3A_281 = arith.constant 0 : i32
        %dma_start3A_282 = tpu.memref_slice %arg5[%multiple_of3A_272, %dma_start3A_281] : memref<1000000x32xf32, #tpu.memory_space<hbm>> -> memref<8x32xf32, #tpu.memory_space<hbm>>
        %dma_start3A_283 = arith.constant 0 : i32
        %dma_start3A_284 = arith.constant 0 : i32
        %dma_start3A_285 = tpu.memref_slice %arg14[%add3A_276, %dma_start3A_283, %dma_start3A_284] : memref<32x8x32xf32, #tpu.memory_space<vmem>> -> memref<1x8x32xf32, #tpu.memory_space<vmem>>
        %dma_start3A_286 = tpu.memref_squeeze %dma_start3A_285 : memref<1x8x32xf32, #tpu.memory_space<vmem>> -> memref<8x32xf32, #tpu.memory_space<vmem>>
        %dma_start3A_287 = arith.constant 0 : i32
        %dma_start3A_288 = tpu.memref_slice %arg5[%multiple_of3A_272, %dma_start3A_287] : memref<1000000x32xf32, #tpu.memory_space<hbm>> -> memref<8x32xf32, #tpu.memory_space<hbm>>
        tpu.enqueue_dma source(%dma_start3A_288 : memref<8x32xf32, #tpu.memory_space<hbm>>) target(%dma_start3A_286 : memref<8x32xf32, #tpu.memory_space<vmem>>) target_semaphore(%arg19 : memref<!tpu.dma_semaphore, #tpu.memory_space<semaphore_mem>>)
        %slice3A_289 = vector.extract_strided_slice %get3A_82 {offsets = [10], sizes = [1], strides = [1]} : vector<16xi32> to vector<1xi32>
        %squeeze3A_290 = vector.extract %slice3A_289[0] : i32 from vector<1xi32>
        %and3A_291 = arith.constant -8 : i32
        %and3A_292 = arith.andi %squeeze3A_290, %and3A_291 : i32
        %multiple_of3A_293 = tpu.assume_multiple %and3A_292, 8 : i32
        %mul3A_294 = arith.constant 16 : i32
        %mul3A_295 = arith.muli %scan3A_78, %mul3A_294 : i32
        %add3A_296 = arith.constant 10 : i32
        %add3A_297 = arith.addi %mul3A_295, %add3A_296 : i32
        %dma_start3A_298 = arith.constant 0 : i32
        %dma_start3A_299 = arith.constant 0 : i32
        %dma_start3A_300 = tpu.memref_slice %arg14[%add3A_297, %dma_start3A_298, %dma_start3A_299] : memref<32x8x32xf32, #tpu.memory_space<vmem>> -> memref<1x8x32xf32, #tpu.memory_space<vmem>>
        %dma_start3A_301 = tpu.memref_squeeze %dma_start3A_300 : memref<1x8x32xf32, #tpu.memory_space<vmem>> -> memref<8x32xf32, #tpu.memory_space<vmem>>
        %dma_start3A_302 = arith.constant 0 : i32
        %dma_start3A_303 = tpu.memref_slice %arg5[%multiple_of3A_293, %dma_start3A_302] : memref<1000000x32xf32, #tpu.memory_space<hbm>> -> memref<8x32xf32, #tpu.memory_space<hbm>>
        %dma_start3A_304 = arith.constant 0 : i32
        %dma_start3A_305 = arith.constant 0 : i32
        %dma_start3A_306 = tpu.memref_slice %arg14[%add3A_297, %dma_start3A_304, %dma_start3A_305] : memref<32x8x32xf32, #tpu.memory_space<vmem>> -> memref<1x8x32xf32, #tpu.memory_space<vmem>>
        %dma_start3A_307 = tpu.memref_squeeze %dma_start3A_306 : memref<1x8x32xf32, #tpu.memory_space<vmem>> -> memref<8x32xf32, #tpu.memory_space<vmem>>
        %dma_start3A_308 = arith.constant 0 : i32
        %dma_start3A_309 = tpu.memref_slice %arg5[%multiple_of3A_293, %dma_start3A_308] : memref<1000000x32xf32, #tpu.memory_space<hbm>> -> memref<8x32xf32, #tpu.memory_space<hbm>>
        tpu.enqueue_dma source(%dma_start3A_309 : memref<8x32xf32, #tpu.memory_space<hbm>>) target(%dma_start3A_307 : memref<8x32xf32, #tpu.memory_space<vmem>>) target_semaphore(%arg19 : memref<!tpu.dma_semaphore, #tpu.memory_space<semaphore_mem>>)
        %slice3A_310 = vector.extract_strided_slice %get3A_82 {offsets = [11], sizes = [1], strides = [1]} : vector<16xi32> to vector<1xi32>
        %squeeze3A_311 = vector.extract %slice3A_310[0] : i32 from vector<1xi32>
        %and3A_312 = arith.constant -8 : i32
        %and3A_313 = arith.andi %squeeze3A_311, %and3A_312 : i32
        %multiple_of3A_314 = tpu.assume_multiple %and3A_313, 8 : i32
        %mul3A_315 = arith.constant 16 : i32
        %mul3A_316 = arith.muli %scan3A_78, %mul3A_315 : i32
        %add3A_317 = arith.constant 11 : i32
        %add3A_318 = arith.addi %mul3A_316, %add3A_317 : i32
        %dma_start3A_319 = arith.constant 0 : i32
        %dma_start3A_320 = arith.constant 0 : i32
        %dma_start3A_321 = tpu.memref_slice %arg14[%add3A_318, %dma_start3A_319, %dma_start3A_320] : memref<32x8x32xf32, #tpu.memory_space<vmem>> -> memref<1x8x32xf32, #tpu.memory_space<vmem>>
        %dma_start3A_322 = tpu.memref_squeeze %dma_start3A_321 : memref<1x8x32xf32, #tpu.memory_space<vmem>> -> memref<8x32xf32, #tpu.memory_space<vmem>>
        %dma_start3A_323 = arith.constant 0 : i32
        %dma_start3A_324 = tpu.memref_slice %arg5[%multiple_of3A_314, %dma_start3A_323] : memref<1000000x32xf32, #tpu.memory_space<hbm>> -> memref<8x32xf32, #tpu.memory_space<hbm>>
        %dma_start3A_325 = arith.constant 0 : i32
        %dma_start3A_326 = arith.constant 0 : i32
        %dma_start3A_327 = tpu.memref_slice %arg14[%add3A_318, %dma_start3A_325, %dma_start3A_326] : memref<32x8x32xf32, #tpu.memory_space<vmem>> -> memref<1x8x32xf32, #tpu.memory_space<vmem>>
        %dma_start3A_328 = tpu.memref_squeeze %dma_start3A_327 : memref<1x8x32xf32, #tpu.memory_space<vmem>> -> memref<8x32xf32, #tpu.memory_space<vmem>>
        %dma_start3A_329 = arith.constant 0 : i32
        %dma_start3A_330 = tpu.memref_slice %arg5[%multiple_of3A_314, %dma_start3A_329] : memref<1000000x32xf32, #tpu.memory_space<hbm>> -> memref<8x32xf32, #tpu.memory_space<hbm>>
        tpu.enqueue_dma source(%dma_start3A_330 : memref<8x32xf32, #tpu.memory_space<hbm>>) target(%dma_start3A_328 : memref<8x32xf32, #tpu.memory_space<vmem>>) target_semaphore(%arg19 : memref<!tpu.dma_semaphore, #tpu.memory_space<semaphore_mem>>)
        %slice3A_331 = vector.extract_strided_slice %get3A_82 {offsets = [12], sizes = [1], strides = [1]} : vector<16xi32> to vector<1xi32>
        %squeeze3A_332 = vector.extract %slice3A_331[0] : i32 from vector<1xi32>
        %and3A_333 = arith.constant -8 : i32
        %and3A_334 = arith.andi %squeeze3A_332, %and3A_333 : i32
        %multiple_of3A_335 = tpu.assume_multiple %and3A_334, 8 : i32
        %mul3A_336 = arith.constant 16 : i32
        %mul3A_337 = arith.muli %scan3A_78, %mul3A_336 : i32
        %add3A_338 = arith.constant 12 : i32
        %add3A_339 = arith.addi %mul3A_337, %add3A_338 : i32
        %dma_start3A_340 = arith.constant 0 : i32
        %dma_start3A_341 = arith.constant 0 : i32
        %dma_start3A_342 = tpu.memref_slice %arg14[%add3A_339, %dma_start3A_340, %dma_start3A_341] : memref<32x8x32xf32, #tpu.memory_space<vmem>> -> memref<1x8x32xf32, #tpu.memory_space<vmem>>
        %dma_start3A_343 = tpu.memref_squeeze %dma_start3A_342 : memref<1x8x32xf32, #tpu.memory_space<vmem>> -> memref<8x32xf32, #tpu.memory_space<vmem>>
        %dma_start3A_344 = arith.constant 0 : i32
        %dma_start3A_345 = tpu.memref_slice %arg5[%multiple_of3A_335, %dma_start3A_344] : memref<1000000x32xf32, #tpu.memory_space<hbm>> -> memref<8x32xf32, #tpu.memory_space<hbm>>
        %dma_start3A_346 = arith.constant 0 : i32
        %dma_start3A_347 = arith.constant 0 : i32
        %dma_start3A_348 = tpu.memref_slice %arg14[%add3A_339, %dma_start3A_346, %dma_start3A_347] : memref<32x8x32xf32, #tpu.memory_space<vmem>> -> memref<1x8x32xf32, #tpu.memory_space<vmem>>
        %dma_start3A_349 = tpu.memref_squeeze %dma_start3A_348 : memref<1x8x32xf32, #tpu.memory_space<vmem>> -> memref<8x32xf32, #tpu.memory_space<vmem>>
        %dma_start3A_350 = arith.constant 0 : i32
        %dma_start3A_351 = tpu.memref_slice %arg5[%multiple_of3A_335, %dma_start3A_350] : memref<1000000x32xf32, #tpu.memory_space<hbm>> -> memref<8x32xf32, #tpu.memory_space<hbm>>
        tpu.enqueue_dma source(%dma_start3A_351 : memref<8x32xf32, #tpu.memory_space<hbm>>) target(%dma_start3A_349 : memref<8x32xf32, #tpu.memory_space<vmem>>) target_semaphore(%arg19 : memref<!tpu.dma_semaphore, #tpu.memory_space<semaphore_mem>>)
        %slice3A_352 = vector.extract_strided_slice %get3A_82 {offsets = [13], sizes = [1], strides = [1]} : vector<16xi32> to vector<1xi32>
        %squeeze3A_353 = vector.extract %slice3A_352[0] : i32 from vector<1xi32>
        %and3A_354 = arith.constant -8 : i32
        %and3A_355 = arith.andi %squeeze3A_353, %and3A_354 : i32
        %multiple_of3A_356 = tpu.assume_multiple %and3A_355, 8 : i32
        %mul3A_357 = arith.constant 16 : i32
        %mul3A_358 = arith.muli %scan3A_78, %mul3A_357 : i32
        %add3A_359 = arith.constant 13 : i32
        %add3A_360 = arith.addi %mul3A_358, %add3A_359 : i32
        %dma_start3A_361 = arith.constant 0 : i32
        %dma_start3A_362 = arith.constant 0 : i32
        %dma_start3A_363 = tpu.memref_slice %arg14[%add3A_360, %dma_start3A_361, %dma_start3A_362] : memref<32x8x32xf32, #tpu.memory_space<vmem>> -> memref<1x8x32xf32, #tpu.memory_space<vmem>>
        %dma_start3A_364 = tpu.memref_squeeze %dma_start3A_363 : memref<1x8x32xf32, #tpu.memory_space<vmem>> -> memref<8x32xf32, #tpu.memory_space<vmem>>
        %dma_start3A_365 = arith.constant 0 : i32
        %dma_start3A_366 = tpu.memref_slice %arg5[%multiple_of3A_356, %dma_start3A_365] : memref<1000000x32xf32, #tpu.memory_space<hbm>> -> memref<8x32xf32, #tpu.memory_space<hbm>>
        %dma_start3A_367 = arith.constant 0 : i32
        %dma_start3A_368 = arith.constant 0 : i32
        %dma_start3A_369 = tpu.memref_slice %arg14[%add3A_360, %dma_start3A_367, %dma_start3A_368] : memref<32x8x32xf32, #tpu.memory_space<vmem>> -> memref<1x8x32xf32, #tpu.memory_space<vmem>>
        %dma_start3A_370 = tpu.memref_squeeze %dma_start3A_369 : memref<1x8x32xf32, #tpu.memory_space<vmem>> -> memref<8x32xf32, #tpu.memory_space<vmem>>
        %dma_start3A_371 = arith.constant 0 : i32
        %dma_start3A_372 = tpu.memref_slice %arg5[%multiple_of3A_356, %dma_start3A_371] : memref<1000000x32xf32, #tpu.memory_space<hbm>> -> memref<8x32xf32, #tpu.memory_space<hbm>>
        tpu.enqueue_dma source(%dma_start3A_372 : memref<8x32xf32, #tpu.memory_space<hbm>>) target(%dma_start3A_370 : memref<8x32xf32, #tpu.memory_space<vmem>>) target_semaphore(%arg19 : memref<!tpu.dma_semaphore, #tpu.memory_space<semaphore_mem>>)
        %slice3A_373 = vector.extract_strided_slice %get3A_82 {offsets = [14], sizes = [1], strides = [1]} : vector<16xi32> to vector<1xi32>
        %squeeze3A_374 = vector.extract %slice3A_373[0] : i32 from vector<1xi32>
        %and3A_375 = arith.constant -8 : i32
        %and3A_376 = arith.andi %squeeze3A_374, %and3A_375 : i32
        %multiple_of3A_377 = tpu.assume_multiple %and3A_376, 8 : i32
        %mul3A_378 = arith.constant 16 : i32
        %mul3A_379 = arith.muli %scan3A_78, %mul3A_378 : i32
        %add3A_380 = arith.constant 14 : i32
        %add3A_381 = arith.addi %mul3A_379, %add3A_380 : i32
        %dma_start3A_382 = arith.constant 0 : i32
        %dma_start3A_383 = arith.constant 0 : i32
        %dma_start3A_384 = tpu.memref_slice %arg14[%add3A_381, %dma_start3A_382, %dma_start3A_383] : memref<32x8x32xf32, #tpu.memory_space<vmem>> -> memref<1x8x32xf32, #tpu.memory_space<vmem>>
        %dma_start3A_385 = tpu.memref_squeeze %dma_start3A_384 : memref<1x8x32xf32, #tpu.memory_space<vmem>> -> memref<8x32xf32, #tpu.memory_space<vmem>>
        %dma_start3A_386 = arith.constant 0 : i32
        %dma_start3A_387 = tpu.memref_slice %arg5[%multiple_of3A_377, %dma_start3A_386] : memref<1000000x32xf32, #tpu.memory_space<hbm>> -> memref<8x32xf32, #tpu.memory_space<hbm>>
        %dma_start3A_388 = arith.constant 0 : i32
        %dma_start3A_389 = arith.constant 0 : i32
        %dma_start3A_390 = tpu.memref_slice %arg14[%add3A_381, %dma_start3A_388, %dma_start3A_389] : memref<32x8x32xf32, #tpu.memory_space<vmem>> -> memref<1x8x32xf32, #tpu.memory_space<vmem>>
        %dma_start3A_391 = tpu.memref_squeeze %dma_start3A_390 : memref<1x8x32xf32, #tpu.memory_space<vmem>> -> memref<8x32xf32, #tpu.memory_space<vmem>>
        %dma_start3A_392 = arith.constant 0 : i32
        %dma_start3A_393 = tpu.memref_slice %arg5[%multiple_of3A_377, %dma_start3A_392] : memref<1000000x32xf32, #tpu.memory_space<hbm>> -> memref<8x32xf32, #tpu.memory_space<hbm>>
        tpu.enqueue_dma source(%dma_start3A_393 : memref<8x32xf32, #tpu.memory_space<hbm>>) target(%dma_start3A_391 : memref<8x32xf32, #tpu.memory_space<vmem>>) target_semaphore(%arg19 : memref<!tpu.dma_semaphore, #tpu.memory_space<semaphore_mem>>)
        %slice3A_394 = vector.extract_strided_slice %get3A_82 {offsets = [15], sizes = [1], strides = [1]} : vector<16xi32> to vector<1xi32>
        %squeeze3A_395 = vector.extract %slice3A_394[0] : i32 from vector<1xi32>
        %and3A_396 = arith.constant -8 : i32
        %and3A_397 = arith.andi %squeeze3A_395, %and3A_396 : i32
        %multiple_of3A_398 = tpu.assume_multiple %and3A_397, 8 : i32
        %mul3A_399 = arith.constant 16 : i32
        %mul3A_400 = arith.muli %scan3A_78, %mul3A_399 : i32
        %add3A_401 = arith.constant 15 : i32
        %add3A_402 = arith.addi %mul3A_400, %add3A_401 : i32
        %dma_start3A_403 = arith.constant 0 : i32
        %dma_start3A_404 = arith.constant 0 : i32
        %dma_start3A_405 = tpu.memref_slice %arg14[%add3A_402, %dma_start3A_403, %dma_start3A_404] : memref<32x8x32xf32, #tpu.memory_space<vmem>> -> memref<1x8x32xf32, #tpu.memory_space<vmem>>
        %dma_start3A_406 = tpu.memref_squeeze %dma_start3A_405 : memref<1x8x32xf32, #tpu.memory_space<vmem>> -> memref<8x32xf32, #tpu.memory_space<vmem>>
        %dma_start3A_407 = arith.constant 0 : i32
        %dma_start3A_408 = tpu.memref_slice %arg5[%multiple_of3A_398, %dma_start3A_407] : memref<1000000x32xf32, #tpu.memory_space<hbm>> -> memref<8x32xf32, #tpu.memory_space<hbm>>
        %dma_start3A_409 = arith.constant 0 : i32
        %dma_start3A_410 = arith.constant 0 : i32
        %dma_start3A_411 = tpu.memref_slice %arg14[%add3A_402, %dma_start3A_409, %dma_start3A_410] : memref<32x8x32xf32, #tpu.memory_space<vmem>> -> memref<1x8x32xf32, #tpu.memory_space<vmem>>
        %dma_start3A_412 = tpu.memref_squeeze %dma_start3A_411 : memref<1x8x32xf32, #tpu.memory_space<vmem>> -> memref<8x32xf32, #tpu.memory_space<vmem>>
        %dma_start3A_413 = arith.constant 0 : i32
        %dma_start3A_414 = tpu.memref_slice %arg5[%multiple_of3A_398, %dma_start3A_413] : memref<1000000x32xf32, #tpu.memory_space<hbm>> -> memref<8x32xf32, #tpu.memory_space<hbm>>
        tpu.enqueue_dma source(%dma_start3A_414 : memref<8x32xf32, #tpu.memory_space<hbm>>) target(%dma_start3A_412 : memref<8x32xf32, #tpu.memory_space<vmem>>) target_semaphore(%arg19 : memref<!tpu.dma_semaphore, #tpu.memory_space<semaphore_mem>>)
      }
      %scan3A_54 = arith.constant 2 : i32
      tpu.wait_dma2 semaphore(%arg18 : memref<!tpu.dma_semaphore, #tpu.memory_space<semaphore_mem>>) src(%arg8 : memref<32x8x32xf32, #tpu.memory_space<hbm>>) dst(%arg13 : memref<32x8x32xf32, #tpu.memory_space<vmem>>)
      %add3A_55 = arith.constant 2 : i32
      %add3A_56 = arith.addi %mul3A_16, %add3A_55 : i32
      %scan3A_57 = arith.constant 0 : i32
      %scan3A_58 = arith.constant 0 : i32
      %scan3A_59 = arith.constant 2 : i32
      %scan3A_60 = arith.addi %scan3A_58, %scan3A_59 : i32
      %scan3A_61 = arith.constant 1 : i32
      scf.for %scan3A_78 = %scan3A_58 to %scan3A_60 step %scan3A_61  : i32 {
        %mul3A_79 = arith.constant 16 : i32
        %mul3A_80 = arith.muli %scan3A_78, %mul3A_79 : i32
        %add3A_81 = vector.broadcast %mul3A_80 : i32 to vector<16xi32>
        %add3A_82 = arith.addi %iota3A, %add3A_81 : vector<16xi32>
        %mul3A_83 = arith.constant 16 : i32
        %mul3A_84 = arith.muli %scan3A_78, %mul3A_83 : i32
        %add3A_85 = arith.constant 64 : i32
        %add3A_86 = arith.addi %add3A_85, %mul3A_84 : i32
        %mul3A_87 = arith.constant 16 : i32
        %mul3A_88 = arith.muli %scan3A_78, %mul3A_87 : i32
        %get3A = arith.index_cast %add3A_56 : i32 to index
        %get3A_89 = arith.index_cast %mul3A_88 : i32 to index
        %get3A_90 = tpu.vector_load %arg10[%get3A, %get3A_89] {strides = array<i32>} : memref<16x32xi32, #tpu.memory_space<vmem>>, vector<16xi32>,
        %broadcast_in_dim3A = arith.constant 7 : i32
        %broadcast_in_dim3A_91 = vector.broadcast %broadcast_in_dim3A : i32 to vector<16xi32>
        %and3A = arith.andi %get3A_90, %broadcast_in_dim3A_91 : vector<16xi32>
        %broadcast_in_dim3A_92 = arith.constant 0 : i32
        %broadcast_in_dim3A_93 = vector.broadcast %broadcast_in_dim3A_92 : i32 to vector<16xi32>
        %gather3A = tpu.vector_load_idx %arg13[%add3A_82, %and3A, %broadcast_in_dim3A_93] : memref<32x8x32xf32, #tpu.memory_space<vmem>>[vector<16xi32>, vector<16xi32>, vector<16xi32>], vector<16xf32>,
        %swap3A = arith.constant 0 : i32
        %swap3A_94 = arith.index_cast %swap3A : i32 to index
        %swap3A_95 = arith.index_cast %add3A_86 : i32 to index
        %swap3A_96 = tpu.vector_load %arg17[%swap3A_94, %swap3A_95] {strides = array<i32>} : memref<64x128xf32, #tpu.memory_space<vmem>>, vector<16xf32>,
        tpu.vector_store %arg17[%swap3A_94, %swap3A_95], %gather3A {strides = array<i32>} : memref<64x128xf32, #tpu.memory_space<vmem>>, vector<16xf32>,
        %broadcast_in_dim3A_97 = arith.constant 1 : i32
        %broadcast_in_dim3A_98 = vector.broadcast %broadcast_in_dim3A_97 : i32 to vector<16xi32>
        %gather3A_99 = tpu.vector_load_idx %arg13[%add3A_82, %and3A, %broadcast_in_dim3A_98] : memref<32x8x32xf32, #tpu.memory_space<vmem>>[vector<16xi32>, vector<16xi32>, vector<16xi32>], vector<16xf32>,
        %swap3A_100 = arith.constant 1 : i32
        %swap3A_101 = arith.index_cast %swap3A_100 : i32 to index
        %swap3A_102 = arith.index_cast %add3A_86 : i32 to index
        %swap3A_103 = tpu.vector_load %arg17[%swap3A_101, %swap3A_102] {strides = array<i32>} : memref<64x128xf32, #tpu.memory_space<vmem>>, vector<16xf32>,
        tpu.vector_store %arg17[%swap3A_101, %swap3A_102], %gather3A_99 {strides = array<i32>} : memref<64x128xf32, #tpu.memory_space<vmem>>, vector<16xf32>,
        %broadcast_in_dim3A_104 = arith.constant 2 : i32
        %broadcast_in_dim3A_105 = vector.broadcast %broadcast_in_dim3A_104 : i32 to vector<16xi32>
        %gather3A_106 = tpu.vector_load_idx %arg13[%add3A_82, %and3A, %broadcast_in_dim3A_105] : memref<32x8x32xf32, #tpu.memory_space<vmem>>[vector<16xi32>, vector<16xi32>, vector<16xi32>], vector<16xf32>,
        %swap3A_107 = arith.constant 2 : i32
        %swap3A_108 = arith.index_cast %swap3A_107 : i32 to index
        %swap3A_109 = arith.index_cast %add3A_86 : i32 to index
        %swap3A_110 = tpu.vector_load %arg17[%swap3A_108, %swap3A_109] {strides = array<i32>} : memref<64x128xf32, #tpu.memory_space<vmem>>, vector<16xf32>,
        tpu.vector_store %arg17[%swap3A_108, %swap3A_109], %gather3A_106 {strides = array<i32>} : memref<64x128xf32, #tpu.memory_space<vmem>>, vector<16xf32>,
        %broadcast_in_dim3A_111 = arith.constant 3 : i32
        %broadcast_in_dim3A_112 = vector.broadcast %broadcast_in_dim3A_111 : i32 to vector<16xi32>
        %gather3A_113 = tpu.vector_load_idx %arg13[%add3A_82, %and3A, %broadcast_in_dim3A_112] : memref<32x8x32xf32, #tpu.memory_space<vmem>>[vector<16xi32>, vector<16xi32>, vector<16xi32>], vector<16xf32>,
        %swap3A_114 = arith.constant 3 : i32
        %swap3A_115 = arith.index_cast %swap3A_114 : i32 to index
        %swap3A_116 = arith.index_cast %add3A_86 : i32 to index
        %swap3A_117 = tpu.vector_load %arg17[%swap3A_115, %swap3A_116] {strides = array<i32>} : memref<64x128xf32, #tpu.memory_space<vmem>>, vector<16xf32>,
        tpu.vector_store %arg17[%swap3A_115, %swap3A_116], %gather3A_113 {strides = array<i32>} : memref<64x128xf32, #tpu.memory_space<vmem>>, vector<16xf32>,
        %broadcast_in_dim3A_118 = arith.constant 4 : i32
        %broadcast_in_dim3A_119 = vector.broadcast %broadcast_in_dim3A_118 : i32 to vector<16xi32>
        %gather3A_120 = tpu.vector_load_idx %arg13[%add3A_82, %and3A, %broadcast_in_dim3A_119] : memref<32x8x32xf32, #tpu.memory_space<vmem>>[vector<16xi32>, vector<16xi32>, vector<16xi32>], vector<16xf32>,
        %swap3A_121 = arith.constant 4 : i32
        %swap3A_122 = arith.index_cast %swap3A_121 : i32 to index
        %swap3A_123 = arith.index_cast %add3A_86 : i32 to index
        %swap3A_124 = tpu.vector_load %arg17[%swap3A_122, %swap3A_123] {strides = array<i32>} : memref<64x128xf32, #tpu.memory_space<vmem>>, vector<16xf32>,
        tpu.vector_store %arg17[%swap3A_122, %swap3A_123], %gather3A_120 {strides = array<i32>} : memref<64x128xf32, #tpu.memory_space<vmem>>, vector<16xf32>,
        %broadcast_in_dim3A_125 = arith.constant 5 : i32
        %broadcast_in_dim3A_126 = vector.broadcast %broadcast_in_dim3A_125 : i32 to vector<16xi32>
        %gather3A_127 = tpu.vector_load_idx %arg13[%add3A_82, %and3A, %broadcast_in_dim3A_126] : memref<32x8x32xf32, #tpu.memory_space<vmem>>[vector<16xi32>, vector<16xi32>, vector<16xi32>], vector<16xf32>,
        %swap3A_128 = arith.constant 5 : i32
        %swap3A_129 = arith.index_cast %swap3A_128 : i32 to index
        %swap3A_130 = arith.index_cast %add3A_86 : i32 to index
        %swap3A_131 = tpu.vector_load %arg17[%swap3A_129, %swap3A_130] {strides = array<i32>} : memref<64x128xf32, #tpu.memory_space<vmem>>, vector<16xf32>,
        tpu.vector_store %arg17[%swap3A_129, %swap3A_130], %gather3A_127 {strides = array<i32>} : memref<64x128xf32, #tpu.memory_space<vmem>>, vector<16xf32>,
        %broadcast_in_dim3A_132 = arith.constant 6 : i32
        %broadcast_in_dim3A_133 = vector.broadcast %broadcast_in_dim3A_132 : i32 to vector<16xi32>
        %gather3A_134 = tpu.vector_load_idx %arg13[%add3A_82, %and3A, %broadcast_in_dim3A_133] : memref<32x8x32xf32, #tpu.memory_space<vmem>>[vector<16xi32>, vector<16xi32>, vector<16xi32>], vector<16xf32>,
        %swap3A_135 = arith.constant 6 : i32
        %swap3A_136 = arith.index_cast %swap3A_135 : i32 to index
        %swap3A_137 = arith.index_cast %add3A_86 : i32 to index
        %swap3A_138 = tpu.vector_load %arg17[%swap3A_136, %swap3A_137] {strides = array<i32>} : memref<64x128xf32, #tpu.memory_space<vmem>>, vector<16xf32>,
        tpu.vector_store %arg17[%swap3A_136, %swap3A_137], %gather3A_134 {strides = array<i32>} : memref<64x128xf32, #tpu.memory_space<vmem>>, vector<16xf32>,
        %broadcast_in_dim3A_139 = arith.constant 7 : i32
        %broadcast_in_dim3A_140 = vector.broadcast %broadcast_in_dim3A_139 : i32 to vector<16xi32>
        %gather3A_141 = tpu.vector_load_idx %arg13[%add3A_82, %and3A, %broadcast_in_dim3A_140] : memref<32x8x32xf32, #tpu.memory_space<vmem>>[vector<16xi32>, vector<16xi32>, vector<16xi32>], vector<16xf32>,
        %swap3A_142 = arith.constant 7 : i32
        %swap3A_143 = arith.index_cast %swap3A_142 : i32 to index
        %swap3A_144 = arith.index_cast %add3A_86 : i32 to index
        %swap3A_145 = tpu.vector_load %arg17[%swap3A_143, %swap3A_144] {strides = array<i32>} : memref<64x128xf32, #tpu.memory_space<vmem>>, vector<16xf32>,
        tpu.vector_store %arg17[%swap3A_143, %swap3A_144], %gather3A_141 {strides = array<i32>} : memref<64x128xf32, #tpu.memory_space<vmem>>, vector<16xf32>,
        %broadcast_in_dim3A_146 = arith.constant 8 : i32
        %broadcast_in_dim3A_147 = vector.broadcast %broadcast_in_dim3A_146 : i32 to vector<16xi32>
        %gather3A_148 = tpu.vector_load_idx %arg13[%add3A_82, %and3A, %broadcast_in_dim3A_147] : memref<32x8x32xf32, #tpu.memory_space<vmem>>[vector<16xi32>, vector<16xi32>, vector<16xi32>], vector<16xf32>,
        %swap3A_149 = arith.constant 8 : i32
        %swap3A_150 = arith.index_cast %swap3A_149 : i32 to index
        %swap3A_151 = arith.index_cast %add3A_86 : i32 to index
        %swap3A_152 = tpu.vector_load %arg17[%swap3A_150, %swap3A_151] {strides = array<i32>} : memref<64x128xf32, #tpu.memory_space<vmem>>, vector<16xf32>,
        tpu.vector_store %arg17[%swap3A_150, %swap3A_151], %gather3A_148 {strides = array<i32>} : memref<64x128xf32, #tpu.memory_space<vmem>>, vector<16xf32>,
        %broadcast_in_dim3A_153 = arith.constant 9 : i32
        %broadcast_in_dim3A_154 = vector.broadcast %broadcast_in_dim3A_153 : i32 to vector<16xi32>
        %gather3A_155 = tpu.vector_load_idx %arg13[%add3A_82, %and3A, %broadcast_in_dim3A_154] : memref<32x8x32xf32, #tpu.memory_space<vmem>>[vector<16xi32>, vector<16xi32>, vector<16xi32>], vector<16xf32>,
        %swap3A_156 = arith.constant 9 : i32
        %swap3A_157 = arith.index_cast %swap3A_156 : i32 to index
        %swap3A_158 = arith.index_cast %add3A_86 : i32 to index
        %swap3A_159 = tpu.vector_load %arg17[%swap3A_157, %swap3A_158] {strides = array<i32>} : memref<64x128xf32, #tpu.memory_space<vmem>>, vector<16xf32>,
        tpu.vector_store %arg17[%swap3A_157, %swap3A_158], %gather3A_155 {strides = array<i32>} : memref<64x128xf32, #tpu.memory_space<vmem>>, vector<16xf32>,
        %broadcast_in_dim3A_160 = arith.constant 10 : i32
        %broadcast_in_dim3A_161 = vector.broadcast %broadcast_in_dim3A_160 : i32 to vector<16xi32>
        %gather3A_162 = tpu.vector_load_idx %arg13[%add3A_82, %and3A, %broadcast_in_dim3A_161] : memref<32x8x32xf32, #tpu.memory_space<vmem>>[vector<16xi32>, vector<16xi32>, vector<16xi32>], vector<16xf32>,
        %swap3A_163 = arith.constant 10 : i32
        %swap3A_164 = arith.index_cast %swap3A_163 : i32 to index
        %swap3A_165 = arith.index_cast %add3A_86 : i32 to index
        %swap3A_166 = tpu.vector_load %arg17[%swap3A_164, %swap3A_165] {strides = array<i32>} : memref<64x128xf32, #tpu.memory_space<vmem>>, vector<16xf32>,
        tpu.vector_store %arg17[%swap3A_164, %swap3A_165], %gather3A_162 {strides = array<i32>} : memref<64x128xf32, #tpu.memory_space<vmem>>, vector<16xf32>,
        %broadcast_in_dim3A_167 = arith.constant 11 : i32
        %broadcast_in_dim3A_168 = vector.broadcast %broadcast_in_dim3A_167 : i32 to vector<16xi32>
        %gather3A_169 = tpu.vector_load_idx %arg13[%add3A_82, %and3A, %broadcast_in_dim3A_168] : memref<32x8x32xf32, #tpu.memory_space<vmem>>[vector<16xi32>, vector<16xi32>, vector<16xi32>], vector<16xf32>,
        %swap3A_170 = arith.constant 11 : i32
        %swap3A_171 = arith.index_cast %swap3A_170 : i32 to index
        %swap3A_172 = arith.index_cast %add3A_86 : i32 to index
        %swap3A_173 = tpu.vector_load %arg17[%swap3A_171, %swap3A_172] {strides = array<i32>} : memref<64x128xf32, #tpu.memory_space<vmem>>, vector<16xf32>,
        tpu.vector_store %arg17[%swap3A_171, %swap3A_172], %gather3A_169 {strides = array<i32>} : memref<64x128xf32, #tpu.memory_space<vmem>>, vector<16xf32>,
        %broadcast_in_dim3A_174 = arith.constant 12 : i32
        %broadcast_in_dim3A_175 = vector.broadcast %broadcast_in_dim3A_174 : i32 to vector<16xi32>
        %gather3A_176 = tpu.vector_load_idx %arg13[%add3A_82, %and3A, %broadcast_in_dim3A_175] : memref<32x8x32xf32, #tpu.memory_space<vmem>>[vector<16xi32>, vector<16xi32>, vector<16xi32>], vector<16xf32>,
        %swap3A_177 = arith.constant 12 : i32
        %swap3A_178 = arith.index_cast %swap3A_177 : i32 to index
        %swap3A_179 = arith.index_cast %add3A_86 : i32 to index
        %swap3A_180 = tpu.vector_load %arg17[%swap3A_178, %swap3A_179] {strides = array<i32>} : memref<64x128xf32, #tpu.memory_space<vmem>>, vector<16xf32>,
        tpu.vector_store %arg17[%swap3A_178, %swap3A_179], %gather3A_176 {strides = array<i32>} : memref<64x128xf32, #tpu.memory_space<vmem>>, vector<16xf32>,
        %broadcast_in_dim3A_181 = arith.constant 13 : i32
        %broadcast_in_dim3A_182 = vector.broadcast %broadcast_in_dim3A_181 : i32 to vector<16xi32>
        %gather3A_183 = tpu.vector_load_idx %arg13[%add3A_82, %and3A, %broadcast_in_dim3A_182] : memref<32x8x32xf32, #tpu.memory_space<vmem>>[vector<16xi32>, vector<16xi32>, vector<16xi32>], vector<16xf32>,
        %swap3A_184 = arith.constant 13 : i32
        %swap3A_185 = arith.index_cast %swap3A_184 : i32 to index
        %swap3A_186 = arith.index_cast %add3A_86 : i32 to index
        %swap3A_187 = tpu.vector_load %arg17[%swap3A_185, %swap3A_186] {strides = array<i32>} : memref<64x128xf32, #tpu.memory_space<vmem>>, vector<16xf32>,
        tpu.vector_store %arg17[%swap3A_185, %swap3A_186], %gather3A_183 {strides = array<i32>} : memref<64x128xf32, #tpu.memory_space<vmem>>, vector<16xf32>,
        %broadcast_in_dim3A_188 = arith.constant 14 : i32
        %broadcast_in_dim3A_189 = vector.broadcast %broadcast_in_dim3A_188 : i32 to vector<16xi32>
        %gather3A_190 = tpu.vector_load_idx %arg13[%add3A_82, %and3A, %broadcast_in_dim3A_189] : memref<32x8x32xf32, #tpu.memory_space<vmem>>[vector<16xi32>, vector<16xi32>, vector<16xi32>], vector<16xf32>,
        %swap3A_191 = arith.constant 14 : i32
        %swap3A_192 = arith.index_cast %swap3A_191 : i32 to index
        %swap3A_193 = arith.index_cast %add3A_86 : i32 to index
        %swap3A_194 = tpu.vector_load %arg17[%swap3A_192, %swap3A_193] {strides = array<i32>} : memref<64x128xf32, #tpu.memory_space<vmem>>, vector<16xf32>,
        tpu.vector_store %arg17[%swap3A_192, %swap3A_193], %gather3A_190 {strides = array<i32>} : memref<64x128xf32, #tpu.memory_space<vmem>>, vector<16xf32>,
        %broadcast_in_dim3A_195 = arith.constant 15 : i32
        %broadcast_in_dim3A_196 = vector.broadcast %broadcast_in_dim3A_195 : i32 to vector<16xi32>
        %gather3A_197 = tpu.vector_load_idx %arg13[%add3A_82, %and3A, %broadcast_in_dim3A_196] : memref<32x8x32xf32, #tpu.memory_space<vmem>>[vector<16xi32>, vector<16xi32>, vector<16xi32>], vector<16xf32>,
        %swap3A_198 = arith.constant 15 : i32
        %swap3A_199 = arith.index_cast %swap3A_198 : i32 to index
        %swap3A_200 = arith.index_cast %add3A_86 : i32 to index
        %swap3A_201 = tpu.vector_load %arg17[%swap3A_199, %swap3A_200] {strides = array<i32>} : memref<64x128xf32, #tpu.memory_space<vmem>>, vector<16xf32>,
        tpu.vector_store %arg17[%swap3A_199, %swap3A_200], %gather3A_197 {strides = array<i32>} : memref<64x128xf32, #tpu.memory_space<vmem>>, vector<16xf32>,
        %broadcast_in_dim3A_202 = arith.constant 16 : i32
        %broadcast_in_dim3A_203 = vector.broadcast %broadcast_in_dim3A_202 : i32 to vector<16xi32>
        %gather3A_204 = tpu.vector_load_idx %arg13[%add3A_82, %and3A, %broadcast_in_dim3A_203] : memref<32x8x32xf32, #tpu.memory_space<vmem>>[vector<16xi32>, vector<16xi32>, vector<16xi32>], vector<16xf32>,
        %swap3A_205 = arith.constant 16 : i32
        %swap3A_206 = arith.index_cast %swap3A_205 : i32 to index
        %swap3A_207 = arith.index_cast %add3A_86 : i32 to index
        %swap3A_208 = tpu.vector_load %arg17[%swap3A_206, %swap3A_207] {strides = array<i32>} : memref<64x128xf32, #tpu.memory_space<vmem>>, vector<16xf32>,
        tpu.vector_store %arg17[%swap3A_206, %swap3A_207], %gather3A_204 {strides = array<i32>} : memref<64x128xf32, #tpu.memory_space<vmem>>, vector<16xf32>,
        %broadcast_in_dim3A_209 = arith.constant 17 : i32
        %broadcast_in_dim3A_210 = vector.broadcast %broadcast_in_dim3A_209 : i32 to vector<16xi32>
        %gather3A_211 = tpu.vector_load_idx %arg13[%add3A_82, %and3A, %broadcast_in_dim3A_210] : memref<32x8x32xf32, #tpu.memory_space<vmem>>[vector<16xi32>, vector<16xi32>, vector<16xi32>], vector<16xf32>,
        %swap3A_212 = arith.constant 17 : i32
        %swap3A_213 = arith.index_cast %swap3A_212 : i32 to index
        %swap3A_214 = arith.index_cast %add3A_86 : i32 to index
        %swap3A_215 = tpu.vector_load %arg17[%swap3A_213, %swap3A_214] {strides = array<i32>} : memref<64x128xf32, #tpu.memory_space<vmem>>, vector<16xf32>,
        tpu.vector_store %arg17[%swap3A_213, %swap3A_214], %gather3A_211 {strides = array<i32>} : memref<64x128xf32, #tpu.memory_space<vmem>>, vector<16xf32>,
        %broadcast_in_dim3A_216 = arith.constant 18 : i32
        %broadcast_in_dim3A_217 = vector.broadcast %broadcast_in_dim3A_216 : i32 to vector<16xi32>
        %gather3A_218 = tpu.vector_load_idx %arg13[%add3A_82, %and3A, %broadcast_in_dim3A_217] : memref<32x8x32xf32, #tpu.memory_space<vmem>>[vector<16xi32>, vector<16xi32>, vector<16xi32>], vector<16xf32>,
        %swap3A_219 = arith.constant 18 : i32
        %swap3A_220 = arith.index_cast %swap3A_219 : i32 to index
        %swap3A_221 = arith.index_cast %add3A_86 : i32 to index
        %swap3A_222 = tpu.vector_load %arg17[%swap3A_220, %swap3A_221] {strides = array<i32>} : memref<64x128xf32, #tpu.memory_space<vmem>>, vector<16xf32>,
        tpu.vector_store %arg17[%swap3A_220, %swap3A_221], %gather3A_218 {strides = array<i32>} : memref<64x128xf32, #tpu.memory_space<vmem>>, vector<16xf32>,
        %broadcast_in_dim3A_223 = arith.constant 19 : i32
        %broadcast_in_dim3A_224 = vector.broadcast %broadcast_in_dim3A_223 : i32 to vector<16xi32>
        %gather3A_225 = tpu.vector_load_idx %arg13[%add3A_82, %and3A, %broadcast_in_dim3A_224] : memref<32x8x32xf32, #tpu.memory_space<vmem>>[vector<16xi32>, vector<16xi32>, vector<16xi32>], vector<16xf32>,
        %swap3A_226 = arith.constant 19 : i32
        %swap3A_227 = arith.index_cast %swap3A_226 : i32 to index
        %swap3A_228 = arith.index_cast %add3A_86 : i32 to index
        %swap3A_229 = tpu.vector_load %arg17[%swap3A_227, %swap3A_228] {strides = array<i32>} : memref<64x128xf32, #tpu.memory_space<vmem>>, vector<16xf32>,
        tpu.vector_store %arg17[%swap3A_227, %swap3A_228], %gather3A_225 {strides = array<i32>} : memref<64x128xf32, #tpu.memory_space<vmem>>, vector<16xf32>,
        %broadcast_in_dim3A_230 = arith.constant 20 : i32
        %broadcast_in_dim3A_231 = vector.broadcast %broadcast_in_dim3A_230 : i32 to vector<16xi32>
        %gather3A_232 = tpu.vector_load_idx %arg13[%add3A_82, %and3A, %broadcast_in_dim3A_231] : memref<32x8x32xf32, #tpu.memory_space<vmem>>[vector<16xi32>, vector<16xi32>, vector<16xi32>], vector<16xf32>,
        %swap3A_233 = arith.constant 20 : i32
        %swap3A_234 = arith.index_cast %swap3A_233 : i32 to index
        %swap3A_235 = arith.index_cast %add3A_86 : i32 to index
        %swap3A_236 = tpu.vector_load %arg17[%swap3A_234, %swap3A_235] {strides = array<i32>} : memref<64x128xf32, #tpu.memory_space<vmem>>, vector<16xf32>,
        tpu.vector_store %arg17[%swap3A_234, %swap3A_235], %gather3A_232 {strides = array<i32>} : memref<64x128xf32, #tpu.memory_space<vmem>>, vector<16xf32>,
        %broadcast_in_dim3A_237 = arith.constant 21 : i32
        %broadcast_in_dim3A_238 = vector.broadcast %broadcast_in_dim3A_237 : i32 to vector<16xi32>
        %gather3A_239 = tpu.vector_load_idx %arg13[%add3A_82, %and3A, %broadcast_in_dim3A_238] : memref<32x8x32xf32, #tpu.memory_space<vmem>>[vector<16xi32>, vector<16xi32>, vector<16xi32>], vector<16xf32>,
        %swap3A_240 = arith.constant 21 : i32
        %swap3A_241 = arith.index_cast %swap3A_240 : i32 to index
        %swap3A_242 = arith.index_cast %add3A_86 : i32 to index
        %swap3A_243 = tpu.vector_load %arg17[%swap3A_241, %swap3A_242] {strides = array<i32>} : memref<64x128xf32, #tpu.memory_space<vmem>>, vector<16xf32>,
        tpu.vector_store %arg17[%swap3A_241, %swap3A_242], %gather3A_239 {strides = array<i32>} : memref<64x128xf32, #tpu.memory_space<vmem>>, vector<16xf32>,
        %broadcast_in_dim3A_244 = arith.constant 22 : i32
        %broadcast_in_dim3A_245 = vector.broadcast %broadcast_in_dim3A_244 : i32 to vector<16xi32>
        %gather3A_246 = tpu.vector_load_idx %arg13[%add3A_82, %and3A, %broadcast_in_dim3A_245] : memref<32x8x32xf32, #tpu.memory_space<vmem>>[vector<16xi32>, vector<16xi32>, vector<16xi32>], vector<16xf32>,
        %swap3A_247 = arith.constant 22 : i32
        %swap3A_248 = arith.index_cast %swap3A_247 : i32 to index
        %swap3A_249 = arith.index_cast %add3A_86 : i32 to index
        %swap3A_250 = tpu.vector_load %arg17[%swap3A_248, %swap3A_249] {strides = array<i32>} : memref<64x128xf32, #tpu.memory_space<vmem>>, vector<16xf32>,
        tpu.vector_store %arg17[%swap3A_248, %swap3A_249], %gather3A_246 {strides = array<i32>} : memref<64x128xf32, #tpu.memory_space<vmem>>, vector<16xf32>,
        %broadcast_in_dim3A_251 = arith.constant 23 : i32
        %broadcast_in_dim3A_252 = vector.broadcast %broadcast_in_dim3A_251 : i32 to vector<16xi32>
        %gather3A_253 = tpu.vector_load_idx %arg13[%add3A_82, %and3A, %broadcast_in_dim3A_252] : memref<32x8x32xf32, #tpu.memory_space<vmem>>[vector<16xi32>, vector<16xi32>, vector<16xi32>], vector<16xf32>,
        %swap3A_254 = arith.constant 23 : i32
        %swap3A_255 = arith.index_cast %swap3A_254 : i32 to index
        %swap3A_256 = arith.index_cast %add3A_86 : i32 to index
        %swap3A_257 = tpu.vector_load %arg17[%swap3A_255, %swap3A_256] {strides = array<i32>} : memref<64x128xf32, #tpu.memory_space<vmem>>, vector<16xf32>,
        tpu.vector_store %arg17[%swap3A_255, %swap3A_256], %gather3A_253 {strides = array<i32>} : memref<64x128xf32, #tpu.memory_space<vmem>>, vector<16xf32>,
        %broadcast_in_dim3A_258 = arith.constant 24 : i32
        %broadcast_in_dim3A_259 = vector.broadcast %broadcast_in_dim3A_258 : i32 to vector<16xi32>
        %gather3A_260 = tpu.vector_load_idx %arg13[%add3A_82, %and3A, %broadcast_in_dim3A_259] : memref<32x8x32xf32, #tpu.memory_space<vmem>>[vector<16xi32>, vector<16xi32>, vector<16xi32>], vector<16xf32>,
        %swap3A_261 = arith.constant 24 : i32
        %swap3A_262 = arith.index_cast %swap3A_261 : i32 to index
        %swap3A_263 = arith.index_cast %add3A_86 : i32 to index
        %swap3A_264 = tpu.vector_load %arg17[%swap3A_262, %swap3A_263] {strides = array<i32>} : memref<64x128xf32, #tpu.memory_space<vmem>>, vector<16xf32>,
        tpu.vector_store %arg17[%swap3A_262, %swap3A_263], %gather3A_260 {strides = array<i32>} : memref<64x128xf32, #tpu.memory_space<vmem>>, vector<16xf32>,
        %broadcast_in_dim3A_265 = arith.constant 25 : i32
        %broadcast_in_dim3A_266 = vector.broadcast %broadcast_in_dim3A_265 : i32 to vector<16xi32>
        %gather3A_267 = tpu.vector_load_idx %arg13[%add3A_82, %and3A, %broadcast_in_dim3A_266] : memref<32x8x32xf32, #tpu.memory_space<vmem>>[vector<16xi32>, vector<16xi32>, vector<16xi32>], vector<16xf32>,
        %swap3A_268 = arith.constant 25 : i32
        %swap3A_269 = arith.index_cast %swap3A_268 : i32 to index
        %swap3A_270 = arith.index_cast %add3A_86 : i32 to index
        %swap3A_271 = tpu.vector_load %arg17[%swap3A_269, %swap3A_270] {strides = array<i32>} : memref<64x128xf32, #tpu.memory_space<vmem>>, vector<16xf32>,
        tpu.vector_store %arg17[%swap3A_269, %swap3A_270], %gather3A_267 {strides = array<i32>} : memref<64x128xf32, #tpu.memory_space<vmem>>, vector<16xf32>,
        %broadcast_in_dim3A_272 = arith.constant 26 : i32
        %broadcast_in_dim3A_273 = vector.broadcast %broadcast_in_dim3A_272 : i32 to vector<16xi32>
        %gather3A_274 = tpu.vector_load_idx %arg13[%add3A_82, %and3A, %broadcast_in_dim3A_273] : memref<32x8x32xf32, #tpu.memory_space<vmem>>[vector<16xi32>, vector<16xi32>, vector<16xi32>], vector<16xf32>,
        %swap3A_275 = arith.constant 26 : i32
        %swap3A_276 = arith.index_cast %swap3A_275 : i32 to index
        %swap3A_277 = arith.index_cast %add3A_86 : i32 to index
        %swap3A_278 = tpu.vector_load %arg17[%swap3A_276, %swap3A_277] {strides = array<i32>} : memref<64x128xf32, #tpu.memory_space<vmem>>, vector<16xf32>,
        tpu.vector_store %arg17[%swap3A_276, %swap3A_277], %gather3A_274 {strides = array<i32>} : memref<64x128xf32, #tpu.memory_space<vmem>>, vector<16xf32>,
        %broadcast_in_dim3A_279 = arith.constant 27 : i32
        %broadcast_in_dim3A_280 = vector.broadcast %broadcast_in_dim3A_279 : i32 to vector<16xi32>
        %gather3A_281 = tpu.vector_load_idx %arg13[%add3A_82, %and3A, %broadcast_in_dim3A_280] : memref<32x8x32xf32, #tpu.memory_space<vmem>>[vector<16xi32>, vector<16xi32>, vector<16xi32>], vector<16xf32>,
        %swap3A_282 = arith.constant 27 : i32
        %swap3A_283 = arith.index_cast %swap3A_282 : i32 to index
        %swap3A_284 = arith.index_cast %add3A_86 : i32 to index
        %swap3A_285 = tpu.vector_load %arg17[%swap3A_283, %swap3A_284] {strides = array<i32>} : memref<64x128xf32, #tpu.memory_space<vmem>>, vector<16xf32>,
        tpu.vector_store %arg17[%swap3A_283, %swap3A_284], %gather3A_281 {strides = array<i32>} : memref<64x128xf32, #tpu.memory_space<vmem>>, vector<16xf32>,
        %broadcast_in_dim3A_286 = arith.constant 28 : i32
        %broadcast_in_dim3A_287 = vector.broadcast %broadcast_in_dim3A_286 : i32 to vector<16xi32>
        %gather3A_288 = tpu.vector_load_idx %arg13[%add3A_82, %and3A, %broadcast_in_dim3A_287] : memref<32x8x32xf32, #tpu.memory_space<vmem>>[vector<16xi32>, vector<16xi32>, vector<16xi32>], vector<16xf32>,
        %swap3A_289 = arith.constant 28 : i32
        %swap3A_290 = arith.index_cast %swap3A_289 : i32 to index
        %swap3A_291 = arith.index_cast %add3A_86 : i32 to index
        %swap3A_292 = tpu.vector_load %arg17[%swap3A_290, %swap3A_291] {strides = array<i32>} : memref<64x128xf32, #tpu.memory_space<vmem>>, vector<16xf32>,
        tpu.vector_store %arg17[%swap3A_290, %swap3A_291], %gather3A_288 {strides = array<i32>} : memref<64x128xf32, #tpu.memory_space<vmem>>, vector<16xf32>,
        %broadcast_in_dim3A_293 = arith.constant 29 : i32
        %broadcast_in_dim3A_294 = vector.broadcast %broadcast_in_dim3A_293 : i32 to vector<16xi32>
        %gather3A_295 = tpu.vector_load_idx %arg13[%add3A_82, %and3A, %broadcast_in_dim3A_294] : memref<32x8x32xf32, #tpu.memory_space<vmem>>[vector<16xi32>, vector<16xi32>, vector<16xi32>], vector<16xf32>,
        %swap3A_296 = arith.constant 29 : i32
        %swap3A_297 = arith.index_cast %swap3A_296 : i32 to index
        %swap3A_298 = arith.index_cast %add3A_86 : i32 to index
        %swap3A_299 = tpu.vector_load %arg17[%swap3A_297, %swap3A_298] {strides = array<i32>} : memref<64x128xf32, #tpu.memory_space<vmem>>, vector<16xf32>,
        tpu.vector_store %arg17[%swap3A_297, %swap3A_298], %gather3A_295 {strides = array<i32>} : memref<64x128xf32, #tpu.memory_space<vmem>>, vector<16xf32>,
        %broadcast_in_dim3A_300 = arith.constant 30 : i32
        %broadcast_in_dim3A_301 = vector.broadcast %broadcast_in_dim3A_300 : i32 to vector<16xi32>
        %gather3A_302 = tpu.vector_load_idx %arg13[%add3A_82, %and3A, %broadcast_in_dim3A_301] : memref<32x8x32xf32, #tpu.memory_space<vmem>>[vector<16xi32>, vector<16xi32>, vector<16xi32>], vector<16xf32>,
        %swap3A_303 = arith.constant 30 : i32
        %swap3A_304 = arith.index_cast %swap3A_303 : i32 to index
        %swap3A_305 = arith.index_cast %add3A_86 : i32 to index
        %swap3A_306 = tpu.vector_load %arg17[%swap3A_304, %swap3A_305] {strides = array<i32>} : memref<64x128xf32, #tpu.memory_space<vmem>>, vector<16xf32>,
        tpu.vector_store %arg17[%swap3A_304, %swap3A_305], %gather3A_302 {strides = array<i32>} : memref<64x128xf32, #tpu.memory_space<vmem>>, vector<16xf32>,
        %broadcast_in_dim3A_307 = arith.constant 31 : i32
        %broadcast_in_dim3A_308 = vector.broadcast %broadcast_in_dim3A_307 : i32 to vector<16xi32>
        %gather3A_309 = tpu.vector_load_idx %arg13[%add3A_82, %and3A, %broadcast_in_dim3A_308] : memref<32x8x32xf32, #tpu.memory_space<vmem>>[vector<16xi32>, vector<16xi32>, vector<16xi32>], vector<16xf32>,
        %swap3A_310 = arith.constant 31 : i32
        %swap3A_311 = arith.index_cast %swap3A_310 : i32 to index
        %swap3A_312 = arith.index_cast %add3A_86 : i32 to index
        %swap3A_313 = tpu.vector_load %arg17[%swap3A_311, %swap3A_312] {strides = array<i32>} : memref<64x128xf32, #tpu.memory_space<vmem>>, vector<16xf32>,
        tpu.vector_store %arg17[%swap3A_311, %swap3A_312], %gather3A_309 {strides = array<i32>} : memref<64x128xf32, #tpu.memory_space<vmem>>, vector<16xf32>,
        %mul3A_314 = arith.constant 16 : i32
        %mul3A_315 = arith.muli %scan3A_78, %mul3A_314 : i32
        %get3A_316 = arith.index_cast %add3A_56 : i32 to index
        %get3A_317 = arith.index_cast %mul3A_315 : i32 to index
        %get3A_318 = tpu.vector_load %arg11[%get3A_316, %get3A_317] {strides = array<i32>} : memref<16x32xi32, #tpu.memory_space<vmem>>, vector<16xi32>,
        %broadcast_in_dim3A_319 = arith.constant 3 : i32
        %broadcast_in_dim3A_320 = vector.broadcast %broadcast_in_dim3A_319 : i32 to vector<16xi32>
        %shift_right_logical3A = arith.shrui %get3A_318, %broadcast_in_dim3A_320 : vector<16xi32>
        %broadcast_in_dim3A_321 = arith.constant 7 : i32
        %broadcast_in_dim3A_322 = vector.broadcast %broadcast_in_dim3A_321 : i32 to vector<16xi32>
        %and3A_323 = arith.andi %get3A_318, %broadcast_in_dim3A_322 : vector<16xi32>
        %broadcast_in_dim3A_324 = arith.constant 4 : i32
        %broadcast_in_dim3A_325 = vector.broadcast %broadcast_in_dim3A_324 : i32 to vector<16xi32>
        %shift_left3A = arith.shli %and3A_323, %broadcast_in_dim3A_325 : vector<16xi32>
        %broadcast_in_dim3A_326 = arith.constant 0 : i32
        %broadcast_in_dim3A_327 = vector.broadcast %broadcast_in_dim3A_326 : i32 to vector<16xi32>
        %add3A_328 = arith.addi %shift_left3A, %broadcast_in_dim3A_327 : vector<16xi32>
        %gather3A_329 = tpu.vector_load_idx %arg15[%shift_right_logical3A, %add3A_328] : memref<125x128xf32, #tpu.memory_space<vmem>>[vector<16xi32>, vector<16xi32>], vector<16xf32>,
        %swap3A_330 = arith.constant 32 : i32
        %swap3A_331 = arith.index_cast %swap3A_330 : i32 to index
        %swap3A_332 = arith.index_cast %add3A_86 : i32 to index
        %swap3A_333 = tpu.vector_load %arg17[%swap3A_331, %swap3A_332] {strides = array<i32>} : memref<64x128xf32, #tpu.memory_space<vmem>>, vector<16xf32>,
        tpu.vector_store %arg17[%swap3A_331, %swap3A_332], %gather3A_329 {strides = array<i32>} : memref<64x128xf32, #tpu.memory_space<vmem>>, vector<16xf32>,
        %broadcast_in_dim3A_334 = arith.constant 1 : i32
        %broadcast_in_dim3A_335 = vector.broadcast %broadcast_in_dim3A_334 : i32 to vector<16xi32>
        %add3A_336 = arith.addi %shift_left3A, %broadcast_in_dim3A_335 : vector<16xi32>
        %gather3A_337 = tpu.vector_load_idx %arg15[%shift_right_logical3A, %add3A_336] : memref<125x128xf32, #tpu.memory_space<vmem>>[vector<16xi32>, vector<16xi32>], vector<16xf32>,
        %swap3A_338 = arith.constant 33 : i32
        %swap3A_339 = arith.index_cast %swap3A_338 : i32 to index
        %swap3A_340 = arith.index_cast %add3A_86 : i32 to index
        %swap3A_341 = tpu.vector_load %arg17[%swap3A_339, %swap3A_340] {strides = array<i32>} : memref<64x128xf32, #tpu.memory_space<vmem>>, vector<16xf32>,
        tpu.vector_store %arg17[%swap3A_339, %swap3A_340], %gather3A_337 {strides = array<i32>} : memref<64x128xf32, #tpu.memory_space<vmem>>, vector<16xf32>,
        %broadcast_in_dim3A_342 = arith.constant 2 : i32
        %broadcast_in_dim3A_343 = vector.broadcast %broadcast_in_dim3A_342 : i32 to vector<16xi32>
        %add3A_344 = arith.addi %shift_left3A, %broadcast_in_dim3A_343 : vector<16xi32>
        %gather3A_345 = tpu.vector_load_idx %arg15[%shift_right_logical3A, %add3A_344] : memref<125x128xf32, #tpu.memory_space<vmem>>[vector<16xi32>, vector<16xi32>], vector<16xf32>,
        %swap3A_346 = arith.constant 34 : i32
        %swap3A_347 = arith.index_cast %swap3A_346 : i32 to index
        %swap3A_348 = arith.index_cast %add3A_86 : i32 to index
        %swap3A_349 = tpu.vector_load %arg17[%swap3A_347, %swap3A_348] {strides = array<i32>} : memref<64x128xf32, #tpu.memory_space<vmem>>, vector<16xf32>,
        tpu.vector_store %arg17[%swap3A_347, %swap3A_348], %gather3A_345 {strides = array<i32>} : memref<64x128xf32, #tpu.memory_space<vmem>>, vector<16xf32>,
        %broadcast_in_dim3A_350 = arith.constant 3 : i32
        %broadcast_in_dim3A_351 = vector.broadcast %broadcast_in_dim3A_350 : i32 to vector<16xi32>
        %add3A_352 = arith.addi %shift_left3A, %broadcast_in_dim3A_351 : vector<16xi32>
        %gather3A_353 = tpu.vector_load_idx %arg15[%shift_right_logical3A, %add3A_352] : memref<125x128xf32, #tpu.memory_space<vmem>>[vector<16xi32>, vector<16xi32>], vector<16xf32>,
        %swap3A_354 = arith.constant 35 : i32
        %swap3A_355 = arith.index_cast %swap3A_354 : i32 to index
        %swap3A_356 = arith.index_cast %add3A_86 : i32 to index
        %swap3A_357 = tpu.vector_load %arg17[%swap3A_355, %swap3A_356] {strides = array<i32>} : memref<64x128xf32, #tpu.memory_space<vmem>>, vector<16xf32>,
        tpu.vector_store %arg17[%swap3A_355, %swap3A_356], %gather3A_353 {strides = array<i32>} : memref<64x128xf32, #tpu.memory_space<vmem>>, vector<16xf32>,
        %broadcast_in_dim3A_358 = arith.constant 4 : i32
        %broadcast_in_dim3A_359 = vector.broadcast %broadcast_in_dim3A_358 : i32 to vector<16xi32>
        %add3A_360 = arith.addi %shift_left3A, %broadcast_in_dim3A_359 : vector<16xi32>
        %gather3A_361 = tpu.vector_load_idx %arg15[%shift_right_logical3A, %add3A_360] : memref<125x128xf32, #tpu.memory_space<vmem>>[vector<16xi32>, vector<16xi32>], vector<16xf32>,
        %swap3A_362 = arith.constant 36 : i32
        %swap3A_363 = arith.index_cast %swap3A_362 : i32 to index
        %swap3A_364 = arith.index_cast %add3A_86 : i32 to index
        %swap3A_365 = tpu.vector_load %arg17[%swap3A_363, %swap3A_364] {strides = array<i32>} : memref<64x128xf32, #tpu.memory_space<vmem>>, vector<16xf32>,
        tpu.vector_store %arg17[%swap3A_363, %swap3A_364], %gather3A_361 {strides = array<i32>} : memref<64x128xf32, #tpu.memory_space<vmem>>, vector<16xf32>,
        %broadcast_in_dim3A_366 = arith.constant 5 : i32
        %broadcast_in_dim3A_367 = vector.broadcast %broadcast_in_dim3A_366 : i32 to vector<16xi32>
        %add3A_368 = arith.addi %shift_left3A, %broadcast_in_dim3A_367 : vector<16xi32>
        %gather3A_369 = tpu.vector_load_idx %arg15[%shift_right_logical3A, %add3A_368] : memref<125x128xf32, #tpu.memory_space<vmem>>[vector<16xi32>, vector<16xi32>], vector<16xf32>,
        %swap3A_370 = arith.constant 37 : i32
        %swap3A_371 = arith.index_cast %swap3A_370 : i32 to index
        %swap3A_372 = arith.index_cast %add3A_86 : i32 to index
        %swap3A_373 = tpu.vector_load %arg17[%swap3A_371, %swap3A_372] {strides = array<i32>} : memref<64x128xf32, #tpu.memory_space<vmem>>, vector<16xf32>,
        tpu.vector_store %arg17[%swap3A_371, %swap3A_372], %gather3A_369 {strides = array<i32>} : memref<64x128xf32, #tpu.memory_space<vmem>>, vector<16xf32>,
        %broadcast_in_dim3A_374 = arith.constant 6 : i32
        %broadcast_in_dim3A_375 = vector.broadcast %broadcast_in_dim3A_374 : i32 to vector<16xi32>
        %add3A_376 = arith.addi %shift_left3A, %broadcast_in_dim3A_375 : vector<16xi32>
        %gather3A_377 = tpu.vector_load_idx %arg15[%shift_right_logical3A, %add3A_376] : memref<125x128xf32, #tpu.memory_space<vmem>>[vector<16xi32>, vector<16xi32>], vector<16xf32>,
        %swap3A_378 = arith.constant 38 : i32
        %swap3A_379 = arith.index_cast %swap3A_378 : i32 to index
        %swap3A_380 = arith.index_cast %add3A_86 : i32 to index
        %swap3A_381 = tpu.vector_load %arg17[%swap3A_379, %swap3A_380] {strides = array<i32>} : memref<64x128xf32, #tpu.memory_space<vmem>>, vector<16xf32>,
        tpu.vector_store %arg17[%swap3A_379, %swap3A_380], %gather3A_377 {strides = array<i32>} : memref<64x128xf32, #tpu.memory_space<vmem>>, vector<16xf32>,
        %broadcast_in_dim3A_382 = arith.constant 7 : i32
        %broadcast_in_dim3A_383 = vector.broadcast %broadcast_in_dim3A_382 : i32 to vector<16xi32>
        %add3A_384 = arith.addi %shift_left3A, %broadcast_in_dim3A_383 : vector<16xi32>
        %gather3A_385 = tpu.vector_load_idx %arg15[%shift_right_logical3A, %add3A_384] : memref<125x128xf32, #tpu.memory_space<vmem>>[vector<16xi32>, vector<16xi32>], vector<16xf32>,
        %swap3A_386 = arith.constant 39 : i32
        %swap3A_387 = arith.index_cast %swap3A_386 : i32 to index
        %swap3A_388 = arith.index_cast %add3A_86 : i32 to index
        %swap3A_389 = tpu.vector_load %arg17[%swap3A_387, %swap3A_388] {strides = array<i32>} : memref<64x128xf32, #tpu.memory_space<vmem>>, vector<16xf32>,
        tpu.vector_store %arg17[%swap3A_387, %swap3A_388], %gather3A_385 {strides = array<i32>} : memref<64x128xf32, #tpu.memory_space<vmem>>, vector<16xf32>,
        %broadcast_in_dim3A_390 = arith.constant 8 : i32
        %broadcast_in_dim3A_391 = vector.broadcast %broadcast_in_dim3A_390 : i32 to vector<16xi32>
        %add3A_392 = arith.addi %shift_left3A, %broadcast_in_dim3A_391 : vector<16xi32>
        %gather3A_393 = tpu.vector_load_idx %arg15[%shift_right_logical3A, %add3A_392] : memref<125x128xf32, #tpu.memory_space<vmem>>[vector<16xi32>, vector<16xi32>], vector<16xf32>,
        %swap3A_394 = arith.constant 40 : i32
        %swap3A_395 = arith.index_cast %swap3A_394 : i32 to index
        %swap3A_396 = arith.index_cast %add3A_86 : i32 to index
        %swap3A_397 = tpu.vector_load %arg17[%swap3A_395, %swap3A_396] {strides = array<i32>} : memref<64x128xf32, #tpu.memory_space<vmem>>, vector<16xf32>,
        tpu.vector_store %arg17[%swap3A_395, %swap3A_396], %gather3A_393 {strides = array<i32>} : memref<64x128xf32, #tpu.memory_space<vmem>>, vector<16xf32>,
        %broadcast_in_dim3A_398 = arith.constant 9 : i32
        %broadcast_in_dim3A_399 = vector.broadcast %broadcast_in_dim3A_398 : i32 to vector<16xi32>
        %add3A_400 = arith.addi %shift_left3A, %broadcast_in_dim3A_399 : vector<16xi32>
        %gather3A_401 = tpu.vector_load_idx %arg15[%shift_right_logical3A, %add3A_400] : memref<125x128xf32, #tpu.memory_space<vmem>>[vector<16xi32>, vector<16xi32>], vector<16xf32>,
        %swap3A_402 = arith.constant 41 : i32
        %swap3A_403 = arith.index_cast %swap3A_402 : i32 to index
        %swap3A_404 = arith.index_cast %add3A_86 : i32 to index
        %swap3A_405 = tpu.vector_load %arg17[%swap3A_403, %swap3A_404] {strides = array<i32>} : memref<64x128xf32, #tpu.memory_space<vmem>>, vector<16xf32>,
        tpu.vector_store %arg17[%swap3A_403, %swap3A_404], %gather3A_401 {strides = array<i32>} : memref<64x128xf32, #tpu.memory_space<vmem>>, vector<16xf32>,
        %broadcast_in_dim3A_406 = arith.constant 10 : i32
        %broadcast_in_dim3A_407 = vector.broadcast %broadcast_in_dim3A_406 : i32 to vector<16xi32>
        %add3A_408 = arith.addi %shift_left3A, %broadcast_in_dim3A_407 : vector<16xi32>
        %gather3A_409 = tpu.vector_load_idx %arg15[%shift_right_logical3A, %add3A_408] : memref<125x128xf32, #tpu.memory_space<vmem>>[vector<16xi32>, vector<16xi32>], vector<16xf32>,
        %swap3A_410 = arith.constant 42 : i32
        %swap3A_411 = arith.index_cast %swap3A_410 : i32 to index
        %swap3A_412 = arith.index_cast %add3A_86 : i32 to index
        %swap3A_413 = tpu.vector_load %arg17[%swap3A_411, %swap3A_412] {strides = array<i32>} : memref<64x128xf32, #tpu.memory_space<vmem>>, vector<16xf32>,
        tpu.vector_store %arg17[%swap3A_411, %swap3A_412], %gather3A_409 {strides = array<i32>} : memref<64x128xf32, #tpu.memory_space<vmem>>, vector<16xf32>,
        %broadcast_in_dim3A_414 = arith.constant 11 : i32
        %broadcast_in_dim3A_415 = vector.broadcast %broadcast_in_dim3A_414 : i32 to vector<16xi32>
        %add3A_416 = arith.addi %shift_left3A, %broadcast_in_dim3A_415 : vector<16xi32>
        %gather3A_417 = tpu.vector_load_idx %arg15[%shift_right_logical3A, %add3A_416] : memref<125x128xf32, #tpu.memory_space<vmem>>[vector<16xi32>, vector<16xi32>], vector<16xf32>,
        %swap3A_418 = arith.constant 43 : i32
        %swap3A_419 = arith.index_cast %swap3A_418 : i32 to index
        %swap3A_420 = arith.index_cast %add3A_86 : i32 to index
        %swap3A_421 = tpu.vector_load %arg17[%swap3A_419, %swap3A_420] {strides = array<i32>} : memref<64x128xf32, #tpu.memory_space<vmem>>, vector<16xf32>,
        tpu.vector_store %arg17[%swap3A_419, %swap3A_420], %gather3A_417 {strides = array<i32>} : memref<64x128xf32, #tpu.memory_space<vmem>>, vector<16xf32>,
        %broadcast_in_dim3A_422 = arith.constant 12 : i32
        %broadcast_in_dim3A_423 = vector.broadcast %broadcast_in_dim3A_422 : i32 to vector<16xi32>
        %add3A_424 = arith.addi %shift_left3A, %broadcast_in_dim3A_423 : vector<16xi32>
        %gather3A_425 = tpu.vector_load_idx %arg15[%shift_right_logical3A, %add3A_424] : memref<125x128xf32, #tpu.memory_space<vmem>>[vector<16xi32>, vector<16xi32>], vector<16xf32>,
        %swap3A_426 = arith.constant 44 : i32
        %swap3A_427 = arith.index_cast %swap3A_426 : i32 to index
        %swap3A_428 = arith.index_cast %add3A_86 : i32 to index
        %swap3A_429 = tpu.vector_load %arg17[%swap3A_427, %swap3A_428] {strides = array<i32>} : memref<64x128xf32, #tpu.memory_space<vmem>>, vector<16xf32>,
        tpu.vector_store %arg17[%swap3A_427, %swap3A_428], %gather3A_425 {strides = array<i32>} : memref<64x128xf32, #tpu.memory_space<vmem>>, vector<16xf32>,
        %broadcast_in_dim3A_430 = arith.constant 13 : i32
        %broadcast_in_dim3A_431 = vector.broadcast %broadcast_in_dim3A_430 : i32 to vector<16xi32>
        %add3A_432 = arith.addi %shift_left3A, %broadcast_in_dim3A_431 : vector<16xi32>
        %gather3A_433 = tpu.vector_load_idx %arg15[%shift_right_logical3A, %add3A_432] : memref<125x128xf32, #tpu.memory_space<vmem>>[vector<16xi32>, vector<16xi32>], vector<16xf32>,
        %swap3A_434 = arith.constant 45 : i32
        %swap3A_435 = arith.index_cast %swap3A_434 : i32 to index
        %swap3A_436 = arith.index_cast %add3A_86 : i32 to index
        %swap3A_437 = tpu.vector_load %arg17[%swap3A_435, %swap3A_436] {strides = array<i32>} : memref<64x128xf32, #tpu.memory_space<vmem>>, vector<16xf32>,
        tpu.vector_store %arg17[%swap3A_435, %swap3A_436], %gather3A_433 {strides = array<i32>} : memref<64x128xf32, #tpu.memory_space<vmem>>, vector<16xf32>,
        %broadcast_in_dim3A_438 = arith.constant 14 : i32
        %broadcast_in_dim3A_439 = vector.broadcast %broadcast_in_dim3A_438 : i32 to vector<16xi32>
        %add3A_440 = arith.addi %shift_left3A, %broadcast_in_dim3A_439 : vector<16xi32>
        %gather3A_441 = tpu.vector_load_idx %arg15[%shift_right_logical3A, %add3A_440] : memref<125x128xf32, #tpu.memory_space<vmem>>[vector<16xi32>, vector<16xi32>], vector<16xf32>,
        %swap3A_442 = arith.constant 46 : i32
        %swap3A_443 = arith.index_cast %swap3A_442 : i32 to index
        %swap3A_444 = arith.index_cast %add3A_86 : i32 to index
        %swap3A_445 = tpu.vector_load %arg17[%swap3A_443, %swap3A_444] {strides = array<i32>} : memref<64x128xf32, #tpu.memory_space<vmem>>, vector<16xf32>,
        tpu.vector_store %arg17[%swap3A_443, %swap3A_444], %gather3A_441 {strides = array<i32>} : memref<64x128xf32, #tpu.memory_space<vmem>>, vector<16xf32>,
        %broadcast_in_dim3A_446 = arith.constant 15 : i32
        %broadcast_in_dim3A_447 = vector.broadcast %broadcast_in_dim3A_446 : i32 to vector<16xi32>
        %add3A_448 = arith.addi %shift_left3A, %broadcast_in_dim3A_447 : vector<16xi32>
        %gather3A_449 = tpu.vector_load_idx %arg15[%shift_right_logical3A, %add3A_448] : memref<125x128xf32, #tpu.memory_space<vmem>>[vector<16xi32>, vector<16xi32>], vector<16xf32>,
        %swap3A_450 = arith.constant 47 : i32
        %swap3A_451 = arith.index_cast %swap3A_450 : i32 to index
        %swap3A_452 = arith.index_cast %add3A_86 : i32 to index
        %swap3A_453 = tpu.vector_load %arg17[%swap3A_451, %swap3A_452] {strides = array<i32>} : memref<64x128xf32, #tpu.memory_space<vmem>>, vector<16xf32>,
        tpu.vector_store %arg17[%swap3A_451, %swap3A_452], %gather3A_449 {strides = array<i32>} : memref<64x128xf32, #tpu.memory_space<vmem>>, vector<16xf32>,
        %mul3A_454 = arith.constant 16 : i32
        %mul3A_455 = arith.muli %scan3A_78, %mul3A_454 : i32
        %get3A_456 = arith.index_cast %add3A_56 : i32 to index
        %get3A_457 = arith.index_cast %mul3A_455 : i32 to index
        %get3A_458 = tpu.vector_load %arg12[%get3A_456, %get3A_457] {strides = array<i32>} : memref<16x32xi32, #tpu.memory_space<vmem>>, vector<16xi32>,
        %broadcast_in_dim3A_459 = arith.constant 3 : i32
        %broadcast_in_dim3A_460 = vector.broadcast %broadcast_in_dim3A_459 : i32 to vector<16xi32>
        %shift_right_logical3A_461 = arith.shrui %get3A_458, %broadcast_in_dim3A_460 : vector<16xi32>
        %broadcast_in_dim3A_462 = arith.constant 7 : i32
        %broadcast_in_dim3A_463 = vector.broadcast %broadcast_in_dim3A_462 : i32 to vector<16xi32>
        %and3A_464 = arith.andi %get3A_458, %broadcast_in_dim3A_463 : vector<16xi32>
        %broadcast_in_dim3A_465 = arith.constant 4 : i32
        %broadcast_in_dim3A_466 = vector.broadcast %broadcast_in_dim3A_465 : i32 to vector<16xi32>
        %shift_left3A_467 = arith.shli %and3A_464, %broadcast_in_dim3A_466 : vector<16xi32>
        %broadcast_in_dim3A_468 = arith.constant 0 : i32
        %broadcast_in_dim3A_469 = vector.broadcast %broadcast_in_dim3A_468 : i32 to vector<16xi32>
        %add3A_470 = arith.addi %shift_left3A_467, %broadcast_in_dim3A_469 : vector<16xi32>
        %gather3A_471 = tpu.vector_load_idx %arg16[%shift_right_logical3A_461, %add3A_470] : memref<125x128xf32, #tpu.memory_space<vmem>>[vector<16xi32>, vector<16xi32>], vector<16xf32>,
        %swap3A_472 = arith.constant 48 : i32
        %swap3A_473 = arith.index_cast %swap3A_472 : i32 to index
        %swap3A_474 = arith.index_cast %add3A_86 : i32 to index
        %swap3A_475 = tpu.vector_load %arg17[%swap3A_473, %swap3A_474] {strides = array<i32>} : memref<64x128xf32, #tpu.memory_space<vmem>>, vector<16xf32>,
        tpu.vector_store %arg17[%swap3A_473, %swap3A_474], %gather3A_471 {strides = array<i32>} : memref<64x128xf32, #tpu.memory_space<vmem>>, vector<16xf32>,
        %broadcast_in_dim3A_476 = arith.constant 1 : i32
        %broadcast_in_dim3A_477 = vector.broadcast %broadcast_in_dim3A_476 : i32 to vector<16xi32>
        %add3A_478 = arith.addi %shift_left3A_467, %broadcast_in_dim3A_477 : vector<16xi32>
        %gather3A_479 = tpu.vector_load_idx %arg16[%shift_right_logical3A_461, %add3A_478] : memref<125x128xf32, #tpu.memory_space<vmem>>[vector<16xi32>, vector<16xi32>], vector<16xf32>,
        %swap3A_480 = arith.constant 49 : i32
        %swap3A_481 = arith.index_cast %swap3A_480 : i32 to index
        %swap3A_482 = arith.index_cast %add3A_86 : i32 to index
        %swap3A_483 = tpu.vector_load %arg17[%swap3A_481, %swap3A_482] {strides = array<i32>} : memref<64x128xf32, #tpu.memory_space<vmem>>, vector<16xf32>,
        tpu.vector_store %arg17[%swap3A_481, %swap3A_482], %gather3A_479 {strides = array<i32>} : memref<64x128xf32, #tpu.memory_space<vmem>>, vector<16xf32>,
        %broadcast_in_dim3A_484 = arith.constant 2 : i32
        %broadcast_in_dim3A_485 = vector.broadcast %broadcast_in_dim3A_484 : i32 to vector<16xi32>
        %add3A_486 = arith.addi %shift_left3A_467, %broadcast_in_dim3A_485 : vector<16xi32>
        %gather3A_487 = tpu.vector_load_idx %arg16[%shift_right_logical3A_461, %add3A_486] : memref<125x128xf32, #tpu.memory_space<vmem>>[vector<16xi32>, vector<16xi32>], vector<16xf32>,
        %swap3A_488 = arith.constant 50 : i32
        %swap3A_489 = arith.index_cast %swap3A_488 : i32 to index
        %swap3A_490 = arith.index_cast %add3A_86 : i32 to index
        %swap3A_491 = tpu.vector_load %arg17[%swap3A_489, %swap3A_490] {strides = array<i32>} : memref<64x128xf32, #tpu.memory_space<vmem>>, vector<16xf32>,
        tpu.vector_store %arg17[%swap3A_489, %swap3A_490], %gather3A_487 {strides = array<i32>} : memref<64x128xf32, #tpu.memory_space<vmem>>, vector<16xf32>,
        %broadcast_in_dim3A_492 = arith.constant 3 : i32
        %broadcast_in_dim3A_493 = vector.broadcast %broadcast_in_dim3A_492 : i32 to vector<16xi32>
        %add3A_494 = arith.addi %shift_left3A_467, %broadcast_in_dim3A_493 : vector<16xi32>
        %gather3A_495 = tpu.vector_load_idx %arg16[%shift_right_logical3A_461, %add3A_494] : memref<125x128xf32, #tpu.memory_space<vmem>>[vector<16xi32>, vector<16xi32>], vector<16xf32>,
        %swap3A_496 = arith.constant 51 : i32
        %swap3A_497 = arith.index_cast %swap3A_496 : i32 to index
        %swap3A_498 = arith.index_cast %add3A_86 : i32 to index
        %swap3A_499 = tpu.vector_load %arg17[%swap3A_497, %swap3A_498] {strides = array<i32>} : memref<64x128xf32, #tpu.memory_space<vmem>>, vector<16xf32>,
        tpu.vector_store %arg17[%swap3A_497, %swap3A_498], %gather3A_495 {strides = array<i32>} : memref<64x128xf32, #tpu.memory_space<vmem>>, vector<16xf32>,
        %broadcast_in_dim3A_500 = arith.constant 4 : i32
        %broadcast_in_dim3A_501 = vector.broadcast %broadcast_in_dim3A_500 : i32 to vector<16xi32>
        %add3A_502 = arith.addi %shift_left3A_467, %broadcast_in_dim3A_501 : vector<16xi32>
        %gather3A_503 = tpu.vector_load_idx %arg16[%shift_right_logical3A_461, %add3A_502] : memref<125x128xf32, #tpu.memory_space<vmem>>[vector<16xi32>, vector<16xi32>], vector<16xf32>,
        %swap3A_504 = arith.constant 52 : i32
        %swap3A_505 = arith.index_cast %swap3A_504 : i32 to index
        %swap3A_506 = arith.index_cast %add3A_86 : i32 to index
        %swap3A_507 = tpu.vector_load %arg17[%swap3A_505, %swap3A_506] {strides = array<i32>} : memref<64x128xf32, #tpu.memory_space<vmem>>, vector<16xf32>,
        tpu.vector_store %arg17[%swap3A_505, %swap3A_506], %gather3A_503 {strides = array<i32>} : memref<64x128xf32, #tpu.memory_space<vmem>>, vector<16xf32>,
        %broadcast_in_dim3A_508 = arith.constant 5 : i32
        %broadcast_in_dim3A_509 = vector.broadcast %broadcast_in_dim3A_508 : i32 to vector<16xi32>
        %add3A_510 = arith.addi %shift_left3A_467, %broadcast_in_dim3A_509 : vector<16xi32>
        %gather3A_511 = tpu.vector_load_idx %arg16[%shift_right_logical3A_461, %add3A_510] : memref<125x128xf32, #tpu.memory_space<vmem>>[vector<16xi32>, vector<16xi32>], vector<16xf32>,
        %swap3A_512 = arith.constant 53 : i32
        %swap3A_513 = arith.index_cast %swap3A_512 : i32 to index
        %swap3A_514 = arith.index_cast %add3A_86 : i32 to index
        %swap3A_515 = tpu.vector_load %arg17[%swap3A_513, %swap3A_514] {strides = array<i32>} : memref<64x128xf32, #tpu.memory_space<vmem>>, vector<16xf32>,
        tpu.vector_store %arg17[%swap3A_513, %swap3A_514], %gather3A_511 {strides = array<i32>} : memref<64x128xf32, #tpu.memory_space<vmem>>, vector<16xf32>,
        %broadcast_in_dim3A_516 = arith.constant 6 : i32
        %broadcast_in_dim3A_517 = vector.broadcast %broadcast_in_dim3A_516 : i32 to vector<16xi32>
        %add3A_518 = arith.addi %shift_left3A_467, %broadcast_in_dim3A_517 : vector<16xi32>
        %gather3A_519 = tpu.vector_load_idx %arg16[%shift_right_logical3A_461, %add3A_518] : memref<125x128xf32, #tpu.memory_space<vmem>>[vector<16xi32>, vector<16xi32>], vector<16xf32>,
        %swap3A_520 = arith.constant 54 : i32
        %swap3A_521 = arith.index_cast %swap3A_520 : i32 to index
        %swap3A_522 = arith.index_cast %add3A_86 : i32 to index
        %swap3A_523 = tpu.vector_load %arg17[%swap3A_521, %swap3A_522] {strides = array<i32>} : memref<64x128xf32, #tpu.memory_space<vmem>>, vector<16xf32>,
        tpu.vector_store %arg17[%swap3A_521, %swap3A_522], %gather3A_519 {strides = array<i32>} : memref<64x128xf32, #tpu.memory_space<vmem>>, vector<16xf32>,
        %broadcast_in_dim3A_524 = arith.constant 7 : i32
        %broadcast_in_dim3A_525 = vector.broadcast %broadcast_in_dim3A_524 : i32 to vector<16xi32>
        %add3A_526 = arith.addi %shift_left3A_467, %broadcast_in_dim3A_525 : vector<16xi32>
        %gather3A_527 = tpu.vector_load_idx %arg16[%shift_right_logical3A_461, %add3A_526] : memref<125x128xf32, #tpu.memory_space<vmem>>[vector<16xi32>, vector<16xi32>], vector<16xf32>,
        %swap3A_528 = arith.constant 55 : i32
        %swap3A_529 = arith.index_cast %swap3A_528 : i32 to index
        %swap3A_530 = arith.index_cast %add3A_86 : i32 to index
        %swap3A_531 = tpu.vector_load %arg17[%swap3A_529, %swap3A_530] {strides = array<i32>} : memref<64x128xf32, #tpu.memory_space<vmem>>, vector<16xf32>,
        tpu.vector_store %arg17[%swap3A_529, %swap3A_530], %gather3A_527 {strides = array<i32>} : memref<64x128xf32, #tpu.memory_space<vmem>>, vector<16xf32>,
        %broadcast_in_dim3A_532 = arith.constant 8 : i32
        %broadcast_in_dim3A_533 = vector.broadcast %broadcast_in_dim3A_532 : i32 to vector<16xi32>
        %add3A_534 = arith.addi %shift_left3A_467, %broadcast_in_dim3A_533 : vector<16xi32>
        %gather3A_535 = tpu.vector_load_idx %arg16[%shift_right_logical3A_461, %add3A_534] : memref<125x128xf32, #tpu.memory_space<vmem>>[vector<16xi32>, vector<16xi32>], vector<16xf32>,
        %swap3A_536 = arith.constant 56 : i32
        %swap3A_537 = arith.index_cast %swap3A_536 : i32 to index
        %swap3A_538 = arith.index_cast %add3A_86 : i32 to index
        %swap3A_539 = tpu.vector_load %arg17[%swap3A_537, %swap3A_538] {strides = array<i32>} : memref<64x128xf32, #tpu.memory_space<vmem>>, vector<16xf32>,
        tpu.vector_store %arg17[%swap3A_537, %swap3A_538], %gather3A_535 {strides = array<i32>} : memref<64x128xf32, #tpu.memory_space<vmem>>, vector<16xf32>,
        %broadcast_in_dim3A_540 = arith.constant 9 : i32
        %broadcast_in_dim3A_541 = vector.broadcast %broadcast_in_dim3A_540 : i32 to vector<16xi32>
        %add3A_542 = arith.addi %shift_left3A_467, %broadcast_in_dim3A_541 : vector<16xi32>
        %gather3A_543 = tpu.vector_load_idx %arg16[%shift_right_logical3A_461, %add3A_542] : memref<125x128xf32, #tpu.memory_space<vmem>>[vector<16xi32>, vector<16xi32>], vector<16xf32>,
        %swap3A_544 = arith.constant 57 : i32
        %swap3A_545 = arith.index_cast %swap3A_544 : i32 to index
        %swap3A_546 = arith.index_cast %add3A_86 : i32 to index
        %swap3A_547 = tpu.vector_load %arg17[%swap3A_545, %swap3A_546] {strides = array<i32>} : memref<64x128xf32, #tpu.memory_space<vmem>>, vector<16xf32>,
        tpu.vector_store %arg17[%swap3A_545, %swap3A_546], %gather3A_543 {strides = array<i32>} : memref<64x128xf32, #tpu.memory_space<vmem>>, vector<16xf32>,
        %broadcast_in_dim3A_548 = arith.constant 10 : i32
        %broadcast_in_dim3A_549 = vector.broadcast %broadcast_in_dim3A_548 : i32 to vector<16xi32>
        %add3A_550 = arith.addi %shift_left3A_467, %broadcast_in_dim3A_549 : vector<16xi32>
        %gather3A_551 = tpu.vector_load_idx %arg16[%shift_right_logical3A_461, %add3A_550] : memref<125x128xf32, #tpu.memory_space<vmem>>[vector<16xi32>, vector<16xi32>], vector<16xf32>,
        %swap3A_552 = arith.constant 58 : i32
        %swap3A_553 = arith.index_cast %swap3A_552 : i32 to index
        %swap3A_554 = arith.index_cast %add3A_86 : i32 to index
        %swap3A_555 = tpu.vector_load %arg17[%swap3A_553, %swap3A_554] {strides = array<i32>} : memref<64x128xf32, #tpu.memory_space<vmem>>, vector<16xf32>,
        tpu.vector_store %arg17[%swap3A_553, %swap3A_554], %gather3A_551 {strides = array<i32>} : memref<64x128xf32, #tpu.memory_space<vmem>>, vector<16xf32>,
        %broadcast_in_dim3A_556 = arith.constant 11 : i32
        %broadcast_in_dim3A_557 = vector.broadcast %broadcast_in_dim3A_556 : i32 to vector<16xi32>
        %add3A_558 = arith.addi %shift_left3A_467, %broadcast_in_dim3A_557 : vector<16xi32>
        %gather3A_559 = tpu.vector_load_idx %arg16[%shift_right_logical3A_461, %add3A_558] : memref<125x128xf32, #tpu.memory_space<vmem>>[vector<16xi32>, vector<16xi32>], vector<16xf32>,
        %swap3A_560 = arith.constant 59 : i32
        %swap3A_561 = arith.index_cast %swap3A_560 : i32 to index
        %swap3A_562 = arith.index_cast %add3A_86 : i32 to index
        %swap3A_563 = tpu.vector_load %arg17[%swap3A_561, %swap3A_562] {strides = array<i32>} : memref<64x128xf32, #tpu.memory_space<vmem>>, vector<16xf32>,
        tpu.vector_store %arg17[%swap3A_561, %swap3A_562], %gather3A_559 {strides = array<i32>} : memref<64x128xf32, #tpu.memory_space<vmem>>, vector<16xf32>,
        %broadcast_in_dim3A_564 = arith.constant 12 : i32
        %broadcast_in_dim3A_565 = vector.broadcast %broadcast_in_dim3A_564 : i32 to vector<16xi32>
        %add3A_566 = arith.addi %shift_left3A_467, %broadcast_in_dim3A_565 : vector<16xi32>
        %gather3A_567 = tpu.vector_load_idx %arg16[%shift_right_logical3A_461, %add3A_566] : memref<125x128xf32, #tpu.memory_space<vmem>>[vector<16xi32>, vector<16xi32>], vector<16xf32>,
        %swap3A_568 = arith.constant 60 : i32
        %swap3A_569 = arith.index_cast %swap3A_568 : i32 to index
        %swap3A_570 = arith.index_cast %add3A_86 : i32 to index
        %swap3A_571 = tpu.vector_load %arg17[%swap3A_569, %swap3A_570] {strides = array<i32>} : memref<64x128xf32, #tpu.memory_space<vmem>>, vector<16xf32>,
        tpu.vector_store %arg17[%swap3A_569, %swap3A_570], %gather3A_567 {strides = array<i32>} : memref<64x128xf32, #tpu.memory_space<vmem>>, vector<16xf32>,
        %broadcast_in_dim3A_572 = arith.constant 13 : i32
        %broadcast_in_dim3A_573 = vector.broadcast %broadcast_in_dim3A_572 : i32 to vector<16xi32>
        %add3A_574 = arith.addi %shift_left3A_467, %broadcast_in_dim3A_573 : vector<16xi32>
        %gather3A_575 = tpu.vector_load_idx %arg16[%shift_right_logical3A_461, %add3A_574] : memref<125x128xf32, #tpu.memory_space<vmem>>[vector<16xi32>, vector<16xi32>], vector<16xf32>,
        %swap3A_576 = arith.constant 61 : i32
        %swap3A_577 = arith.index_cast %swap3A_576 : i32 to index
        %swap3A_578 = arith.index_cast %add3A_86 : i32 to index
        %swap3A_579 = tpu.vector_load %arg17[%swap3A_577, %swap3A_578] {strides = array<i32>} : memref<64x128xf32, #tpu.memory_space<vmem>>, vector<16xf32>,
        tpu.vector_store %arg17[%swap3A_577, %swap3A_578], %gather3A_575 {strides = array<i32>} : memref<64x128xf32, #tpu.memory_space<vmem>>, vector<16xf32>,
        %broadcast_in_dim3A_580 = arith.constant 14 : i32
        %broadcast_in_dim3A_581 = vector.broadcast %broadcast_in_dim3A_580 : i32 to vector<16xi32>
        %add3A_582 = arith.addi %shift_left3A_467, %broadcast_in_dim3A_581 : vector<16xi32>
        %gather3A_583 = tpu.vector_load_idx %arg16[%shift_right_logical3A_461, %add3A_582] : memref<125x128xf32, #tpu.memory_space<vmem>>[vector<16xi32>, vector<16xi32>], vector<16xf32>,
        %swap3A_584 = arith.constant 62 : i32
        %swap3A_585 = arith.index_cast %swap3A_584 : i32 to index
        %swap3A_586 = arith.index_cast %add3A_86 : i32 to index
        %swap3A_587 = tpu.vector_load %arg17[%swap3A_585, %swap3A_586] {strides = array<i32>} : memref<64x128xf32, #tpu.memory_space<vmem>>, vector<16xf32>,
        tpu.vector_store %arg17[%swap3A_585, %swap3A_586], %gather3A_583 {strides = array<i32>} : memref<64x128xf32, #tpu.memory_space<vmem>>, vector<16xf32>,
        %broadcast_in_dim3A_588 = arith.constant 15 : i32
        %broadcast_in_dim3A_589 = vector.broadcast %broadcast_in_dim3A_588 : i32 to vector<16xi32>
        %add3A_590 = arith.addi %shift_left3A_467, %broadcast_in_dim3A_589 : vector<16xi32>
        %gather3A_591 = tpu.vector_load_idx %arg16[%shift_right_logical3A_461, %add3A_590] : memref<125x128xf32, #tpu.memory_space<vmem>>[vector<16xi32>, vector<16xi32>], vector<16xf32>,
        %swap3A_592 = arith.constant 63 : i32
        %swap3A_593 = arith.index_cast %swap3A_592 : i32 to index
        %swap3A_594 = arith.index_cast %add3A_86 : i32 to index
        %swap3A_595 = tpu.vector_load %arg17[%swap3A_593, %swap3A_594] {strides = array<i32>} : memref<64x128xf32, #tpu.memory_space<vmem>>, vector<16xf32>,
        tpu.vector_store %arg17[%swap3A_593, %swap3A_594], %gather3A_591 {strides = array<i32>} : memref<64x128xf32, #tpu.memory_space<vmem>>, vector<16xf32>,
      }
      %scan3A_62 = arith.constant 2 : i32
      %add3A_63 = arith.constant 4 : i32
      %add3A_64 = arith.addi %mul3A_16, %add3A_63 : i32
      %lt3A = arith.constant 16 : i32
      %lt3A_65 = arith.cmpi slt, %add3A_64, %lt3A : i32
      %convert_element_type3A = arith.extui %lt3A_65 : i1 to i32
      %cond3A = arith.constant 0 : i32
      %cond3A_66 = arith.cmpi ne, %convert_element_type3A, %cond3A : i32
      scf.if %cond3A_66 {
        %add3A_78 = arith.constant 4 : i32
        %add3A_79 = arith.addi %mul3A_16, %add3A_78 : i32
        %scan3A_80 = arith.constant 0 : i32
        %scan3A_81 = arith.constant 0 : i32
        %scan3A_82 = arith.constant 2 : i32
        %scan3A_83 = arith.addi %scan3A_81, %scan3A_82 : i32
        %scan3A_84 = arith.constant 1 : i32
        scf.for %scan3A_86 = %scan3A_81 to %scan3A_83 step %scan3A_84  : i32 {
          %mul3A_87 = arith.constant 16 : i32
          %mul3A_88 = arith.muli %scan3A_86, %mul3A_87 : i32
          %get3A = arith.index_cast %add3A_79 : i32 to index
          %get3A_89 = arith.index_cast %mul3A_88 : i32 to index
          %get3A_90 = tpu.vector_load %arg10[%get3A, %get3A_89] {strides = array<i32>} : memref<16x32xi32, #tpu.memory_space<vmem>>, vector<16xi32>,
          %slice3A = vector.extract_strided_slice %get3A_90 {offsets = [0], sizes = [1], strides = [1]} : vector<16xi32> to vector<1xi32>
          %squeeze3A = vector.extract %slice3A[0] : i32 from vector<1xi32>
          %and3A = arith.constant -8 : i32
          %and3A_91 = arith.andi %squeeze3A, %and3A : i32
          %multiple_of3A_92 = tpu.assume_multiple %and3A_91, 8 : i32
          %mul3A_93 = arith.constant 16 : i32
          %mul3A_94 = arith.muli %scan3A_86, %mul3A_93 : i32
          %add3A_95 = arith.constant 0 : i32
          %add3A_96 = arith.addi %mul3A_94, %add3A_95 : i32
          %dma_start3A = arith.constant 0 : i32
          %dma_start3A_97 = arith.constant 0 : i32
          %dma_start3A_98 = tpu.memref_slice %arg13[%add3A_96, %dma_start3A, %dma_start3A_97] : memref<32x8x32xf32, #tpu.memory_space<vmem>> -> memref<1x8x32xf32, #tpu.memory_space<vmem>>
          %dma_start3A_99 = tpu.memref_squeeze %dma_start3A_98 : memref<1x8x32xf32, #tpu.memory_space<vmem>> -> memref<8x32xf32, #tpu.memory_space<vmem>>
          %dma_start3A_100 = arith.constant 0 : i32
          %dma_start3A_101 = tpu.memref_slice %arg5[%multiple_of3A_92, %dma_start3A_100] : memref<1000000x32xf32, #tpu.memory_space<hbm>> -> memref<8x32xf32, #tpu.memory_space<hbm>>
          %dma_start3A_102 = arith.constant 0 : i32
          %dma_start3A_103 = arith.constant 0 : i32
          %dma_start3A_104 = tpu.memref_slice %arg13[%add3A_96, %dma_start3A_102, %dma_start3A_103] : memref<32x8x32xf32, #tpu.memory_space<vmem>> -> memref<1x8x32xf32, #tpu.memory_space<vmem>>
          %dma_start3A_105 = tpu.memref_squeeze %dma_start3A_104 : memref<1x8x32xf32, #tpu.memory_space<vmem>> -> memref<8x32xf32, #tpu.memory_space<vmem>>
          %dma_start3A_106 = arith.constant 0 : i32
          %dma_start3A_107 = tpu.memref_slice %arg5[%multiple_of3A_92, %dma_start3A_106] : memref<1000000x32xf32, #tpu.memory_space<hbm>> -> memref<8x32xf32, #tpu.memory_space<hbm>>
          tpu.enqueue_dma source(%dma_start3A_107 : memref<8x32xf32, #tpu.memory_space<hbm>>) target(%dma_start3A_105 : memref<8x32xf32, #tpu.memory_space<vmem>>) target_semaphore(%arg18 : memref<!tpu.dma_semaphore, #tpu.memory_space<semaphore_mem>>)
          %slice3A_108 = vector.extract_strided_slice %get3A_90 {offsets = [1], sizes = [1], strides = [1]} : vector<16xi32> to vector<1xi32>
          %squeeze3A_109 = vector.extract %slice3A_108[0] : i32 from vector<1xi32>
          %and3A_110 = arith.constant -8 : i32
          %and3A_111 = arith.andi %squeeze3A_109, %and3A_110 : i32
          %multiple_of3A_112 = tpu.assume_multiple %and3A_111, 8 : i32
          %mul3A_113 = arith.constant 16 : i32
          %mul3A_114 = arith.muli %scan3A_86, %mul3A_113 : i32
          %add3A_115 = arith.constant 1 : i32
          %add3A_116 = arith.addi %mul3A_114, %add3A_115 : i32
          %dma_start3A_117 = arith.constant 0 : i32
          %dma_start3A_118 = arith.constant 0 : i32
          %dma_start3A_119 = tpu.memref_slice %arg13[%add3A_116, %dma_start3A_117, %dma_start3A_118] : memref<32x8x32xf32, #tpu.memory_space<vmem>> -> memref<1x8x32xf32, #tpu.memory_space<vmem>>
          %dma_start3A_120 = tpu.memref_squeeze %dma_start3A_119 : memref<1x8x32xf32, #tpu.memory_space<vmem>> -> memref<8x32xf32, #tpu.memory_space<vmem>>
          %dma_start3A_121 = arith.constant 0 : i32
          %dma_start3A_122 = tpu.memref_slice %arg5[%multiple_of3A_112, %dma_start3A_121] : memref<1000000x32xf32, #tpu.memory_space<hbm>> -> memref<8x32xf32, #tpu.memory_space<hbm>>
          %dma_start3A_123 = arith.constant 0 : i32
          %dma_start3A_124 = arith.constant 0 : i32
          %dma_start3A_125 = tpu.memref_slice %arg13[%add3A_116, %dma_start3A_123, %dma_start3A_124] : memref<32x8x32xf32, #tpu.memory_space<vmem>> -> memref<1x8x32xf32, #tpu.memory_space<vmem>>
          %dma_start3A_126 = tpu.memref_squeeze %dma_start3A_125 : memref<1x8x32xf32, #tpu.memory_space<vmem>> -> memref<8x32xf32, #tpu.memory_space<vmem>>
          %dma_start3A_127 = arith.constant 0 : i32
          %dma_start3A_128 = tpu.memref_slice %arg5[%multiple_of3A_112, %dma_start3A_127] : memref<1000000x32xf32, #tpu.memory_space<hbm>> -> memref<8x32xf32, #tpu.memory_space<hbm>>
          tpu.enqueue_dma source(%dma_start3A_128 : memref<8x32xf32, #tpu.memory_space<hbm>>) target(%dma_start3A_126 : memref<8x32xf32, #tpu.memory_space<vmem>>) target_semaphore(%arg18 : memref<!tpu.dma_semaphore, #tpu.memory_space<semaphore_mem>>)
          %slice3A_129 = vector.extract_strided_slice %get3A_90 {offsets = [2], sizes = [1], strides = [1]} : vector<16xi32> to vector<1xi32>
          %squeeze3A_130 = vector.extract %slice3A_129[0] : i32 from vector<1xi32>
          %and3A_131 = arith.constant -8 : i32
          %and3A_132 = arith.andi %squeeze3A_130, %and3A_131 : i32
          %multiple_of3A_133 = tpu.assume_multiple %and3A_132, 8 : i32
          %mul3A_134 = arith.constant 16 : i32
          %mul3A_135 = arith.muli %scan3A_86, %mul3A_134 : i32
          %add3A_136 = arith.constant 2 : i32
          %add3A_137 = arith.addi %mul3A_135, %add3A_136 : i32
          %dma_start3A_138 = arith.constant 0 : i32
          %dma_start3A_139 = arith.constant 0 : i32
          %dma_start3A_140 = tpu.memref_slice %arg13[%add3A_137, %dma_start3A_138, %dma_start3A_139] : memref<32x8x32xf32, #tpu.memory_space<vmem>> -> memref<1x8x32xf32, #tpu.memory_space<vmem>>
          %dma_start3A_141 = tpu.memref_squeeze %dma_start3A_140 : memref<1x8x32xf32, #tpu.memory_space<vmem>> -> memref<8x32xf32, #tpu.memory_space<vmem>>
          %dma_start3A_142 = arith.constant 0 : i32
          %dma_start3A_143 = tpu.memref_slice %arg5[%multiple_of3A_133, %dma_start3A_142] : memref<1000000x32xf32, #tpu.memory_space<hbm>> -> memref<8x32xf32, #tpu.memory_space<hbm>>
          %dma_start3A_144 = arith.constant 0 : i32
          %dma_start3A_145 = arith.constant 0 : i32
          %dma_start3A_146 = tpu.memref_slice %arg13[%add3A_137, %dma_start3A_144, %dma_start3A_145] : memref<32x8x32xf32, #tpu.memory_space<vmem>> -> memref<1x8x32xf32, #tpu.memory_space<vmem>>
          %dma_start3A_147 = tpu.memref_squeeze %dma_start3A_146 : memref<1x8x32xf32, #tpu.memory_space<vmem>> -> memref<8x32xf32, #tpu.memory_space<vmem>>
          %dma_start3A_148 = arith.constant 0 : i32
          %dma_start3A_149 = tpu.memref_slice %arg5[%multiple_of3A_133, %dma_start3A_148] : memref<1000000x32xf32, #tpu.memory_space<hbm>> -> memref<8x32xf32, #tpu.memory_space<hbm>>
          tpu.enqueue_dma source(%dma_start3A_149 : memref<8x32xf32, #tpu.memory_space<hbm>>) target(%dma_start3A_147 : memref<8x32xf32, #tpu.memory_space<vmem>>) target_semaphore(%arg18 : memref<!tpu.dma_semaphore, #tpu.memory_space<semaphore_mem>>)
          %slice3A_150 = vector.extract_strided_slice %get3A_90 {offsets = [3], sizes = [1], strides = [1]} : vector<16xi32> to vector<1xi32>
          %squeeze3A_151 = vector.extract %slice3A_150[0] : i32 from vector<1xi32>
          %and3A_152 = arith.constant -8 : i32
          %and3A_153 = arith.andi %squeeze3A_151, %and3A_152 : i32
          %multiple_of3A_154 = tpu.assume_multiple %and3A_153, 8 : i32
          %mul3A_155 = arith.constant 16 : i32
          %mul3A_156 = arith.muli %scan3A_86, %mul3A_155 : i32
          %add3A_157 = arith.constant 3 : i32
          %add3A_158 = arith.addi %mul3A_156, %add3A_157 : i32
          %dma_start3A_159 = arith.constant 0 : i32
          %dma_start3A_160 = arith.constant 0 : i32
          %dma_start3A_161 = tpu.memref_slice %arg13[%add3A_158, %dma_start3A_159, %dma_start3A_160] : memref<32x8x32xf32, #tpu.memory_space<vmem>> -> memref<1x8x32xf32, #tpu.memory_space<vmem>>
          %dma_start3A_162 = tpu.memref_squeeze %dma_start3A_161 : memref<1x8x32xf32, #tpu.memory_space<vmem>> -> memref<8x32xf32, #tpu.memory_space<vmem>>
          %dma_start3A_163 = arith.constant 0 : i32
          %dma_start3A_164 = tpu.memref_slice %arg5[%multiple_of3A_154, %dma_start3A_163] : memref<1000000x32xf32, #tpu.memory_space<hbm>> -> memref<8x32xf32, #tpu.memory_space<hbm>>
          %dma_start3A_165 = arith.constant 0 : i32
          %dma_start3A_166 = arith.constant 0 : i32
          %dma_start3A_167 = tpu.memref_slice %arg13[%add3A_158, %dma_start3A_165, %dma_start3A_166] : memref<32x8x32xf32, #tpu.memory_space<vmem>> -> memref<1x8x32xf32, #tpu.memory_space<vmem>>
          %dma_start3A_168 = tpu.memref_squeeze %dma_start3A_167 : memref<1x8x32xf32, #tpu.memory_space<vmem>> -> memref<8x32xf32, #tpu.memory_space<vmem>>
          %dma_start3A_169 = arith.constant 0 : i32
          %dma_start3A_170 = tpu.memref_slice %arg5[%multiple_of3A_154, %dma_start3A_169] : memref<1000000x32xf32, #tpu.memory_space<hbm>> -> memref<8x32xf32, #tpu.memory_space<hbm>>
          tpu.enqueue_dma source(%dma_start3A_170 : memref<8x32xf32, #tpu.memory_space<hbm>>) target(%dma_start3A_168 : memref<8x32xf32, #tpu.memory_space<vmem>>) target_semaphore(%arg18 : memref<!tpu.dma_semaphore, #tpu.memory_space<semaphore_mem>>)
          %slice3A_171 = vector.extract_strided_slice %get3A_90 {offsets = [4], sizes = [1], strides = [1]} : vector<16xi32> to vector<1xi32>
          %squeeze3A_172 = vector.extract %slice3A_171[0] : i32 from vector<1xi32>
          %and3A_173 = arith.constant -8 : i32
          %and3A_174 = arith.andi %squeeze3A_172, %and3A_173 : i32
          %multiple_of3A_175 = tpu.assume_multiple %and3A_174, 8 : i32
          %mul3A_176 = arith.constant 16 : i32
          %mul3A_177 = arith.muli %scan3A_86, %mul3A_176 : i32
          %add3A_178 = arith.constant 4 : i32
          %add3A_179 = arith.addi %mul3A_177, %add3A_178 : i32
          %dma_start3A_180 = arith.constant 0 : i32
          %dma_start3A_181 = arith.constant 0 : i32
          %dma_start3A_182 = tpu.memref_slice %arg13[%add3A_179, %dma_start3A_180, %dma_start3A_181] : memref<32x8x32xf32, #tpu.memory_space<vmem>> -> memref<1x8x32xf32, #tpu.memory_space<vmem>>
          %dma_start3A_183 = tpu.memref_squeeze %dma_start3A_182 : memref<1x8x32xf32, #tpu.memory_space<vmem>> -> memref<8x32xf32, #tpu.memory_space<vmem>>
          %dma_start3A_184 = arith.constant 0 : i32
          %dma_start3A_185 = tpu.memref_slice %arg5[%multiple_of3A_175, %dma_start3A_184] : memref<1000000x32xf32, #tpu.memory_space<hbm>> -> memref<8x32xf32, #tpu.memory_space<hbm>>
          %dma_start3A_186 = arith.constant 0 : i32
          %dma_start3A_187 = arith.constant 0 : i32
          %dma_start3A_188 = tpu.memref_slice %arg13[%add3A_179, %dma_start3A_186, %dma_start3A_187] : memref<32x8x32xf32, #tpu.memory_space<vmem>> -> memref<1x8x32xf32, #tpu.memory_space<vmem>>
          %dma_start3A_189 = tpu.memref_squeeze %dma_start3A_188 : memref<1x8x32xf32, #tpu.memory_space<vmem>> -> memref<8x32xf32, #tpu.memory_space<vmem>>
          %dma_start3A_190 = arith.constant 0 : i32
          %dma_start3A_191 = tpu.memref_slice %arg5[%multiple_of3A_175, %dma_start3A_190] : memref<1000000x32xf32, #tpu.memory_space<hbm>> -> memref<8x32xf32, #tpu.memory_space<hbm>>
          tpu.enqueue_dma source(%dma_start3A_191 : memref<8x32xf32, #tpu.memory_space<hbm>>) target(%dma_start3A_189 : memref<8x32xf32, #tpu.memory_space<vmem>>) target_semaphore(%arg18 : memref<!tpu.dma_semaphore, #tpu.memory_space<semaphore_mem>>)
          %slice3A_192 = vector.extract_strided_slice %get3A_90 {offsets = [5], sizes = [1], strides = [1]} : vector<16xi32> to vector<1xi32>
          %squeeze3A_193 = vector.extract %slice3A_192[0] : i32 from vector<1xi32>
          %and3A_194 = arith.constant -8 : i32
          %and3A_195 = arith.andi %squeeze3A_193, %and3A_194 : i32
          %multiple_of3A_196 = tpu.assume_multiple %and3A_195, 8 : i32
          %mul3A_197 = arith.constant 16 : i32
          %mul3A_198 = arith.muli %scan3A_86, %mul3A_197 : i32
          %add3A_199 = arith.constant 5 : i32
          %add3A_200 = arith.addi %mul3A_198, %add3A_199 : i32
          %dma_start3A_201 = arith.constant 0 : i32
          %dma_start3A_202 = arith.constant 0 : i32
          %dma_start3A_203 = tpu.memref_slice %arg13[%add3A_200, %dma_start3A_201, %dma_start3A_202] : memref<32x8x32xf32, #tpu.memory_space<vmem>> -> memref<1x8x32xf32, #tpu.memory_space<vmem>>
          %dma_start3A_204 = tpu.memref_squeeze %dma_start3A_203 : memref<1x8x32xf32, #tpu.memory_space<vmem>> -> memref<8x32xf32, #tpu.memory_space<vmem>>
          %dma_start3A_205 = arith.constant 0 : i32
          %dma_start3A_206 = tpu.memref_slice %arg5[%multiple_of3A_196, %dma_start3A_205] : memref<1000000x32xf32, #tpu.memory_space<hbm>> -> memref<8x32xf32, #tpu.memory_space<hbm>>
          %dma_start3A_207 = arith.constant 0 : i32
          %dma_start3A_208 = arith.constant 0 : i32
          %dma_start3A_209 = tpu.memref_slice %arg13[%add3A_200, %dma_start3A_207, %dma_start3A_208] : memref<32x8x32xf32, #tpu.memory_space<vmem>> -> memref<1x8x32xf32, #tpu.memory_space<vmem>>
          %dma_start3A_210 = tpu.memref_squeeze %dma_start3A_209 : memref<1x8x32xf32, #tpu.memory_space<vmem>> -> memref<8x32xf32, #tpu.memory_space<vmem>>
          %dma_start3A_211 = arith.constant 0 : i32
          %dma_start3A_212 = tpu.memref_slice %arg5[%multiple_of3A_196, %dma_start3A_211] : memref<1000000x32xf32, #tpu.memory_space<hbm>> -> memref<8x32xf32, #tpu.memory_space<hbm>>
          tpu.enqueue_dma source(%dma_start3A_212 : memref<8x32xf32, #tpu.memory_space<hbm>>) target(%dma_start3A_210 : memref<8x32xf32, #tpu.memory_space<vmem>>) target_semaphore(%arg18 : memref<!tpu.dma_semaphore, #tpu.memory_space<semaphore_mem>>)
          %slice3A_213 = vector.extract_strided_slice %get3A_90 {offsets = [6], sizes = [1], strides = [1]} : vector<16xi32> to vector<1xi32>
          %squeeze3A_214 = vector.extract %slice3A_213[0] : i32 from vector<1xi32>
          %and3A_215 = arith.constant -8 : i32
          %and3A_216 = arith.andi %squeeze3A_214, %and3A_215 : i32
          %multiple_of3A_217 = tpu.assume_multiple %and3A_216, 8 : i32
          %mul3A_218 = arith.constant 16 : i32
          %mul3A_219 = arith.muli %scan3A_86, %mul3A_218 : i32
          %add3A_220 = arith.constant 6 : i32
          %add3A_221 = arith.addi %mul3A_219, %add3A_220 : i32
          %dma_start3A_222 = arith.constant 0 : i32
          %dma_start3A_223 = arith.constant 0 : i32
          %dma_start3A_224 = tpu.memref_slice %arg13[%add3A_221, %dma_start3A_222, %dma_start3A_223] : memref<32x8x32xf32, #tpu.memory_space<vmem>> -> memref<1x8x32xf32, #tpu.memory_space<vmem>>
          %dma_start3A_225 = tpu.memref_squeeze %dma_start3A_224 : memref<1x8x32xf32, #tpu.memory_space<vmem>> -> memref<8x32xf32, #tpu.memory_space<vmem>>
          %dma_start3A_226 = arith.constant 0 : i32
          %dma_start3A_227 = tpu.memref_slice %arg5[%multiple_of3A_217, %dma_start3A_226] : memref<1000000x32xf32, #tpu.memory_space<hbm>> -> memref<8x32xf32, #tpu.memory_space<hbm>>
          %dma_start3A_228 = arith.constant 0 : i32
          %dma_start3A_229 = arith.constant 0 : i32
          %dma_start3A_230 = tpu.memref_slice %arg13[%add3A_221, %dma_start3A_228, %dma_start3A_229] : memref<32x8x32xf32, #tpu.memory_space<vmem>> -> memref<1x8x32xf32, #tpu.memory_space<vmem>>
          %dma_start3A_231 = tpu.memref_squeeze %dma_start3A_230 : memref<1x8x32xf32, #tpu.memory_space<vmem>> -> memref<8x32xf32, #tpu.memory_space<vmem>>
          %dma_start3A_232 = arith.constant 0 : i32
          %dma_start3A_233 = tpu.memref_slice %arg5[%multiple_of3A_217, %dma_start3A_232] : memref<1000000x32xf32, #tpu.memory_space<hbm>> -> memref<8x32xf32, #tpu.memory_space<hbm>>
          tpu.enqueue_dma source(%dma_start3A_233 : memref<8x32xf32, #tpu.memory_space<hbm>>) target(%dma_start3A_231 : memref<8x32xf32, #tpu.memory_space<vmem>>) target_semaphore(%arg18 : memref<!tpu.dma_semaphore, #tpu.memory_space<semaphore_mem>>)
          %slice3A_234 = vector.extract_strided_slice %get3A_90 {offsets = [7], sizes = [1], strides = [1]} : vector<16xi32> to vector<1xi32>
          %squeeze3A_235 = vector.extract %slice3A_234[0] : i32 from vector<1xi32>
          %and3A_236 = arith.constant -8 : i32
          %and3A_237 = arith.andi %squeeze3A_235, %and3A_236 : i32
          %multiple_of3A_238 = tpu.assume_multiple %and3A_237, 8 : i32
          %mul3A_239 = arith.constant 16 : i32
          %mul3A_240 = arith.muli %scan3A_86, %mul3A_239 : i32
          %add3A_241 = arith.constant 7 : i32
          %add3A_242 = arith.addi %mul3A_240, %add3A_241 : i32
          %dma_start3A_243 = arith.constant 0 : i32
          %dma_start3A_244 = arith.constant 0 : i32
          %dma_start3A_245 = tpu.memref_slice %arg13[%add3A_242, %dma_start3A_243, %dma_start3A_244] : memref<32x8x32xf32, #tpu.memory_space<vmem>> -> memref<1x8x32xf32, #tpu.memory_space<vmem>>
          %dma_start3A_246 = tpu.memref_squeeze %dma_start3A_245 : memref<1x8x32xf32, #tpu.memory_space<vmem>> -> memref<8x32xf32, #tpu.memory_space<vmem>>
          %dma_start3A_247 = arith.constant 0 : i32
          %dma_start3A_248 = tpu.memref_slice %arg5[%multiple_of3A_238, %dma_start3A_247] : memref<1000000x32xf32, #tpu.memory_space<hbm>> -> memref<8x32xf32, #tpu.memory_space<hbm>>
          %dma_start3A_249 = arith.constant 0 : i32
          %dma_start3A_250 = arith.constant 0 : i32
          %dma_start3A_251 = tpu.memref_slice %arg13[%add3A_242, %dma_start3A_249, %dma_start3A_250] : memref<32x8x32xf32, #tpu.memory_space<vmem>> -> memref<1x8x32xf32, #tpu.memory_space<vmem>>
          %dma_start3A_252 = tpu.memref_squeeze %dma_start3A_251 : memref<1x8x32xf32, #tpu.memory_space<vmem>> -> memref<8x32xf32, #tpu.memory_space<vmem>>
          %dma_start3A_253 = arith.constant 0 : i32
          %dma_start3A_254 = tpu.memref_slice %arg5[%multiple_of3A_238, %dma_start3A_253] : memref<1000000x32xf32, #tpu.memory_space<hbm>> -> memref<8x32xf32, #tpu.memory_space<hbm>>
          tpu.enqueue_dma source(%dma_start3A_254 : memref<8x32xf32, #tpu.memory_space<hbm>>) target(%dma_start3A_252 : memref<8x32xf32, #tpu.memory_space<vmem>>) target_semaphore(%arg18 : memref<!tpu.dma_semaphore, #tpu.memory_space<semaphore_mem>>)
          %slice3A_255 = vector.extract_strided_slice %get3A_90 {offsets = [8], sizes = [1], strides = [1]} : vector<16xi32> to vector<1xi32>
          %squeeze3A_256 = vector.extract %slice3A_255[0] : i32 from vector<1xi32>
          %and3A_257 = arith.constant -8 : i32
          %and3A_258 = arith.andi %squeeze3A_256, %and3A_257 : i32
          %multiple_of3A_259 = tpu.assume_multiple %and3A_258, 8 : i32
          %mul3A_260 = arith.constant 16 : i32
          %mul3A_261 = arith.muli %scan3A_86, %mul3A_260 : i32
          %add3A_262 = arith.constant 8 : i32
          %add3A_263 = arith.addi %mul3A_261, %add3A_262 : i32
          %dma_start3A_264 = arith.constant 0 : i32
          %dma_start3A_265 = arith.constant 0 : i32
          %dma_start3A_266 = tpu.memref_slice %arg13[%add3A_263, %dma_start3A_264, %dma_start3A_265] : memref<32x8x32xf32, #tpu.memory_space<vmem>> -> memref<1x8x32xf32, #tpu.memory_space<vmem>>
          %dma_start3A_267 = tpu.memref_squeeze %dma_start3A_266 : memref<1x8x32xf32, #tpu.memory_space<vmem>> -> memref<8x32xf32, #tpu.memory_space<vmem>>
          %dma_start3A_268 = arith.constant 0 : i32
          %dma_start3A_269 = tpu.memref_slice %arg5[%multiple_of3A_259, %dma_start3A_268] : memref<1000000x32xf32, #tpu.memory_space<hbm>> -> memref<8x32xf32, #tpu.memory_space<hbm>>
          %dma_start3A_270 = arith.constant 0 : i32
          %dma_start3A_271 = arith.constant 0 : i32
          %dma_start3A_272 = tpu.memref_slice %arg13[%add3A_263, %dma_start3A_270, %dma_start3A_271] : memref<32x8x32xf32, #tpu.memory_space<vmem>> -> memref<1x8x32xf32, #tpu.memory_space<vmem>>
          %dma_start3A_273 = tpu.memref_squeeze %dma_start3A_272 : memref<1x8x32xf32, #tpu.memory_space<vmem>> -> memref<8x32xf32, #tpu.memory_space<vmem>>
          %dma_start3A_274 = arith.constant 0 : i32
          %dma_start3A_275 = tpu.memref_slice %arg5[%multiple_of3A_259, %dma_start3A_274] : memref<1000000x32xf32, #tpu.memory_space<hbm>> -> memref<8x32xf32, #tpu.memory_space<hbm>>
          tpu.enqueue_dma source(%dma_start3A_275 : memref<8x32xf32, #tpu.memory_space<hbm>>) target(%dma_start3A_273 : memref<8x32xf32, #tpu.memory_space<vmem>>) target_semaphore(%arg18 : memref<!tpu.dma_semaphore, #tpu.memory_space<semaphore_mem>>)
          %slice3A_276 = vector.extract_strided_slice %get3A_90 {offsets = [9], sizes = [1], strides = [1]} : vector<16xi32> to vector<1xi32>
          %squeeze3A_277 = vector.extract %slice3A_276[0] : i32 from vector<1xi32>
          %and3A_278 = arith.constant -8 : i32
          %and3A_279 = arith.andi %squeeze3A_277, %and3A_278 : i32
          %multiple_of3A_280 = tpu.assume_multiple %and3A_279, 8 : i32
          %mul3A_281 = arith.constant 16 : i32
          %mul3A_282 = arith.muli %scan3A_86, %mul3A_281 : i32
          %add3A_283 = arith.constant 9 : i32
          %add3A_284 = arith.addi %mul3A_282, %add3A_283 : i32
          %dma_start3A_285 = arith.constant 0 : i32
          %dma_start3A_286 = arith.constant 0 : i32
          %dma_start3A_287 = tpu.memref_slice %arg13[%add3A_284, %dma_start3A_285, %dma_start3A_286] : memref<32x8x32xf32, #tpu.memory_space<vmem>> -> memref<1x8x32xf32, #tpu.memory_space<vmem>>
          %dma_start3A_288 = tpu.memref_squeeze %dma_start3A_287 : memref<1x8x32xf32, #tpu.memory_space<vmem>> -> memref<8x32xf32, #tpu.memory_space<vmem>>
          %dma_start3A_289 = arith.constant 0 : i32
          %dma_start3A_290 = tpu.memref_slice %arg5[%multiple_of3A_280, %dma_start3A_289] : memref<1000000x32xf32, #tpu.memory_space<hbm>> -> memref<8x32xf32, #tpu.memory_space<hbm>>
          %dma_start3A_291 = arith.constant 0 : i32
          %dma_start3A_292 = arith.constant 0 : i32
          %dma_start3A_293 = tpu.memref_slice %arg13[%add3A_284, %dma_start3A_291, %dma_start3A_292] : memref<32x8x32xf32, #tpu.memory_space<vmem>> -> memref<1x8x32xf32, #tpu.memory_space<vmem>>
          %dma_start3A_294 = tpu.memref_squeeze %dma_start3A_293 : memref<1x8x32xf32, #tpu.memory_space<vmem>> -> memref<8x32xf32, #tpu.memory_space<vmem>>
          %dma_start3A_295 = arith.constant 0 : i32
          %dma_start3A_296 = tpu.memref_slice %arg5[%multiple_of3A_280, %dma_start3A_295] : memref<1000000x32xf32, #tpu.memory_space<hbm>> -> memref<8x32xf32, #tpu.memory_space<hbm>>
          tpu.enqueue_dma source(%dma_start3A_296 : memref<8x32xf32, #tpu.memory_space<hbm>>) target(%dma_start3A_294 : memref<8x32xf32, #tpu.memory_space<vmem>>) target_semaphore(%arg18 : memref<!tpu.dma_semaphore, #tpu.memory_space<semaphore_mem>>)
          %slice3A_297 = vector.extract_strided_slice %get3A_90 {offsets = [10], sizes = [1], strides = [1]} : vector<16xi32> to vector<1xi32>
          %squeeze3A_298 = vector.extract %slice3A_297[0] : i32 from vector<1xi32>
          %and3A_299 = arith.constant -8 : i32
          %and3A_300 = arith.andi %squeeze3A_298, %and3A_299 : i32
          %multiple_of3A_301 = tpu.assume_multiple %and3A_300, 8 : i32
          %mul3A_302 = arith.constant 16 : i32
          %mul3A_303 = arith.muli %scan3A_86, %mul3A_302 : i32
          %add3A_304 = arith.constant 10 : i32
          %add3A_305 = arith.addi %mul3A_303, %add3A_304 : i32
          %dma_start3A_306 = arith.constant 0 : i32
          %dma_start3A_307 = arith.constant 0 : i32
          %dma_start3A_308 = tpu.memref_slice %arg13[%add3A_305, %dma_start3A_306, %dma_start3A_307] : memref<32x8x32xf32, #tpu.memory_space<vmem>> -> memref<1x8x32xf32, #tpu.memory_space<vmem>>
          %dma_start3A_309 = tpu.memref_squeeze %dma_start3A_308 : memref<1x8x32xf32, #tpu.memory_space<vmem>> -> memref<8x32xf32, #tpu.memory_space<vmem>>
          %dma_start3A_310 = arith.constant 0 : i32
          %dma_start3A_311 = tpu.memref_slice %arg5[%multiple_of3A_301, %dma_start3A_310] : memref<1000000x32xf32, #tpu.memory_space<hbm>> -> memref<8x32xf32, #tpu.memory_space<hbm>>
          %dma_start3A_312 = arith.constant 0 : i32
          %dma_start3A_313 = arith.constant 0 : i32
          %dma_start3A_314 = tpu.memref_slice %arg13[%add3A_305, %dma_start3A_312, %dma_start3A_313] : memref<32x8x32xf32, #tpu.memory_space<vmem>> -> memref<1x8x32xf32, #tpu.memory_space<vmem>>
          %dma_start3A_315 = tpu.memref_squeeze %dma_start3A_314 : memref<1x8x32xf32, #tpu.memory_space<vmem>> -> memref<8x32xf32, #tpu.memory_space<vmem>>
          %dma_start3A_316 = arith.constant 0 : i32
          %dma_start3A_317 = tpu.memref_slice %arg5[%multiple_of3A_301, %dma_start3A_316] : memref<1000000x32xf32, #tpu.memory_space<hbm>> -> memref<8x32xf32, #tpu.memory_space<hbm>>
          tpu.enqueue_dma source(%dma_start3A_317 : memref<8x32xf32, #tpu.memory_space<hbm>>) target(%dma_start3A_315 : memref<8x32xf32, #tpu.memory_space<vmem>>) target_semaphore(%arg18 : memref<!tpu.dma_semaphore, #tpu.memory_space<semaphore_mem>>)
          %slice3A_318 = vector.extract_strided_slice %get3A_90 {offsets = [11], sizes = [1], strides = [1]} : vector<16xi32> to vector<1xi32>
          %squeeze3A_319 = vector.extract %slice3A_318[0] : i32 from vector<1xi32>
          %and3A_320 = arith.constant -8 : i32
          %and3A_321 = arith.andi %squeeze3A_319, %and3A_320 : i32
          %multiple_of3A_322 = tpu.assume_multiple %and3A_321, 8 : i32
          %mul3A_323 = arith.constant 16 : i32
          %mul3A_324 = arith.muli %scan3A_86, %mul3A_323 : i32
          %add3A_325 = arith.constant 11 : i32
          %add3A_326 = arith.addi %mul3A_324, %add3A_325 : i32
          %dma_start3A_327 = arith.constant 0 : i32
          %dma_start3A_328 = arith.constant 0 : i32
          %dma_start3A_329 = tpu.memref_slice %arg13[%add3A_326, %dma_start3A_327, %dma_start3A_328] : memref<32x8x32xf32, #tpu.memory_space<vmem>> -> memref<1x8x32xf32, #tpu.memory_space<vmem>>
          %dma_start3A_330 = tpu.memref_squeeze %dma_start3A_329 : memref<1x8x32xf32, #tpu.memory_space<vmem>> -> memref<8x32xf32, #tpu.memory_space<vmem>>
          %dma_start3A_331 = arith.constant 0 : i32
          %dma_start3A_332 = tpu.memref_slice %arg5[%multiple_of3A_322, %dma_start3A_331] : memref<1000000x32xf32, #tpu.memory_space<hbm>> -> memref<8x32xf32, #tpu.memory_space<hbm>>
          %dma_start3A_333 = arith.constant 0 : i32
          %dma_start3A_334 = arith.constant 0 : i32
          %dma_start3A_335 = tpu.memref_slice %arg13[%add3A_326, %dma_start3A_333, %dma_start3A_334] : memref<32x8x32xf32, #tpu.memory_space<vmem>> -> memref<1x8x32xf32, #tpu.memory_space<vmem>>
          %dma_start3A_336 = tpu.memref_squeeze %dma_start3A_335 : memref<1x8x32xf32, #tpu.memory_space<vmem>> -> memref<8x32xf32, #tpu.memory_space<vmem>>
          %dma_start3A_337 = arith.constant 0 : i32
          %dma_start3A_338 = tpu.memref_slice %arg5[%multiple_of3A_322, %dma_start3A_337] : memref<1000000x32xf32, #tpu.memory_space<hbm>> -> memref<8x32xf32, #tpu.memory_space<hbm>>
          tpu.enqueue_dma source(%dma_start3A_338 : memref<8x32xf32, #tpu.memory_space<hbm>>) target(%dma_start3A_336 : memref<8x32xf32, #tpu.memory_space<vmem>>) target_semaphore(%arg18 : memref<!tpu.dma_semaphore, #tpu.memory_space<semaphore_mem>>)
          %slice3A_339 = vector.extract_strided_slice %get3A_90 {offsets = [12], sizes = [1], strides = [1]} : vector<16xi32> to vector<1xi32>
          %squeeze3A_340 = vector.extract %slice3A_339[0] : i32 from vector<1xi32>
          %and3A_341 = arith.constant -8 : i32
          %and3A_342 = arith.andi %squeeze3A_340, %and3A_341 : i32
          %multiple_of3A_343 = tpu.assume_multiple %and3A_342, 8 : i32
          %mul3A_344 = arith.constant 16 : i32
          %mul3A_345 = arith.muli %scan3A_86, %mul3A_344 : i32
          %add3A_346 = arith.constant 12 : i32
          %add3A_347 = arith.addi %mul3A_345, %add3A_346 : i32
          %dma_start3A_348 = arith.constant 0 : i32
          %dma_start3A_349 = arith.constant 0 : i32
          %dma_start3A_350 = tpu.memref_slice %arg13[%add3A_347, %dma_start3A_348, %dma_start3A_349] : memref<32x8x32xf32, #tpu.memory_space<vmem>> -> memref<1x8x32xf32, #tpu.memory_space<vmem>>
          %dma_start3A_351 = tpu.memref_squeeze %dma_start3A_350 : memref<1x8x32xf32, #tpu.memory_space<vmem>> -> memref<8x32xf32, #tpu.memory_space<vmem>>
          %dma_start3A_352 = arith.constant 0 : i32
          %dma_start3A_353 = tpu.memref_slice %arg5[%multiple_of3A_343, %dma_start3A_352] : memref<1000000x32xf32, #tpu.memory_space<hbm>> -> memref<8x32xf32, #tpu.memory_space<hbm>>
          %dma_start3A_354 = arith.constant 0 : i32
          %dma_start3A_355 = arith.constant 0 : i32
          %dma_start3A_356 = tpu.memref_slice %arg13[%add3A_347, %dma_start3A_354, %dma_start3A_355] : memref<32x8x32xf32, #tpu.memory_space<vmem>> -> memref<1x8x32xf32, #tpu.memory_space<vmem>>
          %dma_start3A_357 = tpu.memref_squeeze %dma_start3A_356 : memref<1x8x32xf32, #tpu.memory_space<vmem>> -> memref<8x32xf32, #tpu.memory_space<vmem>>
          %dma_start3A_358 = arith.constant 0 : i32
          %dma_start3A_359 = tpu.memref_slice %arg5[%multiple_of3A_343, %dma_start3A_358] : memref<1000000x32xf32, #tpu.memory_space<hbm>> -> memref<8x32xf32, #tpu.memory_space<hbm>>
          tpu.enqueue_dma source(%dma_start3A_359 : memref<8x32xf32, #tpu.memory_space<hbm>>) target(%dma_start3A_357 : memref<8x32xf32, #tpu.memory_space<vmem>>) target_semaphore(%arg18 : memref<!tpu.dma_semaphore, #tpu.memory_space<semaphore_mem>>)
          %slice3A_360 = vector.extract_strided_slice %get3A_90 {offsets = [13], sizes = [1], strides = [1]} : vector<16xi32> to vector<1xi32>
          %squeeze3A_361 = vector.extract %slice3A_360[0] : i32 from vector<1xi32>
          %and3A_362 = arith.constant -8 : i32
          %and3A_363 = arith.andi %squeeze3A_361, %and3A_362 : i32
          %multiple_of3A_364 = tpu.assume_multiple %and3A_363, 8 : i32
          %mul3A_365 = arith.constant 16 : i32
          %mul3A_366 = arith.muli %scan3A_86, %mul3A_365 : i32
          %add3A_367 = arith.constant 13 : i32
          %add3A_368 = arith.addi %mul3A_366, %add3A_367 : i32
          %dma_start3A_369 = arith.constant 0 : i32
          %dma_start3A_370 = arith.constant 0 : i32
          %dma_start3A_371 = tpu.memref_slice %arg13[%add3A_368, %dma_start3A_369, %dma_start3A_370] : memref<32x8x32xf32, #tpu.memory_space<vmem>> -> memref<1x8x32xf32, #tpu.memory_space<vmem>>
          %dma_start3A_372 = tpu.memref_squeeze %dma_start3A_371 : memref<1x8x32xf32, #tpu.memory_space<vmem>> -> memref<8x32xf32, #tpu.memory_space<vmem>>
          %dma_start3A_373 = arith.constant 0 : i32
          %dma_start3A_374 = tpu.memref_slice %arg5[%multiple_of3A_364, %dma_start3A_373] : memref<1000000x32xf32, #tpu.memory_space<hbm>> -> memref<8x32xf32, #tpu.memory_space<hbm>>
          %dma_start3A_375 = arith.constant 0 : i32
          %dma_start3A_376 = arith.constant 0 : i32
          %dma_start3A_377 = tpu.memref_slice %arg13[%add3A_368, %dma_start3A_375, %dma_start3A_376] : memref<32x8x32xf32, #tpu.memory_space<vmem>> -> memref<1x8x32xf32, #tpu.memory_space<vmem>>
          %dma_start3A_378 = tpu.memref_squeeze %dma_start3A_377 : memref<1x8x32xf32, #tpu.memory_space<vmem>> -> memref<8x32xf32, #tpu.memory_space<vmem>>
          %dma_start3A_379 = arith.constant 0 : i32
          %dma_start3A_380 = tpu.memref_slice %arg5[%multiple_of3A_364, %dma_start3A_379] : memref<1000000x32xf32, #tpu.memory_space<hbm>> -> memref<8x32xf32, #tpu.memory_space<hbm>>
          tpu.enqueue_dma source(%dma_start3A_380 : memref<8x32xf32, #tpu.memory_space<hbm>>) target(%dma_start3A_378 : memref<8x32xf32, #tpu.memory_space<vmem>>) target_semaphore(%arg18 : memref<!tpu.dma_semaphore, #tpu.memory_space<semaphore_mem>>)
          %slice3A_381 = vector.extract_strided_slice %get3A_90 {offsets = [14], sizes = [1], strides = [1]} : vector<16xi32> to vector<1xi32>
          %squeeze3A_382 = vector.extract %slice3A_381[0] : i32 from vector<1xi32>
          %and3A_383 = arith.constant -8 : i32
          %and3A_384 = arith.andi %squeeze3A_382, %and3A_383 : i32
          %multiple_of3A_385 = tpu.assume_multiple %and3A_384, 8 : i32
          %mul3A_386 = arith.constant 16 : i32
          %mul3A_387 = arith.muli %scan3A_86, %mul3A_386 : i32
          %add3A_388 = arith.constant 14 : i32
          %add3A_389 = arith.addi %mul3A_387, %add3A_388 : i32
          %dma_start3A_390 = arith.constant 0 : i32
          %dma_start3A_391 = arith.constant 0 : i32
          %dma_start3A_392 = tpu.memref_slice %arg13[%add3A_389, %dma_start3A_390, %dma_start3A_391] : memref<32x8x32xf32, #tpu.memory_space<vmem>> -> memref<1x8x32xf32, #tpu.memory_space<vmem>>
          %dma_start3A_393 = tpu.memref_squeeze %dma_start3A_392 : memref<1x8x32xf32, #tpu.memory_space<vmem>> -> memref<8x32xf32, #tpu.memory_space<vmem>>
          %dma_start3A_394 = arith.constant 0 : i32
          %dma_start3A_395 = tpu.memref_slice %arg5[%multiple_of3A_385, %dma_start3A_394] : memref<1000000x32xf32, #tpu.memory_space<hbm>> -> memref<8x32xf32, #tpu.memory_space<hbm>>
          %dma_start3A_396 = arith.constant 0 : i32
          %dma_start3A_397 = arith.constant 0 : i32
          %dma_start3A_398 = tpu.memref_slice %arg13[%add3A_389, %dma_start3A_396, %dma_start3A_397] : memref<32x8x32xf32, #tpu.memory_space<vmem>> -> memref<1x8x32xf32, #tpu.memory_space<vmem>>
          %dma_start3A_399 = tpu.memref_squeeze %dma_start3A_398 : memref<1x8x32xf32, #tpu.memory_space<vmem>> -> memref<8x32xf32, #tpu.memory_space<vmem>>
          %dma_start3A_400 = arith.constant 0 : i32
          %dma_start3A_401 = tpu.memref_slice %arg5[%multiple_of3A_385, %dma_start3A_400] : memref<1000000x32xf32, #tpu.memory_space<hbm>> -> memref<8x32xf32, #tpu.memory_space<hbm>>
          tpu.enqueue_dma source(%dma_start3A_401 : memref<8x32xf32, #tpu.memory_space<hbm>>) target(%dma_start3A_399 : memref<8x32xf32, #tpu.memory_space<vmem>>) target_semaphore(%arg18 : memref<!tpu.dma_semaphore, #tpu.memory_space<semaphore_mem>>)
          %slice3A_402 = vector.extract_strided_slice %get3A_90 {offsets = [15], sizes = [1], strides = [1]} : vector<16xi32> to vector<1xi32>
          %squeeze3A_403 = vector.extract %slice3A_402[0] : i32 from vector<1xi32>
          %and3A_404 = arith.constant -8 : i32
          %and3A_405 = arith.andi %squeeze3A_403, %and3A_404 : i32
          %multiple_of3A_406 = tpu.assume_multiple %and3A_405, 8 : i32
          %mul3A_407 = arith.constant 16 : i32
          %mul3A_408 = arith.muli %scan3A_86, %mul3A_407 : i32
          %add3A_409 = arith.constant 15 : i32
          %add3A_410 = arith.addi %mul3A_408, %add3A_409 : i32
          %dma_start3A_411 = arith.constant 0 : i32
          %dma_start3A_412 = arith.constant 0 : i32
          %dma_start3A_413 = tpu.memref_slice %arg13[%add3A_410, %dma_start3A_411, %dma_start3A_412] : memref<32x8x32xf32, #tpu.memory_space<vmem>> -> memref<1x8x32xf32, #tpu.memory_space<vmem>>
          %dma_start3A_414 = tpu.memref_squeeze %dma_start3A_413 : memref<1x8x32xf32, #tpu.memory_space<vmem>> -> memref<8x32xf32, #tpu.memory_space<vmem>>
          %dma_start3A_415 = arith.constant 0 : i32
          %dma_start3A_416 = tpu.memref_slice %arg5[%multiple_of3A_406, %dma_start3A_415] : memref<1000000x32xf32, #tpu.memory_space<hbm>> -> memref<8x32xf32, #tpu.memory_space<hbm>>
          %dma_start3A_417 = arith.constant 0 : i32
          %dma_start3A_418 = arith.constant 0 : i32
          %dma_start3A_419 = tpu.memref_slice %arg13[%add3A_410, %dma_start3A_417, %dma_start3A_418] : memref<32x8x32xf32, #tpu.memory_space<vmem>> -> memref<1x8x32xf32, #tpu.memory_space<vmem>>
          %dma_start3A_420 = tpu.memref_squeeze %dma_start3A_419 : memref<1x8x32xf32, #tpu.memory_space<vmem>> -> memref<8x32xf32, #tpu.memory_space<vmem>>
          %dma_start3A_421 = arith.constant 0 : i32
          %dma_start3A_422 = tpu.memref_slice %arg5[%multiple_of3A_406, %dma_start3A_421] : memref<1000000x32xf32, #tpu.memory_space<hbm>> -> memref<8x32xf32, #tpu.memory_space<hbm>>
          tpu.enqueue_dma source(%dma_start3A_422 : memref<8x32xf32, #tpu.memory_space<hbm>>) target(%dma_start3A_420 : memref<8x32xf32, #tpu.memory_space<vmem>>) target_semaphore(%arg18 : memref<!tpu.dma_semaphore, #tpu.memory_space<semaphore_mem>>)
        }
        %scan3A_85 = arith.constant 2 : i32
      } else {
      }
      tpu.wait_dma2 semaphore(%arg19 : memref<!tpu.dma_semaphore, #tpu.memory_space<semaphore_mem>>) src(%arg8 : memref<32x8x32xf32, #tpu.memory_space<hbm>>) dst(%arg14 : memref<32x8x32xf32, #tpu.memory_space<vmem>>)
      %add3A_67 = arith.constant 3 : i32
      %add3A_68 = arith.addi %mul3A_16, %add3A_67 : i32
      %scan3A_69 = arith.constant 0 : i32
      %scan3A_70 = arith.constant 0 : i32
      %scan3A_71 = arith.constant 2 : i32
      %scan3A_72 = arith.addi %scan3A_70, %scan3A_71 : i32
      %scan3A_73 = arith.constant 1 : i32
      scf.for %scan3A_78 = %scan3A_70 to %scan3A_72 step %scan3A_73  : i32 {
        %mul3A_79 = arith.constant 16 : i32
        %mul3A_80 = arith.muli %scan3A_78, %mul3A_79 : i32
        %add3A_81 = vector.broadcast %mul3A_80 : i32 to vector<16xi32>
        %add3A_82 = arith.addi %iota3A, %add3A_81 : vector<16xi32>
        %mul3A_83 = arith.constant 16 : i32
        %mul3A_84 = arith.muli %scan3A_78, %mul3A_83 : i32
        %add3A_85 = arith.constant 96 : i32
        %add3A_86 = arith.addi %add3A_85, %mul3A_84 : i32
        %mul3A_87 = arith.constant 16 : i32
        %mul3A_88 = arith.muli %scan3A_78, %mul3A_87 : i32
        %get3A = arith.index_cast %add3A_68 : i32 to index
        %get3A_89 = arith.index_cast %mul3A_88 : i32 to index
        %get3A_90 = tpu.vector_load %arg10[%get3A, %get3A_89] {strides = array<i32>} : memref<16x32xi32, #tpu.memory_space<vmem>>, vector<16xi32>,
        %broadcast_in_dim3A = arith.constant 7 : i32
        %broadcast_in_dim3A_91 = vector.broadcast %broadcast_in_dim3A : i32 to vector<16xi32>
        %and3A = arith.andi %get3A_90, %broadcast_in_dim3A_91 : vector<16xi32>
        %broadcast_in_dim3A_92 = arith.constant 0 : i32
        %broadcast_in_dim3A_93 = vector.broadcast %broadcast_in_dim3A_92 : i32 to vector<16xi32>
        %gather3A = tpu.vector_load_idx %arg14[%add3A_82, %and3A, %broadcast_in_dim3A_93] : memref<32x8x32xf32, #tpu.memory_space<vmem>>[vector<16xi32>, vector<16xi32>, vector<16xi32>], vector<16xf32>,
        %swap3A = arith.constant 0 : i32
        %swap3A_94 = arith.index_cast %swap3A : i32 to index
        %swap3A_95 = arith.index_cast %add3A_86 : i32 to index
        %swap3A_96 = tpu.vector_load %arg17[%swap3A_94, %swap3A_95] {strides = array<i32>} : memref<64x128xf32, #tpu.memory_space<vmem>>, vector<16xf32>,
        tpu.vector_store %arg17[%swap3A_94, %swap3A_95], %gather3A {strides = array<i32>} : memref<64x128xf32, #tpu.memory_space<vmem>>, vector<16xf32>,
        %broadcast_in_dim3A_97 = arith.constant 1 : i32
        %broadcast_in_dim3A_98 = vector.broadcast %broadcast_in_dim3A_97 : i32 to vector<16xi32>
        %gather3A_99 = tpu.vector_load_idx %arg14[%add3A_82, %and3A, %broadcast_in_dim3A_98] : memref<32x8x32xf32, #tpu.memory_space<vmem>>[vector<16xi32>, vector<16xi32>, vector<16xi32>], vector<16xf32>,
        %swap3A_100 = arith.constant 1 : i32
        %swap3A_101 = arith.index_cast %swap3A_100 : i32 to index
        %swap3A_102 = arith.index_cast %add3A_86 : i32 to index
        %swap3A_103 = tpu.vector_load %arg17[%swap3A_101, %swap3A_102] {strides = array<i32>} : memref<64x128xf32, #tpu.memory_space<vmem>>, vector<16xf32>,
        tpu.vector_store %arg17[%swap3A_101, %swap3A_102], %gather3A_99 {strides = array<i32>} : memref<64x128xf32, #tpu.memory_space<vmem>>, vector<16xf32>,
        %broadcast_in_dim3A_104 = arith.constant 2 : i32
        %broadcast_in_dim3A_105 = vector.broadcast %broadcast_in_dim3A_104 : i32 to vector<16xi32>
        %gather3A_106 = tpu.vector_load_idx %arg14[%add3A_82, %and3A, %broadcast_in_dim3A_105] : memref<32x8x32xf32, #tpu.memory_space<vmem>>[vector<16xi32>, vector<16xi32>, vector<16xi32>], vector<16xf32>,
        %swap3A_107 = arith.constant 2 : i32
        %swap3A_108 = arith.index_cast %swap3A_107 : i32 to index
        %swap3A_109 = arith.index_cast %add3A_86 : i32 to index
        %swap3A_110 = tpu.vector_load %arg17[%swap3A_108, %swap3A_109] {strides = array<i32>} : memref<64x128xf32, #tpu.memory_space<vmem>>, vector<16xf32>,
        tpu.vector_store %arg17[%swap3A_108, %swap3A_109], %gather3A_106 {strides = array<i32>} : memref<64x128xf32, #tpu.memory_space<vmem>>, vector<16xf32>,
        %broadcast_in_dim3A_111 = arith.constant 3 : i32
        %broadcast_in_dim3A_112 = vector.broadcast %broadcast_in_dim3A_111 : i32 to vector<16xi32>
        %gather3A_113 = tpu.vector_load_idx %arg14[%add3A_82, %and3A, %broadcast_in_dim3A_112] : memref<32x8x32xf32, #tpu.memory_space<vmem>>[vector<16xi32>, vector<16xi32>, vector<16xi32>], vector<16xf32>,
        %swap3A_114 = arith.constant 3 : i32
        %swap3A_115 = arith.index_cast %swap3A_114 : i32 to index
        %swap3A_116 = arith.index_cast %add3A_86 : i32 to index
        %swap3A_117 = tpu.vector_load %arg17[%swap3A_115, %swap3A_116] {strides = array<i32>} : memref<64x128xf32, #tpu.memory_space<vmem>>, vector<16xf32>,
        tpu.vector_store %arg17[%swap3A_115, %swap3A_116], %gather3A_113 {strides = array<i32>} : memref<64x128xf32, #tpu.memory_space<vmem>>, vector<16xf32>,
        %broadcast_in_dim3A_118 = arith.constant 4 : i32
        %broadcast_in_dim3A_119 = vector.broadcast %broadcast_in_dim3A_118 : i32 to vector<16xi32>
        %gather3A_120 = tpu.vector_load_idx %arg14[%add3A_82, %and3A, %broadcast_in_dim3A_119] : memref<32x8x32xf32, #tpu.memory_space<vmem>>[vector<16xi32>, vector<16xi32>, vector<16xi32>], vector<16xf32>,
        %swap3A_121 = arith.constant 4 : i32
        %swap3A_122 = arith.index_cast %swap3A_121 : i32 to index
        %swap3A_123 = arith.index_cast %add3A_86 : i32 to index
        %swap3A_124 = tpu.vector_load %arg17[%swap3A_122, %swap3A_123] {strides = array<i32>} : memref<64x128xf32, #tpu.memory_space<vmem>>, vector<16xf32>,
        tpu.vector_store %arg17[%swap3A_122, %swap3A_123], %gather3A_120 {strides = array<i32>} : memref<64x128xf32, #tpu.memory_space<vmem>>, vector<16xf32>,
        %broadcast_in_dim3A_125 = arith.constant 5 : i32
        %broadcast_in_dim3A_126 = vector.broadcast %broadcast_in_dim3A_125 : i32 to vector<16xi32>
        %gather3A_127 = tpu.vector_load_idx %arg14[%add3A_82, %and3A, %broadcast_in_dim3A_126] : memref<32x8x32xf32, #tpu.memory_space<vmem>>[vector<16xi32>, vector<16xi32>, vector<16xi32>], vector<16xf32>,
        %swap3A_128 = arith.constant 5 : i32
        %swap3A_129 = arith.index_cast %swap3A_128 : i32 to index
        %swap3A_130 = arith.index_cast %add3A_86 : i32 to index
        %swap3A_131 = tpu.vector_load %arg17[%swap3A_129, %swap3A_130] {strides = array<i32>} : memref<64x128xf32, #tpu.memory_space<vmem>>, vector<16xf32>,
        tpu.vector_store %arg17[%swap3A_129, %swap3A_130], %gather3A_127 {strides = array<i32>} : memref<64x128xf32, #tpu.memory_space<vmem>>, vector<16xf32>,
        %broadcast_in_dim3A_132 = arith.constant 6 : i32
        %broadcast_in_dim3A_133 = vector.broadcast %broadcast_in_dim3A_132 : i32 to vector<16xi32>
        %gather3A_134 = tpu.vector_load_idx %arg14[%add3A_82, %and3A, %broadcast_in_dim3A_133] : memref<32x8x32xf32, #tpu.memory_space<vmem>>[vector<16xi32>, vector<16xi32>, vector<16xi32>], vector<16xf32>,
        %swap3A_135 = arith.constant 6 : i32
        %swap3A_136 = arith.index_cast %swap3A_135 : i32 to index
        %swap3A_137 = arith.index_cast %add3A_86 : i32 to index
        %swap3A_138 = tpu.vector_load %arg17[%swap3A_136, %swap3A_137] {strides = array<i32>} : memref<64x128xf32, #tpu.memory_space<vmem>>, vector<16xf32>,
        tpu.vector_store %arg17[%swap3A_136, %swap3A_137], %gather3A_134 {strides = array<i32>} : memref<64x128xf32, #tpu.memory_space<vmem>>, vector<16xf32>,
        %broadcast_in_dim3A_139 = arith.constant 7 : i32
        %broadcast_in_dim3A_140 = vector.broadcast %broadcast_in_dim3A_139 : i32 to vector<16xi32>
        %gather3A_141 = tpu.vector_load_idx %arg14[%add3A_82, %and3A, %broadcast_in_dim3A_140] : memref<32x8x32xf32, #tpu.memory_space<vmem>>[vector<16xi32>, vector<16xi32>, vector<16xi32>], vector<16xf32>,
        %swap3A_142 = arith.constant 7 : i32
        %swap3A_143 = arith.index_cast %swap3A_142 : i32 to index
        %swap3A_144 = arith.index_cast %add3A_86 : i32 to index
        %swap3A_145 = tpu.vector_load %arg17[%swap3A_143, %swap3A_144] {strides = array<i32>} : memref<64x128xf32, #tpu.memory_space<vmem>>, vector<16xf32>,
        tpu.vector_store %arg17[%swap3A_143, %swap3A_144], %gather3A_141 {strides = array<i32>} : memref<64x128xf32, #tpu.memory_space<vmem>>, vector<16xf32>,
        %broadcast_in_dim3A_146 = arith.constant 8 : i32
        %broadcast_in_dim3A_147 = vector.broadcast %broadcast_in_dim3A_146 : i32 to vector<16xi32>
        %gather3A_148 = tpu.vector_load_idx %arg14[%add3A_82, %and3A, %broadcast_in_dim3A_147] : memref<32x8x32xf32, #tpu.memory_space<vmem>>[vector<16xi32>, vector<16xi32>, vector<16xi32>], vector<16xf32>,
        %swap3A_149 = arith.constant 8 : i32
        %swap3A_150 = arith.index_cast %swap3A_149 : i32 to index
        %swap3A_151 = arith.index_cast %add3A_86 : i32 to index
        %swap3A_152 = tpu.vector_load %arg17[%swap3A_150, %swap3A_151] {strides = array<i32>} : memref<64x128xf32, #tpu.memory_space<vmem>>, vector<16xf32>,
        tpu.vector_store %arg17[%swap3A_150, %swap3A_151], %gather3A_148 {strides = array<i32>} : memref<64x128xf32, #tpu.memory_space<vmem>>, vector<16xf32>,
        %broadcast_in_dim3A_153 = arith.constant 9 : i32
        %broadcast_in_dim3A_154 = vector.broadcast %broadcast_in_dim3A_153 : i32 to vector<16xi32>
        %gather3A_155 = tpu.vector_load_idx %arg14[%add3A_82, %and3A, %broadcast_in_dim3A_154] : memref<32x8x32xf32, #tpu.memory_space<vmem>>[vector<16xi32>, vector<16xi32>, vector<16xi32>], vector<16xf32>,
        %swap3A_156 = arith.constant 9 : i32
        %swap3A_157 = arith.index_cast %swap3A_156 : i32 to index
        %swap3A_158 = arith.index_cast %add3A_86 : i32 to index
        %swap3A_159 = tpu.vector_load %arg17[%swap3A_157, %swap3A_158] {strides = array<i32>} : memref<64x128xf32, #tpu.memory_space<vmem>>, vector<16xf32>,
        tpu.vector_store %arg17[%swap3A_157, %swap3A_158], %gather3A_155 {strides = array<i32>} : memref<64x128xf32, #tpu.memory_space<vmem>>, vector<16xf32>,
        %broadcast_in_dim3A_160 = arith.constant 10 : i32
        %broadcast_in_dim3A_161 = vector.broadcast %broadcast_in_dim3A_160 : i32 to vector<16xi32>
        %gather3A_162 = tpu.vector_load_idx %arg14[%add3A_82, %and3A, %broadcast_in_dim3A_161] : memref<32x8x32xf32, #tpu.memory_space<vmem>>[vector<16xi32>, vector<16xi32>, vector<16xi32>], vector<16xf32>,
        %swap3A_163 = arith.constant 10 : i32
        %swap3A_164 = arith.index_cast %swap3A_163 : i32 to index
        %swap3A_165 = arith.index_cast %add3A_86 : i32 to index
        %swap3A_166 = tpu.vector_load %arg17[%swap3A_164, %swap3A_165] {strides = array<i32>} : memref<64x128xf32, #tpu.memory_space<vmem>>, vector<16xf32>,
        tpu.vector_store %arg17[%swap3A_164, %swap3A_165], %gather3A_162 {strides = array<i32>} : memref<64x128xf32, #tpu.memory_space<vmem>>, vector<16xf32>,
        %broadcast_in_dim3A_167 = arith.constant 11 : i32
        %broadcast_in_dim3A_168 = vector.broadcast %broadcast_in_dim3A_167 : i32 to vector<16xi32>
        %gather3A_169 = tpu.vector_load_idx %arg14[%add3A_82, %and3A, %broadcast_in_dim3A_168] : memref<32x8x32xf32, #tpu.memory_space<vmem>>[vector<16xi32>, vector<16xi32>, vector<16xi32>], vector<16xf32>,
        %swap3A_170 = arith.constant 11 : i32
        %swap3A_171 = arith.index_cast %swap3A_170 : i32 to index
        %swap3A_172 = arith.index_cast %add3A_86 : i32 to index
        %swap3A_173 = tpu.vector_load %arg17[%swap3A_171, %swap3A_172] {strides = array<i32>} : memref<64x128xf32, #tpu.memory_space<vmem>>, vector<16xf32>,
        tpu.vector_store %arg17[%swap3A_171, %swap3A_172], %gather3A_169 {strides = array<i32>} : memref<64x128xf32, #tpu.memory_space<vmem>>, vector<16xf32>,
        %broadcast_in_dim3A_174 = arith.constant 12 : i32
        %broadcast_in_dim3A_175 = vector.broadcast %broadcast_in_dim3A_174 : i32 to vector<16xi32>
        %gather3A_176 = tpu.vector_load_idx %arg14[%add3A_82, %and3A, %broadcast_in_dim3A_175] : memref<32x8x32xf32, #tpu.memory_space<vmem>>[vector<16xi32>, vector<16xi32>, vector<16xi32>], vector<16xf32>,
        %swap3A_177 = arith.constant 12 : i32
        %swap3A_178 = arith.index_cast %swap3A_177 : i32 to index
        %swap3A_179 = arith.index_cast %add3A_86 : i32 to index
        %swap3A_180 = tpu.vector_load %arg17[%swap3A_178, %swap3A_179] {strides = array<i32>} : memref<64x128xf32, #tpu.memory_space<vmem>>, vector<16xf32>,
        tpu.vector_store %arg17[%swap3A_178, %swap3A_179], %gather3A_176 {strides = array<i32>} : memref<64x128xf32, #tpu.memory_space<vmem>>, vector<16xf32>,
        %broadcast_in_dim3A_181 = arith.constant 13 : i32
        %broadcast_in_dim3A_182 = vector.broadcast %broadcast_in_dim3A_181 : i32 to vector<16xi32>
        %gather3A_183 = tpu.vector_load_idx %arg14[%add3A_82, %and3A, %broadcast_in_dim3A_182] : memref<32x8x32xf32, #tpu.memory_space<vmem>>[vector<16xi32>, vector<16xi32>, vector<16xi32>], vector<16xf32>,
        %swap3A_184 = arith.constant 13 : i32
        %swap3A_185 = arith.index_cast %swap3A_184 : i32 to index
        %swap3A_186 = arith.index_cast %add3A_86 : i32 to index
        %swap3A_187 = tpu.vector_load %arg17[%swap3A_185, %swap3A_186] {strides = array<i32>} : memref<64x128xf32, #tpu.memory_space<vmem>>, vector<16xf32>,
        tpu.vector_store %arg17[%swap3A_185, %swap3A_186], %gather3A_183 {strides = array<i32>} : memref<64x128xf32, #tpu.memory_space<vmem>>, vector<16xf32>,
        %broadcast_in_dim3A_188 = arith.constant 14 : i32
        %broadcast_in_dim3A_189 = vector.broadcast %broadcast_in_dim3A_188 : i32 to vector<16xi32>
        %gather3A_190 = tpu.vector_load_idx %arg14[%add3A_82, %and3A, %broadcast_in_dim3A_189] : memref<32x8x32xf32, #tpu.memory_space<vmem>>[vector<16xi32>, vector<16xi32>, vector<16xi32>], vector<16xf32>,
        %swap3A_191 = arith.constant 14 : i32
        %swap3A_192 = arith.index_cast %swap3A_191 : i32 to index
        %swap3A_193 = arith.index_cast %add3A_86 : i32 to index
        %swap3A_194 = tpu.vector_load %arg17[%swap3A_192, %swap3A_193] {strides = array<i32>} : memref<64x128xf32, #tpu.memory_space<vmem>>, vector<16xf32>,
        tpu.vector_store %arg17[%swap3A_192, %swap3A_193], %gather3A_190 {strides = array<i32>} : memref<64x128xf32, #tpu.memory_space<vmem>>, vector<16xf32>,
        %broadcast_in_dim3A_195 = arith.constant 15 : i32
        %broadcast_in_dim3A_196 = vector.broadcast %broadcast_in_dim3A_195 : i32 to vector<16xi32>
        %gather3A_197 = tpu.vector_load_idx %arg14[%add3A_82, %and3A, %broadcast_in_dim3A_196] : memref<32x8x32xf32, #tpu.memory_space<vmem>>[vector<16xi32>, vector<16xi32>, vector<16xi32>], vector<16xf32>,
        %swap3A_198 = arith.constant 15 : i32
        %swap3A_199 = arith.index_cast %swap3A_198 : i32 to index
        %swap3A_200 = arith.index_cast %add3A_86 : i32 to index
        %swap3A_201 = tpu.vector_load %arg17[%swap3A_199, %swap3A_200] {strides = array<i32>} : memref<64x128xf32, #tpu.memory_space<vmem>>, vector<16xf32>,
        tpu.vector_store %arg17[%swap3A_199, %swap3A_200], %gather3A_197 {strides = array<i32>} : memref<64x128xf32, #tpu.memory_space<vmem>>, vector<16xf32>,
        %broadcast_in_dim3A_202 = arith.constant 16 : i32
        %broadcast_in_dim3A_203 = vector.broadcast %broadcast_in_dim3A_202 : i32 to vector<16xi32>
        %gather3A_204 = tpu.vector_load_idx %arg14[%add3A_82, %and3A, %broadcast_in_dim3A_203] : memref<32x8x32xf32, #tpu.memory_space<vmem>>[vector<16xi32>, vector<16xi32>, vector<16xi32>], vector<16xf32>,
        %swap3A_205 = arith.constant 16 : i32
        %swap3A_206 = arith.index_cast %swap3A_205 : i32 to index
        %swap3A_207 = arith.index_cast %add3A_86 : i32 to index
        %swap3A_208 = tpu.vector_load %arg17[%swap3A_206, %swap3A_207] {strides = array<i32>} : memref<64x128xf32, #tpu.memory_space<vmem>>, vector<16xf32>,
        tpu.vector_store %arg17[%swap3A_206, %swap3A_207], %gather3A_204 {strides = array<i32>} : memref<64x128xf32, #tpu.memory_space<vmem>>, vector<16xf32>,
        %broadcast_in_dim3A_209 = arith.constant 17 : i32
        %broadcast_in_dim3A_210 = vector.broadcast %broadcast_in_dim3A_209 : i32 to vector<16xi32>
        %gather3A_211 = tpu.vector_load_idx %arg14[%add3A_82, %and3A, %broadcast_in_dim3A_210] : memref<32x8x32xf32, #tpu.memory_space<vmem>>[vector<16xi32>, vector<16xi32>, vector<16xi32>], vector<16xf32>,
        %swap3A_212 = arith.constant 17 : i32
        %swap3A_213 = arith.index_cast %swap3A_212 : i32 to index
        %swap3A_214 = arith.index_cast %add3A_86 : i32 to index
        %swap3A_215 = tpu.vector_load %arg17[%swap3A_213, %swap3A_214] {strides = array<i32>} : memref<64x128xf32, #tpu.memory_space<vmem>>, vector<16xf32>,
        tpu.vector_store %arg17[%swap3A_213, %swap3A_214], %gather3A_211 {strides = array<i32>} : memref<64x128xf32, #tpu.memory_space<vmem>>, vector<16xf32>,
        %broadcast_in_dim3A_216 = arith.constant 18 : i32
        %broadcast_in_dim3A_217 = vector.broadcast %broadcast_in_dim3A_216 : i32 to vector<16xi32>
        %gather3A_218 = tpu.vector_load_idx %arg14[%add3A_82, %and3A, %broadcast_in_dim3A_217] : memref<32x8x32xf32, #tpu.memory_space<vmem>>[vector<16xi32>, vector<16xi32>, vector<16xi32>], vector<16xf32>,
        %swap3A_219 = arith.constant 18 : i32
        %swap3A_220 = arith.index_cast %swap3A_219 : i32 to index
        %swap3A_221 = arith.index_cast %add3A_86 : i32 to index
        %swap3A_222 = tpu.vector_load %arg17[%swap3A_220, %swap3A_221] {strides = array<i32>} : memref<64x128xf32, #tpu.memory_space<vmem>>, vector<16xf32>,
        tpu.vector_store %arg17[%swap3A_220, %swap3A_221], %gather3A_218 {strides = array<i32>} : memref<64x128xf32, #tpu.memory_space<vmem>>, vector<16xf32>,
        %broadcast_in_dim3A_223 = arith.constant 19 : i32
        %broadcast_in_dim3A_224 = vector.broadcast %broadcast_in_dim3A_223 : i32 to vector<16xi32>
        %gather3A_225 = tpu.vector_load_idx %arg14[%add3A_82, %and3A, %broadcast_in_dim3A_224] : memref<32x8x32xf32, #tpu.memory_space<vmem>>[vector<16xi32>, vector<16xi32>, vector<16xi32>], vector<16xf32>,
        %swap3A_226 = arith.constant 19 : i32
        %swap3A_227 = arith.index_cast %swap3A_226 : i32 to index
        %swap3A_228 = arith.index_cast %add3A_86 : i32 to index
        %swap3A_229 = tpu.vector_load %arg17[%swap3A_227, %swap3A_228] {strides = array<i32>} : memref<64x128xf32, #tpu.memory_space<vmem>>, vector<16xf32>,
        tpu.vector_store %arg17[%swap3A_227, %swap3A_228], %gather3A_225 {strides = array<i32>} : memref<64x128xf32, #tpu.memory_space<vmem>>, vector<16xf32>,
        %broadcast_in_dim3A_230 = arith.constant 20 : i32
        %broadcast_in_dim3A_231 = vector.broadcast %broadcast_in_dim3A_230 : i32 to vector<16xi32>
        %gather3A_232 = tpu.vector_load_idx %arg14[%add3A_82, %and3A, %broadcast_in_dim3A_231] : memref<32x8x32xf32, #tpu.memory_space<vmem>>[vector<16xi32>, vector<16xi32>, vector<16xi32>], vector<16xf32>,
        %swap3A_233 = arith.constant 20 : i32
        %swap3A_234 = arith.index_cast %swap3A_233 : i32 to index
        %swap3A_235 = arith.index_cast %add3A_86 : i32 to index
        %swap3A_236 = tpu.vector_load %arg17[%swap3A_234, %swap3A_235] {strides = array<i32>} : memref<64x128xf32, #tpu.memory_space<vmem>>, vector<16xf32>,
        tpu.vector_store %arg17[%swap3A_234, %swap3A_235], %gather3A_232 {strides = array<i32>} : memref<64x128xf32, #tpu.memory_space<vmem>>, vector<16xf32>,
        %broadcast_in_dim3A_237 = arith.constant 21 : i32
        %broadcast_in_dim3A_238 = vector.broadcast %broadcast_in_dim3A_237 : i32 to vector<16xi32>
        %gather3A_239 = tpu.vector_load_idx %arg14[%add3A_82, %and3A, %broadcast_in_dim3A_238] : memref<32x8x32xf32, #tpu.memory_space<vmem>>[vector<16xi32>, vector<16xi32>, vector<16xi32>], vector<16xf32>,
        %swap3A_240 = arith.constant 21 : i32
        %swap3A_241 = arith.index_cast %swap3A_240 : i32 to index
        %swap3A_242 = arith.index_cast %add3A_86 : i32 to index
        %swap3A_243 = tpu.vector_load %arg17[%swap3A_241, %swap3A_242] {strides = array<i32>} : memref<64x128xf32, #tpu.memory_space<vmem>>, vector<16xf32>,
        tpu.vector_store %arg17[%swap3A_241, %swap3A_242], %gather3A_239 {strides = array<i32>} : memref<64x128xf32, #tpu.memory_space<vmem>>, vector<16xf32>,
        %broadcast_in_dim3A_244 = arith.constant 22 : i32
        %broadcast_in_dim3A_245 = vector.broadcast %broadcast_in_dim3A_244 : i32 to vector<16xi32>
        %gather3A_246 = tpu.vector_load_idx %arg14[%add3A_82, %and3A, %broadcast_in_dim3A_245] : memref<32x8x32xf32, #tpu.memory_space<vmem>>[vector<16xi32>, vector<16xi32>, vector<16xi32>], vector<16xf32>,
        %swap3A_247 = arith.constant 22 : i32
        %swap3A_248 = arith.index_cast %swap3A_247 : i32 to index
        %swap3A_249 = arith.index_cast %add3A_86 : i32 to index
        %swap3A_250 = tpu.vector_load %arg17[%swap3A_248, %swap3A_249] {strides = array<i32>} : memref<64x128xf32, #tpu.memory_space<vmem>>, vector<16xf32>,
        tpu.vector_store %arg17[%swap3A_248, %swap3A_249], %gather3A_246 {strides = array<i32>} : memref<64x128xf32, #tpu.memory_space<vmem>>, vector<16xf32>,
        %broadcast_in_dim3A_251 = arith.constant 23 : i32
        %broadcast_in_dim3A_252 = vector.broadcast %broadcast_in_dim3A_251 : i32 to vector<16xi32>
        %gather3A_253 = tpu.vector_load_idx %arg14[%add3A_82, %and3A, %broadcast_in_dim3A_252] : memref<32x8x32xf32, #tpu.memory_space<vmem>>[vector<16xi32>, vector<16xi32>, vector<16xi32>], vector<16xf32>,
        %swap3A_254 = arith.constant 23 : i32
        %swap3A_255 = arith.index_cast %swap3A_254 : i32 to index
        %swap3A_256 = arith.index_cast %add3A_86 : i32 to index
        %swap3A_257 = tpu.vector_load %arg17[%swap3A_255, %swap3A_256] {strides = array<i32>} : memref<64x128xf32, #tpu.memory_space<vmem>>, vector<16xf32>,
        tpu.vector_store %arg17[%swap3A_255, %swap3A_256], %gather3A_253 {strides = array<i32>} : memref<64x128xf32, #tpu.memory_space<vmem>>, vector<16xf32>,
        %broadcast_in_dim3A_258 = arith.constant 24 : i32
        %broadcast_in_dim3A_259 = vector.broadcast %broadcast_in_dim3A_258 : i32 to vector<16xi32>
        %gather3A_260 = tpu.vector_load_idx %arg14[%add3A_82, %and3A, %broadcast_in_dim3A_259] : memref<32x8x32xf32, #tpu.memory_space<vmem>>[vector<16xi32>, vector<16xi32>, vector<16xi32>], vector<16xf32>,
        %swap3A_261 = arith.constant 24 : i32
        %swap3A_262 = arith.index_cast %swap3A_261 : i32 to index
        %swap3A_263 = arith.index_cast %add3A_86 : i32 to index
        %swap3A_264 = tpu.vector_load %arg17[%swap3A_262, %swap3A_263] {strides = array<i32>} : memref<64x128xf32, #tpu.memory_space<vmem>>, vector<16xf32>,
        tpu.vector_store %arg17[%swap3A_262, %swap3A_263], %gather3A_260 {strides = array<i32>} : memref<64x128xf32, #tpu.memory_space<vmem>>, vector<16xf32>,
        %broadcast_in_dim3A_265 = arith.constant 25 : i32
        %broadcast_in_dim3A_266 = vector.broadcast %broadcast_in_dim3A_265 : i32 to vector<16xi32>
        %gather3A_267 = tpu.vector_load_idx %arg14[%add3A_82, %and3A, %broadcast_in_dim3A_266] : memref<32x8x32xf32, #tpu.memory_space<vmem>>[vector<16xi32>, vector<16xi32>, vector<16xi32>], vector<16xf32>,
        %swap3A_268 = arith.constant 25 : i32
        %swap3A_269 = arith.index_cast %swap3A_268 : i32 to index
        %swap3A_270 = arith.index_cast %add3A_86 : i32 to index
        %swap3A_271 = tpu.vector_load %arg17[%swap3A_269, %swap3A_270] {strides = array<i32>} : memref<64x128xf32, #tpu.memory_space<vmem>>, vector<16xf32>,
        tpu.vector_store %arg17[%swap3A_269, %swap3A_270], %gather3A_267 {strides = array<i32>} : memref<64x128xf32, #tpu.memory_space<vmem>>, vector<16xf32>,
        %broadcast_in_dim3A_272 = arith.constant 26 : i32
        %broadcast_in_dim3A_273 = vector.broadcast %broadcast_in_dim3A_272 : i32 to vector<16xi32>
        %gather3A_274 = tpu.vector_load_idx %arg14[%add3A_82, %and3A, %broadcast_in_dim3A_273] : memref<32x8x32xf32, #tpu.memory_space<vmem>>[vector<16xi32>, vector<16xi32>, vector<16xi32>], vector<16xf32>,
        %swap3A_275 = arith.constant 26 : i32
        %swap3A_276 = arith.index_cast %swap3A_275 : i32 to index
        %swap3A_277 = arith.index_cast %add3A_86 : i32 to index
        %swap3A_278 = tpu.vector_load %arg17[%swap3A_276, %swap3A_277] {strides = array<i32>} : memref<64x128xf32, #tpu.memory_space<vmem>>, vector<16xf32>,
        tpu.vector_store %arg17[%swap3A_276, %swap3A_277], %gather3A_274 {strides = array<i32>} : memref<64x128xf32, #tpu.memory_space<vmem>>, vector<16xf32>,
        %broadcast_in_dim3A_279 = arith.constant 27 : i32
        %broadcast_in_dim3A_280 = vector.broadcast %broadcast_in_dim3A_279 : i32 to vector<16xi32>
        %gather3A_281 = tpu.vector_load_idx %arg14[%add3A_82, %and3A, %broadcast_in_dim3A_280] : memref<32x8x32xf32, #tpu.memory_space<vmem>>[vector<16xi32>, vector<16xi32>, vector<16xi32>], vector<16xf32>,
        %swap3A_282 = arith.constant 27 : i32
        %swap3A_283 = arith.index_cast %swap3A_282 : i32 to index
        %swap3A_284 = arith.index_cast %add3A_86 : i32 to index
        %swap3A_285 = tpu.vector_load %arg17[%swap3A_283, %swap3A_284] {strides = array<i32>} : memref<64x128xf32, #tpu.memory_space<vmem>>, vector<16xf32>,
        tpu.vector_store %arg17[%swap3A_283, %swap3A_284], %gather3A_281 {strides = array<i32>} : memref<64x128xf32, #tpu.memory_space<vmem>>, vector<16xf32>,
        %broadcast_in_dim3A_286 = arith.constant 28 : i32
        %broadcast_in_dim3A_287 = vector.broadcast %broadcast_in_dim3A_286 : i32 to vector<16xi32>
        %gather3A_288 = tpu.vector_load_idx %arg14[%add3A_82, %and3A, %broadcast_in_dim3A_287] : memref<32x8x32xf32, #tpu.memory_space<vmem>>[vector<16xi32>, vector<16xi32>, vector<16xi32>], vector<16xf32>,
        %swap3A_289 = arith.constant 28 : i32
        %swap3A_290 = arith.index_cast %swap3A_289 : i32 to index
        %swap3A_291 = arith.index_cast %add3A_86 : i32 to index
        %swap3A_292 = tpu.vector_load %arg17[%swap3A_290, %swap3A_291] {strides = array<i32>} : memref<64x128xf32, #tpu.memory_space<vmem>>, vector<16xf32>,
        tpu.vector_store %arg17[%swap3A_290, %swap3A_291], %gather3A_288 {strides = array<i32>} : memref<64x128xf32, #tpu.memory_space<vmem>>, vector<16xf32>,
        %broadcast_in_dim3A_293 = arith.constant 29 : i32
        %broadcast_in_dim3A_294 = vector.broadcast %broadcast_in_dim3A_293 : i32 to vector<16xi32>
        %gather3A_295 = tpu.vector_load_idx %arg14[%add3A_82, %and3A, %broadcast_in_dim3A_294] : memref<32x8x32xf32, #tpu.memory_space<vmem>>[vector<16xi32>, vector<16xi32>, vector<16xi32>], vector<16xf32>,
        %swap3A_296 = arith.constant 29 : i32
        %swap3A_297 = arith.index_cast %swap3A_296 : i32 to index
        %swap3A_298 = arith.index_cast %add3A_86 : i32 to index
        %swap3A_299 = tpu.vector_load %arg17[%swap3A_297, %swap3A_298] {strides = array<i32>} : memref<64x128xf32, #tpu.memory_space<vmem>>, vector<16xf32>,
        tpu.vector_store %arg17[%swap3A_297, %swap3A_298], %gather3A_295 {strides = array<i32>} : memref<64x128xf32, #tpu.memory_space<vmem>>, vector<16xf32>,
        %broadcast_in_dim3A_300 = arith.constant 30 : i32
        %broadcast_in_dim3A_301 = vector.broadcast %broadcast_in_dim3A_300 : i32 to vector<16xi32>
        %gather3A_302 = tpu.vector_load_idx %arg14[%add3A_82, %and3A, %broadcast_in_dim3A_301] : memref<32x8x32xf32, #tpu.memory_space<vmem>>[vector<16xi32>, vector<16xi32>, vector<16xi32>], vector<16xf32>,
        %swap3A_303 = arith.constant 30 : i32
        %swap3A_304 = arith.index_cast %swap3A_303 : i32 to index
        %swap3A_305 = arith.index_cast %add3A_86 : i32 to index
        %swap3A_306 = tpu.vector_load %arg17[%swap3A_304, %swap3A_305] {strides = array<i32>} : memref<64x128xf32, #tpu.memory_space<vmem>>, vector<16xf32>,
        tpu.vector_store %arg17[%swap3A_304, %swap3A_305], %gather3A_302 {strides = array<i32>} : memref<64x128xf32, #tpu.memory_space<vmem>>, vector<16xf32>,
        %broadcast_in_dim3A_307 = arith.constant 31 : i32
        %broadcast_in_dim3A_308 = vector.broadcast %broadcast_in_dim3A_307 : i32 to vector<16xi32>
        %gather3A_309 = tpu.vector_load_idx %arg14[%add3A_82, %and3A, %broadcast_in_dim3A_308] : memref<32x8x32xf32, #tpu.memory_space<vmem>>[vector<16xi32>, vector<16xi32>, vector<16xi32>], vector<16xf32>,
        %swap3A_310 = arith.constant 31 : i32
        %swap3A_311 = arith.index_cast %swap3A_310 : i32 to index
        %swap3A_312 = arith.index_cast %add3A_86 : i32 to index
        %swap3A_313 = tpu.vector_load %arg17[%swap3A_311, %swap3A_312] {strides = array<i32>} : memref<64x128xf32, #tpu.memory_space<vmem>>, vector<16xf32>,
        tpu.vector_store %arg17[%swap3A_311, %swap3A_312], %gather3A_309 {strides = array<i32>} : memref<64x128xf32, #tpu.memory_space<vmem>>, vector<16xf32>,
        %mul3A_314 = arith.constant 16 : i32
        %mul3A_315 = arith.muli %scan3A_78, %mul3A_314 : i32
        %get3A_316 = arith.index_cast %add3A_68 : i32 to index
        %get3A_317 = arith.index_cast %mul3A_315 : i32 to index
        %get3A_318 = tpu.vector_load %arg11[%get3A_316, %get3A_317] {strides = array<i32>} : memref<16x32xi32, #tpu.memory_space<vmem>>, vector<16xi32>,
        %broadcast_in_dim3A_319 = arith.constant 3 : i32
        %broadcast_in_dim3A_320 = vector.broadcast %broadcast_in_dim3A_319 : i32 to vector<16xi32>
        %shift_right_logical3A = arith.shrui %get3A_318, %broadcast_in_dim3A_320 : vector<16xi32>
        %broadcast_in_dim3A_321 = arith.constant 7 : i32
        %broadcast_in_dim3A_322 = vector.broadcast %broadcast_in_dim3A_321 : i32 to vector<16xi32>
        %and3A_323 = arith.andi %get3A_318, %broadcast_in_dim3A_322 : vector<16xi32>
        %broadcast_in_dim3A_324 = arith.constant 4 : i32
        %broadcast_in_dim3A_325 = vector.broadcast %broadcast_in_dim3A_324 : i32 to vector<16xi32>
        %shift_left3A = arith.shli %and3A_323, %broadcast_in_dim3A_325 : vector<16xi32>
        %broadcast_in_dim3A_326 = arith.constant 0 : i32
        %broadcast_in_dim3A_327 = vector.broadcast %broadcast_in_dim3A_326 : i32 to vector<16xi32>
        %add3A_328 = arith.addi %shift_left3A, %broadcast_in_dim3A_327 : vector<16xi32>
        %gather3A_329 = tpu.vector_load_idx %arg15[%shift_right_logical3A, %add3A_328] : memref<125x128xf32, #tpu.memory_space<vmem>>[vector<16xi32>, vector<16xi32>], vector<16xf32>,
        %swap3A_330 = arith.constant 32 : i32
        %swap3A_331 = arith.index_cast %swap3A_330 : i32 to index
        %swap3A_332 = arith.index_cast %add3A_86 : i32 to index
        %swap3A_333 = tpu.vector_load %arg17[%swap3A_331, %swap3A_332] {strides = array<i32>} : memref<64x128xf32, #tpu.memory_space<vmem>>, vector<16xf32>,
        tpu.vector_store %arg17[%swap3A_331, %swap3A_332], %gather3A_329 {strides = array<i32>} : memref<64x128xf32, #tpu.memory_space<vmem>>, vector<16xf32>,
        %broadcast_in_dim3A_334 = arith.constant 1 : i32
        %broadcast_in_dim3A_335 = vector.broadcast %broadcast_in_dim3A_334 : i32 to vector<16xi32>
        %add3A_336 = arith.addi %shift_left3A, %broadcast_in_dim3A_335 : vector<16xi32>
        %gather3A_337 = tpu.vector_load_idx %arg15[%shift_right_logical3A, %add3A_336] : memref<125x128xf32, #tpu.memory_space<vmem>>[vector<16xi32>, vector<16xi32>], vector<16xf32>,
        %swap3A_338 = arith.constant 33 : i32
        %swap3A_339 = arith.index_cast %swap3A_338 : i32 to index
        %swap3A_340 = arith.index_cast %add3A_86 : i32 to index
        %swap3A_341 = tpu.vector_load %arg17[%swap3A_339, %swap3A_340] {strides = array<i32>} : memref<64x128xf32, #tpu.memory_space<vmem>>, vector<16xf32>,
        tpu.vector_store %arg17[%swap3A_339, %swap3A_340], %gather3A_337 {strides = array<i32>} : memref<64x128xf32, #tpu.memory_space<vmem>>, vector<16xf32>,
        %broadcast_in_dim3A_342 = arith.constant 2 : i32
        %broadcast_in_dim3A_343 = vector.broadcast %broadcast_in_dim3A_342 : i32 to vector<16xi32>
        %add3A_344 = arith.addi %shift_left3A, %broadcast_in_dim3A_343 : vector<16xi32>
        %gather3A_345 = tpu.vector_load_idx %arg15[%shift_right_logical3A, %add3A_344] : memref<125x128xf32, #tpu.memory_space<vmem>>[vector<16xi32>, vector<16xi32>], vector<16xf32>,
        %swap3A_346 = arith.constant 34 : i32
        %swap3A_347 = arith.index_cast %swap3A_346 : i32 to index
        %swap3A_348 = arith.index_cast %add3A_86 : i32 to index
        %swap3A_349 = tpu.vector_load %arg17[%swap3A_347, %swap3A_348] {strides = array<i32>} : memref<64x128xf32, #tpu.memory_space<vmem>>, vector<16xf32>,
        tpu.vector_store %arg17[%swap3A_347, %swap3A_348], %gather3A_345 {strides = array<i32>} : memref<64x128xf32, #tpu.memory_space<vmem>>, vector<16xf32>,
        %broadcast_in_dim3A_350 = arith.constant 3 : i32
        %broadcast_in_dim3A_351 = vector.broadcast %broadcast_in_dim3A_350 : i32 to vector<16xi32>
        %add3A_352 = arith.addi %shift_left3A, %broadcast_in_dim3A_351 : vector<16xi32>
        %gather3A_353 = tpu.vector_load_idx %arg15[%shift_right_logical3A, %add3A_352] : memref<125x128xf32, #tpu.memory_space<vmem>>[vector<16xi32>, vector<16xi32>], vector<16xf32>,
        %swap3A_354 = arith.constant 35 : i32
        %swap3A_355 = arith.index_cast %swap3A_354 : i32 to index
        %swap3A_356 = arith.index_cast %add3A_86 : i32 to index
        %swap3A_357 = tpu.vector_load %arg17[%swap3A_355, %swap3A_356] {strides = array<i32>} : memref<64x128xf32, #tpu.memory_space<vmem>>, vector<16xf32>,
        tpu.vector_store %arg17[%swap3A_355, %swap3A_356], %gather3A_353 {strides = array<i32>} : memref<64x128xf32, #tpu.memory_space<vmem>>, vector<16xf32>,
        %broadcast_in_dim3A_358 = arith.constant 4 : i32
        %broadcast_in_dim3A_359 = vector.broadcast %broadcast_in_dim3A_358 : i32 to vector<16xi32>
        %add3A_360 = arith.addi %shift_left3A, %broadcast_in_dim3A_359 : vector<16xi32>
        %gather3A_361 = tpu.vector_load_idx %arg15[%shift_right_logical3A, %add3A_360] : memref<125x128xf32, #tpu.memory_space<vmem>>[vector<16xi32>, vector<16xi32>], vector<16xf32>,
        %swap3A_362 = arith.constant 36 : i32
        %swap3A_363 = arith.index_cast %swap3A_362 : i32 to index
        %swap3A_364 = arith.index_cast %add3A_86 : i32 to index
        %swap3A_365 = tpu.vector_load %arg17[%swap3A_363, %swap3A_364] {strides = array<i32>} : memref<64x128xf32, #tpu.memory_space<vmem>>, vector<16xf32>,
        tpu.vector_store %arg17[%swap3A_363, %swap3A_364], %gather3A_361 {strides = array<i32>} : memref<64x128xf32, #tpu.memory_space<vmem>>, vector<16xf32>,
        %broadcast_in_dim3A_366 = arith.constant 5 : i32
        %broadcast_in_dim3A_367 = vector.broadcast %broadcast_in_dim3A_366 : i32 to vector<16xi32>
        %add3A_368 = arith.addi %shift_left3A, %broadcast_in_dim3A_367 : vector<16xi32>
        %gather3A_369 = tpu.vector_load_idx %arg15[%shift_right_logical3A, %add3A_368] : memref<125x128xf32, #tpu.memory_space<vmem>>[vector<16xi32>, vector<16xi32>], vector<16xf32>,
        %swap3A_370 = arith.constant 37 : i32
        %swap3A_371 = arith.index_cast %swap3A_370 : i32 to index
        %swap3A_372 = arith.index_cast %add3A_86 : i32 to index
        %swap3A_373 = tpu.vector_load %arg17[%swap3A_371, %swap3A_372] {strides = array<i32>} : memref<64x128xf32, #tpu.memory_space<vmem>>, vector<16xf32>,
        tpu.vector_store %arg17[%swap3A_371, %swap3A_372], %gather3A_369 {strides = array<i32>} : memref<64x128xf32, #tpu.memory_space<vmem>>, vector<16xf32>,
        %broadcast_in_dim3A_374 = arith.constant 6 : i32
        %broadcast_in_dim3A_375 = vector.broadcast %broadcast_in_dim3A_374 : i32 to vector<16xi32>
        %add3A_376 = arith.addi %shift_left3A, %broadcast_in_dim3A_375 : vector<16xi32>
        %gather3A_377 = tpu.vector_load_idx %arg15[%shift_right_logical3A, %add3A_376] : memref<125x128xf32, #tpu.memory_space<vmem>>[vector<16xi32>, vector<16xi32>], vector<16xf32>,
        %swap3A_378 = arith.constant 38 : i32
        %swap3A_379 = arith.index_cast %swap3A_378 : i32 to index
        %swap3A_380 = arith.index_cast %add3A_86 : i32 to index
        %swap3A_381 = tpu.vector_load %arg17[%swap3A_379, %swap3A_380] {strides = array<i32>} : memref<64x128xf32, #tpu.memory_space<vmem>>, vector<16xf32>,
        tpu.vector_store %arg17[%swap3A_379, %swap3A_380], %gather3A_377 {strides = array<i32>} : memref<64x128xf32, #tpu.memory_space<vmem>>, vector<16xf32>,
        %broadcast_in_dim3A_382 = arith.constant 7 : i32
        %broadcast_in_dim3A_383 = vector.broadcast %broadcast_in_dim3A_382 : i32 to vector<16xi32>
        %add3A_384 = arith.addi %shift_left3A, %broadcast_in_dim3A_383 : vector<16xi32>
        %gather3A_385 = tpu.vector_load_idx %arg15[%shift_right_logical3A, %add3A_384] : memref<125x128xf32, #tpu.memory_space<vmem>>[vector<16xi32>, vector<16xi32>], vector<16xf32>,
        %swap3A_386 = arith.constant 39 : i32
        %swap3A_387 = arith.index_cast %swap3A_386 : i32 to index
        %swap3A_388 = arith.index_cast %add3A_86 : i32 to index
        %swap3A_389 = tpu.vector_load %arg17[%swap3A_387, %swap3A_388] {strides = array<i32>} : memref<64x128xf32, #tpu.memory_space<vmem>>, vector<16xf32>,
        tpu.vector_store %arg17[%swap3A_387, %swap3A_388], %gather3A_385 {strides = array<i32>} : memref<64x128xf32, #tpu.memory_space<vmem>>, vector<16xf32>,
        %broadcast_in_dim3A_390 = arith.constant 8 : i32
        %broadcast_in_dim3A_391 = vector.broadcast %broadcast_in_dim3A_390 : i32 to vector<16xi32>
        %add3A_392 = arith.addi %shift_left3A, %broadcast_in_dim3A_391 : vector<16xi32>
        %gather3A_393 = tpu.vector_load_idx %arg15[%shift_right_logical3A, %add3A_392] : memref<125x128xf32, #tpu.memory_space<vmem>>[vector<16xi32>, vector<16xi32>], vector<16xf32>,
        %swap3A_394 = arith.constant 40 : i32
        %swap3A_395 = arith.index_cast %swap3A_394 : i32 to index
        %swap3A_396 = arith.index_cast %add3A_86 : i32 to index
        %swap3A_397 = tpu.vector_load %arg17[%swap3A_395, %swap3A_396] {strides = array<i32>} : memref<64x128xf32, #tpu.memory_space<vmem>>, vector<16xf32>,
        tpu.vector_store %arg17[%swap3A_395, %swap3A_396], %gather3A_393 {strides = array<i32>} : memref<64x128xf32, #tpu.memory_space<vmem>>, vector<16xf32>,
        %broadcast_in_dim3A_398 = arith.constant 9 : i32
        %broadcast_in_dim3A_399 = vector.broadcast %broadcast_in_dim3A_398 : i32 to vector<16xi32>
        %add3A_400 = arith.addi %shift_left3A, %broadcast_in_dim3A_399 : vector<16xi32>
        %gather3A_401 = tpu.vector_load_idx %arg15[%shift_right_logical3A, %add3A_400] : memref<125x128xf32, #tpu.memory_space<vmem>>[vector<16xi32>, vector<16xi32>], vector<16xf32>,
        %swap3A_402 = arith.constant 41 : i32
        %swap3A_403 = arith.index_cast %swap3A_402 : i32 to index
        %swap3A_404 = arith.index_cast %add3A_86 : i32 to index
        %swap3A_405 = tpu.vector_load %arg17[%swap3A_403, %swap3A_404] {strides = array<i32>} : memref<64x128xf32, #tpu.memory_space<vmem>>, vector<16xf32>,
        tpu.vector_store %arg17[%swap3A_403, %swap3A_404], %gather3A_401 {strides = array<i32>} : memref<64x128xf32, #tpu.memory_space<vmem>>, vector<16xf32>,
        %broadcast_in_dim3A_406 = arith.constant 10 : i32
        %broadcast_in_dim3A_407 = vector.broadcast %broadcast_in_dim3A_406 : i32 to vector<16xi32>
        %add3A_408 = arith.addi %shift_left3A, %broadcast_in_dim3A_407 : vector<16xi32>
        %gather3A_409 = tpu.vector_load_idx %arg15[%shift_right_logical3A, %add3A_408] : memref<125x128xf32, #tpu.memory_space<vmem>>[vector<16xi32>, vector<16xi32>], vector<16xf32>,
        %swap3A_410 = arith.constant 42 : i32
        %swap3A_411 = arith.index_cast %swap3A_410 : i32 to index
        %swap3A_412 = arith.index_cast %add3A_86 : i32 to index
        %swap3A_413 = tpu.vector_load %arg17[%swap3A_411, %swap3A_412] {strides = array<i32>} : memref<64x128xf32, #tpu.memory_space<vmem>>, vector<16xf32>,
        tpu.vector_store %arg17[%swap3A_411, %swap3A_412], %gather3A_409 {strides = array<i32>} : memref<64x128xf32, #tpu.memory_space<vmem>>, vector<16xf32>,
        %broadcast_in_dim3A_414 = arith.constant 11 : i32
        %broadcast_in_dim3A_415 = vector.broadcast %broadcast_in_dim3A_414 : i32 to vector<16xi32>
        %add3A_416 = arith.addi %shift_left3A, %broadcast_in_dim3A_415 : vector<16xi32>
        %gather3A_417 = tpu.vector_load_idx %arg15[%shift_right_logical3A, %add3A_416] : memref<125x128xf32, #tpu.memory_space<vmem>>[vector<16xi32>, vector<16xi32>], vector<16xf32>,
        %swap3A_418 = arith.constant 43 : i32
        %swap3A_419 = arith.index_cast %swap3A_418 : i32 to index
        %swap3A_420 = arith.index_cast %add3A_86 : i32 to index
        %swap3A_421 = tpu.vector_load %arg17[%swap3A_419, %swap3A_420] {strides = array<i32>} : memref<64x128xf32, #tpu.memory_space<vmem>>, vector<16xf32>,
        tpu.vector_store %arg17[%swap3A_419, %swap3A_420], %gather3A_417 {strides = array<i32>} : memref<64x128xf32, #tpu.memory_space<vmem>>, vector<16xf32>,
        %broadcast_in_dim3A_422 = arith.constant 12 : i32
        %broadcast_in_dim3A_423 = vector.broadcast %broadcast_in_dim3A_422 : i32 to vector<16xi32>
        %add3A_424 = arith.addi %shift_left3A, %broadcast_in_dim3A_423 : vector<16xi32>
        %gather3A_425 = tpu.vector_load_idx %arg15[%shift_right_logical3A, %add3A_424] : memref<125x128xf32, #tpu.memory_space<vmem>>[vector<16xi32>, vector<16xi32>], vector<16xf32>,
        %swap3A_426 = arith.constant 44 : i32
        %swap3A_427 = arith.index_cast %swap3A_426 : i32 to index
        %swap3A_428 = arith.index_cast %add3A_86 : i32 to index
        %swap3A_429 = tpu.vector_load %arg17[%swap3A_427, %swap3A_428] {strides = array<i32>} : memref<64x128xf32, #tpu.memory_space<vmem>>, vector<16xf32>,
        tpu.vector_store %arg17[%swap3A_427, %swap3A_428], %gather3A_425 {strides = array<i32>} : memref<64x128xf32, #tpu.memory_space<vmem>>, vector<16xf32>,
        %broadcast_in_dim3A_430 = arith.constant 13 : i32
        %broadcast_in_dim3A_431 = vector.broadcast %broadcast_in_dim3A_430 : i32 to vector<16xi32>
        %add3A_432 = arith.addi %shift_left3A, %broadcast_in_dim3A_431 : vector<16xi32>
        %gather3A_433 = tpu.vector_load_idx %arg15[%shift_right_logical3A, %add3A_432] : memref<125x128xf32, #tpu.memory_space<vmem>>[vector<16xi32>, vector<16xi32>], vector<16xf32>,
        %swap3A_434 = arith.constant 45 : i32
        %swap3A_435 = arith.index_cast %swap3A_434 : i32 to index
        %swap3A_436 = arith.index_cast %add3A_86 : i32 to index
        %swap3A_437 = tpu.vector_load %arg17[%swap3A_435, %swap3A_436] {strides = array<i32>} : memref<64x128xf32, #tpu.memory_space<vmem>>, vector<16xf32>,
        tpu.vector_store %arg17[%swap3A_435, %swap3A_436], %gather3A_433 {strides = array<i32>} : memref<64x128xf32, #tpu.memory_space<vmem>>, vector<16xf32>,
        %broadcast_in_dim3A_438 = arith.constant 14 : i32
        %broadcast_in_dim3A_439 = vector.broadcast %broadcast_in_dim3A_438 : i32 to vector<16xi32>
        %add3A_440 = arith.addi %shift_left3A, %broadcast_in_dim3A_439 : vector<16xi32>
        %gather3A_441 = tpu.vector_load_idx %arg15[%shift_right_logical3A, %add3A_440] : memref<125x128xf32, #tpu.memory_space<vmem>>[vector<16xi32>, vector<16xi32>], vector<16xf32>,
        %swap3A_442 = arith.constant 46 : i32
        %swap3A_443 = arith.index_cast %swap3A_442 : i32 to index
        %swap3A_444 = arith.index_cast %add3A_86 : i32 to index
        %swap3A_445 = tpu.vector_load %arg17[%swap3A_443, %swap3A_444] {strides = array<i32>} : memref<64x128xf32, #tpu.memory_space<vmem>>, vector<16xf32>,
        tpu.vector_store %arg17[%swap3A_443, %swap3A_444], %gather3A_441 {strides = array<i32>} : memref<64x128xf32, #tpu.memory_space<vmem>>, vector<16xf32>,
        %broadcast_in_dim3A_446 = arith.constant 15 : i32
        %broadcast_in_dim3A_447 = vector.broadcast %broadcast_in_dim3A_446 : i32 to vector<16xi32>
        %add3A_448 = arith.addi %shift_left3A, %broadcast_in_dim3A_447 : vector<16xi32>
        %gather3A_449 = tpu.vector_load_idx %arg15[%shift_right_logical3A, %add3A_448] : memref<125x128xf32, #tpu.memory_space<vmem>>[vector<16xi32>, vector<16xi32>], vector<16xf32>,
        %swap3A_450 = arith.constant 47 : i32
        %swap3A_451 = arith.index_cast %swap3A_450 : i32 to index
        %swap3A_452 = arith.index_cast %add3A_86 : i32 to index
        %swap3A_453 = tpu.vector_load %arg17[%swap3A_451, %swap3A_452] {strides = array<i32>} : memref<64x128xf32, #tpu.memory_space<vmem>>, vector<16xf32>,
        tpu.vector_store %arg17[%swap3A_451, %swap3A_452], %gather3A_449 {strides = array<i32>} : memref<64x128xf32, #tpu.memory_space<vmem>>, vector<16xf32>,
        %mul3A_454 = arith.constant 16 : i32
        %mul3A_455 = arith.muli %scan3A_78, %mul3A_454 : i32
        %get3A_456 = arith.index_cast %add3A_68 : i32 to index
        %get3A_457 = arith.index_cast %mul3A_455 : i32 to index
        %get3A_458 = tpu.vector_load %arg12[%get3A_456, %get3A_457] {strides = array<i32>} : memref<16x32xi32, #tpu.memory_space<vmem>>, vector<16xi32>,
        %broadcast_in_dim3A_459 = arith.constant 3 : i32
        %broadcast_in_dim3A_460 = vector.broadcast %broadcast_in_dim3A_459 : i32 to vector<16xi32>
        %shift_right_logical3A_461 = arith.shrui %get3A_458, %broadcast_in_dim3A_460 : vector<16xi32>
        %broadcast_in_dim3A_462 = arith.constant 7 : i32
        %broadcast_in_dim3A_463 = vector.broadcast %broadcast_in_dim3A_462 : i32 to vector<16xi32>
        %and3A_464 = arith.andi %get3A_458, %broadcast_in_dim3A_463 : vector<16xi32>
        %broadcast_in_dim3A_465 = arith.constant 4 : i32
        %broadcast_in_dim3A_466 = vector.broadcast %broadcast_in_dim3A_465 : i32 to vector<16xi32>
        %shift_left3A_467 = arith.shli %and3A_464, %broadcast_in_dim3A_466 : vector<16xi32>
        %broadcast_in_dim3A_468 = arith.constant 0 : i32
        %broadcast_in_dim3A_469 = vector.broadcast %broadcast_in_dim3A_468 : i32 to vector<16xi32>
        %add3A_470 = arith.addi %shift_left3A_467, %broadcast_in_dim3A_469 : vector<16xi32>
        %gather3A_471 = tpu.vector_load_idx %arg16[%shift_right_logical3A_461, %add3A_470] : memref<125x128xf32, #tpu.memory_space<vmem>>[vector<16xi32>, vector<16xi32>], vector<16xf32>,
        %swap3A_472 = arith.constant 48 : i32
        %swap3A_473 = arith.index_cast %swap3A_472 : i32 to index
        %swap3A_474 = arith.index_cast %add3A_86 : i32 to index
        %swap3A_475 = tpu.vector_load %arg17[%swap3A_473, %swap3A_474] {strides = array<i32>} : memref<64x128xf32, #tpu.memory_space<vmem>>, vector<16xf32>,
        tpu.vector_store %arg17[%swap3A_473, %swap3A_474], %gather3A_471 {strides = array<i32>} : memref<64x128xf32, #tpu.memory_space<vmem>>, vector<16xf32>,
        %broadcast_in_dim3A_476 = arith.constant 1 : i32
        %broadcast_in_dim3A_477 = vector.broadcast %broadcast_in_dim3A_476 : i32 to vector<16xi32>
        %add3A_478 = arith.addi %shift_left3A_467, %broadcast_in_dim3A_477 : vector<16xi32>
        %gather3A_479 = tpu.vector_load_idx %arg16[%shift_right_logical3A_461, %add3A_478] : memref<125x128xf32, #tpu.memory_space<vmem>>[vector<16xi32>, vector<16xi32>], vector<16xf32>,
        %swap3A_480 = arith.constant 49 : i32
        %swap3A_481 = arith.index_cast %swap3A_480 : i32 to index
        %swap3A_482 = arith.index_cast %add3A_86 : i32 to index
        %swap3A_483 = tpu.vector_load %arg17[%swap3A_481, %swap3A_482] {strides = array<i32>} : memref<64x128xf32, #tpu.memory_space<vmem>>, vector<16xf32>,
        tpu.vector_store %arg17[%swap3A_481, %swap3A_482], %gather3A_479 {strides = array<i32>} : memref<64x128xf32, #tpu.memory_space<vmem>>, vector<16xf32>,
        %broadcast_in_dim3A_484 = arith.constant 2 : i32
        %broadcast_in_dim3A_485 = vector.broadcast %broadcast_in_dim3A_484 : i32 to vector<16xi32>
        %add3A_486 = arith.addi %shift_left3A_467, %broadcast_in_dim3A_485 : vector<16xi32>
        %gather3A_487 = tpu.vector_load_idx %arg16[%shift_right_logical3A_461, %add3A_486] : memref<125x128xf32, #tpu.memory_space<vmem>>[vector<16xi32>, vector<16xi32>], vector<16xf32>,
        %swap3A_488 = arith.constant 50 : i32
        %swap3A_489 = arith.index_cast %swap3A_488 : i32 to index
        %swap3A_490 = arith.index_cast %add3A_86 : i32 to index
        %swap3A_491 = tpu.vector_load %arg17[%swap3A_489, %swap3A_490] {strides = array<i32>} : memref<64x128xf32, #tpu.memory_space<vmem>>, vector<16xf32>,
        tpu.vector_store %arg17[%swap3A_489, %swap3A_490], %gather3A_487 {strides = array<i32>} : memref<64x128xf32, #tpu.memory_space<vmem>>, vector<16xf32>,
        %broadcast_in_dim3A_492 = arith.constant 3 : i32
        %broadcast_in_dim3A_493 = vector.broadcast %broadcast_in_dim3A_492 : i32 to vector<16xi32>
        %add3A_494 = arith.addi %shift_left3A_467, %broadcast_in_dim3A_493 : vector<16xi32>
        %gather3A_495 = tpu.vector_load_idx %arg16[%shift_right_logical3A_461, %add3A_494] : memref<125x128xf32, #tpu.memory_space<vmem>>[vector<16xi32>, vector<16xi32>], vector<16xf32>,
        %swap3A_496 = arith.constant 51 : i32
        %swap3A_497 = arith.index_cast %swap3A_496 : i32 to index
        %swap3A_498 = arith.index_cast %add3A_86 : i32 to index
        %swap3A_499 = tpu.vector_load %arg17[%swap3A_497, %swap3A_498] {strides = array<i32>} : memref<64x128xf32, #tpu.memory_space<vmem>>, vector<16xf32>,
        tpu.vector_store %arg17[%swap3A_497, %swap3A_498], %gather3A_495 {strides = array<i32>} : memref<64x128xf32, #tpu.memory_space<vmem>>, vector<16xf32>,
        %broadcast_in_dim3A_500 = arith.constant 4 : i32
        %broadcast_in_dim3A_501 = vector.broadcast %broadcast_in_dim3A_500 : i32 to vector<16xi32>
        %add3A_502 = arith.addi %shift_left3A_467, %broadcast_in_dim3A_501 : vector<16xi32>
        %gather3A_503 = tpu.vector_load_idx %arg16[%shift_right_logical3A_461, %add3A_502] : memref<125x128xf32, #tpu.memory_space<vmem>>[vector<16xi32>, vector<16xi32>], vector<16xf32>,
        %swap3A_504 = arith.constant 52 : i32
        %swap3A_505 = arith.index_cast %swap3A_504 : i32 to index
        %swap3A_506 = arith.index_cast %add3A_86 : i32 to index
        %swap3A_507 = tpu.vector_load %arg17[%swap3A_505, %swap3A_506] {strides = array<i32>} : memref<64x128xf32, #tpu.memory_space<vmem>>, vector<16xf32>,
        tpu.vector_store %arg17[%swap3A_505, %swap3A_506], %gather3A_503 {strides = array<i32>} : memref<64x128xf32, #tpu.memory_space<vmem>>, vector<16xf32>,
        %broadcast_in_dim3A_508 = arith.constant 5 : i32
        %broadcast_in_dim3A_509 = vector.broadcast %broadcast_in_dim3A_508 : i32 to vector<16xi32>
        %add3A_510 = arith.addi %shift_left3A_467, %broadcast_in_dim3A_509 : vector<16xi32>
        %gather3A_511 = tpu.vector_load_idx %arg16[%shift_right_logical3A_461, %add3A_510] : memref<125x128xf32, #tpu.memory_space<vmem>>[vector<16xi32>, vector<16xi32>], vector<16xf32>,
        %swap3A_512 = arith.constant 53 : i32
        %swap3A_513 = arith.index_cast %swap3A_512 : i32 to index
        %swap3A_514 = arith.index_cast %add3A_86 : i32 to index
        %swap3A_515 = tpu.vector_load %arg17[%swap3A_513, %swap3A_514] {strides = array<i32>} : memref<64x128xf32, #tpu.memory_space<vmem>>, vector<16xf32>,
        tpu.vector_store %arg17[%swap3A_513, %swap3A_514], %gather3A_511 {strides = array<i32>} : memref<64x128xf32, #tpu.memory_space<vmem>>, vector<16xf32>,
        %broadcast_in_dim3A_516 = arith.constant 6 : i32
        %broadcast_in_dim3A_517 = vector.broadcast %broadcast_in_dim3A_516 : i32 to vector<16xi32>
        %add3A_518 = arith.addi %shift_left3A_467, %broadcast_in_dim3A_517 : vector<16xi32>
        %gather3A_519 = tpu.vector_load_idx %arg16[%shift_right_logical3A_461, %add3A_518] : memref<125x128xf32, #tpu.memory_space<vmem>>[vector<16xi32>, vector<16xi32>], vector<16xf32>,
        %swap3A_520 = arith.constant 54 : i32
        %swap3A_521 = arith.index_cast %swap3A_520 : i32 to index
        %swap3A_522 = arith.index_cast %add3A_86 : i32 to index
        %swap3A_523 = tpu.vector_load %arg17[%swap3A_521, %swap3A_522] {strides = array<i32>} : memref<64x128xf32, #tpu.memory_space<vmem>>, vector<16xf32>,
        tpu.vector_store %arg17[%swap3A_521, %swap3A_522], %gather3A_519 {strides = array<i32>} : memref<64x128xf32, #tpu.memory_space<vmem>>, vector<16xf32>,
        %broadcast_in_dim3A_524 = arith.constant 7 : i32
        %broadcast_in_dim3A_525 = vector.broadcast %broadcast_in_dim3A_524 : i32 to vector<16xi32>
        %add3A_526 = arith.addi %shift_left3A_467, %broadcast_in_dim3A_525 : vector<16xi32>
        %gather3A_527 = tpu.vector_load_idx %arg16[%shift_right_logical3A_461, %add3A_526] : memref<125x128xf32, #tpu.memory_space<vmem>>[vector<16xi32>, vector<16xi32>], vector<16xf32>,
        %swap3A_528 = arith.constant 55 : i32
        %swap3A_529 = arith.index_cast %swap3A_528 : i32 to index
        %swap3A_530 = arith.index_cast %add3A_86 : i32 to index
        %swap3A_531 = tpu.vector_load %arg17[%swap3A_529, %swap3A_530] {strides = array<i32>} : memref<64x128xf32, #tpu.memory_space<vmem>>, vector<16xf32>,
        tpu.vector_store %arg17[%swap3A_529, %swap3A_530], %gather3A_527 {strides = array<i32>} : memref<64x128xf32, #tpu.memory_space<vmem>>, vector<16xf32>,
        %broadcast_in_dim3A_532 = arith.constant 8 : i32
        %broadcast_in_dim3A_533 = vector.broadcast %broadcast_in_dim3A_532 : i32 to vector<16xi32>
        %add3A_534 = arith.addi %shift_left3A_467, %broadcast_in_dim3A_533 : vector<16xi32>
        %gather3A_535 = tpu.vector_load_idx %arg16[%shift_right_logical3A_461, %add3A_534] : memref<125x128xf32, #tpu.memory_space<vmem>>[vector<16xi32>, vector<16xi32>], vector<16xf32>,
        %swap3A_536 = arith.constant 56 : i32
        %swap3A_537 = arith.index_cast %swap3A_536 : i32 to index
        %swap3A_538 = arith.index_cast %add3A_86 : i32 to index
        %swap3A_539 = tpu.vector_load %arg17[%swap3A_537, %swap3A_538] {strides = array<i32>} : memref<64x128xf32, #tpu.memory_space<vmem>>, vector<16xf32>,
        tpu.vector_store %arg17[%swap3A_537, %swap3A_538], %gather3A_535 {strides = array<i32>} : memref<64x128xf32, #tpu.memory_space<vmem>>, vector<16xf32>,
        %broadcast_in_dim3A_540 = arith.constant 9 : i32
        %broadcast_in_dim3A_541 = vector.broadcast %broadcast_in_dim3A_540 : i32 to vector<16xi32>
        %add3A_542 = arith.addi %shift_left3A_467, %broadcast_in_dim3A_541 : vector<16xi32>
        %gather3A_543 = tpu.vector_load_idx %arg16[%shift_right_logical3A_461, %add3A_542] : memref<125x128xf32, #tpu.memory_space<vmem>>[vector<16xi32>, vector<16xi32>], vector<16xf32>,
        %swap3A_544 = arith.constant 57 : i32
        %swap3A_545 = arith.index_cast %swap3A_544 : i32 to index
        %swap3A_546 = arith.index_cast %add3A_86 : i32 to index
        %swap3A_547 = tpu.vector_load %arg17[%swap3A_545, %swap3A_546] {strides = array<i32>} : memref<64x128xf32, #tpu.memory_space<vmem>>, vector<16xf32>,
        tpu.vector_store %arg17[%swap3A_545, %swap3A_546], %gather3A_543 {strides = array<i32>} : memref<64x128xf32, #tpu.memory_space<vmem>>, vector<16xf32>,
        %broadcast_in_dim3A_548 = arith.constant 10 : i32
        %broadcast_in_dim3A_549 = vector.broadcast %broadcast_in_dim3A_548 : i32 to vector<16xi32>
        %add3A_550 = arith.addi %shift_left3A_467, %broadcast_in_dim3A_549 : vector<16xi32>
        %gather3A_551 = tpu.vector_load_idx %arg16[%shift_right_logical3A_461, %add3A_550] : memref<125x128xf32, #tpu.memory_space<vmem>>[vector<16xi32>, vector<16xi32>], vector<16xf32>,
        %swap3A_552 = arith.constant 58 : i32
        %swap3A_553 = arith.index_cast %swap3A_552 : i32 to index
        %swap3A_554 = arith.index_cast %add3A_86 : i32 to index
        %swap3A_555 = tpu.vector_load %arg17[%swap3A_553, %swap3A_554] {strides = array<i32>} : memref<64x128xf32, #tpu.memory_space<vmem>>, vector<16xf32>,
        tpu.vector_store %arg17[%swap3A_553, %swap3A_554], %gather3A_551 {strides = array<i32>} : memref<64x128xf32, #tpu.memory_space<vmem>>, vector<16xf32>,
        %broadcast_in_dim3A_556 = arith.constant 11 : i32
        %broadcast_in_dim3A_557 = vector.broadcast %broadcast_in_dim3A_556 : i32 to vector<16xi32>
        %add3A_558 = arith.addi %shift_left3A_467, %broadcast_in_dim3A_557 : vector<16xi32>
        %gather3A_559 = tpu.vector_load_idx %arg16[%shift_right_logical3A_461, %add3A_558] : memref<125x128xf32, #tpu.memory_space<vmem>>[vector<16xi32>, vector<16xi32>], vector<16xf32>,
        %swap3A_560 = arith.constant 59 : i32
        %swap3A_561 = arith.index_cast %swap3A_560 : i32 to index
        %swap3A_562 = arith.index_cast %add3A_86 : i32 to index
        %swap3A_563 = tpu.vector_load %arg17[%swap3A_561, %swap3A_562] {strides = array<i32>} : memref<64x128xf32, #tpu.memory_space<vmem>>, vector<16xf32>,
        tpu.vector_store %arg17[%swap3A_561, %swap3A_562], %gather3A_559 {strides = array<i32>} : memref<64x128xf32, #tpu.memory_space<vmem>>, vector<16xf32>,
        %broadcast_in_dim3A_564 = arith.constant 12 : i32
        %broadcast_in_dim3A_565 = vector.broadcast %broadcast_in_dim3A_564 : i32 to vector<16xi32>
        %add3A_566 = arith.addi %shift_left3A_467, %broadcast_in_dim3A_565 : vector<16xi32>
        %gather3A_567 = tpu.vector_load_idx %arg16[%shift_right_logical3A_461, %add3A_566] : memref<125x128xf32, #tpu.memory_space<vmem>>[vector<16xi32>, vector<16xi32>], vector<16xf32>,
        %swap3A_568 = arith.constant 60 : i32
        %swap3A_569 = arith.index_cast %swap3A_568 : i32 to index
        %swap3A_570 = arith.index_cast %add3A_86 : i32 to index
        %swap3A_571 = tpu.vector_load %arg17[%swap3A_569, %swap3A_570] {strides = array<i32>} : memref<64x128xf32, #tpu.memory_space<vmem>>, vector<16xf32>,
        tpu.vector_store %arg17[%swap3A_569, %swap3A_570], %gather3A_567 {strides = array<i32>} : memref<64x128xf32, #tpu.memory_space<vmem>>, vector<16xf32>,
        %broadcast_in_dim3A_572 = arith.constant 13 : i32
        %broadcast_in_dim3A_573 = vector.broadcast %broadcast_in_dim3A_572 : i32 to vector<16xi32>
        %add3A_574 = arith.addi %shift_left3A_467, %broadcast_in_dim3A_573 : vector<16xi32>
        %gather3A_575 = tpu.vector_load_idx %arg16[%shift_right_logical3A_461, %add3A_574] : memref<125x128xf32, #tpu.memory_space<vmem>>[vector<16xi32>, vector<16xi32>], vector<16xf32>,
        %swap3A_576 = arith.constant 61 : i32
        %swap3A_577 = arith.index_cast %swap3A_576 : i32 to index
        %swap3A_578 = arith.index_cast %add3A_86 : i32 to index
        %swap3A_579 = tpu.vector_load %arg17[%swap3A_577, %swap3A_578] {strides = array<i32>} : memref<64x128xf32, #tpu.memory_space<vmem>>, vector<16xf32>,
        tpu.vector_store %arg17[%swap3A_577, %swap3A_578], %gather3A_575 {strides = array<i32>} : memref<64x128xf32, #tpu.memory_space<vmem>>, vector<16xf32>,
        %broadcast_in_dim3A_580 = arith.constant 14 : i32
        %broadcast_in_dim3A_581 = vector.broadcast %broadcast_in_dim3A_580 : i32 to vector<16xi32>
        %add3A_582 = arith.addi %shift_left3A_467, %broadcast_in_dim3A_581 : vector<16xi32>
        %gather3A_583 = tpu.vector_load_idx %arg16[%shift_right_logical3A_461, %add3A_582] : memref<125x128xf32, #tpu.memory_space<vmem>>[vector<16xi32>, vector<16xi32>], vector<16xf32>,
        %swap3A_584 = arith.constant 62 : i32
        %swap3A_585 = arith.index_cast %swap3A_584 : i32 to index
        %swap3A_586 = arith.index_cast %add3A_86 : i32 to index
        %swap3A_587 = tpu.vector_load %arg17[%swap3A_585, %swap3A_586] {strides = array<i32>} : memref<64x128xf32, #tpu.memory_space<vmem>>, vector<16xf32>,
        tpu.vector_store %arg17[%swap3A_585, %swap3A_586], %gather3A_583 {strides = array<i32>} : memref<64x128xf32, #tpu.memory_space<vmem>>, vector<16xf32>,
        %broadcast_in_dim3A_588 = arith.constant 15 : i32
        %broadcast_in_dim3A_589 = vector.broadcast %broadcast_in_dim3A_588 : i32 to vector<16xi32>
        %add3A_590 = arith.addi %shift_left3A_467, %broadcast_in_dim3A_589 : vector<16xi32>
        %gather3A_591 = tpu.vector_load_idx %arg16[%shift_right_logical3A_461, %add3A_590] : memref<125x128xf32, #tpu.memory_space<vmem>>[vector<16xi32>, vector<16xi32>], vector<16xf32>,
        %swap3A_592 = arith.constant 63 : i32
        %swap3A_593 = arith.index_cast %swap3A_592 : i32 to index
        %swap3A_594 = arith.index_cast %add3A_86 : i32 to index
        %swap3A_595 = tpu.vector_load %arg17[%swap3A_593, %swap3A_594] {strides = array<i32>} : memref<64x128xf32, #tpu.memory_space<vmem>>, vector<16xf32>,
        tpu.vector_store %arg17[%swap3A_593, %swap3A_594], %gather3A_591 {strides = array<i32>} : memref<64x128xf32, #tpu.memory_space<vmem>>, vector<16xf32>,
      }
      %scan3A_74 = arith.constant 2 : i32
      %mul3A_75 = arith.constant 128 : i32
      %mul3A_76 = arith.muli %scan3A_14, %mul3A_75 : i32
      %add3A_77 = arith.addi %mul3A_2, %mul3A_76 : i32
      %multiple_of3A = tpu.assume_multiple %add3A_77, 128 : i32
      "tpu.region"() ({
        %run_scoped3A = tpu.sem_alloc : memref<!tpu.dma_semaphore, #tpu.memory_space<semaphore_mem>>
        %dma_start3A = arith.constant 0 : i32
        %dma_start3A_78 = tpu.memref_slice %arg9[%dma_start3A, %multiple_of3A] : memref<64x16384xf32, #tpu.memory_space<hbm>> -> memref<64x128xf32, #tpu.memory_space<hbm>>
        %dma_start3A_79 = arith.constant 0 : i32
        %dma_start3A_80 = tpu.memref_slice %arg9[%dma_start3A_79, %multiple_of3A] : memref<64x16384xf32, #tpu.memory_space<hbm>> -> memref<64x128xf32, #tpu.memory_space<hbm>>
        tpu.enqueue_dma source(%arg17 : memref<64x128xf32, #tpu.memory_space<vmem>>) target(%dma_start3A_80 : memref<64x128xf32, #tpu.memory_space<hbm>>) target_semaphore(%run_scoped3A : memref<!tpu.dma_semaphore, #tpu.memory_space<semaphore_mem>>)
        %dma_wait3A = arith.constant 0 : i32
        %dma_wait3A_81 = tpu.memref_slice %arg9[%dma_wait3A, %multiple_of3A] : memref<64x16384xf32, #tpu.memory_space<hbm>> -> memref<64x128xf32, #tpu.memory_space<hbm>>
        %dma_wait3A_82 = arith.constant 0 : i32
        %dma_wait3A_83 = tpu.memref_slice %arg9[%dma_wait3A_82, %multiple_of3A] : memref<64x16384xf32, #tpu.memory_space<hbm>> -> memref<64x128xf32, #tpu.memory_space<hbm>>
        tpu.wait_dma2 semaphore(%run_scoped3A : memref<!tpu.dma_semaphore, #tpu.memory_space<semaphore_mem>>) src(%arg17 : memref<64x128xf32, #tpu.memory_space<vmem>>) dst(%dma_wait3A_83 : memref<64x128xf32, #tpu.memory_space<hbm>>)
        tpu.yield
      }) : () -> ()
    }
    %scan3A_13 = arith.constant 4 : i32
    return
  }
}

</mosaic_0001>

<sc_bundles>
// kernel: kernel.3.cloned.1.call-start
scs
__scs_entry_jumppad:
0x0: {  	(pc) =	sbr.rel $0x88, $3  }
0x1: {  	(tag) =	ssettag $0x0;
	lr =	simm.s32 $0x1  }
0x2: {  	[smem:$0x3F9B] =	sst lr;
	_ =	strace $0xD0000000  }
0x3: {  	_ = 	snop  }
0x4: {  	_ = 	snop  }
0x5: {  	_ = 	snop  }
0x6: {  	_ = 	snop  }
0x7: {  	_ = 	snop  }
__scs_overlays_trampoline_lowered:
0x8: {  	[smem:$0x3FAA] =	sst s0  }
0x9: {  	[smem:$0x3FAB] =	sst s1  }
0xa: {  	[smem:$0x3FAC] =	sst s2  }
0xb: {  	[smem:$0x3FAD] =	sst s3  }
0xc: {  	[smem:$0x3FAE] =	sst s4  }
0xd: {  	[smem:$0x3FAF] =	sst s5  }
0xe: {  	[smem:$0x3FB0] =	sst s6  }
0xf: {  	[smem:$0x3FB1] =	sst s7  }
0x10: {  	[smem:$0x3FB2] =	sst s8  }
0x11: {  	[smem:$0x3FB3] =	sst s9;
	s0 =	simm.s32 @!p0 $0x0  }
0x12: {  	s1 =	sld [smem:$0x3F99];
	s0 =	simm.s32 @p0 $0x1  }
0x13: {  	[smem:$0x3FB4] =	sst s0;
	s0 =	simm.s32 @!p1 $0x0  }
0x14: {  	s2 =	sld [smem:$0x3F98];
	s0 =	simm.s32 @p1 $0x1  }
0x15: {  	[smem:$0x3FB5] =	sst s0;
	s0 =	simm.s32 @!p2 $0x0  }
0x16: {  	s3 =	sld [smem:$0x3FDB];
	s0 =	simm.s32 @p2 $0x1  }
0x17: {  	s4 =	simm.s32 $0x1BF5;
	[smem:$0x3FB7] =	sst s0  }
0x18: {  	s0 =	sld [smem:$0x3F9A];
	_ =	swait.ge [sflag:s4], $0x0  }
0x19: {  	s7 =	sld [smem:$0x3F9B]  }
0x1a: {  	s8 =	sadd.s32 $0xFFFFE003, lr  }
0x1b: {  	s9 =	sadd.s32 $0xFFFFFEF7, lr;
	s5 =	simm.s32 $0xFFFFFFFF;
	p2 =	slt.u32 s8, $0xFFFFF086  }
0x1c: {  	p1 =	slt.u32 s9, $0xF7A;
	s5 =	simm.s32 @!p2 $0x0  }
0x1d: {  	s5 =	simm.s32 @p1 $0x1;
	p0 =	seq.s32 s7, s2  }
0x1e: {  	s7 =	smul.u32 @!p0 $0xF7A, s2;
	p2 =	seq.s32 @!p0 s5, $0x0  }
0x1f: {  	s9 =	smul.u32 $0xF7A, s1;
	s8 =	simm.s32 @!p0 $0x1BF5;
	p2 =	por !p2, p0  }
0x20: {  	[sflag:s8] =	ssyncset.s32 @!p0 $0xFFFFF086;
	s6 =	sadd.s32 @!p0 s3, s7;
	s7 =	simm.s32 @!p0 $0x108  }
0x21: {  	s3 =	sadd.s32 s3, s9;
	s6 =	sadd.s32 @!p0 $0x88, s6;
	s7 =	simm.s32 @p2 $0x1082  }
0x22: {  	[simem:s7], [sflag:s8] =	dma.local @!p0 [hbm:s6], $0xF7A  }
0x23: {  	s9 =	sor.u32 $0xD0000000, s2;
	s6 =	simm.s32 $0x108;
	_ =	swait.ge @!p0 [sflag:s8], $0x0  }
0x24: {  	s3 =	sadd.s32 $0x88, s3;
	s6 =	simm.s32 @!p1 $0x1082;
	[sflag:s4] =	ssyncset.s32 $0xFFFFF086  }
0x25: {  	[simem:s6], [sflag:s4] =	dma.local [hbm:s3], $0xF7A  }
0x26: {  	[smem:$0x3F9B] =	sst s1;
	(tag) =	ssettag s2;
	_ =	strace s9  }
0x27: {  	s1 =	sld [smem:$0x3FAB]  }
0x28: {  	s2 =	sld [smem:$0x3FAC]  }
0x29: {  	s4 =	sld [smem:$0x3FAE]  }
0x2a: {  	p0 =	seq.s32 s5, $0x0;
	s5 =	sld [smem:$0x3FAF]  }
0x2b: {  	s6 =	sld [smem:$0x3FB0]  }
0x2c: {  	s7 =	sld [smem:$0x3FB1]  }
0x2d: {  	s3 =	simm.s32 $0x108;
	s8 =	sld [smem:$0x3FB2]  }
0x2e: {  	s3 =	simm.s32 @!p0 $0x1082;
	s9 =	sld [smem:$0x3FB3]  }
0x2f: {  	lr =	sadd.s32 s0, s3;
	s0 =	sld [smem:$0x3FAA]  }
0x30: {  	s3 =	sld [smem:$0x3FAD]  }
0x31: {  	[smem:$0x3FB6] =	sst s10  }
0x32: {  	s10 =	sld [smem:$0x3FB4];
	_ =	sdelay $0x3  }
0x33: {  	p0 =	seq.s32 s10, $0x1;
	s10 =	sld [smem:$0x3FB6];
	_ =	sdelay $0x3  }
0x34: {  	[smem:$0x3FB6] =	sst s10  }
0x35: {  	s10 =	sld [smem:$0x3FB5];
	_ =	sdelay $0x3  }
0x36: {  	p1 =	seq.s32 s10, $0x1;
	s10 =	sld [smem:$0x3FB6];
	_ =	sdelay $0x3  }
0x37: {  	[smem:$0x3FB6] =	sst s10  }
0x38: {  	s10 =	sld [smem:$0x3FB7]  }
0x39: {  	_ = 	snop;
	(pc) =	sbr.ind lr, $3  }
0x3a: {  	_ = 	snop  }
0x3b: {  	_ = 	snop  }
0x3c: {  	p2 =	seq.s32 s10, $0x1;
	s10 =	sld [smem:$0x3FB6]  }
0x3d: {  	_ =	shalt  }
0x3e: {  	_ =	shalt  }
0x3f: {  	_ =	shalt  }
0x40: {  	_ =	shalt  }
0x41: {  	_ =	shalt  }
0x42: {  	_ =	shalt  }
0x43: {  	_ =	shalt  }
0x44: {  	_ =	shalt  }
0x45: {  	_ =	shalt  }
0x46: {  	_ =	shalt  }
0x47: {  	_ =	shalt  }
0x48: {  	_ =	shalt  }
0x49: {  	_ =	shalt  }
0x4a: {  	_ =	shalt  }
0x4b: {  	_ =	shalt  }
0x4c: {  	_ =	shalt  }
0x4d: {  	_ =	shalt  }
0x4e: {  	_ =	shalt  }
0x4f: {  	_ =	shalt  }
0x50: {  	_ =	shalt  }
0x51: {  	_ =	shalt  }
0x52: {  	_ =	shalt  }
0x53: {  	_ =	shalt  }
0x54: {  	_ =	shalt  }
0x55: {  	_ =	shalt  }
0x56: {  	_ =	shalt  }
0x57: {  	_ =	shalt  }
0x58: {  	_ =	shalt  }
0x59: {  	_ =	shalt  }
0x5a: {  	_ =	shalt  }
0x5b: {  	_ =	shalt  }
0x5c: {  	_ =	shalt  }
0x5d: {  	_ =	shalt  }
0x5e: {  	_ =	shalt  }
0x5f: {  	_ =	shalt  }
0x60: {  	_ =	shalt  }
0x61: {  	_ =	shalt  }
0x62: {  	_ =	shalt  }
0x63: {  	_ =	shalt  }
0x64: {  	_ =	shalt  }
0x65: {  	_ =	shalt  }
0x66: {  	_ =	shalt  }
0x67: {  	_ =	shalt  }
0x68: {  	_ =	shalt  }
0x69: {  	_ =	shalt  }
0x6a: {  	_ =	shalt  }
0x6b: {  	_ =	shalt  }
0x6c: {  	_ =	shalt  }
0x6d: {  	_ =	shalt  }
0x6e: {  	_ =	shalt  }
0x6f: {  	_ =	shalt  }
0x70: {  	_ =	shalt  }
0x71: {  	_ =	shalt  }
0x72: {  	_ =	shalt  }
0x73: {  	_ =	shalt  }
0x74: {  	_ =	shalt  }
0x75: {  	_ =	shalt  }
0x76: {  	_ =	shalt  }
0x77: {  	_ =	shalt  }
0x78: {  	_ =	shalt  }
0x79: {  	_ =	shalt  }
0x7a: {  	_ =	shalt  }
0x7b: {  	_ =	shalt  }
0x7c: {  	_ =	shalt  }
0x7d: {  	_ =	shalt  }
0x7e: {  	_ =	shalt  }
0x7f: {  	_ =	shalt  }
0x80: {  	_ =	shalt  }
0x81: {  	_ =	shalt  }
0x82: {  	_ =	shalt  }
0x83: {  	_ =	shalt  }
0x84: {  	_ =	shalt  }
0x85: {  	_ =	shalt  }
0x86: {  	_ =	shalt  }
0x87: {  	_ =	shalt  }
.Lfunc_end0:
.L_simem_size_0:
called_computation_lowered:
.L_overlay_start_0:
0x88: {  	s2 =	sld [smem:$0x3FD9]  }
0x89: {  	s3 =	sld [smem:$0x3FFE];
	_ =	sdelay $0x1  }
0x8a: {  	s1 =	srdreg.scid  }
0x8b: {  	s0 =	sand.u32 $0x1, s1  }
0x8c: {  	s17 =	sshll.u32 s0, $0xA;
	s2 =	sadd.s32 s3, s2  }
0x8d: {  	s2 =	sadd.s32 s2, s17  }
0x8e: {  	[smem:$0x3FC2] =	sst s2  }
0x8f: {  	_ = 	snop  }
0x90: {  	s2 =	sld [smem:$0x3FD0];
	(tm) =	ssettm $0x1  }
0x91: {  	s18 =	sld [smem:$0x3FFB];
	_ =	sdelay $0x3  }
0x92: {  	_ =	strace s18  }
0x93: {  	s3 =	sld [smem:$0x3FFC];
	_ =	sdelay $0x3  }
0x94: {  	_ =	strace s3  }
0x95: {  	s3 =	sld [smem:$0x3FFD];
	_ =	sdelay $0x3  }
0x96: {  	_ =	strace s3  }
0x97: {  	_ =	strace $0x8FFFFFFF  }
0x98: {  	s19 =	sld [smem:$0x3FDB];
	_ =	sdelay $0x1  }
0x99: {  	s4 =	simm.s32 $_scs_section_size  }
0x9a: {  	s5 =	simm.s32 $_size__tile_overlayer_lowered;
	s6 =	simm.s32 $_tile_overlayer_lowered  }
0x9b: {  	s22 =	simm.s32 $0x1BFF;
	s21 =	sshll.u32 s6, $0x1;
	s3 =	sadd.s32 s4, s19  }
0x9c: {  	s7 =	simm.s32 $0x0;
	s20 =	sshll.u32 s5, $0x1;
	s5 =	sadd.s32 s21, s3  }
0x9d: {  	[timem:s7], [sflag:s22] =	dma.local [hbm:s5], s20  }
0x9e: {  	_ =	swait.ge [sflag:s22], s20  }
0x9f: {  	s4 =	ssub.s32 $0x0, s20;
	[sflag:s22] =	ssyncset.done $0x0  }
0xa0: {  	[sflag:s22] =	ssyncadd.s32 s4;
	_ =	sdelay $0x1  }
0xa1: {  	s23 =	simm.s32 $0x1B8B  }
0xa2: {  	_ =	swait.ge [sflag:s23], $0x1  }
0xa3: {  	[sflag:s23] =	ssyncset.done $0x0  }
0xa4: {  	s25 =	simm.s32 $0x1B8E;
	s24 =	sld [smem:$0x3FFE];
	[sflag:s23] =	ssyncadd.s32 $0xFFFFFFFF  }
0xa5: {  	s26 =	simm.s32 $execute0_lowered;
	[smem:$0x3FD2] =	sst s25  }
0xa6: {  	s5 =	sshll.u32 s26, $0x1;
	_ =	strace $0x80000046;
	[dreg:$0x1] =	wrdreg $0xFFFFFFFF  }
0xa7: {  	s28 =	simm.s32 $_size_execute0_lowered;
	s3 =	sadd.s32 s3, s5;
	[dreg:$0x0] =	wrdreg $0x0  }
0xa8: {  	s5 =	sshll.u32 s28, $0x1;
	[dreg:$0x2] =	wrdreg s3  }
0xa9: {  	[dreg:$0x3] =	wrdreg s5  }
0xaa: {  	[dreg:$0x4] =	wrdreg $0xC0  }
0xab: {  	_ =	task [dreg:s7], $0x5FFFF  }
0xac: {  	[dreg:$0x1] =	wrdreg $0xFFFFFFFF  }
0xad: {  	[dreg:$0x0] =	wrdreg $0x60  }
0xae: {  	[dreg:$0x2] =	wrdreg s24  }
0xaf: {  	[dreg:$0x3] =	wrdreg s2  }
0xb0: {  	[dreg:$0x4] =	wrdreg $0x9  }
0xb1: {  	_ =	task.clear_ibuf [dreg:s7], $0x5FFFF;
	_ =	strace $0x90000046  }
0xb2: {  	s29 =	simm.s32 $0x9;
	_ =	strace $0x80000048  }
0xb3: {  	_ =	swait.ge [sflag:s29], $0x1  }
0xb4: {  	[sflag:s29] =	ssyncadd.s32 $0xFFFFFFFF  }
0xb5: {  	_ =	strace $0x90000048  }
0xb6: {  	_ =	sfence  }
0xb7: {  	s30 =	sld [smem:$0x0];
	_ =	sdelay $0x2  }
0xb8: {  	s31 =	sshll.u32 s1, $0xD;
	s1 =	sshrl.u32 s1, $0x2  }
0xb9: {  	s3 =	sand.u32 $0x4000, s31;
	s1 =	sadd.s32 s1, s30  }
0xba: {  	s0 =	sor.u32 s3, s0;
	s1 =	sshll.u32 s1, $0x11  }
0xbb: {  	s0 =	sor.u32 s1, s0  }
0xbc: {  	s0 =	sadd.s32 $0x8F2B, s0  }
0xbd: {  	[sflag:s0] =	ssyncadd.remote.s32 $0x1  }
0xbe: {  	_ =	sfence.sel $0xFFFF  }
0xbf: {  	[dreg:$0x0] =	wrdreg $0xFFFFFFFF;
	(pc) =	sbr.abs _section_cstart, $3  }
0xc0: {  	[dreg:$0x1] =	wrdreg $0xFFFFFFFF  }
0xc1: {  	_ =	task.clear_ibuf [dreg:s7], $0x2FFFF;
	_ =	strace $0x9FFFFFFF  }
0xc2: {  	(tm) =	ssettm $0x7FFFFFFF  }
0xc3: {  	_ =	shalt  }
tec
execute0_lowered:
.L_overlay_start_1:
0x0: {  	(tag) =	ssettag $0x1  }
0x1: {  	s5 =	rddreg [dreg:$0x0];
	s1 =	srdreg.scid  }
0x2: {  	s0 =	stileid.u32;
	s9 =	rddreg [dreg:$0x1]  }
0x3: {  	s2 =	simm.s32 $0x0;
	s12 =	simm.s32 $0x800;
	s13 =	simm.s32 $0x1000  }
0x4: {  	s14 =	simm.s32 $0x11800;
	s15 =	simm.s32 $0x15800;
	s16 =	simm.s32 $0x1  }
0x5: {  	s17 =	simm.s32 $0x1800;
	s18 =	simm.s32 $0x2;
	s19 =	simm.s32 $0x9800  }
0x6: {  	s20 =	simm.s32 $0x400;
	s21 =	simm.s32 $0x20000;
	s22 =	simm.s32 $0x19800  }
0x7: {  	s3 =	sand.u32 $0x1, s1;
	s4 =	sshll.u32 s0, $0x1;
	[smem:$0x7FF] =	sst s2  }
0x8: {  	s23 =	simm.s32 $0x0;
	s10 =	sor.u32 s3, s4;
	_ =	strace $0x80000047  }
0x9: {  	s6 =	ssub.s32 $0x2, s3;
	s3 =	sadd.s32 $0x7400, s5;
	s4 =	sshll.u32 s10, $0x8  }
0xa: {  	s7 =	sshrl.u32 s6, $0x1;
	s10 =	sshll.u32 s10, $0x9;
	s8 =	sadd.s32 s4, s5  }
0xb: {  	s4 =	sadd.s32 $0x6C00, s5;
	s5 =	sadd.s32 $0x6400, s5;
	s11 =	ssub.s32 s6, s7  }
0xc: {  	v0 =	vlaneseq.u32;
	s9 =	sadd.s32 s9, s10;
	s6 =	sadd.s32 $0x400, s8;
	s7 =	sadd.s32 $0x4400, s8  }
0xd: {  	v0 =	vmul.u32 $0x400, v0;
	s8 =	sadd.s32 $0x2400, s8;
	s10 =	smax.u32 s11, $0x1;
	s11 =	simm.s32 $0x3  }
.LBB2_1:
0xe: {  	[tilespmem:s2], [sflag:$0x3] =	stream.linear.gather [hbm4b:s6+s2], $0x800, $0x38;
	[tilespmem:$0x1B800] =	vst v63  }
0xf: {  	_ =	swait.ge [sflag:s11], $0x800  }
0x10: {  	[sflag:s11] =	ssyncset.done $0x0  }
0x11: {  	[sflag:s11] =	ssyncadd.s32 $0xFFFFF800  }
0x12: {  	[tilespmem:s12], [sflag:$0x3] =	stream.linear.gather [hbm4b:s7+s2], $0x800, $0x38;
	[tilespmem:$0x1B800] =	vst v63  }
0x13: {  	_ =	swait.ge [sflag:s11], $0x800  }
0x14: {  	[sflag:s11] =	ssyncset.done $0x0  }
0x15: {  	[sflag:s11] =	ssyncadd.s32 $0xFFFFF800  }
0x16: {  	[tilespmem:s13], [sflag:$0x3] =	stream.linear.gather [hbm4b:s8+s2], $0x800, $0x38;
	[tilespmem:$0x1B800] =	vst v63  }
0x17: {  	_ =	swait.ge [sflag:s11], $0x800  }
0x18: {  	[sflag:s11] =	ssyncset.done $0x0  }
0x19: {  	[sflag:s11] =	ssyncadd.s32 $0xFFFFF800  }
0x1a: {  	[tilespmem:s14], [sflag:$0x3] =	stream.linear.gather [hbm4b:s4+s2], $0x3E80, $0x38;
	[tilespmem:$0x1B800] =	vst v63  }
0x1b: {  	_ =	swait.ge [sflag:s11], $0x3E80  }
0x1c: {  	[sflag:s11] =	ssyncset.done $0x0  }
0x1d: {  	[sflag:s11] =	ssyncadd.s32 $0xFFFFC180  }
0x1e: {  	[tilespmem:s15], [sflag:$0x3] =	stream.linear.gather [hbm4b:s5+s2], $0x3E80, $0x38;
	[tilespmem:$0x1B800] =	vst v63  }
0x1f: {  	_ =	swait.ge [sflag:s11], $0x3E80  }
0x20: {  	[sflag:s11] =	ssyncset.done $0x0  }
0x21: {  	p0 =	por $0x1, $0x1;
	s25 =	simm.s32 $0x0;
	[sflag:s11] =	ssyncadd.s32 $0xFFFFC180  }
.LBB2_2:
0x22: {  	s24 =	sshll.u32 s25, $0x4  }
0x23: {  	s24 =	sand.u32 $0x3FFFFFF0, s24  }
0x24: {  	v1 =	vld [tilespmem:s24+$0x0];
	_ =	sdelay $0x4  }
0x25: {  	v1 =	vshll.u32 v1, $0x4  }
0x26: {  	(v2sf) =	vpush v1, $0x0;
	_ =	sdelay $0x1  }
0x27: {  	(v2sf) =	vpush v1, $0x1;
	_ =	sdelay $0x1  }
0x28: {  	(v2sf) =	vpush v1, $0x2;
	_ =	sdelay $0x4  }
0x29: {  	(v2sf) =	vpush v1, $0x3;
	_ =	sdelay $0x5  }
0x2a: {  	s26 =	spop (v2sf);
	(v2sf) =	vpush v1, $0x4;
	_ =	sdelay $0x1  }
0x2b: {  	s31 =	spop (v2sf);
	(v2sf) =	vpush v1, $0x5  }
0x2c: {  	s28 =	sshll.u32 s25, $0xE;
	s29 =	sand.u32 $0xFFFFF80, s26  }
0x2d: {  	s25 =	sand.u32 $0x3FFFC000, s28;
	s28 =	sadd.s32 s3, s29;
	s29 =	spop (v2sf);
	(v2sf) =	vpush v1, $0x6  }
0x2e: {  	_ =	sdelay $0x1  }
0x2f: {  	s30 =	sor.u32 $0x1800, s25;
	s24 =	simm.s32 $0x0  }
0x30: {  	[tilespmem:s30], [sflag:$0x1] =	stream.linear.gather [hbm4b:s28+s24], $0x400, $0x38;
	[tilespmem:$0x1B800] =	vst v63  }
0x31: {  	s26 =	sand.u32 $0xFFFFF80, s31;
	s31 =	spop (v2sf);
	(v2sf) =	vpush v1, $0x7  }
0x32: {  	s1 =	sor.u32 $0x1C00, s25;
	s26 =	sadd.s32 s3, s26  }
0x33: {  	[tilespmem:s1], [sflag:$0x1] =	stream.linear.gather [hbm4b:s26+s24], $0x400, $0x38;
	[tilespmem:$0x1B800] =	vst v63  }
0x34: {  	s26 =	sand.u32 $0xFFFFF80, s29  }
0x35: {  	s30 =	sor.u32 $0x2000, s25;
	s26 =	sadd.s32 s3, s26  }
0x36: {  	[tilespmem:s30], [sflag:$0x1] =	stream.linear.gather [hbm4b:s26+s24], $0x400, $0x38;
	[tilespmem:$0x1B800] =	vst v63  }
0x37: {  	s29 =	spop (v2sf);
	(v2sf) =	vpush v1, $0x8  }
0x38: {  	s26 =	sand.u32 $0xFFFFF80, s31  }
0x39: {  	s1 =	sor.u32 $0x2400, s25;
	s26 =	sadd.s32 s3, s26;
	s31 =	spop (v2sf);
	(v2sf) =	vpush v1, $0x9  }
0x3a: {  	[tilespmem:s1], [sflag:$0x1] =	stream.linear.gather [hbm4b:s26+s24], $0x400, $0x38;
	[tilespmem:$0x1B800] =	vst v63  }
0x3b: {  	s26 =	sand.u32 $0xFFFFF80, s29;
	s29 =	spop (v2sf);
	(v2sf) =	vpush v1, $0xA;
	_ =	sdelay $0x1  }
0x3c: {  	s30 =	sor.u32 $0x2800, s25;
	s26 =	sadd.s32 s3, s26  }
0x3d: {  	[tilespmem:s30], [sflag:$0x1] =	stream.linear.gather [hbm4b:s26+s24], $0x400, $0x38;
	[tilespmem:$0x1B800] =	vst v63  }
0x3e: {  	s26 =	sand.u32 $0xFFFFF80, s31  }
0x3f: {  	s1 =	sor.u32 $0x2C00, s25;
	s31 =	spop (v2sf);
	s26 =	sadd.s32 s3, s26  }
0x40: {  	(v2sf) =	vpush v1, $0xB;
	[tilespmem:s1], [sflag:$0x1] =	stream.linear.gather [hbm4b:s26+s24], $0x400, $0x38;
	[tilespmem:$0x1B800] =	vst v63  }
0x41: {  	s26 =	sand.u32 $0xFFFFF80, s29  }
0x42: {  	s30 =	sor.u32 $0x3000, s25;
	s26 =	sadd.s32 s3, s26  }
0x43: {  	[tilespmem:s30], [sflag:$0x1] =	stream.linear.gather [hbm4b:s26+s24], $0x400, $0x38;
	[tilespmem:$0x1B800] =	vst v63  }
0x44: {  	s26 =	sand.u32 $0xFFFFF80, s31  }
0x45: {  	s1 =	sor.u32 $0x3400, s25;
	s26 =	sadd.s32 s3, s26;
	s29 =	spop (v2sf);
	(v2sf) =	vpush v1, $0xC  }
0x46: {  	[tilespmem:s1], [sflag:$0x1] =	stream.linear.gather [hbm4b:s26+s24], $0x400, $0x38;
	[tilespmem:$0x1B800] =	vst v63  }
0x47: {  	s31 =	spop (v2sf);
	(v2sf) =	vpush v1, $0xD  }
0x48: {  	s26 =	sand.u32 $0xFFFFF80, s29  }
0x49: {  	s30 =	sor.u32 $0x3800, s25;
	s26 =	sadd.s32 s3, s26;
	s29 =	spop (v2sf)  }
0x4a: {  	(v2sf) =	vpush v1, $0xE;
	[tilespmem:s30], [sflag:$0x1] =	stream.linear.gather [hbm4b:s26+s24], $0x400, $0x38;
	[tilespmem:$0x1B800] =	vst v63  }
0x4b: {  	s26 =	sand.u32 $0xFFFFF80, s31  }
0x4c: {  	s1 =	sor.u32 $0x3C00, s25;
	s26 =	sadd.s32 s3, s26  }
0x4d: {  	[tilespmem:s1], [sflag:$0x1] =	stream.linear.gather [hbm4b:s26+s24], $0x400, $0x38;
	[tilespmem:$0x1B800] =	vst v63  }
0x4e: {  	s26 =	sand.u32 $0xFFFFF80, s29  }
0x4f: {  	s30 =	sadd.s32 $0x4000, s25;
	s31 =	spop (v2sf);
	(v2sf) =	vpush v1, $0xF;
	s26 =	sadd.s32 s3, s26  }
0x50: {  	[tilespmem:s30], [sflag:$0x1] =	stream.linear.gather [hbm4b:s26+s24], $0x400, $0x38;
	[tilespmem:$0x1B800] =	vst v63  }
0x51: {  	s26 =	sand.u32 $0xFFFFF80, s31  }
0x52: {  	s1 =	sadd.s32 $0x4400, s25;
	s26 =	sadd.s32 s3, s26  }
0x53: {  	[tilespmem:s1], [sflag:$0x1] =	stream.linear.gather [hbm4b:s26+s24], $0x400, $0x38;
	[tilespmem:$0x1B800] =	vst v63  }
0x54: {  	s29 =	spop (v2sf)  }
0x55: {  	s26 =	sand.u32 $0xFFFFF80, s29  }
0x56: {  	s30 =	sadd.s32 $0x4800, s25;
	s31 =	spop (v2sf);
	s26 =	sadd.s32 s3, s26  }
0x57: {  	[tilespmem:s30], [sflag:$0x1] =	stream.linear.gather [hbm4b:s26+s24], $0x400, $0x38;
	[tilespmem:$0x1B800] =	vst v63  }
0x58: {  	s26 =	sand.u32 $0xFFFFF80, s31  }
0x59: {  	s1 =	sadd.s32 $0x4C00, s25;
	s29 =	spop (v2sf);
	s26 =	sadd.s32 s3, s26  }
0x5a: {  	[tilespmem:s1], [sflag:$0x1] =	stream.linear.gather [hbm4b:s26+s24], $0x400, $0x38;
	[tilespmem:$0x1B800] =	vst v63  }
0x5b: {  	s26 =	sand.u32 $0xFFFFF80, s29  }
0x5c: {  	p1 =	por p0, p0;
	s30 =	sadd.s32 $0x5000, s25;
	s26 =	sadd.s32 s3, s26  }
0x5d: {  	[tilespmem:s30], [sflag:$0x1] =	stream.linear.gather [hbm4b:s26+s24], $0x400, $0x38;
	[tilespmem:$0x1B800] =	vst v63  }
.Ltmp0:
0x5e: {  	s31 =	spop (v2sf);
	(pc) =	sbr.rel @p1 .LBB2_2-.Ltmp0, $4  }
0x5f: {  	s26 =	sand.u32 $0xFFFFF80, s31  }
0x60: {  	s25 =	sadd.s32 $0x5400, s25;
	s26 =	sadd.s32 s3, s26  }
0x61: {  	[tilespmem:s25], [sflag:$0x1] =	stream.linear.gather [hbm4b:s26+s24], $0x400, $0x38;
	[tilespmem:$0x1B800] =	vst v63  }
0x62: {  	p0 =	por $0x0, $0x0;
	s25 =	simm.s32 $0x1  }
.LBB2_3:
0x63: {  	s26 =	sshll.u32 s24, $0x2  }
0x64: {  	s25 =	sor.u32 $0x1, s26  }
0x65: {  	s28 =	sshll.u32 s25, $0x7  }
0x66: {  	s25 =	sand.u32 $0x3FFFFE80, s28  }
0x67: {  	v1 =	vmov s25;
	_ =	sdelay $0x1  }
0x68: {  	p0 =	por $0x1, $0x1;
	s25 =	simm.s32 $0x0  }
.LBB2_4:
0x69: {  	s29 =	sshll.u32 s25, $0x4  }
0x6a: {  	s29 =	sand.u32 $0x3FFFFFF0, s29  }
0x6b: {  	v2 =	vld.idx.msk [tilespmem:v1+s29+$0x0 ss:$0x1], $0xffff;
	_ =	sdelay $0x4  }
0x6c: {  	v2 =	vshll.u32 v2, $0x4  }
0x6d: {  	(v2sf) =	vpush v2, $0x0;
	_ =	sdelay $0x1  }
0x6e: {  	(v2sf) =	vpush v2, $0x1;
	_ =	sdelay $0x2  }
0x6f: {  	(v2sf) =	vpush v2, $0x2;
	_ =	sdelay $0x4  }
0x70: {  	(v2sf) =	vpush v2, $0x3;
	_ =	sdelay $0x4  }
0x71: {  	s30 =	spop (v2sf);
	(v2sf) =	vpush v2, $0x4  }
0x72: {  	s1 =	sshll.u32 s25, $0xE  }
0x73: {  	s25 =	sand.u32 $0x3FFFC000, s1;
	s29 =	sand.u32 $0xFFFFF80, s30;
	s31 =	spop (v2sf);
	(v2sf) =	vpush v2, $0x5  }
0x74: {  	s30 =	sadd.s32 $0x9800, s25;
	s29 =	sadd.s32 s3, s29  }
0x75: {  	[tilespmem:s30], [sflag:$0x2] =	stream.linear.gather [hbm4b:s29+s2], $0x400, $0x38;
	[tilespmem:$0x1B800] =	vst v63  }
0x76: {  	s29 =	sand.u32 $0xFFFFF80, s31;
	s31 =	spop (v2sf);
	(v2sf) =	vpush v2, $0x6;
	_ =	sdelay $0x2  }
0x77: {  	s1 =	sadd.s32 $0x9C00, s25;
	s29 =	sadd.s32 s3, s29  }
0x78: {  	[tilespmem:s1], [sflag:$0x2] =	stream.linear.gather [hbm4b:s29+s2], $0x400, $0x38;
	[tilespmem:$0x1B800] =	vst v63  }
0x79: {  	s29 =	sand.u32 $0xFFFFF80, s31;
	s31 =	spop (v2sf);
	(v2sf) =	vpush v2, $0x7;
	_ =	sdelay $0x1  }
0x7a: {  	s1 =	sadd.s32 $0xA000, s25;
	s29 =	sadd.s32 s3, s29  }
0x7b: {  	[tilespmem:s1], [sflag:$0x2] =	stream.linear.gather [hbm4b:s29+s2], $0x400, $0x38;
	[tilespmem:$0x1B800] =	vst v63  }
0x7c: {  	s29 =	sand.u32 $0xFFFFF80, s31  }
0x7d: {  	s1 =	sadd.s32 $0xA400, s25;
	s29 =	sadd.s32 s3, s29;
	s31 =	spop (v2sf);
	(v2sf) =	vpush v2, $0x8  }
0x7e: {  	[tilespmem:s1], [sflag:$0x2] =	stream.linear.gather [hbm4b:s29+s2], $0x400, $0x38;
	[tilespmem:$0x1B800] =	vst v63  }
0x7f: {  	s29 =	sand.u32 $0xFFFFF80, s31;
	s31 =	spop (v2sf);
	(v2sf) =	vpush v2, $0x9  }
0x80: {  	s1 =	sadd.s32 $0xA800, s25;
	s29 =	sadd.s32 s3, s29  }
0x81: {  	[tilespmem:s1], [sflag:$0x2] =	stream.linear.gather [hbm4b:s29+s2], $0x400, $0x38;
	[tilespmem:$0x1B800] =	vst v63  }
0x82: {  	s29 =	sand.u32 $0xFFFFF80, s31;
	s31 =	spop (v2sf);
	(v2sf) =	vpush v2, $0xA;
	_ =	sdelay $0x2  }
0x83: {  	s1 =	sadd.s32 $0xAC00, s25;
	s29 =	sadd.s32 s3, s29  }
0x84: {  	[tilespmem:s1], [sflag:$0x2] =	stream.linear.gather [hbm4b:s29+s2], $0x400, $0x38;
	[tilespmem:$0x1B800] =	vst v63  }
0x85: {  	s29 =	sand.u32 $0xFFFFF80, s31;
	s31 =	spop (v2sf);
	(v2sf) =	vpush v2, $0xB;
	_ =	sdelay $0x1  }
0x86: {  	s1 =	sadd.s32 $0xB000, s25;
	s29 =	sadd.s32 s3, s29  }
0x87: {  	[tilespmem:s1], [sflag:$0x2] =	stream.linear.gather [hbm4b:s29+s2], $0x400, $0x38;
	[tilespmem:$0x1B800] =	vst v63  }
0x88: {  	s29 =	sand.u32 $0xFFFFF80, s31  }
0x89: {  	s1 =	sadd.s32 $0xB400, s25;
	s29 =	sadd.s32 s3, s29;
	s31 =	spop (v2sf);
	(v2sf) =	vpush v2, $0xC  }
0x8a: {  	[tilespmem:s1], [sflag:$0x2] =	stream.linear.gather [hbm4b:s29+s2], $0x400, $0x38;
	[tilespmem:$0x1B800] =	vst v63  }
0x8b: {  	s29 =	sand.u32 $0xFFFFF80, s31;
	s31 =	spop (v2sf);
	(v2sf) =	vpush v2, $0xD  }
0x8c: {  	s1 =	sadd.s32 $0xB800, s25;
	s29 =	sadd.s32 s3, s29  }
0x8d: {  	[tilespmem:s1], [sflag:$0x2] =	stream.linear.gather [hbm4b:s29+s2], $0x400, $0x38;
	[tilespmem:$0x1B800] =	vst v63  }
0x8e: {  	s29 =	sand.u32 $0xFFFFF80, s31;
	s31 =	spop (v2sf);
	(v2sf) =	vpush v2, $0xE;
	_ =	sdelay $0x1  }
0x8f: {  	s1 =	sadd.s32 $0xBC00, s25;
	s29 =	sadd.s32 s3, s29  }
0x90: {  	[tilespmem:s1], [sflag:$0x2] =	stream.linear.gather [hbm4b:s29+s2], $0x400, $0x38;
	[tilespmem:$0x1B800] =	vst v63  }
0x91: {  	s29 =	sand.u32 $0xFFFFF80, s31  }
0x92: {  	s1 =	sadd.s32 $0xC000, s25;
	s31 =	spop (v2sf);
	(v2sf) =	vpush v2, $0xF;
	s29 =	sadd.s32 s3, s29  }
0x93: {  	[tilespmem:s1], [sflag:$0x2] =	stream.linear.gather [hbm4b:s29+s2], $0x400, $0x38;
	[tilespmem:$0x1B800] =	vst v63  }
0x94: {  	s29 =	sand.u32 $0xFFFFF80, s31  }
0x95: {  	s1 =	sadd.s32 $0xC400, s25;
	s29 =	sadd.s32 s3, s29  }
0x96: {  	[tilespmem:s1], [sflag:$0x2] =	stream.linear.gather [hbm4b:s29+s2], $0x400, $0x38;
	[tilespmem:$0x1B800] =	vst v63  }
0x97: {  	s31 =	spop (v2sf)  }
0x98: {  	s29 =	sand.u32 $0xFFFFF80, s31  }
0x99: {  	s1 =	sadd.s32 $0xC800, s25;
	s31 =	spop (v2sf);
	s29 =	sadd.s32 s3, s29  }
0x9a: {  	[tilespmem:s1], [sflag:$0x2] =	stream.linear.gather [hbm4b:s29+s2], $0x400, $0x38;
	[tilespmem:$0x1B800] =	vst v63  }
0x9b: {  	s29 =	sand.u32 $0xFFFFF80, s31  }
0x9c: {  	s1 =	sadd.s32 $0xCC00, s25;
	s31 =	spop (v2sf);
	s29 =	sadd.s32 s3, s29  }
0x9d: {  	[tilespmem:s1], [sflag:$0x2] =	stream.linear.gather [hbm4b:s29+s2], $0x400, $0x38;
	[tilespmem:$0x1B800] =	vst v63  }
0x9e: {  	s29 =	sand.u32 $0xFFFFF80, s31  }
0x9f: {  	p1 =	por p0, p0;
	s1 =	sadd.s32 $0xD000, s25;
	s29 =	sadd.s32 s3, s29  }
0xa0: {  	[tilespmem:s1], [sflag:$0x2] =	stream.linear.gather [hbm4b:s29+s2], $0x400, $0x38;
	[tilespmem:$0x1B800] =	vst v63  }
.Ltmp1:
0xa1: {  	s31 =	spop (v2sf);
	(pc) =	sbr.rel @p1 .LBB2_4-.Ltmp1, $4  }
0xa2: {  	s29 =	sand.u32 $0xFFFFF80, s31  }
0xa3: {  	s25 =	sadd.s32 $0xD400, s25;
	s29 =	sadd.s32 s3, s29  }
0xa4: {  	[tilespmem:s25], [sflag:$0x2] =	stream.linear.gather [hbm4b:s29+s2], $0x400, $0x38;
	[tilespmem:$0x1B800] =	vst v63  }
0xa5: {  	p0 =	por $0x0, $0x0;
	s25 =	simm.s32 $0x1  }
0xa6: {  	_ =	swait.ge [sflag:s16], $0x8000  }
0xa7: {  	s25 =	sshll.u32 s24, $0x9;
	[sflag:s16] =	ssyncset.done $0x0  }
0xa8: {  	s29 =	simm.s32 $0x0;
	p0 =	por $0x1, $0x1;
	[sflag:s16] =	ssyncadd.s32 $0xFFFF8000  }
.LBB2_6:
0xa9: {  	s30 =	sor.u32 s25, s29  }
0xaa: {  	v1 =	vld [tilespmem:s30+$0x0];
	_ =	sdelay $0x3  }
0xab: {  	v2 =	vmov s29  }
0xac: {  	v2 =	vshll.u32 v2, $0xA;
	v1 =	vshll.u32 v1, $0x7  }
0xad: {  	v2 =	vor.u32 v0, v2;
	v1 =	vand.u32 $0x380, v1  }
0xae: {  	v1 =	vor.u32 v2, v1;
	_ =	sdelay $0x4  }
0xaf: {  	v2 =	vld.idx.msk [tilespmem:v1+s17+$0x0], $0xffff  }
0xb0: {  	v3 =	vor.u32 $0x1, v1;
	_ =	sdelay $0x3  }
0xb1: {  	[tilespmem:s29+$0x19800] =	vst v2  }
0xb2: {  	v2 =	vld.idx.msk [tilespmem:v3+s17+$0x0], $0xffff  }
0xb3: {  	v3 =	vor.u32 $0x2, v1;
	_ =	sdelay $0x3  }
0xb4: {  	[tilespmem:s29+$0x19880] =	vst v2  }
0xb5: {  	v2 =	vld.idx.msk [tilespmem:v3+s17+$0x0], $0xffff  }
0xb6: {  	v3 =	vor.u32 $0x3, v1;
	_ =	sdelay $0x3  }
0xb7: {  	[tilespmem:s29+$0x19900] =	vst v2  }
0xb8: {  	v2 =	vld.idx.msk [tilespmem:v3+s17+$0x0], $0xffff  }
0xb9: {  	v3 =	vor.u32 $0x4, v1;
	_ =	sdelay $0x3  }
0xba: {  	[tilespmem:s29+$0x19980] =	vst v2  }
0xbb: {  	v2 =	vld.idx.msk [tilespmem:v3+s17+$0x0], $0xffff  }
0xbc: {  	v3 =	vor.u32 $0x5, v1;
	_ =	sdelay $0x3  }
0xbd: {  	[tilespmem:s29+$0x19A00] =	vst v2  }
0xbe: {  	v2 =	vld.idx.msk [tilespmem:v3+s17+$0x0], $0xffff  }
0xbf: {  	v3 =	vor.u32 $0x6, v1;
	_ =	sdelay $0x3  }
0xc0: {  	[tilespmem:s29+$0x19A80] =	vst v2  }
0xc1: {  	v2 =	vld.idx.msk [tilespmem:v3+s17+$0x0], $0xffff  }
0xc2: {  	v3 =	vor.u32 $0x7, v1;
	_ =	sdelay $0x3  }
0xc3: {  	[tilespmem:s29+$0x19B00] =	vst v2  }
0xc4: {  	v2 =	vld.idx.msk [tilespmem:v3+s17+$0x0], $0xffff  }
0xc5: {  	v3 =	vor.u32 $0x8, v1;
	_ =	sdelay $0x3  }
0xc6: {  	[tilespmem:s29+$0x19B80] =	vst v2  }
0xc7: {  	v2 =	vld.idx.msk [tilespmem:v3+s17+$0x0], $0xffff  }
0xc8: {  	v3 =	vor.u32 $0x9, v1;
	_ =	sdelay $0x3  }
0xc9: {  	[tilespmem:s29+$0x19C00] =	vst v2  }
0xca: {  	v2 =	vld.idx.msk [tilespmem:v3+s17+$0x0], $0xffff  }
0xcb: {  	v3 =	vor.u32 $0xA, v1;
	_ =	sdelay $0x3  }
0xcc: {  	[tilespmem:s29+$0x19C80] =	vst v2  }
0xcd: {  	v2 =	vld.idx.msk [tilespmem:v3+s17+$0x0], $0xffff  }
0xce: {  	v3 =	vor.u32 $0xB, v1;
	_ =	sdelay $0x3  }
0xcf: {  	[tilespmem:s29+$0x19D00] =	vst v2  }
0xd0: {  	v2 =	vld.idx.msk [tilespmem:v3+s17+$0x0], $0xffff  }
0xd1: {  	v3 =	vor.u32 $0xC, v1;
	_ =	sdelay $0x3  }
0xd2: {  	[tilespmem:s29+$0x19D80] =	vst v2  }
0xd3: {  	v2 =	vld.idx.msk [tilespmem:v3+s17+$0x0], $0xffff  }
0xd4: {  	v3 =	vor.u32 $0xD, v1;
	_ =	sdelay $0x3  }
0xd5: {  	[tilespmem:s29+$0x19E00] =	vst v2  }
0xd6: {  	v2 =	vld.idx.msk [tilespmem:v3+s17+$0x0], $0xffff  }
0xd7: {  	v3 =	vor.u32 $0xE, v1;
	_ =	sdelay $0x3  }
0xd8: {  	[tilespmem:s29+$0x19E80] =	vst v2  }
0xd9: {  	v2 =	vld.idx.msk [tilespmem:v3+s17+$0x0], $0xffff  }
0xda: {  	v3 =	vor.u32 $0xF, v1;
	_ =	sdelay $0x3  }
0xdb: {  	[tilespmem:s29+$0x19F00] =	vst v2  }
0xdc: {  	v2 =	vld.idx.msk [tilespmem:v3+s17+$0x0], $0xffff  }
0xdd: {  	v3 =	vor.u32 $0x10, v1;
	_ =	sdelay $0x3  }
0xde: {  	[tilespmem:s29+$0x19F80] =	vst v2  }
0xdf: {  	v2 =	vld.idx.msk [tilespmem:v3+s17+$0x0], $0xffff  }
0xe0: {  	v3 =	vor.u32 $0x11, v1;
	_ =	sdelay $0x3  }
0xe1: {  	[tilespmem:s29+$0x1A000] =	vst v2  }
0xe2: {  	v2 =	vld.idx.msk [tilespmem:v3+s17+$0x0], $0xffff  }
0xe3: {  	v3 =	vor.u32 $0x12, v1;
	_ =	sdelay $0x3  }
0xe4: {  	[tilespmem:s29+$0x1A080] =	vst v2  }
0xe5: {  	v2 =	vld.idx.msk [tilespmem:v3+s17+$0x0], $0xffff  }
0xe6: {  	v3 =	vor.u32 $0x13, v1;
	_ =	sdelay $0x3  }
0xe7: {  	[tilespmem:s29+$0x1A100] =	vst v2  }
0xe8: {  	v2 =	vld.idx.msk [tilespmem:v3+s17+$0x0], $0xffff  }
0xe9: {  	v3 =	vor.u32 $0x14, v1;
	_ =	sdelay $0x3  }
0xea: {  	[tilespmem:s29+$0x1A180] =	vst v2  }
0xeb: {  	v2 =	vld.idx.msk [tilespmem:v3+s17+$0x0], $0xffff  }
0xec: {  	v3 =	vor.u32 $0x15, v1;
	_ =	sdelay $0x3  }
0xed: {  	[tilespmem:s29+$0x1A200] =	vst v2  }
0xee: {  	v2 =	vld.idx.msk [tilespmem:v3+s17+$0x0], $0xffff  }
0xef: {  	v3 =	vor.u32 $0x16, v1;
	_ =	sdelay $0x3  }
0xf0: {  	[tilespmem:s29+$0x1A280] =	vst v2  }
0xf1: {  	v2 =	vld.idx.msk [tilespmem:v3+s17+$0x0], $0xffff  }
0xf2: {  	v3 =	vor.u32 $0x17, v1;
	_ =	sdelay $0x3  }
0xf3: {  	[tilespmem:s29+$0x1A300] =	vst v2  }
0xf4: {  	v2 =	vld.idx.msk [tilespmem:v3+s17+$0x0], $0xffff  }
0xf5: {  	v3 =	vor.u32 $0x18, v1;
	_ =	sdelay $0x3  }
0xf6: {  	[tilespmem:s29+$0x1A380] =	vst v2  }
0xf7: {  	v2 =	vld.idx.msk [tilespmem:v3+s17+$0x0], $0xffff  }
0xf8: {  	v3 =	vor.u32 $0x19, v1;
	_ =	sdelay $0x3  }
0xf9: {  	[tilespmem:s29+$0x1A400] =	vst v2  }
0xfa: {  	v2 =	vld.idx.msk [tilespmem:v3+s17+$0x0], $0xffff  }
0xfb: {  	v3 =	vor.u32 $0x1A, v1;
	_ =	sdelay $0x3  }
0xfc: {  	[tilespmem:s29+$0x1A480] =	vst v2  }
0xfd: {  	v2 =	vld.idx.msk [tilespmem:v3+s17+$0x0], $0xffff  }
0xfe: {  	v3 =	vor.u32 $0x1B, v1;
	_ =	sdelay $0x3  }
0xff: {  	[tilespmem:s29+$0x1A500] =	vst v2  }
0x100: {  	v2 =	vld.idx.msk [tilespmem:v3+s17+$0x0], $0xffff  }
0x101: {  	v3 =	vor.u32 $0x1C, v1;
	_ =	sdelay $0x3  }
0x102: {  	[tilespmem:s29+$0x1A580] =	vst v2  }
0x103: {  	v2 =	vld.idx.msk [tilespmem:v3+s17+$0x0], $0xffff  }
0x104: {  	v3 =	vor.u32 $0x1D, v1;
	_ =	sdelay $0x3  }
0x105: {  	[tilespmem:s29+$0x1A600] =	vst v2  }
0x106: {  	v2 =	vld.idx.msk [tilespmem:v3+s17+$0x0], $0xffff  }
0x107: {  	v3 =	vor.u32 $0x1E, v1;
	_ =	sdelay $0x3  }
0x108: {  	[tilespmem:s29+$0x1A680] =	vst v2  }
0x109: {  	v2 =	vld.idx.msk [tilespmem:v3+s17+$0x0], $0xffff  }
0x10a: {  	v1 =	vor.u32 $0x1F, v1;
	_ =	sdelay $0x3  }
0x10b: {  	[tilespmem:s29+$0x1A700] =	vst v2  }
0x10c: {  	v1 =	vld.idx.msk [tilespmem:v1+s17+$0x0], $0xffff;
	_ =	sdelay $0x4  }
0x10d: {  	[tilespmem:s29+$0x1A780] =	vst v1  }
0x10e: {  	v1 =	vld [tilespmem:s30+$0x800];
	_ =	sdelay $0x4  }
0x10f: {  	v1 =	vshll.u32 v1, $0x4;
	_ =	sdelay $0x4  }
0x110: {  	v2 =	vld.idx.msk [tilespmem:v1+s14+$0x0], $0xffff  }
0x111: {  	v3 =	vor.u32 $0x1, v1;
	_ =	sdelay $0x3  }
0x112: {  	[tilespmem:s29+$0x1A800] =	vst v2  }
0x113: {  	v2 =	vld.idx.msk [tilespmem:v3+s14+$0x0], $0xffff  }
0x114: {  	v3 =	vor.u32 $0x2, v1;
	_ =	sdelay $0x3  }
0x115: {  	[tilespmem:s29+$0x1A880] =	vst v2  }
0x116: {  	v2 =	vld.idx.msk [tilespmem:v3+s14+$0x0], $0xffff  }
0x117: {  	v3 =	vor.u32 $0x3, v1;
	_ =	sdelay $0x3  }
0x118: {  	[tilespmem:s29+$0x1A900] =	vst v2  }
0x119: {  	v2 =	vld.idx.msk [tilespmem:v3+s14+$0x0], $0xffff  }
0x11a: {  	v3 =	vor.u32 $0x4, v1;
	_ =	sdelay $0x3  }
0x11b: {  	[tilespmem:s29+$0x1A980] =	vst v2  }
0x11c: {  	v2 =	vld.idx.msk [tilespmem:v3+s14+$0x0], $0xffff  }
0x11d: {  	v3 =	vor.u32 $0x5, v1;
	_ =	sdelay $0x3  }
0x11e: {  	[tilespmem:s29+$0x1AA00] =	vst v2  }
0x11f: {  	v2 =	vld.idx.msk [tilespmem:v3+s14+$0x0], $0xffff  }
0x120: {  	v3 =	vor.u32 $0x6, v1;
	_ =	sdelay $0x3  }
0x121: {  	[tilespmem:s29+$0x1AA80] =	vst v2  }
0x122: {  	v2 =	vld.idx.msk [tilespmem:v3+s14+$0x0], $0xffff  }
0x123: {  	v3 =	vor.u32 $0x7, v1;
	_ =	sdelay $0x3  }
0x124: {  	[tilespmem:s29+$0x1AB00] =	vst v2  }
0x125: {  	v2 =	vld.idx.msk [tilespmem:v3+s14+$0x0], $0xffff  }
0x126: {  	v3 =	vor.u32 $0x8, v1;
	_ =	sdelay $0x3  }
0x127: {  	[tilespmem:s29+$0x1AB80] =	vst v2  }
0x128: {  	v2 =	vld.idx.msk [tilespmem:v3+s14+$0x0], $0xffff  }
0x129: {  	v3 =	vor.u32 $0x9, v1;
	_ =	sdelay $0x3  }
0x12a: {  	[tilespmem:s29+$0x1AC00] =	vst v2  }
0x12b: {  	v2 =	vld.idx.msk [tilespmem:v3+s14+$0x0], $0xffff  }
0x12c: {  	v3 =	vor.u32 $0xA, v1;
	_ =	sdelay $0x3  }
0x12d: {  	[tilespmem:s29+$0x1AC80] =	vst v2  }
0x12e: {  	v2 =	vld.idx.msk [tilespmem:v3+s14+$0x0], $0xffff  }
0x12f: {  	v3 =	vor.u32 $0xB, v1;
	_ =	sdelay $0x3  }
0x130: {  	[tilespmem:s29+$0x1AD00] =	vst v2  }
0x131: {  	v2 =	vld.idx.msk [tilespmem:v3+s14+$0x0], $0xffff  }
0x132: {  	v3 =	vor.u32 $0xC, v1;
	_ =	sdelay $0x3  }
0x133: {  	[tilespmem:s29+$0x1AD80] =	vst v2  }
0x134: {  	v2 =	vld.idx.msk [tilespmem:v3+s14+$0x0], $0xffff  }
0x135: {  	v3 =	vor.u32 $0xD, v1;
	_ =	sdelay $0x3  }
0x136: {  	[tilespmem:s29+$0x1AE00] =	vst v2  }
0x137: {  	v2 =	vld.idx.msk [tilespmem:v3+s14+$0x0], $0xffff  }
0x138: {  	v3 =	vor.u32 $0xE, v1;
	_ =	sdelay $0x3  }
0x139: {  	[tilespmem:s29+$0x1AE80] =	vst v2  }
0x13a: {  	v2 =	vld.idx.msk [tilespmem:v3+s14+$0x0], $0xffff  }
0x13b: {  	v1 =	vor.u32 $0xF, v1;
	_ =	sdelay $0x3  }
0x13c: {  	[tilespmem:s29+$0x1AF00] =	vst v2  }
0x13d: {  	v1 =	vld.idx.msk [tilespmem:v1+s14+$0x0], $0xffff;
	_ =	sdelay $0x4  }
0x13e: {  	[tilespmem:s29+$0x1AF80] =	vst v1  }
0x13f: {  	v1 =	vld [tilespmem:s30+$0x1000];
	_ =	sdelay $0x4  }
0x140: {  	v1 =	vshll.u32 v1, $0x4;
	_ =	sdelay $0x4  }
0x141: {  	v2 =	vld.idx.msk [tilespmem:v1+s15+$0x0], $0xffff  }
0x142: {  	v3 =	vor.u32 $0x1, v1;
	_ =	sdelay $0x3  }
0x143: {  	[tilespmem:s29+$0x1B000] =	vst v2  }
0x144: {  	v2 =	vld.idx.msk [tilespmem:v3+s15+$0x0], $0xffff  }
0x145: {  	v3 =	vor.u32 $0x2, v1;
	_ =	sdelay $0x3  }
0x146: {  	[tilespmem:s29+$0x1B080] =	vst v2  }
0x147: {  	v2 =	vld.idx.msk [tilespmem:v3+s15+$0x0], $0xffff  }
0x148: {  	v3 =	vor.u32 $0x3, v1;
	_ =	sdelay $0x3  }
0x149: {  	[tilespmem:s29+$0x1B100] =	vst v2  }
0x14a: {  	v2 =	vld.idx.msk [tilespmem:v3+s15+$0x0], $0xffff  }
0x14b: {  	v3 =	vor.u32 $0x4, v1;
	_ =	sdelay $0x3  }
0x14c: {  	[tilespmem:s29+$0x1B180] =	vst v2  }
0x14d: {  	v2 =	vld.idx.msk [tilespmem:v3+s15+$0x0], $0xffff  }
0x14e: {  	v3 =	vor.u32 $0x5, v1;
	_ =	sdelay $0x3  }
0x14f: {  	[tilespmem:s29+$0x1B200] =	vst v2  }
0x150: {  	v2 =	vld.idx.msk [tilespmem:v3+s15+$0x0], $0xffff  }
0x151: {  	v3 =	vor.u32 $0x6, v1;
	_ =	sdelay $0x3  }
0x152: {  	[tilespmem:s29+$0x1B280] =	vst v2  }
0x153: {  	v2 =	vld.idx.msk [tilespmem:v3+s15+$0x0], $0xffff  }
0x154: {  	v3 =	vor.u32 $0x7, v1;
	_ =	sdelay $0x3  }
0x155: {  	[tilespmem:s29+$0x1B300] =	vst v2  }
0x156: {  	v2 =	vld.idx.msk [tilespmem:v3+s15+$0x0], $0xffff  }
0x157: {  	v3 =	vor.u32 $0x8, v1;
	_ =	sdelay $0x3  }
0x158: {  	[tilespmem:s29+$0x1B380] =	vst v2  }
0x159: {  	v2 =	vld.idx.msk [tilespmem:v3+s15+$0x0], $0xffff  }
0x15a: {  	v3 =	vor.u32 $0x9, v1;
	_ =	sdelay $0x3  }
0x15b: {  	[tilespmem:s29+$0x1B400] =	vst v2  }
0x15c: {  	v2 =	vld.idx.msk [tilespmem:v3+s15+$0x0], $0xffff  }
0x15d: {  	v3 =	vor.u32 $0xA, v1;
	_ =	sdelay $0x3  }
0x15e: {  	[tilespmem:s29+$0x1B480] =	vst v2  }
0x15f: {  	v2 =	vld.idx.msk [tilespmem:v3+s15+$0x0], $0xffff  }
0x160: {  	v3 =	vor.u32 $0xB, v1;
	_ =	sdelay $0x3  }
0x161: {  	[tilespmem:s29+$0x1B500] =	vst v2  }
0x162: {  	v2 =	vld.idx.msk [tilespmem:v3+s15+$0x0], $0xffff  }
0x163: {  	v3 =	vor.u32 $0xC, v1;
	_ =	sdelay $0x3  }
0x164: {  	[tilespmem:s29+$0x1B580] =	vst v2  }
0x165: {  	v2 =	vld.idx.msk [tilespmem:v3+s15+$0x0], $0xffff  }
0x166: {  	v3 =	vor.u32 $0xD, v1;
	_ =	sdelay $0x3  }
0x167: {  	[tilespmem:s29+$0x1B600] =	vst v2  }
0x168: {  	v2 =	vld.idx.msk [tilespmem:v3+s15+$0x0], $0xffff  }
0x169: {  	v3 =	vor.u32 $0xE, v1;
	_ =	sdelay $0x3  }
0x16a: {  	[tilespmem:s29+$0x1B680] =	vst v2  }
0x16b: {  	v2 =	vld.idx.msk [tilespmem:v3+s15+$0x0], $0xffff  }
0x16c: {  	v1 =	vor.u32 $0xF, v1;
	_ =	sdelay $0x3  }
0x16d: {  	[tilespmem:s29+$0x1B700] =	vst v2  }
0x16e: {  	p1 =	por p0, p0;
	v1 =	vld.idx.msk [tilespmem:v1+s15+$0x0], $0xffff  }
.Ltmp2:
0x16f: {  	_ = 	snop;
	(pc) =	sbr.rel @p1 .LBB2_6-.Ltmp2, $2  }
0x170: {  	_ =	sdelay $0x2  }
0x171: {  	p0 =	por $0x0, $0x0;
	[tilespmem:s29+$0x1B780] =	vst v1;
	s29 =	simm.s32 $0x10  }
0x172: {  	s29 =	sor.u32 $0x2, s26  }
0x173: {  	s29 =	sshll.u32 s29, $0x7  }
0x174: {  	s31 =	sand.u32 $0x3FFFFF80, s29  }
0x175: {  	v1 =	vmov s31;
	_ =	sdelay $0x1  }
0x176: {  	s30 =	simm.s32 $0x0;
	p0 =	por $0x1, $0x1  }
.LBB2_8:
0x177: {  	s31 =	sshll.u32 s30, $0x4  }
0x178: {  	s31 =	sand.u32 $0x3FFFFFF0, s31  }
0x179: {  	v2 =	vld.idx.msk [tilespmem:v1+s31+$0x0 ss:$0x1], $0xffff;
	_ =	sdelay $0x4  }
0x17a: {  	v2 =	vshll.u32 v2, $0x4  }
0x17b: {  	(v2sf) =	vpush v2, $0x0;
	_ =	sdelay $0x3  }
0x17c: {  	(v2sf) =	vpush v2, $0x1;
	_ =	sdelay $0x3  }
0x17d: {  	(v2sf) =	vpush v2, $0x2;
	_ =	sdelay $0x3  }
0x17e: {  	(v2sf) =	vpush v2, $0x3;
	_ =	sdelay $0x2  }
0x17f: {  	s30 =	sshll.u32 s30, $0xE;
	s1 =	spop (v2sf)  }
0x180: {  	s30 =	sand.u32 $0x3FFFC000, s30;
	(v2sf) =	vpush v2, $0x4;
	s31 =	sand.u32 $0xFFFFF80, s1  }
0x181: {  	s1 =	sor.u32 $0x1800, s30;
	s31 =	sadd.s32 s3, s31  }
0x182: {  	[tilespmem:s1], [sflag:$0x1] =	stream.linear.gather [hbm4b:s31+s2], $0x400, $0x38;
	[tilespmem:$0x1B800] =	vst v63  }
0x183: {  	s31 =	spop (v2sf)  }
0x184: {  	(v2sf) =	vpush v2, $0x5;
	s1 =	sand.u32 $0xFFFFF80, s31  }
0x185: {  	s31 =	sor.u32 $0x1C00, s30;
	s1 =	sadd.s32 s3, s1  }
0x186: {  	[tilespmem:s31], [sflag:$0x1] =	stream.linear.gather [hbm4b:s1+s2], $0x400, $0x38;
	[tilespmem:$0x1B800] =	vst v63  }
0x187: {  	s31 =	spop (v2sf)  }
0x188: {  	(v2sf) =	vpush v2, $0x6;
	s1 =	sand.u32 $0xFFFFF80, s31  }
0x189: {  	s31 =	sor.u32 $0x2000, s30;
	s1 =	sadd.s32 s3, s1  }
0x18a: {  	[tilespmem:s31], [sflag:$0x1] =	stream.linear.gather [hbm4b:s1+s2], $0x400, $0x38;
	[tilespmem:$0x1B800] =	vst v63  }
0x18b: {  	s31 =	spop (v2sf)  }
0x18c: {  	(v2sf) =	vpush v2, $0x7;
	s1 =	sand.u32 $0xFFFFF80, s31  }
0x18d: {  	s31 =	sor.u32 $0x2400, s30;
	s1 =	sadd.s32 s3, s1  }
0x18e: {  	[tilespmem:s31], [sflag:$0x1] =	stream.linear.gather [hbm4b:s1+s2], $0x400, $0x38;
	[tilespmem:$0x1B800] =	vst v63  }
0x18f: {  	s31 =	spop (v2sf)  }
0x190: {  	(v2sf) =	vpush v2, $0x8;
	s1 =	sand.u32 $0xFFFFF80, s31  }
0x191: {  	s31 =	sor.u32 $0x2800, s30;
	s1 =	sadd.s32 s3, s1  }
0x192: {  	[tilespmem:s31], [sflag:$0x1] =	stream.linear.gather [hbm4b:s1+s2], $0x400, $0x38;
	[tilespmem:$0x1B800] =	vst v63  }
0x193: {  	s31 =	spop (v2sf)  }
0x194: {  	(v2sf) =	vpush v2, $0x9;
	s1 =	sand.u32 $0xFFFFF80, s31  }
0x195: {  	s31 =	sor.u32 $0x2C00, s30;
	s1 =	sadd.s32 s3, s1  }
0x196: {  	[tilespmem:s31], [sflag:$0x1] =	stream.linear.gather [hbm4b:s1+s2], $0x400, $0x38;
	[tilespmem:$0x1B800] =	vst v63  }
0x197: {  	s31 =	spop (v2sf)  }
0x198: {  	(v2sf) =	vpush v2, $0xA;
	s1 =	sand.u32 $0xFFFFF80, s31  }
0x199: {  	s31 =	sor.u32 $0x3000, s30;
	s1 =	sadd.s32 s3, s1  }
0x19a: {  	[tilespmem:s31], [sflag:$0x1] =	stream.linear.gather [hbm4b:s1+s2], $0x400, $0x38;
	[tilespmem:$0x1B800] =	vst v63  }
0x19b: {  	s31 =	spop (v2sf)  }
0x19c: {  	(v2sf) =	vpush v2, $0xB;
	s1 =	sand.u32 $0xFFFFF80, s31  }
0x19d: {  	s31 =	sor.u32 $0x3400, s30;
	s1 =	sadd.s32 s3, s1  }
0x19e: {  	[tilespmem:s31], [sflag:$0x1] =	stream.linear.gather [hbm4b:s1+s2], $0x400, $0x38;
	[tilespmem:$0x1B800] =	vst v63  }
0x19f: {  	s31 =	spop (v2sf)  }
0x1a0: {  	(v2sf) =	vpush v2, $0xC;
	s1 =	sand.u32 $0xFFFFF80, s31  }
0x1a1: {  	s31 =	sor.u32 $0x3800, s30;
	s1 =	sadd.s32 s3, s1  }
0x1a2: {  	[tilespmem:s31], [sflag:$0x1] =	stream.linear.gather [hbm4b:s1+s2], $0x400, $0x38;
	[tilespmem:$0x1B800] =	vst v63  }
0x1a3: {  	s31 =	spop (v2sf)  }
0x1a4: {  	(v2sf) =	vpush v2, $0xD;
	s1 =	sand.u32 $0xFFFFF80, s31  }
0x1a5: {  	s31 =	sor.u32 $0x3C00, s30;
	s1 =	sadd.s32 s3, s1  }
0x1a6: {  	[tilespmem:s31], [sflag:$0x1] =	stream.linear.gather [hbm4b:s1+s2], $0x400, $0x38;
	[tilespmem:$0x1B800] =	vst v63  }
0x1a7: {  	s31 =	spop (v2sf)  }
0x1a8: {  	(v2sf) =	vpush v2, $0xE;
	s1 =	sand.u32 $0xFFFFF80, s31  }
0x1a9: {  	s31 =	sadd.s32 $0x4000, s30;
	s1 =	sadd.s32 s3, s1  }
0x1aa: {  	[tilespmem:s31], [sflag:$0x1] =	stream.linear.gather [hbm4b:s1+s2], $0x400, $0x38;
	[tilespmem:$0x1B800] =	vst v63  }
0x1ab: {  	s31 =	spop (v2sf)  }
0x1ac: {  	(v2sf) =	vpush v2, $0xF;
	s1 =	sand.u32 $0xFFFFF80, s31  }
0x1ad: {  	s31 =	sadd.s32 $0x4400, s30;
	s1 =	sadd.s32 s3, s1  }
0x1ae: {  	[tilespmem:s31], [sflag:$0x1] =	stream.linear.gather [hbm4b:s1+s2], $0x400, $0x38;
	[tilespmem:$0x1B800] =	vst v63  }
0x1af: {  	s31 =	spop (v2sf)  }
0x1b0: {  	s1 =	sand.u32 $0xFFFFF80, s31  }
0x1b1: {  	s31 =	sadd.s32 $0x4800, s30;
	s1 =	sadd.s32 s3, s1  }
0x1b2: {  	[tilespmem:s31], [sflag:$0x1] =	stream.linear.gather [hbm4b:s1+s2], $0x400, $0x38;
	[tilespmem:$0x1B800] =	vst v63  }
0x1b3: {  	s31 =	spop (v2sf)  }
0x1b4: {  	s1 =	sand.u32 $0xFFFFF80, s31  }
0x1b5: {  	s31 =	sadd.s32 $0x4C00, s30;
	s1 =	sadd.s32 s3, s1  }
0x1b6: {  	[tilespmem:s31], [sflag:$0x1] =	stream.linear.gather [hbm4b:s1+s2], $0x400, $0x38;
	[tilespmem:$0x1B800] =	vst v63  }
0x1b7: {  	s31 =	spop (v2sf)  }
0x1b8: {  	s1 =	sand.u32 $0xFFFFF80, s31  }
0x1b9: {  	p1 =	por p0, p0;
	s31 =	sadd.s32 $0x5000, s30;
	s1 =	sadd.s32 s3, s1  }
0x1ba: {  	[tilespmem:s31], [sflag:$0x1] =	stream.linear.gather [hbm4b:s1+s2], $0x400, $0x38;
	[tilespmem:$0x1B800] =	vst v63  }
.Ltmp3:
0x1bb: {  	s31 =	spop (v2sf);
	(pc) =	sbr.rel @p1 .LBB2_8-.Ltmp3, $4  }
0x1bc: {  	s1 =	sand.u32 $0xFFFFF80, s31  }
0x1bd: {  	s30 =	sadd.s32 $0x5400, s30;
	s1 =	sadd.s32 s3, s1  }
0x1be: {  	[tilespmem:s30], [sflag:$0x1] =	stream.linear.gather [hbm4b:s1+s2], $0x400, $0x38;
	[tilespmem:$0x1B800] =	vst v63  }
0x1bf: {  	p0 =	por $0x0, $0x0;
	s30 =	simm.s32 $0x1  }
0x1c0: {  	_ =	swait.ge [sflag:s18], $0x8000  }
0x1c1: {  	[sflag:s18] =	ssyncset.done $0x0  }
0x1c2: {  	s30 =	simm.s32 $0x0;
	p0 =	por $0x1, $0x1;
	[sflag:s18] =	ssyncadd.s32 $0xFFFF8000  }
.LBB2_10:
0x1c3: {  	s31 =	sor.u32 s28, s30  }
0x1c4: {  	v1 =	vld [tilespmem:s31+$0x0];
	_ =	sdelay $0x3  }
0x1c5: {  	v2 =	vmov s30  }
0x1c6: {  	v2 =	vshll.u32 v2, $0xA;
	v1 =	vshll.u32 v1, $0x7  }
0x1c7: {  	v2 =	vor.u32 v0, v2;
	v1 =	vand.u32 $0x380, v1  }
0x1c8: {  	v1 =	vor.u32 v2, v1;
	_ =	sdelay $0x4  }
0x1c9: {  	v2 =	vld.idx.msk [tilespmem:v1+s19+$0x0], $0xffff  }
0x1ca: {  	v3 =	vor.u32 $0x1, v1;
	_ =	sdelay $0x3  }
0x1cb: {  	[tilespmem:s30+$0x19820] =	vst v2  }
0x1cc: {  	v2 =	vld.idx.msk [tilespmem:v3+s19+$0x0], $0xffff  }
0x1cd: {  	v3 =	vor.u32 $0x2, v1;
	_ =	sdelay $0x3  }
0x1ce: {  	[tilespmem:s30+$0x198A0] =	vst v2  }
0x1cf: {  	v2 =	vld.idx.msk [tilespmem:v3+s19+$0x0], $0xffff  }
0x1d0: {  	v3 =	vor.u32 $0x3, v1;
	_ =	sdelay $0x3  }
0x1d1: {  	[tilespmem:s30+$0x19920] =	vst v2  }
0x1d2: {  	v2 =	vld.idx.msk [tilespmem:v3+s19+$0x0], $0xffff  }
0x1d3: {  	v3 =	vor.u32 $0x4, v1;
	_ =	sdelay $0x3  }
0x1d4: {  	[tilespmem:s30+$0x199A0] =	vst v2  }
0x1d5: {  	v2 =	vld.idx.msk [tilespmem:v3+s19+$0x0], $0xffff  }
0x1d6: {  	v3 =	vor.u32 $0x5, v1;
	_ =	sdelay $0x3  }
0x1d7: {  	[tilespmem:s30+$0x19A20] =	vst v2  }
0x1d8: {  	v2 =	vld.idx.msk [tilespmem:v3+s19+$0x0], $0xffff  }
0x1d9: {  	v3 =	vor.u32 $0x6, v1;
	_ =	sdelay $0x3  }
0x1da: {  	[tilespmem:s30+$0x19AA0] =	vst v2  }
0x1db: {  	v2 =	vld.idx.msk [tilespmem:v3+s19+$0x0], $0xffff  }
0x1dc: {  	v3 =	vor.u32 $0x7, v1;
	_ =	sdelay $0x3  }
0x1dd: {  	[tilespmem:s30+$0x19B20] =	vst v2  }
0x1de: {  	v2 =	vld.idx.msk [tilespmem:v3+s19+$0x0], $0xffff  }
0x1df: {  	v3 =	vor.u32 $0x8, v1;
	_ =	sdelay $0x3  }
0x1e0: {  	[tilespmem:s30+$0x19BA0] =	vst v2  }
0x1e1: {  	v2 =	vld.idx.msk [tilespmem:v3+s19+$0x0], $0xffff  }
0x1e2: {  	v3 =	vor.u32 $0x9, v1;
	_ =	sdelay $0x3  }
0x1e3: {  	[tilespmem:s30+$0x19C20] =	vst v2  }
0x1e4: {  	v2 =	vld.idx.msk [tilespmem:v3+s19+$0x0], $0xffff  }
0x1e5: {  	v3 =	vor.u32 $0xA, v1;
	_ =	sdelay $0x3  }
0x1e6: {  	[tilespmem:s30+$0x19CA0] =	vst v2  }
0x1e7: {  	v2 =	vld.idx.msk [tilespmem:v3+s19+$0x0], $0xffff  }
0x1e8: {  	v3 =	vor.u32 $0xB, v1;
	_ =	sdelay $0x3  }
0x1e9: {  	[tilespmem:s30+$0x19D20] =	vst v2  }
0x1ea: {  	v2 =	vld.idx.msk [tilespmem:v3+s19+$0x0], $0xffff  }
0x1eb: {  	v3 =	vor.u32 $0xC, v1;
	_ =	sdelay $0x3  }
0x1ec: {  	[tilespmem:s30+$0x19DA0] =	vst v2  }
0x1ed: {  	v2 =	vld.idx.msk [tilespmem:v3+s19+$0x0], $0xffff  }
0x1ee: {  	v3 =	vor.u32 $0xD, v1;
	_ =	sdelay $0x3  }
0x1ef: {  	[tilespmem:s30+$0x19E20] =	vst v2  }
0x1f0: {  	v2 =	vld.idx.msk [tilespmem:v3+s19+$0x0], $0xffff  }
0x1f1: {  	v3 =	vor.u32 $0xE, v1;
	_ =	sdelay $0x3  }
0x1f2: {  	[tilespmem:s30+$0x19EA0] =	vst v2  }
0x1f3: {  	v2 =	vld.idx.msk [tilespmem:v3+s19+$0x0], $0xffff  }
0x1f4: {  	v3 =	vor.u32 $0xF, v1;
	_ =	sdelay $0x3  }
0x1f5: {  	[tilespmem:s30+$0x19F20] =	vst v2  }
0x1f6: {  	v2 =	vld.idx.msk [tilespmem:v3+s19+$0x0], $0xffff  }
0x1f7: {  	v3 =	vor.u32 $0x10, v1;
	_ =	sdelay $0x3  }
0x1f8: {  	[tilespmem:s30+$0x19FA0] =	vst v2  }
0x1f9: {  	v2 =	vld.idx.msk [tilespmem:v3+s19+$0x0], $0xffff  }
0x1fa: {  	v3 =	vor.u32 $0x11, v1;
	_ =	sdelay $0x3  }
0x1fb: {  	[tilespmem:s30+$0x1A020] =	vst v2  }
0x1fc: {  	v2 =	vld.idx.msk [tilespmem:v3+s19+$0x0], $0xffff  }
0x1fd: {  	v3 =	vor.u32 $0x12, v1;
	_ =	sdelay $0x3  }
0x1fe: {  	[tilespmem:s30+$0x1A0A0] =	vst v2  }
0x1ff: {  	v2 =	vld.idx.msk [tilespmem:v3+s19+$0x0], $0xffff  }
0x200: {  	v3 =	vor.u32 $0x13, v1;
	_ =	sdelay $0x3  }
0x201: {  	[tilespmem:s30+$0x1A120] =	vst v2  }
0x202: {  	v2 =	vld.idx.msk [tilespmem:v3+s19+$0x0], $0xffff  }
0x203: {  	v3 =	vor.u32 $0x14, v1;
	_ =	sdelay $0x3  }
0x204: {  	[tilespmem:s30+$0x1A1A0] =	vst v2  }
0x205: {  	v2 =	vld.idx.msk [tilespmem:v3+s19+$0x0], $0xffff  }
0x206: {  	v3 =	vor.u32 $0x15, v1;
	_ =	sdelay $0x3  }
0x207: {  	[tilespmem:s30+$0x1A220] =	vst v2  }
0x208: {  	v2 =	vld.idx.msk [tilespmem:v3+s19+$0x0], $0xffff  }
0x209: {  	v3 =	vor.u32 $0x16, v1;
	_ =	sdelay $0x3  }
0x20a: {  	[tilespmem:s30+$0x1A2A0] =	vst v2  }
0x20b: {  	v2 =	vld.idx.msk [tilespmem:v3+s19+$0x0], $0xffff  }
0x20c: {  	v3 =	vor.u32 $0x17, v1;
	_ =	sdelay $0x3  }
0x20d: {  	[tilespmem:s30+$0x1A320] =	vst v2  }
0x20e: {  	v2 =	vld.idx.msk [tilespmem:v3+s19+$0x0], $0xffff  }
0x20f: {  	v3 =	vor.u32 $0x18, v1;
	_ =	sdelay $0x3  }
0x210: {  	[tilespmem:s30+$0x1A3A0] =	vst v2  }
0x211: {  	v2 =	vld.idx.msk [tilespmem:v3+s19+$0x0], $0xffff  }
0x212: {  	v3 =	vor.u32 $0x19, v1;
	_ =	sdelay $0x3  }
0x213: {  	[tilespmem:s30+$0x1A420] =	vst v2  }
0x214: {  	v2 =	vld.idx.msk [tilespmem:v3+s19+$0x0], $0xffff  }
0x215: {  	v3 =	vor.u32 $0x1A, v1;
	_ =	sdelay $0x3  }
0x216: {  	[tilespmem:s30+$0x1A4A0] =	vst v2  }
0x217: {  	v2 =	vld.idx.msk [tilespmem:v3+s19+$0x0], $0xffff  }
0x218: {  	v3 =	vor.u32 $0x1B, v1;
	_ =	sdelay $0x3  }
0x219: {  	[tilespmem:s30+$0x1A520] =	vst v2  }
0x21a: {  	v2 =	vld.idx.msk [tilespmem:v3+s19+$0x0], $0xffff  }
0x21b: {  	v3 =	vor.u32 $0x1C, v1;
	_ =	sdelay $0x3  }
0x21c: {  	[tilespmem:s30+$0x1A5A0] =	vst v2  }
0x21d: {  	v2 =	vld.idx.msk [tilespmem:v3+s19+$0x0], $0xffff  }
0x21e: {  	v3 =	vor.u32 $0x1D, v1;
	_ =	sdelay $0x3  }
0x21f: {  	[tilespmem:s30+$0x1A620] =	vst v2  }
0x220: {  	v2 =	vld.idx.msk [tilespmem:v3+s19+$0x0], $0xffff  }
0x221: {  	v3 =	vor.u32 $0x1E, v1;
	_ =	sdelay $0x3  }
0x222: {  	[tilespmem:s30+$0x1A6A0] =	vst v2  }
0x223: {  	v2 =	vld.idx.msk [tilespmem:v3+s19+$0x0], $0xffff  }
0x224: {  	v1 =	vor.u32 $0x1F, v1;
	_ =	sdelay $0x3  }
0x225: {  	[tilespmem:s30+$0x1A720] =	vst v2  }
0x226: {  	v1 =	vld.idx.msk [tilespmem:v1+s19+$0x0], $0xffff;
	_ =	sdelay $0x4  }
0x227: {  	[tilespmem:s30+$0x1A7A0] =	vst v1  }
0x228: {  	v1 =	vld [tilespmem:s31+$0x800];
	_ =	sdelay $0x4  }
0x229: {  	v1 =	vshll.u32 v1, $0x4;
	_ =	sdelay $0x4  }
0x22a: {  	v2 =	vld.idx.msk [tilespmem:v1+s14+$0x0], $0xffff  }
0x22b: {  	v3 =	vor.u32 $0x1, v1;
	_ =	sdelay $0x3  }
0x22c: {  	[tilespmem:s30+$0x1A820] =	vst v2  }
0x22d: {  	v2 =	vld.idx.msk [tilespmem:v3+s14+$0x0], $0xffff  }
0x22e: {  	v3 =	vor.u32 $0x2, v1;
	_ =	sdelay $0x3  }
0x22f: {  	[tilespmem:s30+$0x1A8A0] =	vst v2  }
0x230: {  	v2 =	vld.idx.msk [tilespmem:v3+s14+$0x0], $0xffff  }
0x231: {  	v3 =	vor.u32 $0x3, v1;
	_ =	sdelay $0x3  }
0x232: {  	[tilespmem:s30+$0x1A920] =	vst v2  }
0x233: {  	v2 =	vld.idx.msk [tilespmem:v3+s14+$0x0], $0xffff  }
0x234: {  	v3 =	vor.u32 $0x4, v1;
	_ =	sdelay $0x3  }
0x235: {  	[tilespmem:s30+$0x1A9A0] =	vst v2  }
0x236: {  	v2 =	vld.idx.msk [tilespmem:v3+s14+$0x0], $0xffff  }
0x237: {  	v3 =	vor.u32 $0x5, v1;
	_ =	sdelay $0x3  }
0x238: {  	[tilespmem:s30+$0x1AA20] =	vst v2  }
0x239: {  	v2 =	vld.idx.msk [tilespmem:v3+s14+$0x0], $0xffff  }
0x23a: {  	v3 =	vor.u32 $0x6, v1;
	_ =	sdelay $0x3  }
0x23b: {  	[tilespmem:s30+$0x1AAA0] =	vst v2  }
0x23c: {  	v2 =	vld.idx.msk [tilespmem:v3+s14+$0x0], $0xffff  }
0x23d: {  	v3 =	vor.u32 $0x7, v1;
	_ =	sdelay $0x3  }
0x23e: {  	[tilespmem:s30+$0x1AB20] =	vst v2  }
0x23f: {  	v2 =	vld.idx.msk [tilespmem:v3+s14+$0x0], $0xffff  }
0x240: {  	v3 =	vor.u32 $0x8, v1;
	_ =	sdelay $0x3  }
0x241: {  	[tilespmem:s30+$0x1ABA0] =	vst v2  }
0x242: {  	v2 =	vld.idx.msk [tilespmem:v3+s14+$0x0], $0xffff  }
0x243: {  	v3 =	vor.u32 $0x9, v1;
	_ =	sdelay $0x3  }
0x244: {  	[tilespmem:s30+$0x1AC20] =	vst v2  }
0x245: {  	v2 =	vld.idx.msk [tilespmem:v3+s14+$0x0], $0xffff  }
0x246: {  	v3 =	vor.u32 $0xA, v1;
	_ =	sdelay $0x3  }
0x247: {  	[tilespmem:s30+$0x1ACA0] =	vst v2  }
0x248: {  	v2 =	vld.idx.msk [tilespmem:v3+s14+$0x0], $0xffff  }
0x249: {  	v3 =	vor.u32 $0xB, v1;
	_ =	sdelay $0x3  }
0x24a: {  	[tilespmem:s30+$0x1AD20] =	vst v2  }
0x24b: {  	v2 =	vld.idx.msk [tilespmem:v3+s14+$0x0], $0xffff  }
0x24c: {  	v3 =	vor.u32 $0xC, v1;
	_ =	sdelay $0x3  }
0x24d: {  	[tilespmem:s30+$0x1ADA0] =	vst v2  }
0x24e: {  	v2 =	vld.idx.msk [tilespmem:v3+s14+$0x0], $0xffff  }
0x24f: {  	v3 =	vor.u32 $0xD, v1;
	_ =	sdelay $0x3  }
0x250: {  	[tilespmem:s30+$0x1AE20] =	vst v2  }
0x251: {  	v2 =	vld.idx.msk [tilespmem:v3+s14+$0x0], $0xffff  }
0x252: {  	v3 =	vor.u32 $0xE, v1;
	_ =	sdelay $0x3  }
0x253: {  	[tilespmem:s30+$0x1AEA0] =	vst v2  }
0x254: {  	v2 =	vld.idx.msk [tilespmem:v3+s14+$0x0], $0xffff  }
0x255: {  	v1 =	vor.u32 $0xF, v1;
	_ =	sdelay $0x3  }
0x256: {  	[tilespmem:s30+$0x1AF20] =	vst v2  }
0x257: {  	v1 =	vld.idx.msk [tilespmem:v1+s14+$0x0], $0xffff;
	_ =	sdelay $0x4  }
0x258: {  	[tilespmem:s30+$0x1AFA0] =	vst v1  }
0x259: {  	v1 =	vld [tilespmem:s31+$0x1000];
	_ =	sdelay $0x4  }
0x25a: {  	v1 =	vshll.u32 v1, $0x4;
	_ =	sdelay $0x4  }
0x25b: {  	v2 =	vld.idx.msk [tilespmem:v1+s15+$0x0], $0xffff  }
0x25c: {  	v3 =	vor.u32 $0x1, v1;
	_ =	sdelay $0x3  }
0x25d: {  	[tilespmem:s30+$0x1B020] =	vst v2  }
0x25e: {  	v2 =	vld.idx.msk [tilespmem:v3+s15+$0x0], $0xffff  }
0x25f: {  	v3 =	vor.u32 $0x2, v1;
	_ =	sdelay $0x3  }
0x260: {  	[tilespmem:s30+$0x1B0A0] =	vst v2  }
0x261: {  	v2 =	vld.idx.msk [tilespmem:v3+s15+$0x0], $0xffff  }
0x262: {  	v3 =	vor.u32 $0x3, v1;
	_ =	sdelay $0x3  }
0x263: {  	[tilespmem:s30+$0x1B120] =	vst v2  }
0x264: {  	v2 =	vld.idx.msk [tilespmem:v3+s15+$0x0], $0xffff  }
0x265: {  	v3 =	vor.u32 $0x4, v1;
	_ =	sdelay $0x3  }
0x266: {  	[tilespmem:s30+$0x1B1A0] =	vst v2  }
0x267: {  	v2 =	vld.idx.msk [tilespmem:v3+s15+$0x0], $0xffff  }
0x268: {  	v3 =	vor.u32 $0x5, v1;
	_ =	sdelay $0x3  }
0x269: {  	[tilespmem:s30+$0x1B220] =	vst v2  }
0x26a: {  	v2 =	vld.idx.msk [tilespmem:v3+s15+$0x0], $0xffff  }
0x26b: {  	v3 =	vor.u32 $0x6, v1;
	_ =	sdelay $0x3  }
0x26c: {  	[tilespmem:s30+$0x1B2A0] =	vst v2  }
0x26d: {  	v2 =	vld.idx.msk [tilespmem:v3+s15+$0x0], $0xffff  }
0x26e: {  	v3 =	vor.u32 $0x7, v1;
	_ =	sdelay $0x3  }
0x26f: {  	[tilespmem:s30+$0x1B320] =	vst v2  }
0x270: {  	v2 =	vld.idx.msk [tilespmem:v3+s15+$0x0], $0xffff  }
0x271: {  	v3 =	vor.u32 $0x8, v1;
	_ =	sdelay $0x3  }
0x272: {  	[tilespmem:s30+$0x1B3A0] =	vst v2  }
0x273: {  	v2 =	vld.idx.msk [tilespmem:v3+s15+$0x0], $0xffff  }
0x274: {  	v3 =	vor.u32 $0x9, v1;
	_ =	sdelay $0x3  }
0x275: {  	[tilespmem:s30+$0x1B420] =	vst v2  }
0x276: {  	v2 =	vld.idx.msk [tilespmem:v3+s15+$0x0], $0xffff  }
0x277: {  	v3 =	vor.u32 $0xA, v1;
	_ =	sdelay $0x3  }
0x278: {  	[tilespmem:s30+$0x1B4A0] =	vst v2  }
0x279: {  	v2 =	vld.idx.msk [tilespmem:v3+s15+$0x0], $0xffff  }
0x27a: {  	v3 =	vor.u32 $0xB, v1;
	_ =	sdelay $0x3  }
0x27b: {  	[tilespmem:s30+$0x1B520] =	vst v2  }
0x27c: {  	v2 =	vld.idx.msk [tilespmem:v3+s15+$0x0], $0xffff  }
0x27d: {  	v3 =	vor.u32 $0xC, v1;
	_ =	sdelay $0x3  }
0x27e: {  	[tilespmem:s30+$0x1B5A0] =	vst v2  }
0x27f: {  	v2 =	vld.idx.msk [tilespmem:v3+s15+$0x0], $0xffff  }
0x280: {  	v3 =	vor.u32 $0xD, v1;
	_ =	sdelay $0x3  }
0x281: {  	[tilespmem:s30+$0x1B620] =	vst v2  }
0x282: {  	v2 =	vld.idx.msk [tilespmem:v3+s15+$0x0], $0xffff  }
0x283: {  	v3 =	vor.u32 $0xE, v1;
	_ =	sdelay $0x3  }
0x284: {  	[tilespmem:s30+$0x1B6A0] =	vst v2  }
0x285: {  	v2 =	vld.idx.msk [tilespmem:v3+s15+$0x0], $0xffff  }
0x286: {  	v1 =	vor.u32 $0xF, v1;
	_ =	sdelay $0x3  }
0x287: {  	[tilespmem:s30+$0x1B720] =	vst v2  }
0x288: {  	p1 =	por p0, p0;
	v1 =	vld.idx.msk [tilespmem:v1+s15+$0x0], $0xffff  }
.Ltmp4:
0x289: {  	_ = 	snop;
	(pc) =	sbr.rel @p1 .LBB2_10-.Ltmp4, $2  }
0x28a: {  	_ =	sdelay $0x2  }
0x28b: {  	p0 =	por $0x0, $0x0;
	[tilespmem:s30+$0x1B7A0] =	vst v1;
	s30 =	simm.s32 $0x10  }
0x28c: {  	s1 =	sor.u32 $0x3, s26  }
0x28d: {  	s26 =	sshll.u32 s1, $0x7  }
0x28e: {  	s1 =	sand.u32 $0x3FFFFF80, s26  }
0x28f: {  	v1 =	vmov s1;
	_ =	sdelay $0x1  }
0x290: {  	s28 =	simm.s32 $0x0;
	p0 =	por $0x1, $0x1  }
.LBB2_12:
0x291: {  	s1 =	sshll.u32 s28, $0x4  }
0x292: {  	s1 =	sand.u32 $0x3FFFFFF0, s1  }
0x293: {  	v2 =	vld.idx.msk [tilespmem:v1+s1+$0x0 ss:$0x1], $0xffff;
	_ =	sdelay $0x4  }
0x294: {  	v2 =	vshll.u32 v2, $0x4  }
0x295: {  	(v2sf) =	vpush v2, $0x0;
	_ =	sdelay $0x1  }
0x296: {  	(v2sf) =	vpush v2, $0x1;
	_ =	sdelay $0x2  }
0x297: {  	(v2sf) =	vpush v2, $0x2;
	_ =	sdelay $0x4  }
0x298: {  	(v2sf) =	vpush v2, $0x3;
	_ =	sdelay $0x4  }
0x299: {  	s30 =	spop (v2sf);
	(v2sf) =	vpush v2, $0x4  }
0x29a: {  	s31 =	sshll.u32 s28, $0xE  }
0x29b: {  	s28 =	sand.u32 $0x3FFFC000, s31;
	s1 =	sand.u32 $0xFFFFF80, s30;
	s30 =	spop (v2sf);
	(v2sf) =	vpush v2, $0x5  }
0x29c: {  	s31 =	sadd.s32 $0x9800, s28;
	s1 =	sadd.s32 s3, s1  }
0x29d: {  	[tilespmem:s31], [sflag:$0x2] =	stream.linear.gather [hbm4b:s1+s2], $0x400, $0x38;
	[tilespmem:$0x1B800] =	vst v63  }
0x29e: {  	s1 =	sand.u32 $0xFFFFF80, s30;
	s30 =	spop (v2sf);
	(v2sf) =	vpush v2, $0x6;
	_ =	sdelay $0x2  }
0x29f: {  	s31 =	sadd.s32 $0x9C00, s28;
	s1 =	sadd.s32 s3, s1  }
0x2a0: {  	[tilespmem:s31], [sflag:$0x2] =	stream.linear.gather [hbm4b:s1+s2], $0x400, $0x38;
	[tilespmem:$0x1B800] =	vst v63  }
0x2a1: {  	s1 =	sand.u32 $0xFFFFF80, s30;
	s30 =	spop (v2sf);
	(v2sf) =	vpush v2, $0x7;
	_ =	sdelay $0x1  }
0x2a2: {  	s31 =	sadd.s32 $0xA000, s28;
	s1 =	sadd.s32 s3, s1  }
0x2a3: {  	[tilespmem:s31], [sflag:$0x2] =	stream.linear.gather [hbm4b:s1+s2], $0x400, $0x38;
	[tilespmem:$0x1B800] =	vst v63  }
0x2a4: {  	s1 =	sand.u32 $0xFFFFF80, s30  }
0x2a5: {  	s31 =	sadd.s32 $0xA400, s28;
	s1 =	sadd.s32 s3, s1;
	s30 =	spop (v2sf);
	(v2sf) =	vpush v2, $0x8  }
0x2a6: {  	[tilespmem:s31], [sflag:$0x2] =	stream.linear.gather [hbm4b:s1+s2], $0x400, $0x38;
	[tilespmem:$0x1B800] =	vst v63  }
0x2a7: {  	s1 =	sand.u32 $0xFFFFF80, s30;
	s30 =	spop (v2sf);
	(v2sf) =	vpush v2, $0x9  }
0x2a8: {  	s31 =	sadd.s32 $0xA800, s28;
	s1 =	sadd.s32 s3, s1  }
0x2a9: {  	[tilespmem:s31], [sflag:$0x2] =	stream.linear.gather [hbm4b:s1+s2], $0x400, $0x38;
	[tilespmem:$0x1B800] =	vst v63  }
0x2aa: {  	s1 =	sand.u32 $0xFFFFF80, s30;
	s30 =	spop (v2sf);
	(v2sf) =	vpush v2, $0xA;
	_ =	sdelay $0x2  }
0x2ab: {  	s31 =	sadd.s32 $0xAC00, s28;
	s1 =	sadd.s32 s3, s1  }
0x2ac: {  	[tilespmem:s31], [sflag:$0x2] =	stream.linear.gather [hbm4b:s1+s2], $0x400, $0x38;
	[tilespmem:$0x1B800] =	vst v63  }
0x2ad: {  	s1 =	sand.u32 $0xFFFFF80, s30;
	s30 =	spop (v2sf);
	(v2sf) =	vpush v2, $0xB;
	_ =	sdelay $0x1  }
0x2ae: {  	s31 =	sadd.s32 $0xB000, s28;
	s1 =	sadd.s32 s3, s1  }
0x2af: {  	[tilespmem:s31], [sflag:$0x2] =	stream.linear.gather [hbm4b:s1+s2], $0x400, $0x38;
	[tilespmem:$0x1B800] =	vst v63  }
0x2b0: {  	s1 =	sand.u32 $0xFFFFF80, s30  }
0x2b1: {  	s31 =	sadd.s32 $0xB400, s28;
	s1 =	sadd.s32 s3, s1;
	s30 =	spop (v2sf);
	(v2sf) =	vpush v2, $0xC  }
0x2b2: {  	[tilespmem:s31], [sflag:$0x2] =	stream.linear.gather [hbm4b:s1+s2], $0x400, $0x38;
	[tilespmem:$0x1B800] =	vst v63  }
0x2b3: {  	s1 =	sand.u32 $0xFFFFF80, s30;
	s30 =	spop (v2sf);
	(v2sf) =	vpush v2, $0xD  }
0x2b4: {  	s31 =	sadd.s32 $0xB800, s28;
	s1 =	sadd.s32 s3, s1  }
0x2b5: {  	[tilespmem:s31], [sflag:$0x2] =	stream.linear.gather [hbm4b:s1+s2], $0x400, $0x38;
	[tilespmem:$0x1B800] =	vst v63  }
0x2b6: {  	s1 =	sand.u32 $0xFFFFF80, s30;
	s30 =	spop (v2sf);
	(v2sf) =	vpush v2, $0xE;
	_ =	sdelay $0x1  }
0x2b7: {  	s31 =	sadd.s32 $0xBC00, s28;
	s1 =	sadd.s32 s3, s1  }
0x2b8: {  	[tilespmem:s31], [sflag:$0x2] =	stream.linear.gather [hbm4b:s1+s2], $0x400, $0x38;
	[tilespmem:$0x1B800] =	vst v63  }
0x2b9: {  	s1 =	sand.u32 $0xFFFFF80, s30  }
0x2ba: {  	s31 =	sadd.s32 $0xC000, s28;
	s30 =	spop (v2sf);
	(v2sf) =	vpush v2, $0xF;
	s1 =	sadd.s32 s3, s1  }
0x2bb: {  	[tilespmem:s31], [sflag:$0x2] =	stream.linear.gather [hbm4b:s1+s2], $0x400, $0x38;
	[tilespmem:$0x1B800] =	vst v63  }
0x2bc: {  	s1 =	sand.u32 $0xFFFFF80, s30  }
0x2bd: {  	s31 =	sadd.s32 $0xC400, s28;
	s1 =	sadd.s32 s3, s1  }
0x2be: {  	[tilespmem:s31], [sflag:$0x2] =	stream.linear.gather [hbm4b:s1+s2], $0x400, $0x38;
	[tilespmem:$0x1B800] =	vst v63  }
0x2bf: {  	s30 =	spop (v2sf)  }
0x2c0: {  	s1 =	sand.u32 $0xFFFFF80, s30  }
0x2c1: {  	s31 =	sadd.s32 $0xC800, s28;
	s30 =	spop (v2sf);
	s1 =	sadd.s32 s3, s1  }
0x2c2: {  	[tilespmem:s31], [sflag:$0x2] =	stream.linear.gather [hbm4b:s1+s2], $0x400, $0x38;
	[tilespmem:$0x1B800] =	vst v63  }
0x2c3: {  	s1 =	sand.u32 $0xFFFFF80, s30  }
0x2c4: {  	s31 =	sadd.s32 $0xCC00, s28;
	s30 =	spop (v2sf);
	s1 =	sadd.s32 s3, s1  }
0x2c5: {  	[tilespmem:s31], [sflag:$0x2] =	stream.linear.gather [hbm4b:s1+s2], $0x400, $0x38;
	[tilespmem:$0x1B800] =	vst v63  }
0x2c6: {  	s1 =	sand.u32 $0xFFFFF80, s30  }
0x2c7: {  	p1 =	por p0, p0;
	s31 =	sadd.s32 $0xD000, s28;
	s1 =	sadd.s32 s3, s1  }
0x2c8: {  	[tilespmem:s31], [sflag:$0x2] =	stream.linear.gather [hbm4b:s1+s2], $0x400, $0x38;
	[tilespmem:$0x1B800] =	vst v63  }
.Ltmp5:
0x2c9: {  	s31 =	spop (v2sf);
	(pc) =	sbr.rel @p1 .LBB2_12-.Ltmp5, $4  }
0x2ca: {  	s1 =	sand.u32 $0xFFFFF80, s31  }
0x2cb: {  	s28 =	sadd.s32 $0xD400, s28;
	s1 =	sadd.s32 s3, s1  }
0x2cc: {  	[tilespmem:s28], [sflag:$0x2] =	stream.linear.gather [hbm4b:s1+s2], $0x400, $0x38;
	[tilespmem:$0x1B800] =	vst v63  }
0x2cd: {  	p0 =	por $0x0, $0x0;
	s28 =	simm.s32 $0x1  }
0x2ce: {  	_ =	swait.ge [sflag:s16], $0x8000  }
0x2cf: {  	[sflag:s16] =	ssyncset.done $0x0  }
0x2d0: {  	s28 =	simm.s32 $0x0;
	p0 =	por $0x1, $0x1;
	[sflag:s16] =	ssyncadd.s32 $0xFFFF8000  }
.LBB2_14:
0x2d1: {  	s30 =	sor.u32 s29, s28  }
0x2d2: {  	v1 =	vld [tilespmem:s30+$0x0];
	_ =	sdelay $0x3  }
0x2d3: {  	v2 =	vmov s28  }
0x2d4: {  	v2 =	vshll.u32 v2, $0xA;
	v1 =	vshll.u32 v1, $0x7  }
0x2d5: {  	v2 =	vor.u32 v0, v2;
	v1 =	vand.u32 $0x380, v1  }
0x2d6: {  	v1 =	vor.u32 v2, v1;
	_ =	sdelay $0x4  }
0x2d7: {  	v2 =	vld.idx.msk [tilespmem:v1+s17+$0x0], $0xffff  }
0x2d8: {  	v3 =	vor.u32 $0x1, v1;
	_ =	sdelay $0x3  }
0x2d9: {  	[tilespmem:s28+$0x19840] =	vst v2  }
0x2da: {  	v2 =	vld.idx.msk [tilespmem:v3+s17+$0x0], $0xffff  }
0x2db: {  	v3 =	vor.u32 $0x2, v1;
	_ =	sdelay $0x3  }
0x2dc: {  	[tilespmem:s28+$0x198C0] =	vst v2  }
0x2dd: {  	v2 =	vld.idx.msk [tilespmem:v3+s17+$0x0], $0xffff  }
0x2de: {  	v3 =	vor.u32 $0x3, v1;
	_ =	sdelay $0x3  }
0x2df: {  	[tilespmem:s28+$0x19940] =	vst v2  }
0x2e0: {  	v2 =	vld.idx.msk [tilespmem:v3+s17+$0x0], $0xffff  }
0x2e1: {  	v3 =	vor.u32 $0x4, v1;
	_ =	sdelay $0x3  }
0x2e2: {  	[tilespmem:s28+$0x199C0] =	vst v2  }
0x2e3: {  	v2 =	vld.idx.msk [tilespmem:v3+s17+$0x0], $0xffff  }
0x2e4: {  	v3 =	vor.u32 $0x5, v1;
	_ =	sdelay $0x3  }
0x2e5: {  	[tilespmem:s28+$0x19A40] =	vst v2  }
0x2e6: {  	v2 =	vld.idx.msk [tilespmem:v3+s17+$0x0], $0xffff  }
0x2e7: {  	v3 =	vor.u32 $0x6, v1;
	_ =	sdelay $0x3  }
0x2e8: {  	[tilespmem:s28+$0x19AC0] =	vst v2  }
0x2e9: {  	v2 =	vld.idx.msk [tilespmem:v3+s17+$0x0], $0xffff  }
0x2ea: {  	v3 =	vor.u32 $0x7, v1;
	_ =	sdelay $0x3  }
0x2eb: {  	[tilespmem:s28+$0x19B40] =	vst v2  }
0x2ec: {  	v2 =	vld.idx.msk [tilespmem:v3+s17+$0x0], $0xffff  }
0x2ed: {  	v3 =	vor.u32 $0x8, v1;
	_ =	sdelay $0x3  }
0x2ee: {  	[tilespmem:s28+$0x19BC0] =	vst v2  }
0x2ef: {  	v2 =	vld.idx.msk [tilespmem:v3+s17+$0x0], $0xffff  }
0x2f0: {  	v3 =	vor.u32 $0x9, v1;
	_ =	sdelay $0x3  }
0x2f1: {  	[tilespmem:s28+$0x19C40] =	vst v2  }
0x2f2: {  	v2 =	vld.idx.msk [tilespmem:v3+s17+$0x0], $0xffff  }
0x2f3: {  	v3 =	vor.u32 $0xA, v1;
	_ =	sdelay $0x3  }
0x2f4: {  	[tilespmem:s28+$0x19CC0] =	vst v2  }
0x2f5: {  	v2 =	vld.idx.msk [tilespmem:v3+s17+$0x0], $0xffff  }
0x2f6: {  	v3 =	vor.u32 $0xB, v1;
	_ =	sdelay $0x3  }
0x2f7: {  	[tilespmem:s28+$0x19D40] =	vst v2  }
0x2f8: {  	v2 =	vld.idx.msk [tilespmem:v3+s17+$0x0], $0xffff  }
0x2f9: {  	v3 =	vor.u32 $0xC, v1;
	_ =	sdelay $0x3  }
0x2fa: {  	[tilespmem:s28+$0x19DC0] =	vst v2  }
0x2fb: {  	v2 =	vld.idx.msk [tilespmem:v3+s17+$0x0], $0xffff  }
0x2fc: {  	v3 =	vor.u32 $0xD, v1;
	_ =	sdelay $0x3  }
0x2fd: {  	[tilespmem:s28+$0x19E40] =	vst v2  }
0x2fe: {  	v2 =	vld.idx.msk [tilespmem:v3+s17+$0x0], $0xffff  }
0x2ff: {  	v3 =	vor.u32 $0xE, v1;
	_ =	sdelay $0x3  }
0x300: {  	[tilespmem:s28+$0x19EC0] =	vst v2  }
0x301: {  	v2 =	vld.idx.msk [tilespmem:v3+s17+$0x0], $0xffff  }
0x302: {  	v3 =	vor.u32 $0xF, v1;
	_ =	sdelay $0x3  }
0x303: {  	[tilespmem:s28+$0x19F40] =	vst v2  }
0x304: {  	v2 =	vld.idx.msk [tilespmem:v3+s17+$0x0], $0xffff  }
0x305: {  	v3 =	vor.u32 $0x10, v1;
	_ =	sdelay $0x3  }
0x306: {  	[tilespmem:s28+$0x19FC0] =	vst v2  }
0x307: {  	v2 =	vld.idx.msk [tilespmem:v3+s17+$0x0], $0xffff  }
0x308: {  	v3 =	vor.u32 $0x11, v1;
	_ =	sdelay $0x3  }
0x309: {  	[tilespmem:s28+$0x1A040] =	vst v2  }
0x30a: {  	v2 =	vld.idx.msk [tilespmem:v3+s17+$0x0], $0xffff  }
0x30b: {  	v3 =	vor.u32 $0x12, v1;
	_ =	sdelay $0x3  }
0x30c: {  	[tilespmem:s28+$0x1A0C0] =	vst v2  }
0x30d: {  	v2 =	vld.idx.msk [tilespmem:v3+s17+$0x0], $0xffff  }
0x30e: {  	v3 =	vor.u32 $0x13, v1;
	_ =	sdelay $0x3  }
0x30f: {  	[tilespmem:s28+$0x1A140] =	vst v2  }
0x310: {  	v2 =	vld.idx.msk [tilespmem:v3+s17+$0x0], $0xffff  }
0x311: {  	v3 =	vor.u32 $0x14, v1;
	_ =	sdelay $0x3  }
0x312: {  	[tilespmem:s28+$0x1A1C0] =	vst v2  }
0x313: {  	v2 =	vld.idx.msk [tilespmem:v3+s17+$0x0], $0xffff  }
0x314: {  	v3 =	vor.u32 $0x15, v1;
	_ =	sdelay $0x3  }
0x315: {  	[tilespmem:s28+$0x1A240] =	vst v2  }
0x316: {  	v2 =	vld.idx.msk [tilespmem:v3+s17+$0x0], $0xffff  }
0x317: {  	v3 =	vor.u32 $0x16, v1;
	_ =	sdelay $0x3  }
0x318: {  	[tilespmem:s28+$0x1A2C0] =	vst v2  }
0x319: {  	v2 =	vld.idx.msk [tilespmem:v3+s17+$0x0], $0xffff  }
0x31a: {  	v3 =	vor.u32 $0x17, v1;
	_ =	sdelay $0x3  }
0x31b: {  	[tilespmem:s28+$0x1A340] =	vst v2  }
0x31c: {  	v2 =	vld.idx.msk [tilespmem:v3+s17+$0x0], $0xffff  }
0x31d: {  	v3 =	vor.u32 $0x18, v1;
	_ =	sdelay $0x3  }
0x31e: {  	[tilespmem:s28+$0x1A3C0] =	vst v2  }
0x31f: {  	v2 =	vld.idx.msk [tilespmem:v3+s17+$0x0], $0xffff  }
0x320: {  	v3 =	vor.u32 $0x19, v1;
	_ =	sdelay $0x3  }
0x321: {  	[tilespmem:s28+$0x1A440] =	vst v2  }
0x322: {  	v2 =	vld.idx.msk [tilespmem:v3+s17+$0x0], $0xffff  }
0x323: {  	v3 =	vor.u32 $0x1A, v1;
	_ =	sdelay $0x3  }
0x324: {  	[tilespmem:s28+$0x1A4C0] =	vst v2  }
0x325: {  	v2 =	vld.idx.msk [tilespmem:v3+s17+$0x0], $0xffff  }
0x326: {  	v3 =	vor.u32 $0x1B, v1;
	_ =	sdelay $0x3  }
0x327: {  	[tilespmem:s28+$0x1A540] =	vst v2  }
0x328: {  	v2 =	vld.idx.msk [tilespmem:v3+s17+$0x0], $0xffff  }
0x329: {  	v3 =	vor.u32 $0x1C, v1;
	_ =	sdelay $0x3  }
0x32a: {  	[tilespmem:s28+$0x1A5C0] =	vst v2  }
0x32b: {  	v2 =	vld.idx.msk [tilespmem:v3+s17+$0x0], $0xffff  }
0x32c: {  	v3 =	vor.u32 $0x1D, v1;
	_ =	sdelay $0x3  }
0x32d: {  	[tilespmem:s28+$0x1A640] =	vst v2  }
0x32e: {  	v2 =	vld.idx.msk [tilespmem:v3+s17+$0x0], $0xffff  }
0x32f: {  	v3 =	vor.u32 $0x1E, v1;
	_ =	sdelay $0x3  }
0x330: {  	[tilespmem:s28+$0x1A6C0] =	vst v2  }
0x331: {  	v2 =	vld.idx.msk [tilespmem:v3+s17+$0x0], $0xffff  }
0x332: {  	v1 =	vor.u32 $0x1F, v1;
	_ =	sdelay $0x3  }
0x333: {  	[tilespmem:s28+$0x1A740] =	vst v2  }
0x334: {  	v1 =	vld.idx.msk [tilespmem:v1+s17+$0x0], $0xffff;
	_ =	sdelay $0x4  }
0x335: {  	[tilespmem:s28+$0x1A7C0] =	vst v1  }
0x336: {  	v1 =	vld [tilespmem:s30+$0x800];
	_ =	sdelay $0x4  }
0x337: {  	v1 =	vshll.u32 v1, $0x4;
	_ =	sdelay $0x4  }
0x338: {  	v2 =	vld.idx.msk [tilespmem:v1+s14+$0x0], $0xffff  }
0x339: {  	v3 =	vor.u32 $0x1, v1;
	_ =	sdelay $0x3  }
0x33a: {  	[tilespmem:s28+$0x1A840] =	vst v2  }
0x33b: {  	v2 =	vld.idx.msk [tilespmem:v3+s14+$0x0], $0xffff  }
0x33c: {  	v3 =	vor.u32 $0x2, v1;
	_ =	sdelay $0x3  }
0x33d: {  	[tilespmem:s28+$0x1A8C0] =	vst v2  }
0x33e: {  	v2 =	vld.idx.msk [tilespmem:v3+s14+$0x0], $0xffff  }
0x33f: {  	v3 =	vor.u32 $0x3, v1;
	_ =	sdelay $0x3  }
0x340: {  	[tilespmem:s28+$0x1A940] =	vst v2  }
0x341: {  	v2 =	vld.idx.msk [tilespmem:v3+s14+$0x0], $0xffff  }
0x342: {  	v3 =	vor.u32 $0x4, v1;
	_ =	sdelay $0x3  }
0x343: {  	[tilespmem:s28+$0x1A9C0] =	vst v2  }
0x344: {  	v2 =	vld.idx.msk [tilespmem:v3+s14+$0x0], $0xffff  }
0x345: {  	v3 =	vor.u32 $0x5, v1;
	_ =	sdelay $0x3  }
0x346: {  	[tilespmem:s28+$0x1AA40] =	vst v2  }
0x347: {  	v2 =	vld.idx.msk [tilespmem:v3+s14+$0x0], $0xffff  }
0x348: {  	v3 =	vor.u32 $0x6, v1;
	_ =	sdelay $0x3  }
0x349: {  	[tilespmem:s28+$0x1AAC0] =	vst v2  }
0x34a: {  	v2 =	vld.idx.msk [tilespmem:v3+s14+$0x0], $0xffff  }
0x34b: {  	v3 =	vor.u32 $0x7, v1;
	_ =	sdelay $0x3  }
0x34c: {  	[tilespmem:s28+$0x1AB40] =	vst v2  }
0x34d: {  	v2 =	vld.idx.msk [tilespmem:v3+s14+$0x0], $0xffff  }
0x34e: {  	v3 =	vor.u32 $0x8, v1;
	_ =	sdelay $0x3  }
0x34f: {  	[tilespmem:s28+$0x1ABC0] =	vst v2  }
0x350: {  	v2 =	vld.idx.msk [tilespmem:v3+s14+$0x0], $0xffff  }
0x351: {  	v3 =	vor.u32 $0x9, v1;
	_ =	sdelay $0x3  }
0x352: {  	[tilespmem:s28+$0x1AC40] =	vst v2  }
0x353: {  	v2 =	vld.idx.msk [tilespmem:v3+s14+$0x0], $0xffff  }
0x354: {  	v3 =	vor.u32 $0xA, v1;
	_ =	sdelay $0x3  }
0x355: {  	[tilespmem:s28+$0x1ACC0] =	vst v2  }
0x356: {  	v2 =	vld.idx.msk [tilespmem:v3+s14+$0x0], $0xffff  }
0x357: {  	v3 =	vor.u32 $0xB, v1;
	_ =	sdelay $0x3  }
0x358: {  	[tilespmem:s28+$0x1AD40] =	vst v2  }
0x359: {  	v2 =	vld.idx.msk [tilespmem:v3+s14+$0x0], $0xffff  }
0x35a: {  	v3 =	vor.u32 $0xC, v1;
	_ =	sdelay $0x3  }
0x35b: {  	[tilespmem:s28+$0x1ADC0] =	vst v2  }
0x35c: {  	v2 =	vld.idx.msk [tilespmem:v3+s14+$0x0], $0xffff  }
0x35d: {  	v3 =	vor.u32 $0xD, v1;
	_ =	sdelay $0x3  }
0x35e: {  	[tilespmem:s28+$0x1AE40] =	vst v2  }
0x35f: {  	v2 =	vld.idx.msk [tilespmem:v3+s14+$0x0], $0xffff  }
0x360: {  	v3 =	vor.u32 $0xE, v1;
	_ =	sdelay $0x3  }
0x361: {  	[tilespmem:s28+$0x1AEC0] =	vst v2  }
0x362: {  	v2 =	vld.idx.msk [tilespmem:v3+s14+$0x0], $0xffff  }
0x363: {  	v1 =	vor.u32 $0xF, v1;
	_ =	sdelay $0x3  }
0x364: {  	[tilespmem:s28+$0x1AF40] =	vst v2  }
0x365: {  	v1 =	vld.idx.msk [tilespmem:v1+s14+$0x0], $0xffff;
	_ =	sdelay $0x4  }
0x366: {  	[tilespmem:s28+$0x1AFC0] =	vst v1  }
0x367: {  	v1 =	vld [tilespmem:s30+$0x1000];
	_ =	sdelay $0x4  }
0x368: {  	v1 =	vshll.u32 v1, $0x4;
	_ =	sdelay $0x4  }
0x369: {  	v2 =	vld.idx.msk [tilespmem:v1+s15+$0x0], $0xffff  }
0x36a: {  	v3 =	vor.u32 $0x1, v1;
	_ =	sdelay $0x3  }
0x36b: {  	[tilespmem:s28+$0x1B040] =	vst v2  }
0x36c: {  	v2 =	vld.idx.msk [tilespmem:v3+s15+$0x0], $0xffff  }
0x36d: {  	v3 =	vor.u32 $0x2, v1;
	_ =	sdelay $0x3  }
0x36e: {  	[tilespmem:s28+$0x1B0C0] =	vst v2  }
0x36f: {  	v2 =	vld.idx.msk [tilespmem:v3+s15+$0x0], $0xffff  }
0x370: {  	v3 =	vor.u32 $0x3, v1;
	_ =	sdelay $0x3  }
0x371: {  	[tilespmem:s28+$0x1B140] =	vst v2  }
0x372: {  	v2 =	vld.idx.msk [tilespmem:v3+s15+$0x0], $0xffff  }
0x373: {  	v3 =	vor.u32 $0x4, v1;
	_ =	sdelay $0x3  }
0x374: {  	[tilespmem:s28+$0x1B1C0] =	vst v2  }
0x375: {  	v2 =	vld.idx.msk [tilespmem:v3+s15+$0x0], $0xffff  }
0x376: {  	v3 =	vor.u32 $0x5, v1;
	_ =	sdelay $0x3  }
0x377: {  	[tilespmem:s28+$0x1B240] =	vst v2  }
0x378: {  	v2 =	vld.idx.msk [tilespmem:v3+s15+$0x0], $0xffff  }
0x379: {  	v3 =	vor.u32 $0x6, v1;
	_ =	sdelay $0x3  }
0x37a: {  	[tilespmem:s28+$0x1B2C0] =	vst v2  }
0x37b: {  	v2 =	vld.idx.msk [tilespmem:v3+s15+$0x0], $0xffff  }
0x37c: {  	v3 =	vor.u32 $0x7, v1;
	_ =	sdelay $0x3  }
0x37d: {  	[tilespmem:s28+$0x1B340] =	vst v2  }
0x37e: {  	v2 =	vld.idx.msk [tilespmem:v3+s15+$0x0], $0xffff  }
0x37f: {  	v3 =	vor.u32 $0x8, v1;
	_ =	sdelay $0x3  }
0x380: {  	[tilespmem:s28+$0x1B3C0] =	vst v2  }
0x381: {  	v2 =	vld.idx.msk [tilespmem:v3+s15+$0x0], $0xffff  }
0x382: {  	v3 =	vor.u32 $0x9, v1;
	_ =	sdelay $0x3  }
0x383: {  	[tilespmem:s28+$0x1B440] =	vst v2  }
0x384: {  	v2 =	vld.idx.msk [tilespmem:v3+s15+$0x0], $0xffff  }
0x385: {  	v3 =	vor.u32 $0xA, v1;
	_ =	sdelay $0x3  }
0x386: {  	[tilespmem:s28+$0x1B4C0] =	vst v2  }
0x387: {  	v2 =	vld.idx.msk [tilespmem:v3+s15+$0x0], $0xffff  }
0x388: {  	v3 =	vor.u32 $0xB, v1;
	_ =	sdelay $0x3  }
0x389: {  	[tilespmem:s28+$0x1B540] =	vst v2  }
0x38a: {  	v2 =	vld.idx.msk [tilespmem:v3+s15+$0x0], $0xffff  }
0x38b: {  	v3 =	vor.u32 $0xC, v1;
	_ =	sdelay $0x3  }
0x38c: {  	[tilespmem:s28+$0x1B5C0] =	vst v2  }
0x38d: {  	v2 =	vld.idx.msk [tilespmem:v3+s15+$0x0], $0xffff  }
0x38e: {  	v3 =	vor.u32 $0xD, v1;
	_ =	sdelay $0x3  }
0x38f: {  	[tilespmem:s28+$0x1B640] =	vst v2  }
0x390: {  	v2 =	vld.idx.msk [tilespmem:v3+s15+$0x0], $0xffff  }
0x391: {  	v3 =	vor.u32 $0xE, v1;
	_ =	sdelay $0x3  }
0x392: {  	[tilespmem:s28+$0x1B6C0] =	vst v2  }
0x393: {  	v2 =	vld.idx.msk [tilespmem:v3+s15+$0x0], $0xffff  }
0x394: {  	v1 =	vor.u32 $0xF, v1;
	_ =	sdelay $0x3  }
0x395: {  	[tilespmem:s28+$0x1B740] =	vst v2  }
0x396: {  	p1 =	por p0, p0;
	v1 =	vld.idx.msk [tilespmem:v1+s15+$0x0], $0xffff  }
.Ltmp6:
0x397: {  	_ = 	snop;
	(pc) =	sbr.rel @p1 .LBB2_14-.Ltmp6, $2  }
0x398: {  	_ =	sdelay $0x2  }
0x399: {  	p0 =	por $0x0, $0x0;
	[tilespmem:s28+$0x1B7C0] =	vst v1;
	s28 =	simm.s32 $0x10  }
0x39a: {  	p0 =	seq.s32 s24, $0x3  }
.Ltmp7:
0x39b: {  	_ = 	snop;
	(pc) =	sbr.rel @p0 .LBB2_18-.Ltmp7, $1  }
0x39c: {  	_ =	sdelay $0x3  }
0x39d: {  	s1 =	sand.u32 $0x3FFFFE00, s25  }
0x39e: {  	s1 =	sadd.s32 $0x200, s1  }
0x39f: {  	v1 =	vmov s1;
	_ =	sdelay $0x1  }
0x3a0: {  	s25 =	simm.s32 $0x0;
	p0 =	por $0x1, $0x1  }
.LBB2_17:
0x3a1: {  	s1 =	sshll.u32 s25, $0x4  }
0x3a2: {  	s1 =	sand.u32 $0x3FFFFFF0, s1  }
0x3a3: {  	v2 =	vld.idx.msk [tilespmem:v1+s1+$0x0 ss:$0x1], $0xffff;
	_ =	sdelay $0x4  }
0x3a4: {  	v2 =	vshll.u32 v2, $0x4  }
0x3a5: {  	(v2sf) =	vpush v2, $0x0;
	_ =	sdelay $0x1  }
0x3a6: {  	(v2sf) =	vpush v2, $0x1;
	_ =	sdelay $0x1  }
0x3a7: {  	(v2sf) =	vpush v2, $0x2;
	_ =	sdelay $0x4  }
0x3a8: {  	(v2sf) =	vpush v2, $0x3;
	_ =	sdelay $0x5  }
0x3a9: {  	s28 =	spop (v2sf);
	(v2sf) =	vpush v2, $0x4  }
0x3aa: {  	s30 =	sshll.u32 s25, $0xE  }
0x3ab: {  	s25 =	sand.u32 $0x3FFFC000, s30;
	s30 =	spop (v2sf);
	(v2sf) =	vpush v2, $0x5;
	_ =	sdelay $0x1  }
0x3ac: {  	s31 =	sand.u32 $0xFFFFF80, s28;
	s28 =	spop (v2sf);
	(v2sf) =	vpush v2, $0x6;
	_ =	sdelay $0x2  }
0x3ad: {  	s29 =	sor.u32 $0x1800, s25;
	s1 =	sadd.s32 s3, s31  }
0x3ae: {  	[tilespmem:s29], [sflag:$0x1] =	stream.linear.gather [hbm4b:s1+s2], $0x400, $0x38;
	[tilespmem:$0x1B800] =	vst v63  }
0x3af: {  	s1 =	sand.u32 $0xFFFFF80, s30;
	s30 =	spop (v2sf);
	(v2sf) =	vpush v2, $0x7  }
0x3b0: {  	s31 =	sor.u32 $0x1C00, s25;
	s1 =	sadd.s32 s3, s1  }
0x3b1: {  	[tilespmem:s31], [sflag:$0x1] =	stream.linear.gather [hbm4b:s1+s2], $0x400, $0x38;
	[tilespmem:$0x1B800] =	vst v63  }
0x3b2: {  	s1 =	sand.u32 $0xFFFFF80, s28  }
0x3b3: {  	s29 =	sor.u32 $0x2000, s25;
	s1 =	sadd.s32 s3, s1  }
0x3b4: {  	[tilespmem:s29], [sflag:$0x1] =	stream.linear.gather [hbm4b:s1+s2], $0x400, $0x38;
	[tilespmem:$0x1B800] =	vst v63  }
0x3b5: {  	s28 =	spop (v2sf);
	(v2sf) =	vpush v2, $0x8  }
0x3b6: {  	s1 =	sand.u32 $0xFFFFF80, s30  }
0x3b7: {  	s31 =	sor.u32 $0x2400, s25;
	s1 =	sadd.s32 s3, s1;
	s30 =	spop (v2sf);
	(v2sf) =	vpush v2, $0x9  }
0x3b8: {  	[tilespmem:s31], [sflag:$0x1] =	stream.linear.gather [hbm4b:s1+s2], $0x400, $0x38;
	[tilespmem:$0x1B800] =	vst v63  }
0x3b9: {  	s1 =	sand.u32 $0xFFFFF80, s28;
	s28 =	spop (v2sf);
	(v2sf) =	vpush v2, $0xA;
	_ =	sdelay $0x1  }
0x3ba: {  	s29 =	sor.u32 $0x2800, s25;
	s1 =	sadd.s32 s3, s1  }
0x3bb: {  	[tilespmem:s29], [sflag:$0x1] =	stream.linear.gather [hbm4b:s1+s2], $0x400, $0x38;
	[tilespmem:$0x1B800] =	vst v63  }
0x3bc: {  	s1 =	sand.u32 $0xFFFFF80, s30  }
0x3bd: {  	s31 =	sor.u32 $0x2C00, s25;
	s30 =	spop (v2sf);
	s1 =	sadd.s32 s3, s1  }
0x3be: {  	(v2sf) =	vpush v2, $0xB;
	[tilespmem:s31], [sflag:$0x1] =	stream.linear.gather [hbm4b:s1+s2], $0x400, $0x38;
	[tilespmem:$0x1B800] =	vst v63  }
0x3bf: {  	s1 =	sand.u32 $0xFFFFF80, s28  }
0x3c0: {  	s29 =	sor.u32 $0x3000, s25;
	s1 =	sadd.s32 s3, s1  }
0x3c1: {  	[tilespmem:s29], [sflag:$0x1] =	stream.linear.gather [hbm4b:s1+s2], $0x400, $0x38;
	[tilespmem:$0x1B800] =	vst v63  }
0x3c2: {  	s1 =	sand.u32 $0xFFFFF80, s30  }
0x3c3: {  	s31 =	sor.u32 $0x3400, s25;
	s1 =	sadd.s32 s3, s1;
	s28 =	spop (v2sf);
	(v2sf) =	vpush v2, $0xC  }
0x3c4: {  	[tilespmem:s31], [sflag:$0x1] =	stream.linear.gather [hbm4b:s1+s2], $0x400, $0x38;
	[tilespmem:$0x1B800] =	vst v63  }
0x3c5: {  	s30 =	spop (v2sf);
	(v2sf) =	vpush v2, $0xD  }
0x3c6: {  	s1 =	sand.u32 $0xFFFFF80, s28  }
0x3c7: {  	s29 =	sor.u32 $0x3800, s25;
	s1 =	sadd.s32 s3, s1;
	s28 =	spop (v2sf)  }
0x3c8: {  	(v2sf) =	vpush v2, $0xE;
	[tilespmem:s29], [sflag:$0x1] =	stream.linear.gather [hbm4b:s1+s2], $0x400, $0x38;
	[tilespmem:$0x1B800] =	vst v63  }
0x3c9: {  	s1 =	sand.u32 $0xFFFFF80, s30  }
0x3ca: {  	s31 =	sor.u32 $0x3C00, s25;
	s1 =	sadd.s32 s3, s1  }
0x3cb: {  	[tilespmem:s31], [sflag:$0x1] =	stream.linear.gather [hbm4b:s1+s2], $0x400, $0x38;
	[tilespmem:$0x1B800] =	vst v63  }
0x3cc: {  	s1 =	sand.u32 $0xFFFFF80, s28  }
0x3cd: {  	s29 =	sadd.s32 $0x4000, s25;
	s30 =	spop (v2sf);
	(v2sf) =	vpush v2, $0xF;
	s1 =	sadd.s32 s3, s1  }
0x3ce: {  	[tilespmem:s29], [sflag:$0x1] =	stream.linear.gather [hbm4b:s1+s2], $0x400, $0x38;
	[tilespmem:$0x1B800] =	vst v63  }
0x3cf: {  	s1 =	sand.u32 $0xFFFFF80, s30  }
0x3d0: {  	s31 =	sadd.s32 $0x4400, s25;
	s1 =	sadd.s32 s3, s1  }
0x3d1: {  	[tilespmem:s31], [sflag:$0x1] =	stream.linear.gather [hbm4b:s1+s2], $0x400, $0x38;
	[tilespmem:$0x1B800] =	vst v63  }
0x3d2: {  	s28 =	spop (v2sf)  }
0x3d3: {  	s1 =	sand.u32 $0xFFFFF80, s28  }
0x3d4: {  	s29 =	sadd.s32 $0x4800, s25;
	s30 =	spop (v2sf);
	s1 =	sadd.s32 s3, s1  }
0x3d5: {  	[tilespmem:s29], [sflag:$0x1] =	stream.linear.gather [hbm4b:s1+s2], $0x400, $0x38;
	[tilespmem:$0x1B800] =	vst v63  }
0x3d6: {  	s1 =	sand.u32 $0xFFFFF80, s30  }
0x3d7: {  	s31 =	sadd.s32 $0x4C00, s25;
	s29 =	spop (v2sf);
	s1 =	sadd.s32 s3, s1  }
0x3d8: {  	[tilespmem:s31], [sflag:$0x1] =	stream.linear.gather [hbm4b:s1+s2], $0x400, $0x38;
	[tilespmem:$0x1B800] =	vst v63  }
0x3d9: {  	s1 =	sand.u32 $0xFFFFF80, s29  }
0x3da: {  	p1 =	por p0, p0;
	s30 =	sadd.s32 $0x5000, s25;
	s1 =	sadd.s32 s3, s1  }
0x3db: {  	[tilespmem:s30], [sflag:$0x1] =	stream.linear.gather [hbm4b:s1+s2], $0x400, $0x38;
	[tilespmem:$0x1B800] =	vst v63  }
.Ltmp8:
0x3dc: {  	s31 =	spop (v2sf);
	(pc) =	sbr.rel @p1 .LBB2_17-.Ltmp8, $4  }
0x3dd: {  	s1 =	sand.u32 $0xFFFFF80, s31  }
0x3de: {  	s25 =	sadd.s32 $0x5400, s25;
	s1 =	sadd.s32 s3, s1  }
0x3df: {  	[tilespmem:s25], [sflag:$0x1] =	stream.linear.gather [hbm4b:s1+s2], $0x400, $0x38;
	[tilespmem:$0x1B800] =	vst v63  }
0x3e0: {  	p0 =	por $0x0, $0x0;
	s25 =	simm.s32 $0x1  }
.LBB2_18:
0x3e1: {  	_ =	swait.ge [sflag:s18], $0x8000  }
0x3e2: {  	[sflag:s18] =	ssyncset.done $0x0  }
0x3e3: {  	s25 =	simm.s32 $0x0;
	p0 =	por $0x1, $0x1;
	[sflag:s18] =	ssyncadd.s32 $0xFFFF8000  }
.LBB2_19:
0x3e4: {  	s28 =	sor.u32 s26, s25  }
0x3e5: {  	v1 =	vld [tilespmem:s28+$0x0];
	_ =	sdelay $0x3  }
0x3e6: {  	v2 =	vmov s25  }
0x3e7: {  	v2 =	vshll.u32 v2, $0xA;
	v1 =	vshll.u32 v1, $0x7  }
0x3e8: {  	v2 =	vor.u32 v0, v2;
	v1 =	vand.u32 $0x380, v1  }
0x3e9: {  	v1 =	vor.u32 v2, v1;
	_ =	sdelay $0x4  }
0x3ea: {  	v2 =	vld.idx.msk [tilespmem:v1+s19+$0x0], $0xffff  }
0x3eb: {  	v3 =	vor.u32 $0x1, v1;
	_ =	sdelay $0x3  }
0x3ec: {  	[tilespmem:s25+$0x19860] =	vst v2  }
0x3ed: {  	v2 =	vld.idx.msk [tilespmem:v3+s19+$0x0], $0xffff  }
0x3ee: {  	v3 =	vor.u32 $0x2, v1;
	_ =	sdelay $0x3  }
0x3ef: {  	[tilespmem:s25+$0x198E0] =	vst v2  }
0x3f0: {  	v2 =	vld.idx.msk [tilespmem:v3+s19+$0x0], $0xffff  }
0x3f1: {  	v3 =	vor.u32 $0x3, v1;
	_ =	sdelay $0x3  }
0x3f2: {  	[tilespmem:s25+$0x19960] =	vst v2  }
0x3f3: {  	v2 =	vld.idx.msk [tilespmem:v3+s19+$0x0], $0xffff  }
0x3f4: {  	v3 =	vor.u32 $0x4, v1;
	_ =	sdelay $0x3  }
0x3f5: {  	[tilespmem:s25+$0x199E0] =	vst v2  }
0x3f6: {  	v2 =	vld.idx.msk [tilespmem:v3+s19+$0x0], $0xffff  }
0x3f7: {  	v3 =	vor.u32 $0x5, v1;
	_ =	sdelay $0x3  }
0x3f8: {  	[tilespmem:s25+$0x19A60] =	vst v2  }
0x3f9: {  	v2 =	vld.idx.msk [tilespmem:v3+s19+$0x0], $0xffff  }
0x3fa: {  	v3 =	vor.u32 $0x6, v1;
	_ =	sdelay $0x3  }
0x3fb: {  	[tilespmem:s25+$0x19AE0] =	vst v2  }
0x3fc: {  	v2 =	vld.idx.msk [tilespmem:v3+s19+$0x0], $0xffff  }
0x3fd: {  	v3 =	vor.u32 $0x7, v1;
	_ =	sdelay $0x3  }
0x3fe: {  	[tilespmem:s25+$0x19B60] =	vst v2  }
0x3ff: {  	v2 =	vld.idx.msk [tilespmem:v3+s19+$0x0], $0xffff  }
0x400: {  	v3 =	vor.u32 $0x8, v1;
	_ =	sdelay $0x3  }
0x401: {  	[tilespmem:s25+$0x19BE0] =	vst v2  }
0x402: {  	v2 =	vld.idx.msk [tilespmem:v3+s19+$0x0], $0xffff  }
0x403: {  	v3 =	vor.u32 $0x9, v1;
	_ =	sdelay $0x3  }
0x404: {  	[tilespmem:s25+$0x19C60] =	vst v2  }
0x405: {  	v2 =	vld.idx.msk [tilespmem:v3+s19+$0x0], $0xffff  }
0x406: {  	v3 =	vor.u32 $0xA, v1;
	_ =	sdelay $0x3  }
0x407: {  	[tilespmem:s25+$0x19CE0] =	vst v2  }
0x408: {  	v2 =	vld.idx.msk [tilespmem:v3+s19+$0x0], $0xffff  }
0x409: {  	v3 =	vor.u32 $0xB, v1;
	_ =	sdelay $0x3  }
0x40a: {  	[tilespmem:s25+$0x19D60] =	vst v2  }
0x40b: {  	v2 =	vld.idx.msk [tilespmem:v3+s19+$0x0], $0xffff  }
0x40c: {  	v3 =	vor.u32 $0xC, v1;
	_ =	sdelay $0x3  }
0x40d: {  	[tilespmem:s25+$0x19DE0] =	vst v2  }
0x40e: {  	v2 =	vld.idx.msk [tilespmem:v3+s19+$0x0], $0xffff  }
0x40f: {  	v3 =	vor.u32 $0xD, v1;
	_ =	sdelay $0x3  }
0x410: {  	[tilespmem:s25+$0x19E60] =	vst v2  }
0x411: {  	v2 =	vld.idx.msk [tilespmem:v3+s19+$0x0], $0xffff  }
0x412: {  	v3 =	vor.u32 $0xE, v1;
	_ =	sdelay $0x3  }
0x413: {  	[tilespmem:s25+$0x19EE0] =	vst v2  }
0x414: {  	v2 =	vld.idx.msk [tilespmem:v3+s19+$0x0], $0xffff  }
0x415: {  	v3 =	vor.u32 $0xF, v1;
	_ =	sdelay $0x3  }
0x416: {  	[tilespmem:s25+$0x19F60] =	vst v2  }
0x417: {  	v2 =	vld.idx.msk [tilespmem:v3+s19+$0x0], $0xffff  }
0x418: {  	v3 =	vor.u32 $0x10, v1;
	_ =	sdelay $0x3  }
0x419: {  	[tilespmem:s25+$0x19FE0] =	vst v2  }
0x41a: {  	v2 =	vld.idx.msk [tilespmem:v3+s19+$0x0], $0xffff  }
0x41b: {  	v3 =	vor.u32 $0x11, v1;
	_ =	sdelay $0x3  }
0x41c: {  	[tilespmem:s25+$0x1A060] =	vst v2  }
0x41d: {  	v2 =	vld.idx.msk [tilespmem:v3+s19+$0x0], $0xffff  }
0x41e: {  	v3 =	vor.u32 $0x12, v1;
	_ =	sdelay $0x3  }
0x41f: {  	[tilespmem:s25+$0x1A0E0] =	vst v2  }
0x420: {  	v2 =	vld.idx.msk [tilespmem:v3+s19+$0x0], $0xffff  }
0x421: {  	v3 =	vor.u32 $0x13, v1;
	_ =	sdelay $0x3  }
0x422: {  	[tilespmem:s25+$0x1A160] =	vst v2  }
0x423: {  	v2 =	vld.idx.msk [tilespmem:v3+s19+$0x0], $0xffff  }
0x424: {  	v3 =	vor.u32 $0x14, v1;
	_ =	sdelay $0x3  }
0x425: {  	[tilespmem:s25+$0x1A1E0] =	vst v2  }
0x426: {  	v2 =	vld.idx.msk [tilespmem:v3+s19+$0x0], $0xffff  }
0x427: {  	v3 =	vor.u32 $0x15, v1;
	_ =	sdelay $0x3  }
0x428: {  	[tilespmem:s25+$0x1A260] =	vst v2  }
0x429: {  	v2 =	vld.idx.msk [tilespmem:v3+s19+$0x0], $0xffff  }
0x42a: {  	v3 =	vor.u32 $0x16, v1;
	_ =	sdelay $0x3  }
0x42b: {  	[tilespmem:s25+$0x1A2E0] =	vst v2  }
0x42c: {  	v2 =	vld.idx.msk [tilespmem:v3+s19+$0x0], $0xffff  }
0x42d: {  	v3 =	vor.u32 $0x17, v1;
	_ =	sdelay $0x3  }
0x42e: {  	[tilespmem:s25+$0x1A360] =	vst v2  }
0x42f: {  	v2 =	vld.idx.msk [tilespmem:v3+s19+$0x0], $0xffff  }
0x430: {  	v3 =	vor.u32 $0x18, v1;
	_ =	sdelay $0x3  }
0x431: {  	[tilespmem:s25+$0x1A3E0] =	vst v2  }
0x432: {  	v2 =	vld.idx.msk [tilespmem:v3+s19+$0x0], $0xffff  }
0x433: {  	v3 =	vor.u32 $0x19, v1;
	_ =	sdelay $0x3  }
0x434: {  	[tilespmem:s25+$0x1A460] =	vst v2  }
0x435: {  	v2 =	vld.idx.msk [tilespmem:v3+s19+$0x0], $0xffff  }
0x436: {  	v3 =	vor.u32 $0x1A, v1;
	_ =	sdelay $0x3  }
0x437: {  	[tilespmem:s25+$0x1A4E0] =	vst v2  }
0x438: {  	v2 =	vld.idx.msk [tilespmem:v3+s19+$0x0], $0xffff  }
0x439: {  	v3 =	vor.u32 $0x1B, v1;
	_ =	sdelay $0x3  }
0x43a: {  	[tilespmem:s25+$0x1A560] =	vst v2  }
0x43b: {  	v2 =	vld.idx.msk [tilespmem:v3+s19+$0x0], $0xffff  }
0x43c: {  	v3 =	vor.u32 $0x1C, v1;
	_ =	sdelay $0x3  }
0x43d: {  	[tilespmem:s25+$0x1A5E0] =	vst v2  }
0x43e: {  	v2 =	vld.idx.msk [tilespmem:v3+s19+$0x0], $0xffff  }
0x43f: {  	v3 =	vor.u32 $0x1D, v1;
	_ =	sdelay $0x3  }
0x440: {  	[tilespmem:s25+$0x1A660] =	vst v2  }
0x441: {  	v2 =	vld.idx.msk [tilespmem:v3+s19+$0x0], $0xffff  }
0x442: {  	v3 =	vor.u32 $0x1E, v1;
	_ =	sdelay $0x3  }
0x443: {  	[tilespmem:s25+$0x1A6E0] =	vst v2  }
0x444: {  	v2 =	vld.idx.msk [tilespmem:v3+s19+$0x0], $0xffff  }
0x445: {  	v1 =	vor.u32 $0x1F, v1;
	_ =	sdelay $0x3  }
0x446: {  	[tilespmem:s25+$0x1A760] =	vst v2  }
0x447: {  	v1 =	vld.idx.msk [tilespmem:v1+s19+$0x0], $0xffff;
	_ =	sdelay $0x4  }
0x448: {  	[tilespmem:s25+$0x1A7E0] =	vst v1  }
0x449: {  	v1 =	vld [tilespmem:s28+$0x800];
	_ =	sdelay $0x4  }
0x44a: {  	v1 =	vshll.u32 v1, $0x4;
	_ =	sdelay $0x4  }
0x44b: {  	v2 =	vld.idx.msk [tilespmem:v1+s14+$0x0], $0xffff  }
0x44c: {  	v3 =	vor.u32 $0x1, v1;
	_ =	sdelay $0x3  }
0x44d: {  	[tilespmem:s25+$0x1A860] =	vst v2  }
0x44e: {  	v2 =	vld.idx.msk [tilespmem:v3+s14+$0x0], $0xffff  }
0x44f: {  	v3 =	vor.u32 $0x2, v1;
	_ =	sdelay $0x3  }
0x450: {  	[tilespmem:s25+$0x1A8E0] =	vst v2  }
0x451: {  	v2 =	vld.idx.msk [tilespmem:v3+s14+$0x0], $0xffff  }
0x452: {  	v3 =	vor.u32 $0x3, v1;
	_ =	sdelay $0x3  }
0x453: {  	[tilespmem:s25+$0x1A960] =	vst v2  }
0x454: {  	v2 =	vld.idx.msk [tilespmem:v3+s14+$0x0], $0xffff  }
0x455: {  	v3 =	vor.u32 $0x4, v1;
	_ =	sdelay $0x3  }
0x456: {  	[tilespmem:s25+$0x1A9E0] =	vst v2  }
0x457: {  	v2 =	vld.idx.msk [tilespmem:v3+s14+$0x0], $0xffff  }
0x458: {  	v3 =	vor.u32 $0x5, v1;
	_ =	sdelay $0x3  }
0x459: {  	[tilespmem:s25+$0x1AA60] =	vst v2  }
0x45a: {  	v2 =	vld.idx.msk [tilespmem:v3+s14+$0x0], $0xffff  }
0x45b: {  	v3 =	vor.u32 $0x6, v1;
	_ =	sdelay $0x3  }
0x45c: {  	[tilespmem:s25+$0x1AAE0] =	vst v2  }
0x45d: {  	v2 =	vld.idx.msk [tilespmem:v3+s14+$0x0], $0xffff  }
0x45e: {  	v3 =	vor.u32 $0x7, v1;
	_ =	sdelay $0x3  }
0x45f: {  	[tilespmem:s25+$0x1AB60] =	vst v2  }
0x460: {  	v2 =	vld.idx.msk [tilespmem:v3+s14+$0x0], $0xffff  }
0x461: {  	v3 =	vor.u32 $0x8, v1;
	_ =	sdelay $0x3  }
0x462: {  	[tilespmem:s25+$0x1ABE0] =	vst v2  }
0x463: {  	v2 =	vld.idx.msk [tilespmem:v3+s14+$0x0], $0xffff  }
0x464: {  	v3 =	vor.u32 $0x9, v1;
	_ =	sdelay $0x3  }
0x465: {  	[tilespmem:s25+$0x1AC60] =	vst v2  }
0x466: {  	v2 =	vld.idx.msk [tilespmem:v3+s14+$0x0], $0xffff  }
0x467: {  	v3 =	vor.u32 $0xA, v1;
	_ =	sdelay $0x3  }
0x468: {  	[tilespmem:s25+$0x1ACE0] =	vst v2  }
0x469: {  	v2 =	vld.idx.msk [tilespmem:v3+s14+$0x0], $0xffff  }
0x46a: {  	v3 =	vor.u32 $0xB, v1;
	_ =	sdelay $0x3  }
0x46b: {  	[tilespmem:s25+$0x1AD60] =	vst v2  }
0x46c: {  	v2 =	vld.idx.msk [tilespmem:v3+s14+$0x0], $0xffff  }
0x46d: {  	v3 =	vor.u32 $0xC, v1;
	_ =	sdelay $0x3  }
0x46e: {  	[tilespmem:s25+$0x1ADE0] =	vst v2  }
0x46f: {  	v2 =	vld.idx.msk [tilespmem:v3+s14+$0x0], $0xffff  }
0x470: {  	v3 =	vor.u32 $0xD, v1;
	_ =	sdelay $0x3  }
0x471: {  	[tilespmem:s25+$0x1AE60] =	vst v2  }
0x472: {  	v2 =	vld.idx.msk [tilespmem:v3+s14+$0x0], $0xffff  }
0x473: {  	v3 =	vor.u32 $0xE, v1;
	_ =	sdelay $0x3  }
0x474: {  	[tilespmem:s25+$0x1AEE0] =	vst v2  }
0x475: {  	v2 =	vld.idx.msk [tilespmem:v3+s14+$0x0], $0xffff  }
0x476: {  	v1 =	vor.u32 $0xF, v1;
	_ =	sdelay $0x3  }
0x477: {  	[tilespmem:s25+$0x1AF60] =	vst v2  }
0x478: {  	v1 =	vld.idx.msk [tilespmem:v1+s14+$0x0], $0xffff;
	_ =	sdelay $0x4  }
0x479: {  	[tilespmem:s25+$0x1AFE0] =	vst v1  }
0x47a: {  	v1 =	vld [tilespmem:s28+$0x1000];
	_ =	sdelay $0x4  }
0x47b: {  	v1 =	vshll.u32 v1, $0x4;
	_ =	sdelay $0x4  }
0x47c: {  	v2 =	vld.idx.msk [tilespmem:v1+s15+$0x0], $0xffff  }
0x47d: {  	v3 =	vor.u32 $0x1, v1;
	_ =	sdelay $0x3  }
0x47e: {  	[tilespmem:s25+$0x1B060] =	vst v2  }
0x47f: {  	v2 =	vld.idx.msk [tilespmem:v3+s15+$0x0], $0xffff  }
0x480: {  	v3 =	vor.u32 $0x2, v1;
	_ =	sdelay $0x3  }
0x481: {  	[tilespmem:s25+$0x1B0E0] =	vst v2  }
0x482: {  	v2 =	vld.idx.msk [tilespmem:v3+s15+$0x0], $0xffff  }
0x483: {  	v3 =	vor.u32 $0x3, v1;
	_ =	sdelay $0x3  }
0x484: {  	[tilespmem:s25+$0x1B160] =	vst v2  }
0x485: {  	v2 =	vld.idx.msk [tilespmem:v3+s15+$0x0], $0xffff  }
0x486: {  	v3 =	vor.u32 $0x4, v1;
	_ =	sdelay $0x3  }
0x487: {  	[tilespmem:s25+$0x1B1E0] =	vst v2  }
0x488: {  	v2 =	vld.idx.msk [tilespmem:v3+s15+$0x0], $0xffff  }
0x489: {  	v3 =	vor.u32 $0x5, v1;
	_ =	sdelay $0x3  }
0x48a: {  	[tilespmem:s25+$0x1B260] =	vst v2  }
0x48b: {  	v2 =	vld.idx.msk [tilespmem:v3+s15+$0x0], $0xffff  }
0x48c: {  	v3 =	vor.u32 $0x6, v1;
	_ =	sdelay $0x3  }
0x48d: {  	[tilespmem:s25+$0x1B2E0] =	vst v2  }
0x48e: {  	v2 =	vld.idx.msk [tilespmem:v3+s15+$0x0], $0xffff  }
0x48f: {  	v3 =	vor.u32 $0x7, v1;
	_ =	sdelay $0x3  }
0x490: {  	[tilespmem:s25+$0x1B360] =	vst v2  }
0x491: {  	v2 =	vld.idx.msk [tilespmem:v3+s15+$0x0], $0xffff  }
0x492: {  	v3 =	vor.u32 $0x8, v1;
	_ =	sdelay $0x3  }
0x493: {  	[tilespmem:s25+$0x1B3E0] =	vst v2  }
0x494: {  	v2 =	vld.idx.msk [tilespmem:v3+s15+$0x0], $0xffff  }
0x495: {  	v3 =	vor.u32 $0x9, v1;
	_ =	sdelay $0x3  }
0x496: {  	[tilespmem:s25+$0x1B460] =	vst v2  }
0x497: {  	v2 =	vld.idx.msk [tilespmem:v3+s15+$0x0], $0xffff  }
0x498: {  	v3 =	vor.u32 $0xA, v1;
	_ =	sdelay $0x3  }
0x499: {  	[tilespmem:s25+$0x1B4E0] =	vst v2  }
0x49a: {  	v2 =	vld.idx.msk [tilespmem:v3+s15+$0x0], $0xffff  }
0x49b: {  	v3 =	vor.u32 $0xB, v1;
	_ =	sdelay $0x3  }
0x49c: {  	[tilespmem:s25+$0x1B560] =	vst v2  }
0x49d: {  	v2 =	vld.idx.msk [tilespmem:v3+s15+$0x0], $0xffff  }
0x49e: {  	v3 =	vor.u32 $0xC, v1;
	_ =	sdelay $0x3  }
0x49f: {  	[tilespmem:s25+$0x1B5E0] =	vst v2  }
0x4a0: {  	v2 =	vld.idx.msk [tilespmem:v3+s15+$0x0], $0xffff  }
0x4a1: {  	v3 =	vor.u32 $0xD, v1;
	_ =	sdelay $0x3  }
0x4a2: {  	[tilespmem:s25+$0x1B660] =	vst v2  }
0x4a3: {  	v2 =	vld.idx.msk [tilespmem:v3+s15+$0x0], $0xffff  }
0x4a4: {  	v3 =	vor.u32 $0xE, v1;
	_ =	sdelay $0x3  }
0x4a5: {  	[tilespmem:s25+$0x1B6E0] =	vst v2  }
0x4a6: {  	v2 =	vld.idx.msk [tilespmem:v3+s15+$0x0], $0xffff  }
0x4a7: {  	v1 =	vor.u32 $0xF, v1;
	_ =	sdelay $0x3  }
0x4a8: {  	[tilespmem:s25+$0x1B760] =	vst v2  }
0x4a9: {  	p1 =	por p0, p0;
	v1 =	vld.idx.msk [tilespmem:v1+s15+$0x0], $0xffff  }
.Ltmp9:
0x4aa: {  	_ = 	snop;
	(pc) =	sbr.rel @p1 .LBB2_19-.Ltmp9, $2  }
0x4ab: {  	_ =	sdelay $0x2  }
0x4ac: {  	p0 =	por $0x0, $0x0;
	[tilespmem:s25+$0x1B7E0] =	vst v1;
	s25 =	simm.s32 $0x10  }
0x4ad: {  	s1 =	sshll.u32 s24, $0x7;
	s24 =	sadd.s32 $0x1, s24  }
0x4ae: {  	p0 =	sne.s32 s24, $0x4  }
.Ltmp10:
0x4af: {  	s1 =	sadd.s32 s1, s9;
	(pc) =	sbr.rel @p0 .LBB2_3-.Ltmp10, $4  }
0x4b0: {  	[hbm4b:s1+s20] =	stream.strided.scatter [tilespmem:s22], [sflag:$0x3], $0x2000, s21, s20, $0x38;
	[tilespmem:$0x1B800] =	vst v63  }
0x4b1: {  	_ =	swait.ge [sflag:s11], $0x2000  }
0x4b2: {  	[sflag:s11] =	ssyncset.done $0x0  }
0x4b3: {  	[sflag:s11] =	ssyncadd.s32 $0xFFFFE000  }
0x4b4: {  	s23 =	sadd.s32 $0x1, s23  }
0x4b5: {  	p0 =	sne.s32 s23, s10  }
.Ltmp11:
0x4b6: {  	_ = 	snop;
	(pc) =	sbr.rel @p0 .LBB2_1-.Ltmp11, $1  }
0x4b7: {  	_ =	sdelay $0x3  }
0x4b8: {  	_ =	sfence.sel $0x180000  }
0x4b9: {  	[bflag:$0x0] =	sbarrier.arrive $0xFFFF  }
0x4ba: {  	_ =	strace $0x90000047  }
0x4bb: {  	[bflag:$0x2] =	sbarrier.arrive $0xFFFF  }
0x4bc: {  	p0 =	sne.s32 s0, $0x0;
	s0 =	rddreg [dreg:$0x2]  }
0x4bd: {  	s0 =	sadd.s32 @!p0 $0x100000, s0  }
0x4be: {  	[sflag:s0] =	ssyncadd.tile.s32 @!p0 $0x1;
	_ =	shalt  }
.Lfunc_end2:
_tile_overlayer_lowered:
.L_overlay_start_2:
0x4bf: {  	(tag) =	ssettag $0x2  }
0x4c0: {  	s0 =	rddreg [dreg:$0x0];
	s2 =	stileid.u32  }
0x4c1: {  	s1 =	rddreg [dreg:$0x1];
	p0 =	sne.s32 s2, $0x0  }
0x4c2: {  	s3 =	rddreg [dreg:$0x2];
	[bflag:$0x3] =	sbarrier.arrive $0xFFFF;
	s2 =	simm.s32 @!p0 $0x1C03  }
0x4c3: {  	[timem:s3], [sflag:s2] =	dma.local @!p0 [hbm:s0], s1  }
0x4c4: {  	s0 =	simm.s32 @!p0 $0x3  }
0x4c5: {  	_ =	swait.ge @!p0 [sflag:s0], s1  }
0x4c6: {  	s1 =	ssub.s32 @!p0 $0x0, s1;
	[sflag:s0] =	ssyncset.done @!p0 $0x0  }
0x4c7: {  	[sflag:s0] =	ssyncadd.s32 @!p0 s1  }
0x4c8: {  	[bflag:$0x3] =	sbarrier.arrive $0xFFFF  }
0x4c9: {  	_ =	shalt  }

</sc_bundles>
